<compile_context>
chip_gen: v7x
topology: tpu7x:2x2x1
jax: 0.10.2.dev20260603
libtpu: 0.0.44.dev20260713+nightly
codegen_flags: <defaults>
</compile_context>

<pallas_src>
import functools

import jax
import jax.numpy as jnp
import numpy as np
from jax import lax
from jax.experimental import pallas as pl
from jax.experimental.pallas import tpu as pltpu
from jax.experimental.pallas import tpu_sc as plsc

N = 10112
G = 79
A = 128
E = 161792
C = 16
L = 16


_EB = 2048


_NB = 128
_PINV = 1.0 / (128.0 + 1e-9)


def _front_body(ev_ref, ea_ref, x_ref, w0_ref, wp_ref,
                zt_ref, x0_ref, prt_ref, px_ref):
    x = ev_ref[0:1, :]
    y = ev_ref[1:2, :]
    z = ev_ref[2:3, :]
    inv = 1.0 / (jnp.sqrt(x * x + y * y + z * z) + 1e-9)
    x = x * inv
    y = y * inv
    z = z * inv
    s = ea_ref[0:1, :] * 0.1
    o = jnp.ones_like(x)
    xx = x * x
    yy = y * y
    zz = z * z
    cols = [
        o,
        x,
        y,
        z,
        1.7320508 * x * y,
        1.7320508 * y * z,
        0.5 * (3.0 * zz - 1.0),
        1.7320508 * x * z,
        0.8660254 * (xx - yy),
        y * (3.0 * xx - yy),
        x * y * z,
        y * (5.0 * zz - 1.0),
        z * (5.0 * zz - 3.0),
        x * (5.0 * zz - 1.0),
        z * (xx - yy),
        x * (xx - 3.0 * yy),
    ]
    zt_ref[...] = jnp.concatenate([c * s for c in cols], axis=0)

    x0 = jnp.tanh(jnp.dot(x_ref[...], w0_ref[...],
                          preferred_element_type=jnp.float32))
    x0_ref[...] = x0
    prt_ref[...] = lax.dot_general(wp_ref[...], x0, (((0,), (1,)), ((), ())),
                                   preferred_element_type=jnp.float32)
    px_ref[...] = (jnp.sum(x0, 0, keepdims=True) * _PINV).reshape(1, 1, 64)


def _front_stage(edge_vectors, edge_attr_t, x, w0, wproj0):
    return pl.pallas_call(
        _front_body,
        grid=(G,),
        in_specs=[
            pl.BlockSpec((3, _EB), lambda i: (0, i)),
            pl.BlockSpec((1, _EB), lambda i: (0, i)),
            pl.BlockSpec((_NB, A), lambda i: (i, 0)),
            pl.BlockSpec((A, 64), lambda i: (0, 0)),
            pl.BlockSpec((64, C), lambda i: (0, 0)),
        ],
        out_specs=[
            pl.BlockSpec((L, _EB), lambda i: (0, i)),
            pl.BlockSpec((_NB, 64), lambda i: (i, 0)),
            pl.BlockSpec((C, _NB), lambda i: (0, i)),
            pl.BlockSpec((1, 1, 64), lambda i: (i, 0, 0)),
        ],
        out_shape=[
            jax.ShapeDtypeStruct((L, E), jnp.float32),
            jax.ShapeDtypeStruct((N, 64), jnp.float32),
            jax.ShapeDtypeStruct((C, N), jnp.float32),
            jax.ShapeDtypeStruct((G, 1, 64), jnp.float32),
        ],
    )(edge_vectors, edge_attr_t, x, w0, wproj0)



_SCB = 2048
_NBLK = E // _SCB
_CT = 2
_LT = 4

_sc_mesh = plsc.VectorSubcoreMesh(core_axis_name="c", subcore_axis_name="s")
_TRI = A * (A - 1) // 2

_SC_SCRATCH = [
    pltpu.VMEM((_CT, N), jnp.float32),
    pltpu.VMEM((_CT * _LT * N,), jnp.float32),
    pltpu.VMEM((2, _SCB), jnp.int32),
    pltpu.VMEM((2, _SCB), jnp.int32),
    pltpu.VMEM((2, _LT, _SCB), jnp.float32),
    pltpu.SemaphoreType.DMA((2,)),
    pltpu.SemaphoreType.DMA((2,)),
    pltpu.SemaphoreType.DMA((2,)),
    pltpu.SemaphoreType.DMA,
]


def _sc_triu_phase(xg_hbm, tidxf_hbm, xt_hbm, acc, psem, ci, si):
    w = si * 2 + ci
    pltpu.async_copy(tidxf_hbm, acc.at[pl.ds(0, _TRI)], psem).wait()
    for rep in range(3):
        g = w + rep * 32

        @pl.when(g < G)
        def _():
            pltpu.async_copy(xg_hbm.at[g], acc.at[pl.ds(8192, A * A)],
                             psem).wait()

            @plsc.parallel_loop(0, _TRI // 16, 1, unroll=4)
            def _grp(q):
                ii = plsc.bitcast(acc[pl.ds(q * 16, 16)], jnp.int32)
                acc[pl.ds(24576 + q * 16, 16)] = plsc.load_gather(acc, [ii])

            pltpu.sync_copy(acc.at[pl.ds(24576, _TRI)],
                            xt_hbm.at[pl.ds(g * _TRI, _TRI)])


def _sc_body(prt_hbm, zt_hbm, src_hbm, dst_hbm, out_hbm,
             prc, acc, srcb, dstb, zb, ssem, dsem, zsem, psem):
    ci = lax.axis_index("c")
    si = lax.axis_index("s")
    cq = lax.rem(si, L // _CT)
    lp = lax.div(si, L // _CT) + (L // (_CT * _LT)) * ci
    lbase = lp * _LT

    pltpu.async_copy(prt_hbm.at[pl.ds(cq * _CT, _CT)], prc, psem).wait()

    zeros = jnp.zeros((16,), jnp.float32)

    @plsc.parallel_loop(0, _CT * _LT * N // 16, 1, unroll=8)
    def _zero(i):
        acc[pl.ds(i * 16, 16)] = zeros

    def _issue(g, slot):
        base = g * _SCB
        cs = pltpu.async_copy(src_hbm.at[pl.ds(base, _SCB)], srcb.at[slot],
                              ssem.at[slot])
        cd = pltpu.async_copy(dst_hbm.at[pl.ds(base, _SCB)], dstb.at[slot],
                              dsem.at[slot])
        cz = pltpu.async_copy(
            zt_hbm.at[pl.ds(lbase, _LT), pl.ds(base, _SCB)], zb.at[slot],
            zsem.at[slot])
        del cs, cd, cz

    def _wait(slot):
        pltpu.make_async_copy(src_hbm.at[pl.ds(0, _SCB)], srcb.at[slot],
                              ssem.at[slot]).wait()
        pltpu.make_async_copy(dst_hbm.at[pl.ds(0, _SCB)], dstb.at[slot],
                              dsem.at[slot]).wait()
        pltpu.make_async_copy(
            zt_hbm.at[pl.ds(0, _LT), pl.ds(0, _SCB)], zb.at[slot],
            zsem.at[slot]).wait()

    _issue(0, 0)

    def _block(g, _):
        slot = lax.rem(g, 2)
        _wait(slot)

        @pl.when(g + 1 < _NBLK)
        def _():
            _issue(g + 1, 1 - slot)

        @plsc.parallel_loop(0, _SCB // 16, 1, unroll=4)
        def _group(q):
            off = q * 16
            s = srcb[slot, pl.ds(off, 16)]
            d = dstb[slot, pl.ds(off, 16)]
            zs = [zb[slot, ll, pl.ds(off, 16)] for ll in range(_LT)]
            for cl in range(_CT):
                u = plsc.load_gather(
                    prc, [jnp.full((16,), cl, jnp.int32), s])
                for ll in range(_LT):
                    plsc.addupdate_scatter(
                        acc, [d + (cl * _LT + ll) * N], u * zs[ll])
        return 0

    lax.fori_loop(0, _NBLK, _block, 0)

    for cl in range(_CT):
        for ll in range(_LT):
            j = (cq * _CT + cl) * L + lbase + ll
            pltpu.sync_copy(acc.at[pl.ds((cl * _LT + ll) * N, N)],
                            out_hbm.at[pl.ds(j * N, N)])


@functools.partial(
    pl.kernel,
    out_type=jax.ShapeDtypeStruct((C * L * N,), jnp.float32),
    mesh=_sc_mesh,
    scratch_types=list(_SC_SCRATCH),
    compiler_params=pltpu.CompilerParams(needs_layout_passes=False),
)
def _sc_scatter(prt_hbm, zt_hbm, src_hbm, dst_hbm, out_hbm,
                prc, acc, srcb, dstb, zb, ssem, dsem, zsem, psem):
    _sc_body(prt_hbm, zt_hbm, src_hbm, dst_hbm, out_hbm,
             prc, acc, srcb, dstb, zb, ssem, dsem, zsem, psem)


@functools.partial(
    pl.kernel,
    out_type=[
        jax.ShapeDtypeStruct((C * L * N,), jnp.float32),
        jax.ShapeDtypeStruct((G * _TRI,), jnp.float32),
    ],
    mesh=_sc_mesh,
    scratch_types=list(_SC_SCRATCH),
    compiler_params=pltpu.CompilerParams(needs_layout_passes=False),
)
def _sc_scatter_triu(prt_hbm, zt_hbm, src_hbm, dst_hbm, xg_hbm, tidxf_hbm,
                     out_hbm, xt_hbm,
                     prc, acc, srcb, dstb, zb, ssem, dsem, zsem, psem):
    ci = lax.axis_index("c")
    si = lax.axis_index("s")
    _sc_triu_phase(xg_hbm, tidxf_hbm, xt_hbm, acc, psem, ci, si)
    _sc_body(prt_hbm, zt_hbm, src_hbm, dst_hbm, out_hbm,
             prc, acc, srcb, dstb, zb, ssem, dsem, zsem, psem)



def _dense_body_pr(aft_ref, nf_ref, x_ref, w1_ref, w2_ref, w3_ref,
                   wsc_ref, wat_ref, wpn_ref, h_ref, prt_ref, ph_ref):
    aft = aft_ref[...]
    dn = (((0,), (0,)), ((), ()))
    b = lax.dot_general(aft, w1_ref[...], dn,
                        preferred_element_type=jnp.float32)
    af2 = aft * aft
    b += lax.dot_general(af2, w2_ref[...], dn,
                         preferred_element_type=jnp.float32)
    b += lax.dot_general(af2 * aft, w3_ref[...], dn,
                         preferred_element_type=jnp.float32)
    sc = (jnp.dot(nf_ref[...], wsc_ref[...],
                  preferred_element_type=jnp.float32)
          * jnp.dot(x_ref[...], wat_ref[...],
                    preferred_element_type=jnp.float32))
    h = jnp.tanh(b + sc)
    h_ref[...] = h
    prt_ref[...] = lax.dot_general(wpn_ref[...], h, (((0,), (1,)), ((), ())),
                                   preferred_element_type=jnp.float32)
    do = h.shape[1]
    ph_ref[...] = (jnp.sum(h, 0, keepdims=True) * _PINV).reshape(1, 1, do)


def _dense_body(aft_ref, nf_ref, x_ref, w1_ref, w2_ref, w3_ref,
                wsc_ref, wat_ref, h_ref, ph_ref):
    aft = aft_ref[...]
    dn = (((0,), (0,)), ((), ()))
    b = lax.dot_general(aft, w1_ref[...], dn,
                        preferred_element_type=jnp.float32)
    af2 = aft * aft
    b += lax.dot_general(af2, w2_ref[...], dn,
                         preferred_element_type=jnp.float32)
    b += lax.dot_general(af2 * aft, w3_ref[...], dn,
                         preferred_element_type=jnp.float32)
    sc = (jnp.dot(nf_ref[...], wsc_ref[...],
                  preferred_element_type=jnp.float32)
          * jnp.dot(x_ref[...], wat_ref[...],
                    preferred_element_type=jnp.float32))
    h = jnp.tanh(b + sc)
    h_ref[...] = h
    do = h.shape[1]
    ph_ref[...] = (jnp.sum(h, 0, keepdims=True) * _PINV).reshape(1, 1, do)


def _dense_stage(aft, nf, x, p, wproj_next):
    di = nf.shape[1]
    do = p["W1"].shape[1]
    in_specs = [
        pl.BlockSpec((C * L, _NB), lambda i: (0, i)),
        pl.BlockSpec((_NB, di), lambda i: (i, 0)),
        pl.BlockSpec((_NB, A), lambda i: (i, 0)),
        pl.BlockSpec((C * L, do), lambda i: (0, 0)),
        pl.BlockSpec((C * L, do), lambda i: (0, 0)),
        pl.BlockSpec((C * L, do), lambda i: (0, 0)),
        pl.BlockSpec((di, do), lambda i: (0, 0)),
        pl.BlockSpec((A, do), lambda i: (0, 0)),
    ]
    args = [aft, nf, x, p["W1"], p["W2"], p["W3"], p["Wsc"], p["Wattr"]]
    if wproj_next is not None:
        in_specs.append(pl.BlockSpec((do, C), lambda i: (0, 0)))
        args.append(wproj_next)
        return pl.pallas_call(
            _dense_body_pr,
            grid=(N // _NB,),
            in_specs=in_specs,
            out_specs=[
                pl.BlockSpec((_NB, do), lambda i: (i, 0)),
                pl.BlockSpec((C, _NB), lambda i: (0, i)),
                pl.BlockSpec((1, 1, do), lambda i: (i, 0, 0)),
            ],
            out_shape=[
                jax.ShapeDtypeStruct((N, do), jnp.float32),
                jax.ShapeDtypeStruct((C, N), jnp.float32),
                jax.ShapeDtypeStruct((G, 1, do), jnp.float32),
            ],
        )(*args)
    return pl.pallas_call(
        _dense_body,
        grid=(N // _NB,),
        in_specs=in_specs,
        out_specs=[
            pl.BlockSpec((_NB, do), lambda i: (i, 0)),
            pl.BlockSpec((1, 1, do), lambda i: (i, 0, 0)),
        ],
        out_shape=[
            jax.ShapeDtypeStruct((N, do), jnp.float32),
            jax.ShapeDtypeStruct((G, 1, do), jnp.float32),
        ],
    )(*args)



def _bn_val(z, g, b):
    m = jnp.mean(z, axis=0, keepdims=True)
    v = jnp.mean((z - m) * (z - m), axis=0, keepdims=True)
    return (z - m) * lax.rsqrt(v + 1e-5) * g + b


def _head_body(xt_ref, ph_ref, bng_ref, bnb_ref, bhg_ref, bhb_ref,
               w0a_ref, w0b_ref, b0_ref, g0_ref, bb0_ref,
               w1_ref, b1_ref, g1_ref, bb1_ref,
               w2_ref, b2_ref, g2_ref, bb2_ref,
               w3_ref, b3_ref, out_ref):
    xt = _bn_val(xt_ref[...], bng_ref[...], bnb_ref[...])
    h = _bn_val(ph_ref[...], bhg_ref[...], bhb_ref[...])
    z = (jnp.dot(xt, w0a_ref[...], preferred_element_type=jnp.float32)
         + jnp.dot(h, w0b_ref[...], preferred_element_type=jnp.float32)
         + b0_ref[...])
    z = jnp.maximum(_bn_val(z, g0_ref[...], bb0_ref[...]), 0.0)
    z = jnp.dot(z, w1_ref[...], preferred_element_type=jnp.float32) + b1_ref[...]
    z = jnp.maximum(_bn_val(z, g1_ref[...], bb1_ref[...]), 0.0)
    z = jnp.dot(z, w2_ref[...], preferred_element_type=jnp.float32) + b2_ref[...]
    z = jnp.maximum(_bn_val(z, g2_ref[...], bb2_ref[...]), 0.0)
    lg = jnp.dot(z, w3_ref[...], preferred_element_type=jnp.float32) + b3_ref[...]
    mx = jnp.max(lg, axis=1, keepdims=True)
    sh = lg - mx
    lse = jnp.log(jnp.sum(jnp.exp(sh), axis=1, keepdims=True))
    out_ref[...] = sh - lse


def _head(xt, ph, p):
    args = [
        xt, ph,
        p["bn_g"].reshape(1, _TRI), p["bn_b"].reshape(1, _TRI),
        p["bnh_g"].reshape(1, 640), p["bnh_b"].reshape(1, 640),
        p["mW0"][:_TRI], p["mW0"][_TRI:], p["mb0"].reshape(1, 512),
        p["mg0"].reshape(1, 512), p["mbb0"].reshape(1, 512),
        p["mW1"], p["mb1"].reshape(1, 256),
        p["mg1"].reshape(1, 256), p["mbb1"].reshape(1, 256),
        p["mW2"], p["mb2"].reshape(1, 256),
        p["mg2"].reshape(1, 256), p["mbb2"].reshape(1, 256),
        p["mW3"], p["mb3"].reshape(1, 10),
    ]
    return pl.pallas_call(
        _head_body,
        out_shape=jax.ShapeDtypeStruct((G, 10), jnp.float32),
    )(*args)



_IU, _JU = np.triu_indices(A, k=1)
_TIDX = np.asarray(_IU * A + _JU + 8192, dtype=np.int32)


def kernel(x, edge_vectors, edge_attr, edge_index, batch, params):
    del batch
    src = edge_index[0].astype(jnp.int32)
    dst = edge_index[1].astype(jnp.int32)
    ea_t = edge_attr.reshape(1, E)

    zt, x0, prt, px = _front_stage(edge_vectors, ea_t, x,
                                   params["W0"], params["l0"]["Wproj"])

    tidxf = jnp.asarray(_TIDX).view(jnp.float32)
    pools = [px.reshape(G, 64)]
    hs = []
    nf = x0
    xt = None
    for i in range(3):
        p = params["l%d" % i]
        if i == 0:
            aft, xt = _sc_scatter_triu(prt, zt, src, dst,
                                       x.reshape(G, A * A), tidxf)
            xt = xt.reshape(G, _TRI)
        else:
            aft = _sc_scatter(prt, zt, src, dst)
        aft = aft.reshape(C * L, N)
        wpn = params["l%d" % (i + 1)]["Wproj"] if i < 2 else None
        if wpn is not None:
            h, prt, ph = _dense_stage(aft, nf, x, p, wpn)
        else:
            h, ph = _dense_stage(aft, nf, x, p, None)
        pools.append(ph.reshape(G, p["W1"].shape[1]))
        hs.append(h)
        nf = h

    pooled = jnp.concatenate(pools, axis=1)
    return _head(xt, pooled, params)

# --- scband reference (transcript-rebuilt; emitter-appended) ---
"""Pipeline reference for scband-mace-gnn-16999480557842 (READ-ONLY COPY).

The authoritative reference and input builder live on the scoring server;
editing this copy changes nothing except your own understanding.
"""

import jax, jax.numpy as jnp
import numpy as np

N = 10112
G = 79
A = 128
E = 161792
C = 16
L = 16

def _sph(v):
    x, y, z = v[:, 0], v[:, 1], v[:, 2]
    o = jnp.ones_like(x)
    cols = [o, x, y, z,
            1.7320508 * x * y, 1.7320508 * y * z, 0.5 * (3 * z * z - 1.0),
            1.7320508 * x * z, 0.8660254 * (x * x - y * y),
            y * (3 * x * x - y * y), x * y * z, y * (5 * z * z - 1.0),
            z * (5 * z * z - 3.0), x * (5 * z * z - 1.0),
            z * (x * x - y * y), x * (x * x - 3 * y * y)]
    return jnp.stack(cols, axis=1)

def _bn(z, g, b):
    m = z.mean(0)
    v = z.var(0)
    return (z - m) / jnp.sqrt(v + 1e-5) * g + b

def _mace(nf, na, Y, ea, src, dst, p):
    pr = nf @ p['Wproj']
    msg = pr[src][:, :, None] * Y[:, None, :] * ea[:, None, :]
    Aagg = jnp.zeros((N, C, L), dtype=nf.dtype).at[dst].add(msg) / 10.0
    Af = Aagg.reshape(N, C * L)
    B = Af @ p['W1'] + (Af ** 2) @ p['W2'] + (Af ** 3) @ p['W3']
    sc = (nf @ p['Wsc']) * (na @ p['Wattr'])
    return B + sc

def setup_inputs(seed: int = 0):
    key = jax.random.key(seed)
    ks = jax.random.split(key, 40)
    x = jax.random.normal(ks[0], (N, A), dtype=jnp.float32)
    edge_vectors = jax.random.normal(ks[1], (3, E), dtype=jnp.float32)
    edge_attr = jax.random.uniform(ks[2], (E, 1), dtype=jnp.float32)
    edge_index = jax.random.randint(ks[3], (2, E), 0, N)
    batch = jnp.repeat(jnp.arange(G), A)
    def w(k, s):
        return jax.random.normal(k, s, dtype=jnp.float32) * 0.02
    params = {'W0': w(ks[4], (A, 64))}
    dims = [(64, 256), (256, 256), (256, 64)]
    for i, (di, do) in enumerate(dims):
        params['l%d' % i] = {
            'Wproj': w(ks[5 + i * 5], (di, C)),
            'W1': w(ks[6 + i * 5], (C * L, do)),
            'W2': w(ks[7 + i * 5], (C * L, do)),
            'W3': w(ks[8 + i * 5], (C * L, do)),
            'Wsc': w(ks[9 + i * 5], (di, do)),
            'Wattr': w(ks[20 + i], (A, do))}
    TRI = A * (A - 1) // 2
    params['bn_g'] = jnp.ones((TRI,), dtype=jnp.float32)
    params['bn_b'] = jnp.zeros((TRI,), dtype=jnp.float32)
    params['bnh_g'] = jnp.ones((640,), dtype=jnp.float32)
    params['bnh_b'] = jnp.zeros((640,), dtype=jnp.float32)
    mlp = [(TRI + 640, 512), (512, 256), (256, 256), (256, 10)]
    for i, (di, do) in enumerate(mlp):
        params['mW%d' % i] = w(ks[24 + i], (di, do))
        params['mb%d' % i] = jnp.zeros((do,), dtype=jnp.float32)
        if i < 3:
            params['mg%d' % i] = jnp.ones((do,), dtype=jnp.float32)
            params['mbb%d' % i] = jnp.zeros((do,), dtype=jnp.float32)
    return {'x': x, 'edge_vectors': edge_vectors, 'edge_attr': edge_attr,
            'edge_index': edge_index, 'batch': batch, 'params': params}

def _forward(x, edge_vectors, edge_attr, edge_index, batch, params):
    ev = edge_vectors.T
    Y = _sph(ev / (jnp.linalg.norm(ev, axis=1, keepdims=True) + 1e-9))
    src, dst = edge_index[0], edge_index[1]
    x0 = jnp.tanh(x @ params['W0'])
    h1 = jnp.tanh(_mace(x0, x, Y, edge_attr, src, dst, params['l0']))
    h2 = jnp.tanh(_mace(h1, x, Y, edge_attr, src, dst, params['l1']))
    h3 = jnp.tanh(_mace(h2, x, Y, edge_attr, src, dst, params['l2']))
    xx = x.reshape(G, A, A)
    iu, ju = jnp.triu_indices(A, k=1)
    xt = _bn(xx[:, iu, ju], params['bn_g'], params['bn_b'])
    cnt = jnp.zeros((G, 1), dtype=jnp.float32).at[batch].add(jnp.ones((N, 1), dtype=jnp.float32)) + 1e-9
    hs = []
    for hh in (x0, h1, h2, h3):
        hs.append(jnp.zeros((G, hh.shape[1]), dtype=hh.dtype).at[batch].add(hh) / cnt)
    h = _bn(jnp.concatenate(hs, axis=1), params['bnh_g'], params['bnh_b'])
    z = jnp.concatenate([xt, h], axis=1)
    for i in range(3):
        z = jax.nn.relu(_bn(z @ params['mW%d' % i] + params['mb%d' % i], params['mg%d' % i], params['mbb%d' % i]))
    logits = z @ params['mW3'] + params['mb3']
    return jax.nn.log_softmax(logits, axis=1)

def reference(x, edge_vectors, edge_attr, edge_index, batch, params):
    return _forward(x, edge_vectors, edge_attr, edge_index, batch, params)

if __name__ == "__main__":
    import jax
    _d = setup_inputs()
    print(jax.jit(kernel)(*tuple(_d.values())))

</pallas_src>

<mosaic_0001>
#map = affine_map<(d0, d1) -> (0, 0)>
#map1 = affine_map<(d0, d1) -> (0)>
module attributes {stable_mosaic.version = 14 : i64} {
  func.func @_sc_scatter(%arg0: i32, %arg1: i32, %arg2: memref<16x10112xf32, #tpu.memory_space<hbm>>, %arg3: memref<16x161792xf32, #tpu.memory_space<hbm>>, %arg4: memref<161792xi32, #tpu.memory_space<hbm>>, %arg5: memref<161792xi32, #tpu.memory_space<hbm>>, %arg6: memref<2588672xf32, #tpu.memory_space<hbm>>, %arg7: memref<2x10112xf32, #tpu.memory_space<vmem>>, %arg8: memref<80896xf32, #tpu.memory_space<vmem>>, %arg9: memref<2x2048xi32, #tpu.memory_space<vmem>>, %arg10: memref<2x2048xi32, #tpu.memory_space<vmem>>, %arg11: memref<2x4x2048xf32, #tpu.memory_space<vmem>>, %arg12: memref<2x!tpu.dma_semaphore, #tpu.memory_space<semaphore_mem>>, %arg13: memref<2x!tpu.dma_semaphore, #tpu.memory_space<semaphore_mem>>, %arg14: memref<2x!tpu.dma_semaphore, #tpu.memory_space<semaphore_mem>>, %arg15: memref<!tpu.dma_semaphore, #tpu.memory_space<semaphore_mem>>) attributes {dimension_semantics = [#tpu.dimension_semantics<core_parallel>, #tpu.dimension_semantics<subcore_parallel>], iteration_bounds = array<i64: 2, 16>, scalar_prefetch = 0 : i64, scratch_operands = 9 : i64, tpu.core_type = #tpu.core_type<sc_vector_subcore>, window_params = [{transform_indices = #map}, {transform_indices = #map}, {transform_indices = #map1}, {transform_indices = #map1}, {transform_indices = #map1}]} {
    %rem3A = arith.constant 8 : i32
    %rem3A_0 = arith.remsi %arg1, %rem3A : i32
    %div3A = arith.constant 8 : i32
    %div3A_1 = arith.divsi %arg1, %div3A : i32
    %mul3A = arith.constant 2 : i32
    %mul3A_2 = arith.muli %mul3A, %arg0 : i32
    %add3A = arith.addi %div3A_1, %mul3A_2 : i32
    %mul3A_3 = arith.constant 4 : i32
    %mul3A_4 = arith.muli %add3A, %mul3A_3 : i32
    %mul3A_5 = arith.constant 2 : i32
    %mul3A_6 = arith.muli %rem3A_0, %mul3A_5 : i32
    %dma_start3A = arith.constant 0 : i32
    %dma_start3A_7 = tpu.memref_slice %arg2[%mul3A_6, %dma_start3A] : memref<16x10112xf32, #tpu.memory_space<hbm>> -> memref<2x10112xf32, #tpu.memory_space<hbm>>
    %dma_start3A_8 = arith.constant 0 : i32
    %dma_start3A_9 = tpu.memref_slice %arg2[%mul3A_6, %dma_start3A_8] : memref<16x10112xf32, #tpu.memory_space<hbm>> -> memref<2x10112xf32, #tpu.memory_space<hbm>>
    tpu.enqueue_dma source(%dma_start3A_9 : memref<2x10112xf32, #tpu.memory_space<hbm>>) target(%arg7 : memref<2x10112xf32, #tpu.memory_space<vmem>>) target_semaphore(%arg15 : memref<!tpu.dma_semaphore, #tpu.memory_space<semaphore_mem>>)
    %dma_wait3A = arith.constant 0 : i32
    %dma_wait3A_10 = tpu.memref_slice %arg2[%mul3A_6, %dma_wait3A] : memref<16x10112xf32, #tpu.memory_space<hbm>> -> memref<2x10112xf32, #tpu.memory_space<hbm>>
    %dma_wait3A_11 = arith.constant 0 : i32
    %dma_wait3A_12 = tpu.memref_slice %arg2[%mul3A_6, %dma_wait3A_11] : memref<16x10112xf32, #tpu.memory_space<hbm>> -> memref<2x10112xf32, #tpu.memory_space<hbm>>
    tpu.wait_dma2 semaphore(%arg15 : memref<!tpu.dma_semaphore, #tpu.memory_space<semaphore_mem>>) src(%dma_wait3A_12 : memref<2x10112xf32, #tpu.memory_space<hbm>>) dst(%arg7 : memref<2x10112xf32, #tpu.memory_space<vmem>>)
    %broadcast_in_dim3A = arith.constant 0.000000e+00 : f32
    %broadcast_in_dim3A_13 = vector.broadcast %broadcast_in_dim3A : f32 to vector<16xf32>
    %parallel_loop3A = arith.constant 0 : i32
    %parallel_loop3A_14 = arith.constant 5056 : i32
    %parallel_loop3A_15 = arith.constant 1 : i32
    scf.for %parallel_loop3A_154 = %parallel_loop3A to %parallel_loop3A_14 step %parallel_loop3A_15  : i32 {
      %parallel_loop3A_155 = arith.constant 16 : i32
      %parallel_loop3A_156 = arith.muli %parallel_loop3A_154, %parallel_loop3A_155 : i32
      %parallel_loop3A_157 = arith.index_cast %parallel_loop3A_156 : i32 to index
      %parallel_loop3A_158 = tpu.vector_load %arg8[%parallel_loop3A_157] {strides = array<i32>} : memref<80896xf32, #tpu.memory_space<vmem>>, vector<16xf32>,
      tpu.vector_store %arg8[%parallel_loop3A_157], %broadcast_in_dim3A_13 {strides = array<i32>} : memref<80896xf32, #tpu.memory_space<vmem>>, vector<16xf32>,
    } {sc.loop_unroll_factor = 8 : i64, sc.parallel_access}
    %dma_start3A_16 = arith.constant 0 : i32
    %dma_start3A_17 = arith.constant 0 : i32
    %dma_start3A_18 = arith.constant 0 : i32
    %dma_start3A_19 = tpu.memref_slice %arg9[%dma_start3A_16, %dma_start3A_18] : memref<2x2048xi32, #tpu.memory_space<vmem>> -> memref<1x2048xi32, #tpu.memory_space<vmem>>
    %dma_start3A_20 = tpu.memref_squeeze %dma_start3A_19 : memref<1x2048xi32, #tpu.memory_space<vmem>> -> memref<2048xi32, #tpu.memory_space<vmem>>
    %dma_start3A_21 = arith.constant 0 : i32
    %dma_start3A_22 = tpu.memref_slice %arg4[%dma_start3A_21] : memref<161792xi32, #tpu.memory_space<hbm>> -> memref<2048xi32, #tpu.memory_space<hbm>>
    %dma_start3A_23 = tpu.memref_slice %arg12[%dma_start3A_17] : memref<2x!tpu.dma_semaphore, #tpu.memory_space<semaphore_mem>> -> memref<1x!tpu.dma_semaphore, #tpu.memory_space<semaphore_mem>>
    %dma_start3A_24 = tpu.memref_squeeze %dma_start3A_23 : memref<1x!tpu.dma_semaphore, #tpu.memory_space<semaphore_mem>> -> memref<!tpu.dma_semaphore, #tpu.memory_space<semaphore_mem>>
    %dma_start3A_25 = arith.constant 0 : i32
    %dma_start3A_26 = tpu.memref_slice %arg9[%dma_start3A_16, %dma_start3A_25] : memref<2x2048xi32, #tpu.memory_space<vmem>> -> memref<1x2048xi32, #tpu.memory_space<vmem>>
    %dma_start3A_27 = tpu.memref_squeeze %dma_start3A_26 : memref<1x2048xi32, #tpu.memory_space<vmem>> -> memref<2048xi32, #tpu.memory_space<vmem>>
    %dma_start3A_28 = arith.constant 0 : i32
    %dma_start3A_29 = tpu.memref_slice %arg4[%dma_start3A_28] : memref<161792xi32, #tpu.memory_space<hbm>> -> memref<2048xi32, #tpu.memory_space<hbm>>
    tpu.enqueue_dma source(%dma_start3A_29 : memref<2048xi32, #tpu.memory_space<hbm>>) target(%dma_start3A_27 : memref<2048xi32, #tpu.memory_space<vmem>>) target_semaphore(%dma_start3A_24 : memref<!tpu.dma_semaphore, #tpu.memory_space<semaphore_mem>>)
    %dma_start3A_30 = arith.constant 0 : i32
    %dma_start3A_31 = arith.constant 0 : i32
    %dma_start3A_32 = arith.constant 0 : i32
    %dma_start3A_33 = tpu.memref_slice %arg10[%dma_start3A_30, %dma_start3A_32] : memref<2x2048xi32, #tpu.memory_space<vmem>> -> memref<1x2048xi32, #tpu.memory_space<vmem>>
    %dma_start3A_34 = tpu.memref_squeeze %dma_start3A_33 : memref<1x2048xi32, #tpu.memory_space<vmem>> -> memref<2048xi32, #tpu.memory_space<vmem>>
    %dma_start3A_35 = arith.constant 0 : i32
    %dma_start3A_36 = tpu.memref_slice %arg5[%dma_start3A_35] : memref<161792xi32, #tpu.memory_space<hbm>> -> memref<2048xi32, #tpu.memory_space<hbm>>
    %dma_start3A_37 = tpu.memref_slice %arg13[%dma_start3A_31] : memref<2x!tpu.dma_semaphore, #tpu.memory_space<semaphore_mem>> -> memref<1x!tpu.dma_semaphore, #tpu.memory_space<semaphore_mem>>
    %dma_start3A_38 = tpu.memref_squeeze %dma_start3A_37 : memref<1x!tpu.dma_semaphore, #tpu.memory_space<semaphore_mem>> -> memref<!tpu.dma_semaphore, #tpu.memory_space<semaphore_mem>>
    %dma_start3A_39 = arith.constant 0 : i32
    %dma_start3A_40 = tpu.memref_slice %arg10[%dma_start3A_30, %dma_start3A_39] : memref<2x2048xi32, #tpu.memory_space<vmem>> -> memref<1x2048xi32, #tpu.memory_space<vmem>>
    %dma_start3A_41 = tpu.memref_squeeze %dma_start3A_40 : memref<1x2048xi32, #tpu.memory_space<vmem>> -> memref<2048xi32, #tpu.memory_space<vmem>>
    %dma_start3A_42 = arith.constant 0 : i32
    %dma_start3A_43 = tpu.memref_slice %arg5[%dma_start3A_42] : memref<161792xi32, #tpu.memory_space<hbm>> -> memref<2048xi32, #tpu.memory_space<hbm>>
    tpu.enqueue_dma source(%dma_start3A_43 : memref<2048xi32, #tpu.memory_space<hbm>>) target(%dma_start3A_41 : memref<2048xi32, #tpu.memory_space<vmem>>) target_semaphore(%dma_start3A_38 : memref<!tpu.dma_semaphore, #tpu.memory_space<semaphore_mem>>)
    %dma_start3A_44 = arith.constant 0 : i32
    %dma_start3A_45 = arith.constant 0 : i32
    %dma_start3A_46 = arith.constant 0 : i32
    %dma_start3A_47 = arith.constant 0 : i32
    %dma_start3A_48 = tpu.memref_slice %arg11[%dma_start3A_44, %dma_start3A_46, %dma_start3A_47] : memref<2x4x2048xf32, #tpu.memory_space<vmem>> -> memref<1x4x2048xf32, #tpu.memory_space<vmem>>
    %dma_start3A_49 = tpu.memref_squeeze %dma_start3A_48 : memref<1x4x2048xf32, #tpu.memory_space<vmem>> -> memref<4x2048xf32, #tpu.memory_space<vmem>>
    %dma_start3A_50 = arith.constant 0 : i32
    %dma_start3A_51 = tpu.memref_slice %arg3[%mul3A_4, %dma_start3A_50] : memref<16x161792xf32, #tpu.memory_space<hbm>> -> memref<4x2048xf32, #tpu.memory_space<hbm>>
    %dma_start3A_52 = tpu.memref_slice %arg14[%dma_start3A_45] : memref<2x!tpu.dma_semaphore, #tpu.memory_space<semaphore_mem>> -> memref<1x!tpu.dma_semaphore, #tpu.memory_space<semaphore_mem>>
    %dma_start3A_53 = tpu.memref_squeeze %dma_start3A_52 : memref<1x!tpu.dma_semaphore, #tpu.memory_space<semaphore_mem>> -> memref<!tpu.dma_semaphore, #tpu.memory_space<semaphore_mem>>
    %dma_start3A_54 = arith.constant 0 : i32
    %dma_start3A_55 = arith.constant 0 : i32
    %dma_start3A_56 = tpu.memref_slice %arg11[%dma_start3A_44, %dma_start3A_54, %dma_start3A_55] : memref<2x4x2048xf32, #tpu.memory_space<vmem>> -> memref<1x4x2048xf32, #tpu.memory_space<vmem>>
    %dma_start3A_57 = tpu.memref_squeeze %dma_start3A_56 : memref<1x4x2048xf32, #tpu.memory_space<vmem>> -> memref<4x2048xf32, #tpu.memory_space<vmem>>
    %dma_start3A_58 = arith.constant 0 : i32
    %dma_start3A_59 = tpu.memref_slice %arg3[%mul3A_4, %dma_start3A_58] : memref<16x161792xf32, #tpu.memory_space<hbm>> -> memref<4x2048xf32, #tpu.memory_space<hbm>>
    tpu.enqueue_dma source(%dma_start3A_59 : memref<4x2048xf32, #tpu.memory_space<hbm>>) target(%dma_start3A_57 : memref<4x2048xf32, #tpu.memory_space<vmem>>) target_semaphore(%dma_start3A_53 : memref<!tpu.dma_semaphore, #tpu.memory_space<semaphore_mem>>)
    %scan3A = arith.constant 0 : i32
    %scan3A_60 = arith.constant 0 : i32
    %scan3A_61 = arith.constant 79 : i32
    %scan3A_62 = arith.addi %scan3A_60, %scan3A_61 : i32
    %scan3A_63 = arith.constant 1 : i32
    %scan3A_64 = scf.for %scan3A_154 = %scan3A_60 to %scan3A_62 step %scan3A_63 iter_args(%scan3A_155 = %scan3A) -> (i32)  : i32 {
      %rem3A_156 = arith.constant 2 : i32
      %rem3A_157 = arith.remsi %scan3A_154, %rem3A_156 : i32
      %dma_wait3A_158 = arith.constant 0 : i32
      %dma_wait3A_159 = tpu.memref_slice %arg9[%rem3A_157, %dma_wait3A_158] : memref<2x2048xi32, #tpu.memory_space<vmem>> -> memref<1x2048xi32, #tpu.memory_space<vmem>>
      %dma_wait3A_160 = tpu.memref_squeeze %dma_wait3A_159 : memref<1x2048xi32, #tpu.memory_space<vmem>> -> memref<2048xi32, #tpu.memory_space<vmem>>
      %dma_wait3A_161 = arith.constant 0 : i32
      %dma_wait3A_162 = tpu.memref_slice %arg4[%dma_wait3A_161] : memref<161792xi32, #tpu.memory_space<hbm>> -> memref<2048xi32, #tpu.memory_space<hbm>>
      %dma_wait3A_163 = tpu.memref_slice %arg12[%rem3A_157] : memref<2x!tpu.dma_semaphore, #tpu.memory_space<semaphore_mem>> -> memref<1x!tpu.dma_semaphore, #tpu.memory_space<semaphore_mem>>
      %dma_wait3A_164 = tpu.memref_squeeze %dma_wait3A_163 : memref<1x!tpu.dma_semaphore, #tpu.memory_space<semaphore_mem>> -> memref<!tpu.dma_semaphore, #tpu.memory_space<semaphore_mem>>
      %dma_wait3A_165 = arith.constant 0 : i32
      %dma_wait3A_166 = tpu.memref_slice %arg9[%rem3A_157, %dma_wait3A_165] : memref<2x2048xi32, #tpu.memory_space<vmem>> -> memref<1x2048xi32, #tpu.memory_space<vmem>>
      %dma_wait3A_167 = tpu.memref_squeeze %dma_wait3A_166 : memref<1x2048xi32, #tpu.memory_space<vmem>> -> memref<2048xi32, #tpu.memory_space<vmem>>
      %dma_wait3A_168 = arith.constant 0 : i32
      %dma_wait3A_169 = tpu.memref_slice %arg4[%dma_wait3A_168] : memref<161792xi32, #tpu.memory_space<hbm>> -> memref<2048xi32, #tpu.memory_space<hbm>>
      tpu.wait_dma2 semaphore(%dma_wait3A_164 : memref<!tpu.dma_semaphore, #tpu.memory_space<semaphore_mem>>) src(%dma_wait3A_169 : memref<2048xi32, #tpu.memory_space<hbm>>) dst(%dma_wait3A_167 : memref<2048xi32, #tpu.memory_space<vmem>>)
      %dma_wait3A_170 = arith.constant 0 : i32
      %dma_wait3A_171 = tpu.memref_slice %arg10[%rem3A_157, %dma_wait3A_170] : memref<2x2048xi32, #tpu.memory_space<vmem>> -> memref<1x2048xi32, #tpu.memory_space<vmem>>
      %dma_wait3A_172 = tpu.memref_squeeze %dma_wait3A_171 : memref<1x2048xi32, #tpu.memory_space<vmem>> -> memref<2048xi32, #tpu.memory_space<vmem>>
      %dma_wait3A_173 = arith.constant 0 : i32
      %dma_wait3A_174 = tpu.memref_slice %arg5[%dma_wait3A_173] : memref<161792xi32, #tpu.memory_space<hbm>> -> memref<2048xi32, #tpu.memory_space<hbm>>
      %dma_wait3A_175 = tpu.memref_slice %arg13[%rem3A_157] : memref<2x!tpu.dma_semaphore, #tpu.memory_space<semaphore_mem>> -> memref<1x!tpu.dma_semaphore, #tpu.memory_space<semaphore_mem>>
      %dma_wait3A_176 = tpu.memref_squeeze %dma_wait3A_175 : memref<1x!tpu.dma_semaphore, #tpu.memory_space<semaphore_mem>> -> memref<!tpu.dma_semaphore, #tpu.memory_space<semaphore_mem>>
      %dma_wait3A_177 = arith.constant 0 : i32
      %dma_wait3A_178 = tpu.memref_slice %arg10[%rem3A_157, %dma_wait3A_177] : memref<2x2048xi32, #tpu.memory_space<vmem>> -> memref<1x2048xi32, #tpu.memory_space<vmem>>
      %dma_wait3A_179 = tpu.memref_squeeze %dma_wait3A_178 : memref<1x2048xi32, #tpu.memory_space<vmem>> -> memref<2048xi32, #tpu.memory_space<vmem>>
      %dma_wait3A_180 = arith.constant 0 : i32
      %dma_wait3A_181 = tpu.memref_slice %arg5[%dma_wait3A_180] : memref<161792xi32, #tpu.memory_space<hbm>> -> memref<2048xi32, #tpu.memory_space<hbm>>
      tpu.wait_dma2 semaphore(%dma_wait3A_176 : memref<!tpu.dma_semaphore, #tpu.memory_space<semaphore_mem>>) src(%dma_wait3A_181 : memref<2048xi32, #tpu.memory_space<hbm>>) dst(%dma_wait3A_179 : memref<2048xi32, #tpu.memory_space<vmem>>)
      %dma_wait3A_182 = arith.constant 0 : i32
      %dma_wait3A_183 = arith.constant 0 : i32
      %dma_wait3A_184 = tpu.memref_slice %arg11[%rem3A_157, %dma_wait3A_182, %dma_wait3A_183] : memref<2x4x2048xf32, #tpu.memory_space<vmem>> -> memref<1x4x2048xf32, #tpu.memory_space<vmem>>
      %dma_wait3A_185 = tpu.memref_squeeze %dma_wait3A_184 : memref<1x4x2048xf32, #tpu.memory_space<vmem>> -> memref<4x2048xf32, #tpu.memory_space<vmem>>
      %dma_wait3A_186 = arith.constant 0 : i32
      %dma_wait3A_187 = arith.constant 0 : i32
      %dma_wait3A_188 = tpu.memref_slice %arg3[%dma_wait3A_186, %dma_wait3A_187] : memref<16x161792xf32, #tpu.memory_space<hbm>> -> memref<4x2048xf32, #tpu.memory_space<hbm>>
      %dma_wait3A_189 = tpu.memref_slice %arg14[%rem3A_157] : memref<2x!tpu.dma_semaphore, #tpu.memory_space<semaphore_mem>> -> memref<1x!tpu.dma_semaphore, #tpu.memory_space<semaphore_mem>>
      %dma_wait3A_190 = tpu.memref_squeeze %dma_wait3A_189 : memref<1x!tpu.dma_semaphore, #tpu.memory_space<semaphore_mem>> -> memref<!tpu.dma_semaphore, #tpu.memory_space<semaphore_mem>>
      %dma_wait3A_191 = arith.constant 0 : i32
      %dma_wait3A_192 = arith.constant 0 : i32
      %dma_wait3A_193 = tpu.memref_slice %arg11[%rem3A_157, %dma_wait3A_191, %dma_wait3A_192] : memref<2x4x2048xf32, #tpu.memory_space<vmem>> -> memref<1x4x2048xf32, #tpu.memory_space<vmem>>
      %dma_wait3A_194 = tpu.memref_squeeze %dma_wait3A_193 : memref<1x4x2048xf32, #tpu.memory_space<vmem>> -> memref<4x2048xf32, #tpu.memory_space<vmem>>
      %dma_wait3A_195 = arith.constant 0 : i32
      %dma_wait3A_196 = arith.constant 0 : i32
      %dma_wait3A_197 = tpu.memref_slice %arg3[%dma_wait3A_195, %dma_wait3A_196] : memref<16x161792xf32, #tpu.memory_space<hbm>> -> memref<4x2048xf32, #tpu.memory_space<hbm>>
      tpu.wait_dma2 semaphore(%dma_wait3A_190 : memref<!tpu.dma_semaphore, #tpu.memory_space<semaphore_mem>>) src(%dma_wait3A_197 : memref<4x2048xf32, #tpu.memory_space<hbm>>) dst(%dma_wait3A_194 : memref<4x2048xf32, #tpu.memory_space<vmem>>)
      %add3A_198 = arith.constant 1 : i32
      %add3A_199 = arith.addi %scan3A_154, %add3A_198 : i32
      %lt3A = arith.constant 79 : i32
      %lt3A_200 = arith.cmpi slt, %add3A_199, %lt3A : i32
      %convert_element_type3A = arith.extui %lt3A_200 : i1 to i32
      %cond3A = arith.constant 0 : i32
      %cond3A_201 = arith.cmpi ne, %convert_element_type3A, %cond3A : i32
      scf.if %cond3A_201 {
        %add3A_206 = arith.constant 1 : i32
        %add3A_207 = arith.addi %scan3A_154, %add3A_206 : i32
        %sub3A = arith.constant 1 : i32
        %sub3A_208 = arith.subi %sub3A, %rem3A_157 : i32
        %mul3A_209 = arith.constant 2048 : i32
        %mul3A_210 = arith.muli %add3A_207, %mul3A_209 : i32
        %dma_start3A_211 = arith.constant 0 : i32
        %dma_start3A_212 = tpu.memref_slice %arg9[%sub3A_208, %dma_start3A_211] : memref<2x2048xi32, #tpu.memory_space<vmem>> -> memref<1x2048xi32, #tpu.memory_space<vmem>>
        %dma_start3A_213 = tpu.memref_squeeze %dma_start3A_212 : memref<1x2048xi32, #tpu.memory_space<vmem>> -> memref<2048xi32, #tpu.memory_space<vmem>>
        %dma_start3A_214 = tpu.memref_slice %arg4[%mul3A_210] : memref<161792xi32, #tpu.memory_space<hbm>> -> memref<2048xi32, #tpu.memory_space<hbm>>
        %dma_start3A_215 = tpu.memref_slice %arg12[%sub3A_208] : memref<2x!tpu.dma_semaphore, #tpu.memory_space<semaphore_mem>> -> memref<1x!tpu.dma_semaphore, #tpu.memory_space<semaphore_mem>>
        %dma_start3A_216 = tpu.memref_squeeze %dma_start3A_215 : memref<1x!tpu.dma_semaphore, #tpu.memory_space<semaphore_mem>> -> memref<!tpu.dma_semaphore, #tpu.memory_space<semaphore_mem>>
        %dma_start3A_217 = arith.constant 0 : i32
        %dma_start3A_218 = tpu.memref_slice %arg9[%sub3A_208, %dma_start3A_217] : memref<2x2048xi32, #tpu.memory_space<vmem>> -> memref<1x2048xi32, #tpu.memory_space<vmem>>
        %dma_start3A_219 = tpu.memref_squeeze %dma_start3A_218 : memref<1x2048xi32, #tpu.memory_space<vmem>> -> memref<2048xi32, #tpu.memory_space<vmem>>
        %dma_start3A_220 = tpu.memref_slice %arg4[%mul3A_210] : memref<161792xi32, #tpu.memory_space<hbm>> -> memref<2048xi32, #tpu.memory_space<hbm>>
        tpu.enqueue_dma source(%dma_start3A_220 : memref<2048xi32, #tpu.memory_space<hbm>>) target(%dma_start3A_219 : memref<2048xi32, #tpu.memory_space<vmem>>) target_semaphore(%dma_start3A_216 : memref<!tpu.dma_semaphore, #tpu.memory_space<semaphore_mem>>)
        %dma_start3A_221 = arith.constant 0 : i32
        %dma_start3A_222 = tpu.memref_slice %arg10[%sub3A_208, %dma_start3A_221] : memref<2x2048xi32, #tpu.memory_space<vmem>> -> memref<1x2048xi32, #tpu.memory_space<vmem>>
        %dma_start3A_223 = tpu.memref_squeeze %dma_start3A_222 : memref<1x2048xi32, #tpu.memory_space<vmem>> -> memref<2048xi32, #tpu.memory_space<vmem>>
        %dma_start3A_224 = tpu.memref_slice %arg5[%mul3A_210] : memref<161792xi32, #tpu.memory_space<hbm>> -> memref<2048xi32, #tpu.memory_space<hbm>>
        %dma_start3A_225 = tpu.memref_slice %arg13[%sub3A_208] : memref<2x!tpu.dma_semaphore, #tpu.memory_space<semaphore_mem>> -> memref<1x!tpu.dma_semaphore, #tpu.memory_space<semaphore_mem>>
        %dma_start3A_226 = tpu.memref_squeeze %dma_start3A_225 : memref<1x!tpu.dma_semaphore, #tpu.memory_space<semaphore_mem>> -> memref<!tpu.dma_semaphore, #tpu.memory_space<semaphore_mem>>
        %dma_start3A_227 = arith.constant 0 : i32
        %dma_start3A_228 = tpu.memref_slice %arg10[%sub3A_208, %dma_start3A_227] : memref<2x2048xi32, #tpu.memory_space<vmem>> -> memref<1x2048xi32, #tpu.memory_space<vmem>>
        %dma_start3A_229 = tpu.memref_squeeze %dma_start3A_228 : memref<1x2048xi32, #tpu.memory_space<vmem>> -> memref<2048xi32, #tpu.memory_space<vmem>>
        %dma_start3A_230 = tpu.memref_slice %arg5[%mul3A_210] : memref<161792xi32, #tpu.memory_space<hbm>> -> memref<2048xi32, #tpu.memory_space<hbm>>
        tpu.enqueue_dma source(%dma_start3A_230 : memref<2048xi32, #tpu.memory_space<hbm>>) target(%dma_start3A_229 : memref<2048xi32, #tpu.memory_space<vmem>>) target_semaphore(%dma_start3A_226 : memref<!tpu.dma_semaphore, #tpu.memory_space<semaphore_mem>>)
        %dma_start3A_231 = arith.constant 0 : i32
        %dma_start3A_232 = arith.constant 0 : i32
        %dma_start3A_233 = tpu.memref_slice %arg11[%sub3A_208, %dma_start3A_231, %dma_start3A_232] : memref<2x4x2048xf32, #tpu.memory_space<vmem>> -> memref<1x4x2048xf32, #tpu.memory_space<vmem>>
        %dma_start3A_234 = tpu.memref_squeeze %dma_start3A_233 : memref<1x4x2048xf32, #tpu.memory_space<vmem>> -> memref<4x2048xf32, #tpu.memory_space<vmem>>
        %dma_start3A_235 = tpu.memref_slice %arg3[%mul3A_4, %mul3A_210] : memref<16x161792xf32, #tpu.memory_space<hbm>> -> memref<4x2048xf32, #tpu.memory_space<hbm>>
        %dma_start3A_236 = tpu.memref_slice %arg14[%sub3A_208] : memref<2x!tpu.dma_semaphore, #tpu.memory_space<semaphore_mem>> -> memref<1x!tpu.dma_semaphore, #tpu.memory_space<semaphore_mem>>
        %dma_start3A_237 = tpu.memref_squeeze %dma_start3A_236 : memref<1x!tpu.dma_semaphore, #tpu.memory_space<semaphore_mem>> -> memref<!tpu.dma_semaphore, #tpu.memory_space<semaphore_mem>>
        %dma_start3A_238 = arith.constant 0 : i32
        %dma_start3A_239 = arith.constant 0 : i32
        %dma_start3A_240 = tpu.memref_slice %arg11[%sub3A_208, %dma_start3A_238, %dma_start3A_239] : memref<2x4x2048xf32, #tpu.memory_space<vmem>> -> memref<1x4x2048xf32, #tpu.memory_space<vmem>>
        %dma_start3A_241 = tpu.memref_squeeze %dma_start3A_240 : memref<1x4x2048xf32, #tpu.memory_space<vmem>> -> memref<4x2048xf32, #tpu.memory_space<vmem>>
        %dma_start3A_242 = tpu.memref_slice %arg3[%mul3A_4, %mul3A_210] : memref<16x161792xf32, #tpu.memory_space<hbm>> -> memref<4x2048xf32, #tpu.memory_space<hbm>>
        tpu.enqueue_dma source(%dma_start3A_242 : memref<4x2048xf32, #tpu.memory_space<hbm>>) target(%dma_start3A_241 : memref<4x2048xf32, #tpu.memory_space<vmem>>) target_semaphore(%dma_start3A_237 : memref<!tpu.dma_semaphore, #tpu.memory_space<semaphore_mem>>)
      } else {
      }
      %parallel_loop3A_202 = arith.constant 0 : i32
      %parallel_loop3A_203 = arith.constant 128 : i32
      %parallel_loop3A_204 = arith.constant 1 : i32
      scf.for %parallel_loop3A_206 = %parallel_loop3A_202 to %parallel_loop3A_203 step %parallel_loop3A_204  : i32 {
        %parallel_loop3A_207 = arith.constant 16 : i32
        %parallel_loop3A_208 = arith.muli %parallel_loop3A_206, %parallel_loop3A_207 : i32
        %parallel_loop3A_209 = arith.index_cast %rem3A_157 : i32 to index
        %parallel_loop3A_210 = arith.index_cast %parallel_loop3A_208 : i32 to index
        %parallel_loop3A_211 = tpu.vector_load %arg9[%parallel_loop3A_209, %parallel_loop3A_210] {strides = array<i32>} : memref<2x2048xi32, #tpu.memory_space<vmem>>, vector<16xi32>,
        %parallel_loop3A_212 = arith.index_cast %rem3A_157 : i32 to index
        %parallel_loop3A_213 = arith.index_cast %parallel_loop3A_208 : i32 to index
        %parallel_loop3A_214 = tpu.vector_load %arg10[%parallel_loop3A_212, %parallel_loop3A_213] {strides = array<i32>} : memref<2x2048xi32, #tpu.memory_space<vmem>>, vector<16xi32>,
        %parallel_loop3A_215 = arith.constant 0 : i32
        %parallel_loop3A_216 = arith.index_cast %rem3A_157 : i32 to index
        %parallel_loop3A_217 = arith.index_cast %parallel_loop3A_215 : i32 to index
        %parallel_loop3A_218 = arith.index_cast %parallel_loop3A_208 : i32 to index
        %parallel_loop3A_219 = tpu.vector_load %arg11[%parallel_loop3A_216, %parallel_loop3A_217, %parallel_loop3A_218] {strides = array<i32>} : memref<2x4x2048xf32, #tpu.memory_space<vmem>>, vector<16xf32>,
        %parallel_loop3A_220 = arith.constant 1 : i32
        %parallel_loop3A_221 = arith.index_cast %rem3A_157 : i32 to index
        %parallel_loop3A_222 = arith.index_cast %parallel_loop3A_220 : i32 to index
        %parallel_loop3A_223 = arith.index_cast %parallel_loop3A_208 : i32 to index
        %parallel_loop3A_224 = tpu.vector_load %arg11[%parallel_loop3A_221, %parallel_loop3A_222, %parallel_loop3A_223] {strides = array<i32>} : memref<2x4x2048xf32, #tpu.memory_space<vmem>>, vector<16xf32>,
        %parallel_loop3A_225 = arith.constant 2 : i32
        %parallel_loop3A_226 = arith.index_cast %rem3A_157 : i32 to index
        %parallel_loop3A_227 = arith.index_cast %parallel_loop3A_225 : i32 to index
        %parallel_loop3A_228 = arith.index_cast %parallel_loop3A_208 : i32 to index
        %parallel_loop3A_229 = tpu.vector_load %arg11[%parallel_loop3A_226, %parallel_loop3A_227, %parallel_loop3A_228] {strides = array<i32>} : memref<2x4x2048xf32, #tpu.memory_space<vmem>>, vector<16xf32>,
        %parallel_loop3A_230 = arith.constant 3 : i32
        %parallel_loop3A_231 = arith.index_cast %rem3A_157 : i32 to index
        %parallel_loop3A_232 = arith.index_cast %parallel_loop3A_230 : i32 to index
        %parallel_loop3A_233 = arith.index_cast %parallel_loop3A_208 : i32 to index
        %parallel_loop3A_234 = tpu.vector_load %arg11[%parallel_loop3A_231, %parallel_loop3A_232, %parallel_loop3A_233] {strides = array<i32>} : memref<2x4x2048xf32, #tpu.memory_space<vmem>>, vector<16xf32>,
        %parallel_loop3A_235 = arith.constant 0 : i32
        %parallel_loop3A_236 = vector.broadcast %parallel_loop3A_235 : i32 to vector<16xi32>
        %parallel_loop3A_237 = tpu.vector_load_idx %arg7[%parallel_loop3A_236, %parallel_loop3A_211] : memref<2x10112xf32, #tpu.memory_space<vmem>>[vector<16xi32>, vector<16xi32>], vector<16xf32>,
        %parallel_loop3A_238 = arith.constant 0 : i32
        %parallel_loop3A_239 = vector.broadcast %parallel_loop3A_238 : i32 to vector<16xi32>
        %parallel_loop3A_240 = arith.addi %parallel_loop3A_214, %parallel_loop3A_239 : vector<16xi32>
        %parallel_loop3A_241 = arith.mulf %parallel_loop3A_237, %parallel_loop3A_219 : vector<16xf32>
        tpu.vector_store_idx %arg8[%parallel_loop3A_240], %parallel_loop3A_241 {add = true} : memref<80896xf32, #tpu.memory_space<vmem>>[vector<16xi32>], vector<16xf32>,
        %parallel_loop3A_242 = arith.constant 10112 : i32
        %parallel_loop3A_243 = vector.broadcast %parallel_loop3A_242 : i32 to vector<16xi32>
        %parallel_loop3A_244 = arith.addi %parallel_loop3A_214, %parallel_loop3A_243 : vector<16xi32>
        %parallel_loop3A_245 = arith.mulf %parallel_loop3A_237, %parallel_loop3A_224 : vector<16xf32>
        tpu.vector_store_idx %arg8[%parallel_loop3A_244], %parallel_loop3A_245 {add = true} : memref<80896xf32, #tpu.memory_space<vmem>>[vector<16xi32>], vector<16xf32>,
        %parallel_loop3A_246 = arith.constant 20224 : i32
        %parallel_loop3A_247 = vector.broadcast %parallel_loop3A_246 : i32 to vector<16xi32>
        %parallel_loop3A_248 = arith.addi %parallel_loop3A_214, %parallel_loop3A_247 : vector<16xi32>
        %parallel_loop3A_249 = arith.mulf %parallel_loop3A_237, %parallel_loop3A_229 : vector<16xf32>
        tpu.vector_store_idx %arg8[%parallel_loop3A_248], %parallel_loop3A_249 {add = true} : memref<80896xf32, #tpu.memory_space<vmem>>[vector<16xi32>], vector<16xf32>,
        %parallel_loop3A_250 = arith.constant 30336 : i32
        %parallel_loop3A_251 = vector.broadcast %parallel_loop3A_250 : i32 to vector<16xi32>
        %parallel_loop3A_252 = arith.addi %parallel_loop3A_214, %parallel_loop3A_251 : vector<16xi32>
        %parallel_loop3A_253 = arith.mulf %parallel_loop3A_237, %parallel_loop3A_234 : vector<16xf32>
        tpu.vector_store_idx %arg8[%parallel_loop3A_252], %parallel_loop3A_253 {add = true} : memref<80896xf32, #tpu.memory_space<vmem>>[vector<16xi32>], vector<16xf32>,
        %parallel_loop3A_254 = arith.constant 1 : i32
        %parallel_loop3A_255 = vector.broadcast %parallel_loop3A_254 : i32 to vector<16xi32>
        %parallel_loop3A_256 = tpu.vector_load_idx %arg7[%parallel_loop3A_255, %parallel_loop3A_211] : memref<2x10112xf32, #tpu.memory_space<vmem>>[vector<16xi32>, vector<16xi32>], vector<16xf32>,
        %parallel_loop3A_257 = arith.constant 40448 : i32
        %parallel_loop3A_258 = vector.broadcast %parallel_loop3A_257 : i32 to vector<16xi32>
        %parallel_loop3A_259 = arith.addi %parallel_loop3A_214, %parallel_loop3A_258 : vector<16xi32>
        %parallel_loop3A_260 = arith.mulf %parallel_loop3A_256, %parallel_loop3A_219 : vector<16xf32>
        tpu.vector_store_idx %arg8[%parallel_loop3A_259], %parallel_loop3A_260 {add = true} : memref<80896xf32, #tpu.memory_space<vmem>>[vector<16xi32>], vector<16xf32>,
        %parallel_loop3A_261 = arith.constant 50560 : i32
        %parallel_loop3A_262 = vector.broadcast %parallel_loop3A_261 : i32 to vector<16xi32>
        %parallel_loop3A_263 = arith.addi %parallel_loop3A_214, %parallel_loop3A_262 : vector<16xi32>
        %parallel_loop3A_264 = arith.mulf %parallel_loop3A_256, %parallel_loop3A_224 : vector<16xf32>
        tpu.vector_store_idx %arg8[%parallel_loop3A_263], %parallel_loop3A_264 {add = true} : memref<80896xf32, #tpu.memory_space<vmem>>[vector<16xi32>], vector<16xf32>,
        %parallel_loop3A_265 = arith.constant 60672 : i32
        %parallel_loop3A_266 = vector.broadcast %parallel_loop3A_265 : i32 to vector<16xi32>
        %parallel_loop3A_267 = arith.addi %parallel_loop3A_214, %parallel_loop3A_266 : vector<16xi32>
        %parallel_loop3A_268 = arith.mulf %parallel_loop3A_256, %parallel_loop3A_229 : vector<16xf32>
        tpu.vector_store_idx %arg8[%parallel_loop3A_267], %parallel_loop3A_268 {add = true} : memref<80896xf32, #tpu.memory_space<vmem>>[vector<16xi32>], vector<16xf32>,
        %parallel_loop3A_269 = arith.constant 70784 : i32
        %parallel_loop3A_270 = vector.broadcast %parallel_loop3A_269 : i32 to vector<16xi32>
        %parallel_loop3A_271 = arith.addi %parallel_loop3A_214, %parallel_loop3A_270 : vector<16xi32>
        %parallel_loop3A_272 = arith.mulf %parallel_loop3A_256, %parallel_loop3A_234 : vector<16xf32>
        tpu.vector_store_idx %arg8[%parallel_loop3A_271], %parallel_loop3A_272 {add = true} : memref<80896xf32, #tpu.memory_space<vmem>>[vector<16xi32>], vector<16xf32>,
      } {sc.loop_unroll_factor = 4 : i64, sc.parallel_access}
      %scan3A_205 = arith.constant 0 : i32
      scf.yield %scan3A_205 : i32
    }
    %scan3A_65 = arith.constant 79 : i32
    %mul3A_66 = arith.constant 2 : i32
    %mul3A_67 = arith.muli %rem3A_0, %mul3A_66 : i32
    %add3A_68 = arith.constant 0 : i32
    %add3A_69 = arith.addi %mul3A_67, %add3A_68 : i32
    %mul3A_70 = arith.constant 16 : i32
    %mul3A_71 = arith.muli %add3A_69, %mul3A_70 : i32
    %add3A_72 = arith.addi %mul3A_71, %mul3A_4 : i32
    %add3A_73 = arith.constant 0 : i32
    %add3A_74 = arith.addi %add3A_72, %add3A_73 : i32
    %mul3A_75 = arith.constant 10112 : i32
    %mul3A_76 = arith.muli %add3A_74, %mul3A_75 : i32
    "tpu.region"() ({
      %run_scoped3A = tpu.sem_alloc : memref<!tpu.dma_semaphore, #tpu.memory_space<semaphore_mem>>
      %dma_start3A_154 = arith.constant 0 : i32
      %dma_start3A_155 = tpu.memref_slice %arg8[%dma_start3A_154] : memref<80896xf32, #tpu.memory_space<vmem>> -> memref<10112xf32, #tpu.memory_space<vmem>>
      %dma_start3A_156 = tpu.memref_slice %arg6[%mul3A_76] : memref<2588672xf32, #tpu.memory_space<hbm>> -> memref<10112xf32, #tpu.memory_space<hbm>>
      %dma_start3A_157 = tpu.memref_slice %arg6[%mul3A_76] : memref<2588672xf32, #tpu.memory_space<hbm>> -> memref<10112xf32, #tpu.memory_space<hbm>>
      %dma_start3A_158 = arith.constant 0 : i32
      %dma_start3A_159 = tpu.memref_slice %arg8[%dma_start3A_158] : memref<80896xf32, #tpu.memory_space<vmem>> -> memref<10112xf32, #tpu.memory_space<vmem>>
      tpu.enqueue_dma source(%dma_start3A_159 : memref<10112xf32, #tpu.memory_space<vmem>>) target(%dma_start3A_157 : memref<10112xf32, #tpu.memory_space<hbm>>) target_semaphore(%run_scoped3A : memref<!tpu.dma_semaphore, #tpu.memory_space<semaphore_mem>>)
      %dma_wait3A_160 = arith.constant 0 : i32
      %dma_wait3A_161 = tpu.memref_slice %arg8[%dma_wait3A_160] : memref<80896xf32, #tpu.memory_space<vmem>> -> memref<10112xf32, #tpu.memory_space<vmem>>
      %dma_wait3A_162 = tpu.memref_slice %arg6[%mul3A_76] : memref<2588672xf32, #tpu.memory_space<hbm>> -> memref<10112xf32, #tpu.memory_space<hbm>>
      %dma_wait3A_163 = tpu.memref_slice %arg6[%mul3A_76] : memref<2588672xf32, #tpu.memory_space<hbm>> -> memref<10112xf32, #tpu.memory_space<hbm>>
      %dma_wait3A_164 = arith.constant 0 : i32
      %dma_wait3A_165 = tpu.memref_slice %arg8[%dma_wait3A_164] : memref<80896xf32, #tpu.memory_space<vmem>> -> memref<10112xf32, #tpu.memory_space<vmem>>
      tpu.wait_dma2 semaphore(%run_scoped3A : memref<!tpu.dma_semaphore, #tpu.memory_space<semaphore_mem>>) src(%dma_wait3A_165 : memref<10112xf32, #tpu.memory_space<vmem>>) dst(%dma_wait3A_163 : memref<10112xf32, #tpu.memory_space<hbm>>)
      tpu.yield
    }) : () -> ()
    %mul3A_77 = arith.constant 2 : i32
    %mul3A_78 = arith.muli %rem3A_0, %mul3A_77 : i32
    %add3A_79 = arith.constant 0 : i32
    %add3A_80 = arith.addi %mul3A_78, %add3A_79 : i32
    %mul3A_81 = arith.constant 16 : i32
    %mul3A_82 = arith.muli %add3A_80, %mul3A_81 : i32
    %add3A_83 = arith.addi %mul3A_82, %mul3A_4 : i32
    %add3A_84 = arith.constant 1 : i32
    %add3A_85 = arith.addi %add3A_83, %add3A_84 : i32
    %mul3A_86 = arith.constant 10112 : i32
    %mul3A_87 = arith.muli %add3A_85, %mul3A_86 : i32
    "tpu.region"() ({
      %run_scoped3A = tpu.sem_alloc : memref<!tpu.dma_semaphore, #tpu.memory_space<semaphore_mem>>
      %dma_start3A_154 = arith.constant 10112 : i32
      %dma_start3A_155 = tpu.memref_slice %arg8[%dma_start3A_154] : memref<80896xf32, #tpu.memory_space<vmem>> -> memref<10112xf32, #tpu.memory_space<vmem>>
      %dma_start3A_156 = tpu.memref_slice %arg6[%mul3A_87] : memref<2588672xf32, #tpu.memory_space<hbm>> -> memref<10112xf32, #tpu.memory_space<hbm>>
      %dma_start3A_157 = tpu.memref_slice %arg6[%mul3A_87] : memref<2588672xf32, #tpu.memory_space<hbm>> -> memref<10112xf32, #tpu.memory_space<hbm>>
      %dma_start3A_158 = arith.constant 10112 : i32
      %dma_start3A_159 = tpu.memref_slice %arg8[%dma_start3A_158] : memref<80896xf32, #tpu.memory_space<vmem>> -> memref<10112xf32, #tpu.memory_space<vmem>>
      tpu.enqueue_dma source(%dma_start3A_159 : memref<10112xf32, #tpu.memory_space<vmem>>) target(%dma_start3A_157 : memref<10112xf32, #tpu.memory_space<hbm>>) target_semaphore(%run_scoped3A : memref<!tpu.dma_semaphore, #tpu.memory_space<semaphore_mem>>)
      %dma_wait3A_160 = arith.constant 10112 : i32
      %dma_wait3A_161 = tpu.memref_slice %arg8[%dma_wait3A_160] : memref<80896xf32, #tpu.memory_space<vmem>> -> memref<10112xf32, #tpu.memory_space<vmem>>
      %dma_wait3A_162 = tpu.memref_slice %arg6[%mul3A_87] : memref<2588672xf32, #tpu.memory_space<hbm>> -> memref<10112xf32, #tpu.memory_space<hbm>>
      %dma_wait3A_163 = tpu.memref_slice %arg6[%mul3A_87] : memref<2588672xf32, #tpu.memory_space<hbm>> -> memref<10112xf32, #tpu.memory_space<hbm>>
      %dma_wait3A_164 = arith.constant 10112 : i32
      %dma_wait3A_165 = tpu.memref_slice %arg8[%dma_wait3A_164] : memref<80896xf32, #tpu.memory_space<vmem>> -> memref<10112xf32, #tpu.memory_space<vmem>>
      tpu.wait_dma2 semaphore(%run_scoped3A : memref<!tpu.dma_semaphore, #tpu.memory_space<semaphore_mem>>) src(%dma_wait3A_165 : memref<10112xf32, #tpu.memory_space<vmem>>) dst(%dma_wait3A_163 : memref<10112xf32, #tpu.memory_space<hbm>>)
      tpu.yield
    }) : () -> ()
    %mul3A_88 = arith.constant 2 : i32
    %mul3A_89 = arith.muli %rem3A_0, %mul3A_88 : i32
    %add3A_90 = arith.constant 0 : i32
    %add3A_91 = arith.addi %mul3A_89, %add3A_90 : i32
    %mul3A_92 = arith.constant 16 : i32
    %mul3A_93 = arith.muli %add3A_91, %mul3A_92 : i32
    %add3A_94 = arith.addi %mul3A_93, %mul3A_4 : i32
    %add3A_95 = arith.constant 2 : i32
    %add3A_96 = arith.addi %add3A_94, %add3A_95 : i32
    %mul3A_97 = arith.constant 10112 : i32
    %mul3A_98 = arith.muli %add3A_96, %mul3A_97 : i32
    "tpu.region"() ({
      %run_scoped3A = tpu.sem_alloc : memref<!tpu.dma_semaphore, #tpu.memory_space<semaphore_mem>>
      %dma_start3A_154 = arith.constant 20224 : i32
      %dma_start3A_155 = tpu.memref_slice %arg8[%dma_start3A_154] : memref<80896xf32, #tpu.memory_space<vmem>> -> memref<10112xf32, #tpu.memory_space<vmem>>
      %dma_start3A_156 = tpu.memref_slice %arg6[%mul3A_98] : memref<2588672xf32, #tpu.memory_space<hbm>> -> memref<10112xf32, #tpu.memory_space<hbm>>
      %dma_start3A_157 = tpu.memref_slice %arg6[%mul3A_98] : memref<2588672xf32, #tpu.memory_space<hbm>> -> memref<10112xf32, #tpu.memory_space<hbm>>
      %dma_start3A_158 = arith.constant 20224 : i32
      %dma_start3A_159 = tpu.memref_slice %arg8[%dma_start3A_158] : memref<80896xf32, #tpu.memory_space<vmem>> -> memref<10112xf32, #tpu.memory_space<vmem>>
      tpu.enqueue_dma source(%dma_start3A_159 : memref<10112xf32, #tpu.memory_space<vmem>>) target(%dma_start3A_157 : memref<10112xf32, #tpu.memory_space<hbm>>) target_semaphore(%run_scoped3A : memref<!tpu.dma_semaphore, #tpu.memory_space<semaphore_mem>>)
      %dma_wait3A_160 = arith.constant 20224 : i32
      %dma_wait3A_161 = tpu.memref_slice %arg8[%dma_wait3A_160] : memref<80896xf32, #tpu.memory_space<vmem>> -> memref<10112xf32, #tpu.memory_space<vmem>>
      %dma_wait3A_162 = tpu.memref_slice %arg6[%mul3A_98] : memref<2588672xf32, #tpu.memory_space<hbm>> -> memref<10112xf32, #tpu.memory_space<hbm>>
      %dma_wait3A_163 = tpu.memref_slice %arg6[%mul3A_98] : memref<2588672xf32, #tpu.memory_space<hbm>> -> memref<10112xf32, #tpu.memory_space<hbm>>
      %dma_wait3A_164 = arith.constant 20224 : i32
      %dma_wait3A_165 = tpu.memref_slice %arg8[%dma_wait3A_164] : memref<80896xf32, #tpu.memory_space<vmem>> -> memref<10112xf32, #tpu.memory_space<vmem>>
      tpu.wait_dma2 semaphore(%run_scoped3A : memref<!tpu.dma_semaphore, #tpu.memory_space<semaphore_mem>>) src(%dma_wait3A_165 : memref<10112xf32, #tpu.memory_space<vmem>>) dst(%dma_wait3A_163 : memref<10112xf32, #tpu.memory_space<hbm>>)
      tpu.yield
    }) : () -> ()
    %mul3A_99 = arith.constant 2 : i32
    %mul3A_100 = arith.muli %rem3A_0, %mul3A_99 : i32
    %add3A_101 = arith.constant 0 : i32
    %add3A_102 = arith.addi %mul3A_100, %add3A_101 : i32
    %mul3A_103 = arith.constant 16 : i32
    %mul3A_104 = arith.muli %add3A_102, %mul3A_103 : i32
    %add3A_105 = arith.addi %mul3A_104, %mul3A_4 : i32
    %add3A_106 = arith.constant 3 : i32
    %add3A_107 = arith.addi %add3A_105, %add3A_106 : i32
    %mul3A_108 = arith.constant 10112 : i32
    %mul3A_109 = arith.muli %add3A_107, %mul3A_108 : i32
    "tpu.region"() ({
      %run_scoped3A = tpu.sem_alloc : memref<!tpu.dma_semaphore, #tpu.memory_space<semaphore_mem>>
      %dma_start3A_154 = arith.constant 30336 : i32
      %dma_start3A_155 = tpu.memref_slice %arg8[%dma_start3A_154] : memref<80896xf32, #tpu.memory_space<vmem>> -> memref<10112xf32, #tpu.memory_space<vmem>>
      %dma_start3A_156 = tpu.memref_slice %arg6[%mul3A_109] : memref<2588672xf32, #tpu.memory_space<hbm>> -> memref<10112xf32, #tpu.memory_space<hbm>>
      %dma_start3A_157 = tpu.memref_slice %arg6[%mul3A_109] : memref<2588672xf32, #tpu.memory_space<hbm>> -> memref<10112xf32, #tpu.memory_space<hbm>>
      %dma_start3A_158 = arith.constant 30336 : i32
      %dma_start3A_159 = tpu.memref_slice %arg8[%dma_start3A_158] : memref<80896xf32, #tpu.memory_space<vmem>> -> memref<10112xf32, #tpu.memory_space<vmem>>
      tpu.enqueue_dma source(%dma_start3A_159 : memref<10112xf32, #tpu.memory_space<vmem>>) target(%dma_start3A_157 : memref<10112xf32, #tpu.memory_space<hbm>>) target_semaphore(%run_scoped3A : memref<!tpu.dma_semaphore, #tpu.memory_space<semaphore_mem>>)
      %dma_wait3A_160 = arith.constant 30336 : i32
      %dma_wait3A_161 = tpu.memref_slice %arg8[%dma_wait3A_160] : memref<80896xf32, #tpu.memory_space<vmem>> -> memref<10112xf32, #tpu.memory_space<vmem>>
      %dma_wait3A_162 = tpu.memref_slice %arg6[%mul3A_109] : memref<2588672xf32, #tpu.memory_space<hbm>> -> memref<10112xf32, #tpu.memory_space<hbm>>
      %dma_wait3A_163 = tpu.memref_slice %arg6[%mul3A_109] : memref<2588672xf32, #tpu.memory_space<hbm>> -> memref<10112xf32, #tpu.memory_space<hbm>>
      %dma_wait3A_164 = arith.constant 30336 : i32
      %dma_wait3A_165 = tpu.memref_slice %arg8[%dma_wait3A_164] : memref<80896xf32, #tpu.memory_space<vmem>> -> memref<10112xf32, #tpu.memory_space<vmem>>
      tpu.wait_dma2 semaphore(%run_scoped3A : memref<!tpu.dma_semaphore, #tpu.memory_space<semaphore_mem>>) src(%dma_wait3A_165 : memref<10112xf32, #tpu.memory_space<vmem>>) dst(%dma_wait3A_163 : memref<10112xf32, #tpu.memory_space<hbm>>)
      tpu.yield
    }) : () -> ()
    %mul3A_110 = arith.constant 2 : i32
    %mul3A_111 = arith.muli %rem3A_0, %mul3A_110 : i32
    %add3A_112 = arith.constant 1 : i32
    %add3A_113 = arith.addi %mul3A_111, %add3A_112 : i32
    %mul3A_114 = arith.constant 16 : i32
    %mul3A_115 = arith.muli %add3A_113, %mul3A_114 : i32
    %add3A_116 = arith.addi %mul3A_115, %mul3A_4 : i32
    %add3A_117 = arith.constant 0 : i32
    %add3A_118 = arith.addi %add3A_116, %add3A_117 : i32
    %mul3A_119 = arith.constant 10112 : i32
    %mul3A_120 = arith.muli %add3A_118, %mul3A_119 : i32
    "tpu.region"() ({
      %run_scoped3A = tpu.sem_alloc : memref<!tpu.dma_semaphore, #tpu.memory_space<semaphore_mem>>
      %dma_start3A_154 = arith.constant 40448 : i32
      %dma_start3A_155 = tpu.memref_slice %arg8[%dma_start3A_154] : memref<80896xf32, #tpu.memory_space<vmem>> -> memref<10112xf32, #tpu.memory_space<vmem>>
      %dma_start3A_156 = tpu.memref_slice %arg6[%mul3A_120] : memref<2588672xf32, #tpu.memory_space<hbm>> -> memref<10112xf32, #tpu.memory_space<hbm>>
      %dma_start3A_157 = tpu.memref_slice %arg6[%mul3A_120] : memref<2588672xf32, #tpu.memory_space<hbm>> -> memref<10112xf32, #tpu.memory_space<hbm>>
      %dma_start3A_158 = arith.constant 40448 : i32
      %dma_start3A_159 = tpu.memref_slice %arg8[%dma_start3A_158] : memref<80896xf32, #tpu.memory_space<vmem>> -> memref<10112xf32, #tpu.memory_space<vmem>>
      tpu.enqueue_dma source(%dma_start3A_159 : memref<10112xf32, #tpu.memory_space<vmem>>) target(%dma_start3A_157 : memref<10112xf32, #tpu.memory_space<hbm>>) target_semaphore(%run_scoped3A : memref<!tpu.dma_semaphore, #tpu.memory_space<semaphore_mem>>)
      %dma_wait3A_160 = arith.constant 40448 : i32
      %dma_wait3A_161 = tpu.memref_slice %arg8[%dma_wait3A_160] : memref<80896xf32, #tpu.memory_space<vmem>> -> memref<10112xf32, #tpu.memory_space<vmem>>
      %dma_wait3A_162 = tpu.memref_slice %arg6[%mul3A_120] : memref<2588672xf32, #tpu.memory_space<hbm>> -> memref<10112xf32, #tpu.memory_space<hbm>>
      %dma_wait3A_163 = tpu.memref_slice %arg6[%mul3A_120] : memref<2588672xf32, #tpu.memory_space<hbm>> -> memref<10112xf32, #tpu.memory_space<hbm>>
      %dma_wait3A_164 = arith.constant 40448 : i32
      %dma_wait3A_165 = tpu.memref_slice %arg8[%dma_wait3A_164] : memref<80896xf32, #tpu.memory_space<vmem>> -> memref<10112xf32, #tpu.memory_space<vmem>>
      tpu.wait_dma2 semaphore(%run_scoped3A : memref<!tpu.dma_semaphore, #tpu.memory_space<semaphore_mem>>) src(%dma_wait3A_165 : memref<10112xf32, #tpu.memory_space<vmem>>) dst(%dma_wait3A_163 : memref<10112xf32, #tpu.memory_space<hbm>>)
      tpu.yield
    }) : () -> ()
    %mul3A_121 = arith.constant 2 : i32
    %mul3A_122 = arith.muli %rem3A_0, %mul3A_121 : i32
    %add3A_123 = arith.constant 1 : i32
    %add3A_124 = arith.addi %mul3A_122, %add3A_123 : i32
    %mul3A_125 = arith.constant 16 : i32
    %mul3A_126 = arith.muli %add3A_124, %mul3A_125 : i32
    %add3A_127 = arith.addi %mul3A_126, %mul3A_4 : i32
    %add3A_128 = arith.constant 1 : i32
    %add3A_129 = arith.addi %add3A_127, %add3A_128 : i32
    %mul3A_130 = arith.constant 10112 : i32
    %mul3A_131 = arith.muli %add3A_129, %mul3A_130 : i32
    "tpu.region"() ({
      %run_scoped3A = tpu.sem_alloc : memref<!tpu.dma_semaphore, #tpu.memory_space<semaphore_mem>>
      %dma_start3A_154 = arith.constant 50560 : i32
      %dma_start3A_155 = tpu.memref_slice %arg8[%dma_start3A_154] : memref<80896xf32, #tpu.memory_space<vmem>> -> memref<10112xf32, #tpu.memory_space<vmem>>
      %dma_start3A_156 = tpu.memref_slice %arg6[%mul3A_131] : memref<2588672xf32, #tpu.memory_space<hbm>> -> memref<10112xf32, #tpu.memory_space<hbm>>
      %dma_start3A_157 = tpu.memref_slice %arg6[%mul3A_131] : memref<2588672xf32, #tpu.memory_space<hbm>> -> memref<10112xf32, #tpu.memory_space<hbm>>
      %dma_start3A_158 = arith.constant 50560 : i32
      %dma_start3A_159 = tpu.memref_slice %arg8[%dma_start3A_158] : memref<80896xf32, #tpu.memory_space<vmem>> -> memref<10112xf32, #tpu.memory_space<vmem>>
      tpu.enqueue_dma source(%dma_start3A_159 : memref<10112xf32, #tpu.memory_space<vmem>>) target(%dma_start3A_157 : memref<10112xf32, #tpu.memory_space<hbm>>) target_semaphore(%run_scoped3A : memref<!tpu.dma_semaphore, #tpu.memory_space<semaphore_mem>>)
      %dma_wait3A_160 = arith.constant 50560 : i32
      %dma_wait3A_161 = tpu.memref_slice %arg8[%dma_wait3A_160] : memref<80896xf32, #tpu.memory_space<vmem>> -> memref<10112xf32, #tpu.memory_space<vmem>>
      %dma_wait3A_162 = tpu.memref_slice %arg6[%mul3A_131] : memref<2588672xf32, #tpu.memory_space<hbm>> -> memref<10112xf32, #tpu.memory_space<hbm>>
      %dma_wait3A_163 = tpu.memref_slice %arg6[%mul3A_131] : memref<2588672xf32, #tpu.memory_space<hbm>> -> memref<10112xf32, #tpu.memory_space<hbm>>
      %dma_wait3A_164 = arith.constant 50560 : i32
      %dma_wait3A_165 = tpu.memref_slice %arg8[%dma_wait3A_164] : memref<80896xf32, #tpu.memory_space<vmem>> -> memref<10112xf32, #tpu.memory_space<vmem>>
      tpu.wait_dma2 semaphore(%run_scoped3A : memref<!tpu.dma_semaphore, #tpu.memory_space<semaphore_mem>>) src(%dma_wait3A_165 : memref<10112xf32, #tpu.memory_space<vmem>>) dst(%dma_wait3A_163 : memref<10112xf32, #tpu.memory_space<hbm>>)
      tpu.yield
    }) : () -> ()
    %mul3A_132 = arith.constant 2 : i32
    %mul3A_133 = arith.muli %rem3A_0, %mul3A_132 : i32
    %add3A_134 = arith.constant 1 : i32
    %add3A_135 = arith.addi %mul3A_133, %add3A_134 : i32
    %mul3A_136 = arith.constant 16 : i32
    %mul3A_137 = arith.muli %add3A_135, %mul3A_136 : i32
    %add3A_138 = arith.addi %mul3A_137, %mul3A_4 : i32
    %add3A_139 = arith.constant 2 : i32
    %add3A_140 = arith.addi %add3A_138, %add3A_139 : i32
    %mul3A_141 = arith.constant 10112 : i32
    %mul3A_142 = arith.muli %add3A_140, %mul3A_141 : i32
    "tpu.region"() ({
      %run_scoped3A = tpu.sem_alloc : memref<!tpu.dma_semaphore, #tpu.memory_space<semaphore_mem>>
      %dma_start3A_154 = arith.constant 60672 : i32
      %dma_start3A_155 = tpu.memref_slice %arg8[%dma_start3A_154] : memref<80896xf32, #tpu.memory_space<vmem>> -> memref<10112xf32, #tpu.memory_space<vmem>>
      %dma_start3A_156 = tpu.memref_slice %arg6[%mul3A_142] : memref<2588672xf32, #tpu.memory_space<hbm>> -> memref<10112xf32, #tpu.memory_space<hbm>>
      %dma_start3A_157 = tpu.memref_slice %arg6[%mul3A_142] : memref<2588672xf32, #tpu.memory_space<hbm>> -> memref<10112xf32, #tpu.memory_space<hbm>>
      %dma_start3A_158 = arith.constant 60672 : i32
      %dma_start3A_159 = tpu.memref_slice %arg8[%dma_start3A_158] : memref<80896xf32, #tpu.memory_space<vmem>> -> memref<10112xf32, #tpu.memory_space<vmem>>
      tpu.enqueue_dma source(%dma_start3A_159 : memref<10112xf32, #tpu.memory_space<vmem>>) target(%dma_start3A_157 : memref<10112xf32, #tpu.memory_space<hbm>>) target_semaphore(%run_scoped3A : memref<!tpu.dma_semaphore, #tpu.memory_space<semaphore_mem>>)
      %dma_wait3A_160 = arith.constant 60672 : i32
      %dma_wait3A_161 = tpu.memref_slice %arg8[%dma_wait3A_160] : memref<80896xf32, #tpu.memory_space<vmem>> -> memref<10112xf32, #tpu.memory_space<vmem>>
      %dma_wait3A_162 = tpu.memref_slice %arg6[%mul3A_142] : memref<2588672xf32, #tpu.memory_space<hbm>> -> memref<10112xf32, #tpu.memory_space<hbm>>
      %dma_wait3A_163 = tpu.memref_slice %arg6[%mul3A_142] : memref<2588672xf32, #tpu.memory_space<hbm>> -> memref<10112xf32, #tpu.memory_space<hbm>>
      %dma_wait3A_164 = arith.constant 60672 : i32
      %dma_wait3A_165 = tpu.memref_slice %arg8[%dma_wait3A_164] : memref<80896xf32, #tpu.memory_space<vmem>> -> memref<10112xf32, #tpu.memory_space<vmem>>
      tpu.wait_dma2 semaphore(%run_scoped3A : memref<!tpu.dma_semaphore, #tpu.memory_space<semaphore_mem>>) src(%dma_wait3A_165 : memref<10112xf32, #tpu.memory_space<vmem>>) dst(%dma_wait3A_163 : memref<10112xf32, #tpu.memory_space<hbm>>)
      tpu.yield
    }) : () -> ()
    %mul3A_143 = arith.constant 2 : i32
    %mul3A_144 = arith.muli %rem3A_0, %mul3A_143 : i32
    %add3A_145 = arith.constant 1 : i32
    %add3A_146 = arith.addi %mul3A_144, %add3A_145 : i32
    %mul3A_147 = arith.constant 16 : i32
    %mul3A_148 = arith.muli %add3A_146, %mul3A_147 : i32
    %add3A_149 = arith.addi %mul3A_148, %mul3A_4 : i32
    %add3A_150 = arith.constant 3 : i32
    %add3A_151 = arith.addi %add3A_149, %add3A_150 : i32
    %mul3A_152 = arith.constant 10112 : i32
    %mul3A_153 = arith.muli %add3A_151, %mul3A_152 : i32
    "tpu.region"() ({
      %run_scoped3A = tpu.sem_alloc : memref<!tpu.dma_semaphore, #tpu.memory_space<semaphore_mem>>
      %dma_start3A_154 = arith.constant 70784 : i32
      %dma_start3A_155 = tpu.memref_slice %arg8[%dma_start3A_154] : memref<80896xf32, #tpu.memory_space<vmem>> -> memref<10112xf32, #tpu.memory_space<vmem>>
      %dma_start3A_156 = tpu.memref_slice %arg6[%mul3A_153] : memref<2588672xf32, #tpu.memory_space<hbm>> -> memref<10112xf32, #tpu.memory_space<hbm>>
      %dma_start3A_157 = tpu.memref_slice %arg6[%mul3A_153] : memref<2588672xf32, #tpu.memory_space<hbm>> -> memref<10112xf32, #tpu.memory_space<hbm>>
      %dma_start3A_158 = arith.constant 70784 : i32
      %dma_start3A_159 = tpu.memref_slice %arg8[%dma_start3A_158] : memref<80896xf32, #tpu.memory_space<vmem>> -> memref<10112xf32, #tpu.memory_space<vmem>>
      tpu.enqueue_dma source(%dma_start3A_159 : memref<10112xf32, #tpu.memory_space<vmem>>) target(%dma_start3A_157 : memref<10112xf32, #tpu.memory_space<hbm>>) target_semaphore(%run_scoped3A : memref<!tpu.dma_semaphore, #tpu.memory_space<semaphore_mem>>)
      %dma_wait3A_160 = arith.constant 70784 : i32
      %dma_wait3A_161 = tpu.memref_slice %arg8[%dma_wait3A_160] : memref<80896xf32, #tpu.memory_space<vmem>> -> memref<10112xf32, #tpu.memory_space<vmem>>
      %dma_wait3A_162 = tpu.memref_slice %arg6[%mul3A_153] : memref<2588672xf32, #tpu.memory_space<hbm>> -> memref<10112xf32, #tpu.memory_space<hbm>>
      %dma_wait3A_163 = tpu.memref_slice %arg6[%mul3A_153] : memref<2588672xf32, #tpu.memory_space<hbm>> -> memref<10112xf32, #tpu.memory_space<hbm>>
      %dma_wait3A_164 = arith.constant 70784 : i32
      %dma_wait3A_165 = tpu.memref_slice %arg8[%dma_wait3A_164] : memref<80896xf32, #tpu.memory_space<vmem>> -> memref<10112xf32, #tpu.memory_space<vmem>>
      tpu.wait_dma2 semaphore(%run_scoped3A : memref<!tpu.dma_semaphore, #tpu.memory_space<semaphore_mem>>) src(%dma_wait3A_165 : memref<10112xf32, #tpu.memory_space<vmem>>) dst(%dma_wait3A_163 : memref<10112xf32, #tpu.memory_space<hbm>>)
      tpu.yield
    }) : () -> ()
    return
  }
}

#map = affine_map<(d0, d1) -> (0, 0)>
#map1 = affine_map<(d0, d1) -> (0)>
module attributes {stable_mosaic.version = 14 : i64} {
  func.func @_sc_scatter_triu(%arg0: i32, %arg1: i32, %arg2: memref<16x10112xf32, #tpu.memory_space<hbm>>, %arg3: memref<16x161792xf32, #tpu.memory_space<hbm>>, %arg4: memref<161792xi32, #tpu.memory_space<hbm>>, %arg5: memref<161792xi32, #tpu.memory_space<hbm>>, %arg6: memref<79x16384xf32, #tpu.memory_space<hbm>>, %arg7: memref<8128xf32, #tpu.memory_space<hbm>>, %arg8: memref<2588672xf32, #tpu.memory_space<hbm>>, %arg9: memref<642112xf32, #tpu.memory_space<hbm>>, %arg10: memref<2x10112xf32, #tpu.memory_space<vmem>>, %arg11: memref<80896xf32, #tpu.memory_space<vmem>>, %arg12: memref<2x2048xi32, #tpu.memory_space<vmem>>, %arg13: memref<2x2048xi32, #tpu.memory_space<vmem>>, %arg14: memref<2x4x2048xf32, #tpu.memory_space<vmem>>, %arg15: memref<2x!tpu.dma_semaphore, #tpu.memory_space<semaphore_mem>>, %arg16: memref<2x!tpu.dma_semaphore, #tpu.memory_space<semaphore_mem>>, %arg17: memref<2x!tpu.dma_semaphore, #tpu.memory_space<semaphore_mem>>, %arg18: memref<!tpu.dma_semaphore, #tpu.memory_space<semaphore_mem>>) attributes {dimension_semantics = [#tpu.dimension_semantics<core_parallel>, #tpu.dimension_semantics<subcore_parallel>], iteration_bounds = array<i64: 2, 16>, scalar_prefetch = 0 : i64, scratch_operands = 9 : i64, tpu.core_type = #tpu.core_type<sc_vector_subcore>, window_params = [{transform_indices = #map}, {transform_indices = #map}, {transform_indices = #map1}, {transform_indices = #map1}, {transform_indices = #map}, {transform_indices = #map1}, {transform_indices = #map1}, {transform_indices = #map1}]} {
    %mul3A = arith.constant 2 : i32
    %mul3A_0 = arith.muli %arg1, %mul3A : i32
    %add3A = arith.addi %mul3A_0, %arg0 : i32
    %dma_start3A = arith.constant 0 : i32
    %dma_start3A_1 = tpu.memref_slice %arg11[%dma_start3A] : memref<80896xf32, #tpu.memory_space<vmem>> -> memref<8128xf32, #tpu.memory_space<vmem>>
    %dma_start3A_2 = arith.constant 0 : i32
    %dma_start3A_3 = tpu.memref_slice %arg11[%dma_start3A_2] : memref<80896xf32, #tpu.memory_space<vmem>> -> memref<8128xf32, #tpu.memory_space<vmem>>
    tpu.enqueue_dma source(%arg7 : memref<8128xf32, #tpu.memory_space<hbm>>) target(%dma_start3A_3 : memref<8128xf32, #tpu.memory_space<vmem>>) target_semaphore(%arg18 : memref<!tpu.dma_semaphore, #tpu.memory_space<semaphore_mem>>)
    %dma_wait3A = arith.constant 0 : i32
    %dma_wait3A_4 = tpu.memref_slice %arg11[%dma_wait3A] : memref<80896xf32, #tpu.memory_space<vmem>> -> memref<8128xf32, #tpu.memory_space<vmem>>
    %dma_wait3A_5 = arith.constant 0 : i32
    %dma_wait3A_6 = tpu.memref_slice %arg11[%dma_wait3A_5] : memref<80896xf32, #tpu.memory_space<vmem>> -> memref<8128xf32, #tpu.memory_space<vmem>>
    tpu.wait_dma2 semaphore(%arg18 : memref<!tpu.dma_semaphore, #tpu.memory_space<semaphore_mem>>) src(%arg7 : memref<8128xf32, #tpu.memory_space<hbm>>) dst(%dma_wait3A_6 : memref<8128xf32, #tpu.memory_space<vmem>>)
    %add3A_7 = arith.constant 0 : i32
    %add3A_8 = arith.addi %add3A, %add3A_7 : i32
    %lt3A = arith.constant 79 : i32
    %lt3A_9 = arith.cmpi slt, %add3A_8, %lt3A : i32
    %convert_element_type3A = arith.extui %lt3A_9 : i1 to i32
    %cond3A = arith.constant 0 : i32
    %cond3A_10 = arith.cmpi ne, %convert_element_type3A, %cond3A : i32
    scf.if %cond3A_10 {
      %dma_start3A_183 = arith.constant 8192 : i32
      %dma_start3A_184 = tpu.memref_slice %arg11[%dma_start3A_183] : memref<80896xf32, #tpu.memory_space<vmem>> -> memref<16384xf32, #tpu.memory_space<vmem>>
      %dma_start3A_185 = arith.constant 0 : i32
      %dma_start3A_186 = tpu.memref_slice %arg6[%add3A_8, %dma_start3A_185] : memref<79x16384xf32, #tpu.memory_space<hbm>> -> memref<1x16384xf32, #tpu.memory_space<hbm>>
      %dma_start3A_187 = tpu.memref_squeeze %dma_start3A_186 : memref<1x16384xf32, #tpu.memory_space<hbm>> -> memref<16384xf32, #tpu.memory_space<hbm>>
      %dma_start3A_188 = arith.constant 8192 : i32
      %dma_start3A_189 = tpu.memref_slice %arg11[%dma_start3A_188] : memref<80896xf32, #tpu.memory_space<vmem>> -> memref<16384xf32, #tpu.memory_space<vmem>>
      %dma_start3A_190 = arith.constant 0 : i32
      %dma_start3A_191 = tpu.memref_slice %arg6[%add3A_8, %dma_start3A_190] : memref<79x16384xf32, #tpu.memory_space<hbm>> -> memref<1x16384xf32, #tpu.memory_space<hbm>>
      %dma_start3A_192 = tpu.memref_squeeze %dma_start3A_191 : memref<1x16384xf32, #tpu.memory_space<hbm>> -> memref<16384xf32, #tpu.memory_space<hbm>>
      tpu.enqueue_dma source(%dma_start3A_192 : memref<16384xf32, #tpu.memory_space<hbm>>) target(%dma_start3A_189 : memref<16384xf32, #tpu.memory_space<vmem>>) target_semaphore(%arg18 : memref<!tpu.dma_semaphore, #tpu.memory_space<semaphore_mem>>)
      %dma_wait3A_193 = arith.constant 8192 : i32
      %dma_wait3A_194 = tpu.memref_slice %arg11[%dma_wait3A_193] : memref<80896xf32, #tpu.memory_space<vmem>> -> memref<16384xf32, #tpu.memory_space<vmem>>
      %dma_wait3A_195 = arith.constant 0 : i32
      %dma_wait3A_196 = tpu.memref_slice %arg6[%add3A_8, %dma_wait3A_195] : memref<79x16384xf32, #tpu.memory_space<hbm>> -> memref<1x16384xf32, #tpu.memory_space<hbm>>
      %dma_wait3A_197 = tpu.memref_squeeze %dma_wait3A_196 : memref<1x16384xf32, #tpu.memory_space<hbm>> -> memref<16384xf32, #tpu.memory_space<hbm>>
      %dma_wait3A_198 = arith.constant 8192 : i32
      %dma_wait3A_199 = tpu.memref_slice %arg11[%dma_wait3A_198] : memref<80896xf32, #tpu.memory_space<vmem>> -> memref<16384xf32, #tpu.memory_space<vmem>>
      %dma_wait3A_200 = arith.constant 0 : i32
      %dma_wait3A_201 = tpu.memref_slice %arg6[%add3A_8, %dma_wait3A_200] : memref<79x16384xf32, #tpu.memory_space<hbm>> -> memref<1x16384xf32, #tpu.memory_space<hbm>>
      %dma_wait3A_202 = tpu.memref_squeeze %dma_wait3A_201 : memref<1x16384xf32, #tpu.memory_space<hbm>> -> memref<16384xf32, #tpu.memory_space<hbm>>
      tpu.wait_dma2 semaphore(%arg18 : memref<!tpu.dma_semaphore, #tpu.memory_space<semaphore_mem>>) src(%dma_wait3A_202 : memref<16384xf32, #tpu.memory_space<hbm>>) dst(%dma_wait3A_199 : memref<16384xf32, #tpu.memory_space<vmem>>)
      %parallel_loop3A_203 = arith.constant 0 : i32
      %parallel_loop3A_204 = arith.constant 508 : i32
      %parallel_loop3A_205 = arith.constant 1 : i32
      scf.for %parallel_loop3A_208 = %parallel_loop3A_203 to %parallel_loop3A_204 step %parallel_loop3A_205  : i32 {
        %parallel_loop3A_209 = arith.constant 16 : i32
        %parallel_loop3A_210 = arith.muli %parallel_loop3A_208, %parallel_loop3A_209 : i32
        %parallel_loop3A_211 = arith.index_cast %parallel_loop3A_210 : i32 to index
        %parallel_loop3A_212 = tpu.vector_load %arg11[%parallel_loop3A_211] {strides = array<i32>} : memref<80896xf32, #tpu.memory_space<vmem>>, vector<16xf32>,
        %parallel_loop3A_213 = vector.bitcast %parallel_loop3A_212 : vector<16xf32> to vector<16xi32>
        %parallel_loop3A_214 = tpu.vector_load_idx %arg11[%parallel_loop3A_213] : memref<80896xf32, #tpu.memory_space<vmem>>[vector<16xi32>], vector<16xf32>,
        %parallel_loop3A_215 = arith.constant 16 : i32
        %parallel_loop3A_216 = arith.muli %parallel_loop3A_208, %parallel_loop3A_215 : i32
        %parallel_loop3A_217 = arith.constant 24576 : i32
        %parallel_loop3A_218 = arith.addi %parallel_loop3A_217, %parallel_loop3A_216 : i32
        %parallel_loop3A_219 = arith.index_cast %parallel_loop3A_218 : i32 to index
        %parallel_loop3A_220 = tpu.vector_load %arg11[%parallel_loop3A_219] {strides = array<i32>} : memref<80896xf32, #tpu.memory_space<vmem>>, vector<16xf32>,
        tpu.vector_store %arg11[%parallel_loop3A_219], %parallel_loop3A_214 {strides = array<i32>} : memref<80896xf32, #tpu.memory_space<vmem>>, vector<16xf32>,
      } {sc.loop_unroll_factor = 4 : i64, sc.parallel_access}
      %mul3A_206 = arith.constant 8128 : i32
      %mul3A_207 = arith.muli %add3A_8, %mul3A_206 : i32
      "tpu.region"() ({
        %run_scoped3A = tpu.sem_alloc : memref<!tpu.dma_semaphore, #tpu.memory_space<semaphore_mem>>
        %dma_start3A_208 = arith.constant 24576 : i32
        %dma_start3A_209 = tpu.memref_slice %arg11[%dma_start3A_208] : memref<80896xf32, #tpu.memory_space<vmem>> -> memref<8128xf32, #tpu.memory_space<vmem>>
        %dma_start3A_210 = tpu.memref_slice %arg9[%mul3A_207] : memref<642112xf32, #tpu.memory_space<hbm>> -> memref<8128xf32, #tpu.memory_space<hbm>>
        %dma_start3A_211 = tpu.memref_slice %arg9[%mul3A_207] : memref<642112xf32, #tpu.memory_space<hbm>> -> memref<8128xf32, #tpu.memory_space<hbm>>
        %dma_start3A_212 = arith.constant 24576 : i32
        %dma_start3A_213 = tpu.memref_slice %arg11[%dma_start3A_212] : memref<80896xf32, #tpu.memory_space<vmem>> -> memref<8128xf32, #tpu.memory_space<vmem>>
        tpu.enqueue_dma source(%dma_start3A_213 : memref<8128xf32, #tpu.memory_space<vmem>>) target(%dma_start3A_211 : memref<8128xf32, #tpu.memory_space<hbm>>) target_semaphore(%run_scoped3A : memref<!tpu.dma_semaphore, #tpu.memory_space<semaphore_mem>>)
        %dma_wait3A_214 = arith.constant 24576 : i32
        %dma_wait3A_215 = tpu.memref_slice %arg11[%dma_wait3A_214] : memref<80896xf32, #tpu.memory_space<vmem>> -> memref<8128xf32, #tpu.memory_space<vmem>>
        %dma_wait3A_216 = tpu.memref_slice %arg9[%mul3A_207] : memref<642112xf32, #tpu.memory_space<hbm>> -> memref<8128xf32, #tpu.memory_space<hbm>>
        %dma_wait3A_217 = tpu.memref_slice %arg9[%mul3A_207] : memref<642112xf32, #tpu.memory_space<hbm>> -> memref<8128xf32, #tpu.memory_space<hbm>>
        %dma_wait3A_218 = arith.constant 24576 : i32
        %dma_wait3A_219 = tpu.memref_slice %arg11[%dma_wait3A_218] : memref<80896xf32, #tpu.memory_space<vmem>> -> memref<8128xf32, #tpu.memory_space<vmem>>
        tpu.wait_dma2 semaphore(%run_scoped3A : memref<!tpu.dma_semaphore, #tpu.memory_space<semaphore_mem>>) src(%dma_wait3A_219 : memref<8128xf32, #tpu.memory_space<vmem>>) dst(%dma_wait3A_217 : memref<8128xf32, #tpu.memory_space<hbm>>)
        tpu.yield
      }) : () -> ()
    } else {
    }
    %add3A_11 = arith.constant 32 : i32
    %add3A_12 = arith.addi %add3A, %add3A_11 : i32
    %lt3A_13 = arith.constant 79 : i32
    %lt3A_14 = arith.cmpi slt, %add3A_12, %lt3A_13 : i32
    %convert_element_type3A_15 = arith.extui %lt3A_14 : i1 to i32
    %cond3A_16 = arith.constant 0 : i32
    %cond3A_17 = arith.cmpi ne, %convert_element_type3A_15, %cond3A_16 : i32
    scf.if %cond3A_17 {
      %dma_start3A_183 = arith.constant 8192 : i32
      %dma_start3A_184 = tpu.memref_slice %arg11[%dma_start3A_183] : memref<80896xf32, #tpu.memory_space<vmem>> -> memref<16384xf32, #tpu.memory_space<vmem>>
      %dma_start3A_185 = arith.constant 0 : i32
      %dma_start3A_186 = tpu.memref_slice %arg6[%add3A_12, %dma_start3A_185] : memref<79x16384xf32, #tpu.memory_space<hbm>> -> memref<1x16384xf32, #tpu.memory_space<hbm>>
      %dma_start3A_187 = tpu.memref_squeeze %dma_start3A_186 : memref<1x16384xf32, #tpu.memory_space<hbm>> -> memref<16384xf32, #tpu.memory_space<hbm>>
      %dma_start3A_188 = arith.constant 8192 : i32
      %dma_start3A_189 = tpu.memref_slice %arg11[%dma_start3A_188] : memref<80896xf32, #tpu.memory_space<vmem>> -> memref<16384xf32, #tpu.memory_space<vmem>>
      %dma_start3A_190 = arith.constant 0 : i32
      %dma_start3A_191 = tpu.memref_slice %arg6[%add3A_12, %dma_start3A_190] : memref<79x16384xf32, #tpu.memory_space<hbm>> -> memref<1x16384xf32, #tpu.memory_space<hbm>>
      %dma_start3A_192 = tpu.memref_squeeze %dma_start3A_191 : memref<1x16384xf32, #tpu.memory_space<hbm>> -> memref<16384xf32, #tpu.memory_space<hbm>>
      tpu.enqueue_dma source(%dma_start3A_192 : memref<16384xf32, #tpu.memory_space<hbm>>) target(%dma_start3A_189 : memref<16384xf32, #tpu.memory_space<vmem>>) target_semaphore(%arg18 : memref<!tpu.dma_semaphore, #tpu.memory_space<semaphore_mem>>)
      %dma_wait3A_193 = arith.constant 8192 : i32
      %dma_wait3A_194 = tpu.memref_slice %arg11[%dma_wait3A_193] : memref<80896xf32, #tpu.memory_space<vmem>> -> memref<16384xf32, #tpu.memory_space<vmem>>
      %dma_wait3A_195 = arith.constant 0 : i32
      %dma_wait3A_196 = tpu.memref_slice %arg6[%add3A_12, %dma_wait3A_195] : memref<79x16384xf32, #tpu.memory_space<hbm>> -> memref<1x16384xf32, #tpu.memory_space<hbm>>
      %dma_wait3A_197 = tpu.memref_squeeze %dma_wait3A_196 : memref<1x16384xf32, #tpu.memory_space<hbm>> -> memref<16384xf32, #tpu.memory_space<hbm>>
      %dma_wait3A_198 = arith.constant 8192 : i32
      %dma_wait3A_199 = tpu.memref_slice %arg11[%dma_wait3A_198] : memref<80896xf32, #tpu.memory_space<vmem>> -> memref<16384xf32, #tpu.memory_space<vmem>>
      %dma_wait3A_200 = arith.constant 0 : i32
      %dma_wait3A_201 = tpu.memref_slice %arg6[%add3A_12, %dma_wait3A_200] : memref<79x16384xf32, #tpu.memory_space<hbm>> -> memref<1x16384xf32, #tpu.memory_space<hbm>>
      %dma_wait3A_202 = tpu.memref_squeeze %dma_wait3A_201 : memref<1x16384xf32, #tpu.memory_space<hbm>> -> memref<16384xf32, #tpu.memory_space<hbm>>
      tpu.wait_dma2 semaphore(%arg18 : memref<!tpu.dma_semaphore, #tpu.memory_space<semaphore_mem>>) src(%dma_wait3A_202 : memref<16384xf32, #tpu.memory_space<hbm>>) dst(%dma_wait3A_199 : memref<16384xf32, #tpu.memory_space<vmem>>)
      %parallel_loop3A_203 = arith.constant 0 : i32
      %parallel_loop3A_204 = arith.constant 508 : i32
      %parallel_loop3A_205 = arith.constant 1 : i32
      scf.for %parallel_loop3A_208 = %parallel_loop3A_203 to %parallel_loop3A_204 step %parallel_loop3A_205  : i32 {
        %parallel_loop3A_209 = arith.constant 16 : i32
        %parallel_loop3A_210 = arith.muli %parallel_loop3A_208, %parallel_loop3A_209 : i32
        %parallel_loop3A_211 = arith.index_cast %parallel_loop3A_210 : i32 to index
        %parallel_loop3A_212 = tpu.vector_load %arg11[%parallel_loop3A_211] {strides = array<i32>} : memref<80896xf32, #tpu.memory_space<vmem>>, vector<16xf32>,
        %parallel_loop3A_213 = vector.bitcast %parallel_loop3A_212 : vector<16xf32> to vector<16xi32>
        %parallel_loop3A_214 = tpu.vector_load_idx %arg11[%parallel_loop3A_213] : memref<80896xf32, #tpu.memory_space<vmem>>[vector<16xi32>], vector<16xf32>,
        %parallel_loop3A_215 = arith.constant 16 : i32
        %parallel_loop3A_216 = arith.muli %parallel_loop3A_208, %parallel_loop3A_215 : i32
        %parallel_loop3A_217 = arith.constant 24576 : i32
        %parallel_loop3A_218 = arith.addi %parallel_loop3A_217, %parallel_loop3A_216 : i32
        %parallel_loop3A_219 = arith.index_cast %parallel_loop3A_218 : i32 to index
        %parallel_loop3A_220 = tpu.vector_load %arg11[%parallel_loop3A_219] {strides = array<i32>} : memref<80896xf32, #tpu.memory_space<vmem>>, vector<16xf32>,
        tpu.vector_store %arg11[%parallel_loop3A_219], %parallel_loop3A_214 {strides = array<i32>} : memref<80896xf32, #tpu.memory_space<vmem>>, vector<16xf32>,
      } {sc.loop_unroll_factor = 4 : i64, sc.parallel_access}
      %mul3A_206 = arith.constant 8128 : i32
      %mul3A_207 = arith.muli %add3A_12, %mul3A_206 : i32
      "tpu.region"() ({
        %run_scoped3A = tpu.sem_alloc : memref<!tpu.dma_semaphore, #tpu.memory_space<semaphore_mem>>
        %dma_start3A_208 = arith.constant 24576 : i32
        %dma_start3A_209 = tpu.memref_slice %arg11[%dma_start3A_208] : memref<80896xf32, #tpu.memory_space<vmem>> -> memref<8128xf32, #tpu.memory_space<vmem>>
        %dma_start3A_210 = tpu.memref_slice %arg9[%mul3A_207] : memref<642112xf32, #tpu.memory_space<hbm>> -> memref<8128xf32, #tpu.memory_space<hbm>>
        %dma_start3A_211 = tpu.memref_slice %arg9[%mul3A_207] : memref<642112xf32, #tpu.memory_space<hbm>> -> memref<8128xf32, #tpu.memory_space<hbm>>
        %dma_start3A_212 = arith.constant 24576 : i32
        %dma_start3A_213 = tpu.memref_slice %arg11[%dma_start3A_212] : memref<80896xf32, #tpu.memory_space<vmem>> -> memref<8128xf32, #tpu.memory_space<vmem>>
        tpu.enqueue_dma source(%dma_start3A_213 : memref<8128xf32, #tpu.memory_space<vmem>>) target(%dma_start3A_211 : memref<8128xf32, #tpu.memory_space<hbm>>) target_semaphore(%run_scoped3A : memref<!tpu.dma_semaphore, #tpu.memory_space<semaphore_mem>>)
        %dma_wait3A_214 = arith.constant 24576 : i32
        %dma_wait3A_215 = tpu.memref_slice %arg11[%dma_wait3A_214] : memref<80896xf32, #tpu.memory_space<vmem>> -> memref<8128xf32, #tpu.memory_space<vmem>>
        %dma_wait3A_216 = tpu.memref_slice %arg9[%mul3A_207] : memref<642112xf32, #tpu.memory_space<hbm>> -> memref<8128xf32, #tpu.memory_space<hbm>>
        %dma_wait3A_217 = tpu.memref_slice %arg9[%mul3A_207] : memref<642112xf32, #tpu.memory_space<hbm>> -> memref<8128xf32, #tpu.memory_space<hbm>>
        %dma_wait3A_218 = arith.constant 24576 : i32
        %dma_wait3A_219 = tpu.memref_slice %arg11[%dma_wait3A_218] : memref<80896xf32, #tpu.memory_space<vmem>> -> memref<8128xf32, #tpu.memory_space<vmem>>
        tpu.wait_dma2 semaphore(%run_scoped3A : memref<!tpu.dma_semaphore, #tpu.memory_space<semaphore_mem>>) src(%dma_wait3A_219 : memref<8128xf32, #tpu.memory_space<vmem>>) dst(%dma_wait3A_217 : memref<8128xf32, #tpu.memory_space<hbm>>)
        tpu.yield
      }) : () -> ()
    } else {
    }
    %add3A_18 = arith.constant 64 : i32
    %add3A_19 = arith.addi %add3A, %add3A_18 : i32
    %lt3A_20 = arith.constant 79 : i32
    %lt3A_21 = arith.cmpi slt, %add3A_19, %lt3A_20 : i32
    %convert_element_type3A_22 = arith.extui %lt3A_21 : i1 to i32
    %cond3A_23 = arith.constant 0 : i32
    %cond3A_24 = arith.cmpi ne, %convert_element_type3A_22, %cond3A_23 : i32
    scf.if %cond3A_24 {
      %dma_start3A_183 = arith.constant 8192 : i32
      %dma_start3A_184 = tpu.memref_slice %arg11[%dma_start3A_183] : memref<80896xf32, #tpu.memory_space<vmem>> -> memref<16384xf32, #tpu.memory_space<vmem>>
      %dma_start3A_185 = arith.constant 0 : i32
      %dma_start3A_186 = tpu.memref_slice %arg6[%add3A_19, %dma_start3A_185] : memref<79x16384xf32, #tpu.memory_space<hbm>> -> memref<1x16384xf32, #tpu.memory_space<hbm>>
      %dma_start3A_187 = tpu.memref_squeeze %dma_start3A_186 : memref<1x16384xf32, #tpu.memory_space<hbm>> -> memref<16384xf32, #tpu.memory_space<hbm>>
      %dma_start3A_188 = arith.constant 8192 : i32
      %dma_start3A_189 = tpu.memref_slice %arg11[%dma_start3A_188] : memref<80896xf32, #tpu.memory_space<vmem>> -> memref<16384xf32, #tpu.memory_space<vmem>>
      %dma_start3A_190 = arith.constant 0 : i32
      %dma_start3A_191 = tpu.memref_slice %arg6[%add3A_19, %dma_start3A_190] : memref<79x16384xf32, #tpu.memory_space<hbm>> -> memref<1x16384xf32, #tpu.memory_space<hbm>>
      %dma_start3A_192 = tpu.memref_squeeze %dma_start3A_191 : memref<1x16384xf32, #tpu.memory_space<hbm>> -> memref<16384xf32, #tpu.memory_space<hbm>>
      tpu.enqueue_dma source(%dma_start3A_192 : memref<16384xf32, #tpu.memory_space<hbm>>) target(%dma_start3A_189 : memref<16384xf32, #tpu.memory_space<vmem>>) target_semaphore(%arg18 : memref<!tpu.dma_semaphore, #tpu.memory_space<semaphore_mem>>)
      %dma_wait3A_193 = arith.constant 8192 : i32
      %dma_wait3A_194 = tpu.memref_slice %arg11[%dma_wait3A_193] : memref<80896xf32, #tpu.memory_space<vmem>> -> memref<16384xf32, #tpu.memory_space<vmem>>
      %dma_wait3A_195 = arith.constant 0 : i32
      %dma_wait3A_196 = tpu.memref_slice %arg6[%add3A_19, %dma_wait3A_195] : memref<79x16384xf32, #tpu.memory_space<hbm>> -> memref<1x16384xf32, #tpu.memory_space<hbm>>
      %dma_wait3A_197 = tpu.memref_squeeze %dma_wait3A_196 : memref<1x16384xf32, #tpu.memory_space<hbm>> -> memref<16384xf32, #tpu.memory_space<hbm>>
      %dma_wait3A_198 = arith.constant 8192 : i32
      %dma_wait3A_199 = tpu.memref_slice %arg11[%dma_wait3A_198] : memref<80896xf32, #tpu.memory_space<vmem>> -> memref<16384xf32, #tpu.memory_space<vmem>>
      %dma_wait3A_200 = arith.constant 0 : i32
      %dma_wait3A_201 = tpu.memref_slice %arg6[%add3A_19, %dma_wait3A_200] : memref<79x16384xf32, #tpu.memory_space<hbm>> -> memref<1x16384xf32, #tpu.memory_space<hbm>>
      %dma_wait3A_202 = tpu.memref_squeeze %dma_wait3A_201 : memref<1x16384xf32, #tpu.memory_space<hbm>> -> memref<16384xf32, #tpu.memory_space<hbm>>
      tpu.wait_dma2 semaphore(%arg18 : memref<!tpu.dma_semaphore, #tpu.memory_space<semaphore_mem>>) src(%dma_wait3A_202 : memref<16384xf32, #tpu.memory_space<hbm>>) dst(%dma_wait3A_199 : memref<16384xf32, #tpu.memory_space<vmem>>)
      %parallel_loop3A_203 = arith.constant 0 : i32
      %parallel_loop3A_204 = arith.constant 508 : i32
      %parallel_loop3A_205 = arith.constant 1 : i32
      scf.for %parallel_loop3A_208 = %parallel_loop3A_203 to %parallel_loop3A_204 step %parallel_loop3A_205  : i32 {
        %parallel_loop3A_209 = arith.constant 16 : i32
        %parallel_loop3A_210 = arith.muli %parallel_loop3A_208, %parallel_loop3A_209 : i32
        %parallel_loop3A_211 = arith.index_cast %parallel_loop3A_210 : i32 to index
        %parallel_loop3A_212 = tpu.vector_load %arg11[%parallel_loop3A_211] {strides = array<i32>} : memref<80896xf32, #tpu.memory_space<vmem>>, vector<16xf32>,
        %parallel_loop3A_213 = vector.bitcast %parallel_loop3A_212 : vector<16xf32> to vector<16xi32>
        %parallel_loop3A_214 = tpu.vector_load_idx %arg11[%parallel_loop3A_213] : memref<80896xf32, #tpu.memory_space<vmem>>[vector<16xi32>], vector<16xf32>,
        %parallel_loop3A_215 = arith.constant 16 : i32
        %parallel_loop3A_216 = arith.muli %parallel_loop3A_208, %parallel_loop3A_215 : i32
        %parallel_loop3A_217 = arith.constant 24576 : i32
        %parallel_loop3A_218 = arith.addi %parallel_loop3A_217, %parallel_loop3A_216 : i32
        %parallel_loop3A_219 = arith.index_cast %parallel_loop3A_218 : i32 to index
        %parallel_loop3A_220 = tpu.vector_load %arg11[%parallel_loop3A_219] {strides = array<i32>} : memref<80896xf32, #tpu.memory_space<vmem>>, vector<16xf32>,
        tpu.vector_store %arg11[%parallel_loop3A_219], %parallel_loop3A_214 {strides = array<i32>} : memref<80896xf32, #tpu.memory_space<vmem>>, vector<16xf32>,
      } {sc.loop_unroll_factor = 4 : i64, sc.parallel_access}
      %mul3A_206 = arith.constant 8128 : i32
      %mul3A_207 = arith.muli %add3A_19, %mul3A_206 : i32
      "tpu.region"() ({
        %run_scoped3A = tpu.sem_alloc : memref<!tpu.dma_semaphore, #tpu.memory_space<semaphore_mem>>
        %dma_start3A_208 = arith.constant 24576 : i32
        %dma_start3A_209 = tpu.memref_slice %arg11[%dma_start3A_208] : memref<80896xf32, #tpu.memory_space<vmem>> -> memref<8128xf32, #tpu.memory_space<vmem>>
        %dma_start3A_210 = tpu.memref_slice %arg9[%mul3A_207] : memref<642112xf32, #tpu.memory_space<hbm>> -> memref<8128xf32, #tpu.memory_space<hbm>>
        %dma_start3A_211 = tpu.memref_slice %arg9[%mul3A_207] : memref<642112xf32, #tpu.memory_space<hbm>> -> memref<8128xf32, #tpu.memory_space<hbm>>
        %dma_start3A_212 = arith.constant 24576 : i32
        %dma_start3A_213 = tpu.memref_slice %arg11[%dma_start3A_212] : memref<80896xf32, #tpu.memory_space<vmem>> -> memref<8128xf32, #tpu.memory_space<vmem>>
        tpu.enqueue_dma source(%dma_start3A_213 : memref<8128xf32, #tpu.memory_space<vmem>>) target(%dma_start3A_211 : memref<8128xf32, #tpu.memory_space<hbm>>) target_semaphore(%run_scoped3A : memref<!tpu.dma_semaphore, #tpu.memory_space<semaphore_mem>>)
        %dma_wait3A_214 = arith.constant 24576 : i32
        %dma_wait3A_215 = tpu.memref_slice %arg11[%dma_wait3A_214] : memref<80896xf32, #tpu.memory_space<vmem>> -> memref<8128xf32, #tpu.memory_space<vmem>>
        %dma_wait3A_216 = tpu.memref_slice %arg9[%mul3A_207] : memref<642112xf32, #tpu.memory_space<hbm>> -> memref<8128xf32, #tpu.memory_space<hbm>>
        %dma_wait3A_217 = tpu.memref_slice %arg9[%mul3A_207] : memref<642112xf32, #tpu.memory_space<hbm>> -> memref<8128xf32, #tpu.memory_space<hbm>>
        %dma_wait3A_218 = arith.constant 24576 : i32
        %dma_wait3A_219 = tpu.memref_slice %arg11[%dma_wait3A_218] : memref<80896xf32, #tpu.memory_space<vmem>> -> memref<8128xf32, #tpu.memory_space<vmem>>
        tpu.wait_dma2 semaphore(%run_scoped3A : memref<!tpu.dma_semaphore, #tpu.memory_space<semaphore_mem>>) src(%dma_wait3A_219 : memref<8128xf32, #tpu.memory_space<vmem>>) dst(%dma_wait3A_217 : memref<8128xf32, #tpu.memory_space<hbm>>)
        tpu.yield
      }) : () -> ()
    } else {
    }
    %rem3A = arith.constant 8 : i32
    %rem3A_25 = arith.remsi %arg1, %rem3A : i32
    %div3A = arith.constant 8 : i32
    %div3A_26 = arith.divsi %arg1, %div3A : i32
    %mul3A_27 = arith.constant 2 : i32
    %mul3A_28 = arith.muli %mul3A_27, %arg0 : i32
    %add3A_29 = arith.addi %div3A_26, %mul3A_28 : i32
    %mul3A_30 = arith.constant 4 : i32
    %mul3A_31 = arith.muli %add3A_29, %mul3A_30 : i32
    %mul3A_32 = arith.constant 2 : i32
    %mul3A_33 = arith.muli %rem3A_25, %mul3A_32 : i32
    %dma_start3A_34 = arith.constant 0 : i32
    %dma_start3A_35 = tpu.memref_slice %arg2[%mul3A_33, %dma_start3A_34] : memref<16x10112xf32, #tpu.memory_space<hbm>> -> memref<2x10112xf32, #tpu.memory_space<hbm>>
    %dma_start3A_36 = arith.constant 0 : i32
    %dma_start3A_37 = tpu.memref_slice %arg2[%mul3A_33, %dma_start3A_36] : memref<16x10112xf32, #tpu.memory_space<hbm>> -> memref<2x10112xf32, #tpu.memory_space<hbm>>
    tpu.enqueue_dma source(%dma_start3A_37 : memref<2x10112xf32, #tpu.memory_space<hbm>>) target(%arg10 : memref<2x10112xf32, #tpu.memory_space<vmem>>) target_semaphore(%arg18 : memref<!tpu.dma_semaphore, #tpu.memory_space<semaphore_mem>>)
    %dma_wait3A_38 = arith.constant 0 : i32
    %dma_wait3A_39 = tpu.memref_slice %arg2[%mul3A_33, %dma_wait3A_38] : memref<16x10112xf32, #tpu.memory_space<hbm>> -> memref<2x10112xf32, #tpu.memory_space<hbm>>
    %dma_wait3A_40 = arith.constant 0 : i32
    %dma_wait3A_41 = tpu.memref_slice %arg2[%mul3A_33, %dma_wait3A_40] : memref<16x10112xf32, #tpu.memory_space<hbm>> -> memref<2x10112xf32, #tpu.memory_space<hbm>>
    tpu.wait_dma2 semaphore(%arg18 : memref<!tpu.dma_semaphore, #tpu.memory_space<semaphore_mem>>) src(%dma_wait3A_41 : memref<2x10112xf32, #tpu.memory_space<hbm>>) dst(%arg10 : memref<2x10112xf32, #tpu.memory_space<vmem>>)
    %broadcast_in_dim3A = arith.constant 0.000000e+00 : f32
    %broadcast_in_dim3A_42 = vector.broadcast %broadcast_in_dim3A : f32 to vector<16xf32>
    %parallel_loop3A = arith.constant 0 : i32
    %parallel_loop3A_43 = arith.constant 5056 : i32
    %parallel_loop3A_44 = arith.constant 1 : i32
    scf.for %parallel_loop3A_183 = %parallel_loop3A to %parallel_loop3A_43 step %parallel_loop3A_44  : i32 {
      %parallel_loop3A_184 = arith.constant 16 : i32
      %parallel_loop3A_185 = arith.muli %parallel_loop3A_183, %parallel_loop3A_184 : i32
      %parallel_loop3A_186 = arith.index_cast %parallel_loop3A_185 : i32 to index
      %parallel_loop3A_187 = tpu.vector_load %arg11[%parallel_loop3A_186] {strides = array<i32>} : memref<80896xf32, #tpu.memory_space<vmem>>, vector<16xf32>,
      tpu.vector_store %arg11[%parallel_loop3A_186], %broadcast_in_dim3A_42 {strides = array<i32>} : memref<80896xf32, #tpu.memory_space<vmem>>, vector<16xf32>,
    } {sc.loop_unroll_factor = 8 : i64, sc.parallel_access}
    %dma_start3A_45 = arith.constant 0 : i32
    %dma_start3A_46 = arith.constant 0 : i32
    %dma_start3A_47 = arith.constant 0 : i32
    %dma_start3A_48 = tpu.memref_slice %arg12[%dma_start3A_45, %dma_start3A_47] : memref<2x2048xi32, #tpu.memory_space<vmem>> -> memref<1x2048xi32, #tpu.memory_space<vmem>>
    %dma_start3A_49 = tpu.memref_squeeze %dma_start3A_48 : memref<1x2048xi32, #tpu.memory_space<vmem>> -> memref<2048xi32, #tpu.memory_space<vmem>>
    %dma_start3A_50 = arith.constant 0 : i32
    %dma_start3A_51 = tpu.memref_slice %arg4[%dma_start3A_50] : memref<161792xi32, #tpu.memory_space<hbm>> -> memref<2048xi32, #tpu.memory_space<hbm>>
    %dma_start3A_52 = tpu.memref_slice %arg15[%dma_start3A_46] : memref<2x!tpu.dma_semaphore, #tpu.memory_space<semaphore_mem>> -> memref<1x!tpu.dma_semaphore, #tpu.memory_space<semaphore_mem>>
    %dma_start3A_53 = tpu.memref_squeeze %dma_start3A_52 : memref<1x!tpu.dma_semaphore, #tpu.memory_space<semaphore_mem>> -> memref<!tpu.dma_semaphore, #tpu.memory_space<semaphore_mem>>
    %dma_start3A_54 = arith.constant 0 : i32
    %dma_start3A_55 = tpu.memref_slice %arg12[%dma_start3A_45, %dma_start3A_54] : memref<2x2048xi32, #tpu.memory_space<vmem>> -> memref<1x2048xi32, #tpu.memory_space<vmem>>
    %dma_start3A_56 = tpu.memref_squeeze %dma_start3A_55 : memref<1x2048xi32, #tpu.memory_space<vmem>> -> memref<2048xi32, #tpu.memory_space<vmem>>
    %dma_start3A_57 = arith.constant 0 : i32
    %dma_start3A_58 = tpu.memref_slice %arg4[%dma_start3A_57] : memref<161792xi32, #tpu.memory_space<hbm>> -> memref<2048xi32, #tpu.memory_space<hbm>>
    tpu.enqueue_dma source(%dma_start3A_58 : memref<2048xi32, #tpu.memory_space<hbm>>) target(%dma_start3A_56 : memref<2048xi32, #tpu.memory_space<vmem>>) target_semaphore(%dma_start3A_53 : memref<!tpu.dma_semaphore, #tpu.memory_space<semaphore_mem>>)
    %dma_start3A_59 = arith.constant 0 : i32
    %dma_start3A_60 = arith.constant 0 : i32
    %dma_start3A_61 = arith.constant 0 : i32
    %dma_start3A_62 = tpu.memref_slice %arg13[%dma_start3A_59, %dma_start3A_61] : memref<2x2048xi32, #tpu.memory_space<vmem>> -> memref<1x2048xi32, #tpu.memory_space<vmem>>
    %dma_start3A_63 = tpu.memref_squeeze %dma_start3A_62 : memref<1x2048xi32, #tpu.memory_space<vmem>> -> memref<2048xi32, #tpu.memory_space<vmem>>
    %dma_start3A_64 = arith.constant 0 : i32
    %dma_start3A_65 = tpu.memref_slice %arg5[%dma_start3A_64] : memref<161792xi32, #tpu.memory_space<hbm>> -> memref<2048xi32, #tpu.memory_space<hbm>>
    %dma_start3A_66 = tpu.memref_slice %arg16[%dma_start3A_60] : memref<2x!tpu.dma_semaphore, #tpu.memory_space<semaphore_mem>> -> memref<1x!tpu.dma_semaphore, #tpu.memory_space<semaphore_mem>>
    %dma_start3A_67 = tpu.memref_squeeze %dma_start3A_66 : memref<1x!tpu.dma_semaphore, #tpu.memory_space<semaphore_mem>> -> memref<!tpu.dma_semaphore, #tpu.memory_space<semaphore_mem>>
    %dma_start3A_68 = arith.constant 0 : i32
    %dma_start3A_69 = tpu.memref_slice %arg13[%dma_start3A_59, %dma_start3A_68] : memref<2x2048xi32, #tpu.memory_space<vmem>> -> memref<1x2048xi32, #tpu.memory_space<vmem>>
    %dma_start3A_70 = tpu.memref_squeeze %dma_start3A_69 : memref<1x2048xi32, #tpu.memory_space<vmem>> -> memref<2048xi32, #tpu.memory_space<vmem>>
    %dma_start3A_71 = arith.constant 0 : i32
    %dma_start3A_72 = tpu.memref_slice %arg5[%dma_start3A_71] : memref<161792xi32, #tpu.memory_space<hbm>> -> memref<2048xi32, #tpu.memory_space<hbm>>
    tpu.enqueue_dma source(%dma_start3A_72 : memref<2048xi32, #tpu.memory_space<hbm>>) target(%dma_start3A_70 : memref<2048xi32, #tpu.memory_space<vmem>>) target_semaphore(%dma_start3A_67 : memref<!tpu.dma_semaphore, #tpu.memory_space<semaphore_mem>>)
    %dma_start3A_73 = arith.constant 0 : i32
    %dma_start3A_74 = arith.constant 0 : i32
    %dma_start3A_75 = arith.constant 0 : i32
    %dma_start3A_76 = arith.constant 0 : i32
    %dma_start3A_77 = tpu.memref_slice %arg14[%dma_start3A_73, %dma_start3A_75, %dma_start3A_76] : memref<2x4x2048xf32, #tpu.memory_space<vmem>> -> memref<1x4x2048xf32, #tpu.memory_space<vmem>>
    %dma_start3A_78 = tpu.memref_squeeze %dma_start3A_77 : memref<1x4x2048xf32, #tpu.memory_space<vmem>> -> memref<4x2048xf32, #tpu.memory_space<vmem>>
    %dma_start3A_79 = arith.constant 0 : i32
    %dma_start3A_80 = tpu.memref_slice %arg3[%mul3A_31, %dma_start3A_79] : memref<16x161792xf32, #tpu.memory_space<hbm>> -> memref<4x2048xf32, #tpu.memory_space<hbm>>
    %dma_start3A_81 = tpu.memref_slice %arg17[%dma_start3A_74] : memref<2x!tpu.dma_semaphore, #tpu.memory_space<semaphore_mem>> -> memref<1x!tpu.dma_semaphore, #tpu.memory_space<semaphore_mem>>
    %dma_start3A_82 = tpu.memref_squeeze %dma_start3A_81 : memref<1x!tpu.dma_semaphore, #tpu.memory_space<semaphore_mem>> -> memref<!tpu.dma_semaphore, #tpu.memory_space<semaphore_mem>>
    %dma_start3A_83 = arith.constant 0 : i32
    %dma_start3A_84 = arith.constant 0 : i32
    %dma_start3A_85 = tpu.memref_slice %arg14[%dma_start3A_73, %dma_start3A_83, %dma_start3A_84] : memref<2x4x2048xf32, #tpu.memory_space<vmem>> -> memref<1x4x2048xf32, #tpu.memory_space<vmem>>
    %dma_start3A_86 = tpu.memref_squeeze %dma_start3A_85 : memref<1x4x2048xf32, #tpu.memory_space<vmem>> -> memref<4x2048xf32, #tpu.memory_space<vmem>>
    %dma_start3A_87 = arith.constant 0 : i32
    %dma_start3A_88 = tpu.memref_slice %arg3[%mul3A_31, %dma_start3A_87] : memref<16x161792xf32, #tpu.memory_space<hbm>> -> memref<4x2048xf32, #tpu.memory_space<hbm>>
    tpu.enqueue_dma source(%dma_start3A_88 : memref<4x2048xf32, #tpu.memory_space<hbm>>) target(%dma_start3A_86 : memref<4x2048xf32, #tpu.memory_space<vmem>>) target_semaphore(%dma_start3A_82 : memref<!tpu.dma_semaphore, #tpu.memory_space<semaphore_mem>>)
    %scan3A = arith.constant 0 : i32
    %scan3A_89 = arith.constant 0 : i32
    %scan3A_90 = arith.constant 79 : i32
    %scan3A_91 = arith.addi %scan3A_89, %scan3A_90 : i32
    %scan3A_92 = arith.constant 1 : i32
    %scan3A_93 = scf.for %scan3A_183 = %scan3A_89 to %scan3A_91 step %scan3A_92 iter_args(%scan3A_184 = %scan3A) -> (i32)  : i32 {
      %rem3A_185 = arith.constant 2 : i32
      %rem3A_186 = arith.remsi %scan3A_183, %rem3A_185 : i32
      %dma_wait3A_187 = arith.constant 0 : i32
      %dma_wait3A_188 = tpu.memref_slice %arg12[%rem3A_186, %dma_wait3A_187] : memref<2x2048xi32, #tpu.memory_space<vmem>> -> memref<1x2048xi32, #tpu.memory_space<vmem>>
      %dma_wait3A_189 = tpu.memref_squeeze %dma_wait3A_188 : memref<1x2048xi32, #tpu.memory_space<vmem>> -> memref<2048xi32, #tpu.memory_space<vmem>>
      %dma_wait3A_190 = arith.constant 0 : i32
      %dma_wait3A_191 = tpu.memref_slice %arg4[%dma_wait3A_190] : memref<161792xi32, #tpu.memory_space<hbm>> -> memref<2048xi32, #tpu.memory_space<hbm>>
      %dma_wait3A_192 = tpu.memref_slice %arg15[%rem3A_186] : memref<2x!tpu.dma_semaphore, #tpu.memory_space<semaphore_mem>> -> memref<1x!tpu.dma_semaphore, #tpu.memory_space<semaphore_mem>>
      %dma_wait3A_193 = tpu.memref_squeeze %dma_wait3A_192 : memref<1x!tpu.dma_semaphore, #tpu.memory_space<semaphore_mem>> -> memref<!tpu.dma_semaphore, #tpu.memory_space<semaphore_mem>>
      %dma_wait3A_194 = arith.constant 0 : i32
      %dma_wait3A_195 = tpu.memref_slice %arg12[%rem3A_186, %dma_wait3A_194] : memref<2x2048xi32, #tpu.memory_space<vmem>> -> memref<1x2048xi32, #tpu.memory_space<vmem>>
      %dma_wait3A_196 = tpu.memref_squeeze %dma_wait3A_195 : memref<1x2048xi32, #tpu.memory_space<vmem>> -> memref<2048xi32, #tpu.memory_space<vmem>>
      %dma_wait3A_197 = arith.constant 0 : i32
      %dma_wait3A_198 = tpu.memref_slice %arg4[%dma_wait3A_197] : memref<161792xi32, #tpu.memory_space<hbm>> -> memref<2048xi32, #tpu.memory_space<hbm>>
      tpu.wait_dma2 semaphore(%dma_wait3A_193 : memref<!tpu.dma_semaphore, #tpu.memory_space<semaphore_mem>>) src(%dma_wait3A_198 : memref<2048xi32, #tpu.memory_space<hbm>>) dst(%dma_wait3A_196 : memref<2048xi32, #tpu.memory_space<vmem>>)
      %dma_wait3A_199 = arith.constant 0 : i32
      %dma_wait3A_200 = tpu.memref_slice %arg13[%rem3A_186, %dma_wait3A_199] : memref<2x2048xi32, #tpu.memory_space<vmem>> -> memref<1x2048xi32, #tpu.memory_space<vmem>>
      %dma_wait3A_201 = tpu.memref_squeeze %dma_wait3A_200 : memref<1x2048xi32, #tpu.memory_space<vmem>> -> memref<2048xi32, #tpu.memory_space<vmem>>
      %dma_wait3A_202 = arith.constant 0 : i32
      %dma_wait3A_203 = tpu.memref_slice %arg5[%dma_wait3A_202] : memref<161792xi32, #tpu.memory_space<hbm>> -> memref<2048xi32, #tpu.memory_space<hbm>>
      %dma_wait3A_204 = tpu.memref_slice %arg16[%rem3A_186] : memref<2x!tpu.dma_semaphore, #tpu.memory_space<semaphore_mem>> -> memref<1x!tpu.dma_semaphore, #tpu.memory_space<semaphore_mem>>
      %dma_wait3A_205 = tpu.memref_squeeze %dma_wait3A_204 : memref<1x!tpu.dma_semaphore, #tpu.memory_space<semaphore_mem>> -> memref<!tpu.dma_semaphore, #tpu.memory_space<semaphore_mem>>
      %dma_wait3A_206 = arith.constant 0 : i32
      %dma_wait3A_207 = tpu.memref_slice %arg13[%rem3A_186, %dma_wait3A_206] : memref<2x2048xi32, #tpu.memory_space<vmem>> -> memref<1x2048xi32, #tpu.memory_space<vmem>>
      %dma_wait3A_208 = tpu.memref_squeeze %dma_wait3A_207 : memref<1x2048xi32, #tpu.memory_space<vmem>> -> memref<2048xi32, #tpu.memory_space<vmem>>
      %dma_wait3A_209 = arith.constant 0 : i32
      %dma_wait3A_210 = tpu.memref_slice %arg5[%dma_wait3A_209] : memref<161792xi32, #tpu.memory_space<hbm>> -> memref<2048xi32, #tpu.memory_space<hbm>>
      tpu.wait_dma2 semaphore(%dma_wait3A_205 : memref<!tpu.dma_semaphore, #tpu.memory_space<semaphore_mem>>) src(%dma_wait3A_210 : memref<2048xi32, #tpu.memory_space<hbm>>) dst(%dma_wait3A_208 : memref<2048xi32, #tpu.memory_space<vmem>>)
      %dma_wait3A_211 = arith.constant 0 : i32
      %dma_wait3A_212 = arith.constant 0 : i32
      %dma_wait3A_213 = tpu.memref_slice %arg14[%rem3A_186, %dma_wait3A_211, %dma_wait3A_212] : memref<2x4x2048xf32, #tpu.memory_space<vmem>> -> memref<1x4x2048xf32, #tpu.memory_space<vmem>>
      %dma_wait3A_214 = tpu.memref_squeeze %dma_wait3A_213 : memref<1x4x2048xf32, #tpu.memory_space<vmem>> -> memref<4x2048xf32, #tpu.memory_space<vmem>>
      %dma_wait3A_215 = arith.constant 0 : i32
      %dma_wait3A_216 = arith.constant 0 : i32
      %dma_wait3A_217 = tpu.memref_slice %arg3[%dma_wait3A_215, %dma_wait3A_216] : memref<16x161792xf32, #tpu.memory_space<hbm>> -> memref<4x2048xf32, #tpu.memory_space<hbm>>
      %dma_wait3A_218 = tpu.memref_slice %arg17[%rem3A_186] : memref<2x!tpu.dma_semaphore, #tpu.memory_space<semaphore_mem>> -> memref<1x!tpu.dma_semaphore, #tpu.memory_space<semaphore_mem>>
      %dma_wait3A_219 = tpu.memref_squeeze %dma_wait3A_218 : memref<1x!tpu.dma_semaphore, #tpu.memory_space<semaphore_mem>> -> memref<!tpu.dma_semaphore, #tpu.memory_space<semaphore_mem>>
      %dma_wait3A_220 = arith.constant 0 : i32
      %dma_wait3A_221 = arith.constant 0 : i32
      %dma_wait3A_222 = tpu.memref_slice %arg14[%rem3A_186, %dma_wait3A_220, %dma_wait3A_221] : memref<2x4x2048xf32, #tpu.memory_space<vmem>> -> memref<1x4x2048xf32, #tpu.memory_space<vmem>>
      %dma_wait3A_223 = tpu.memref_squeeze %dma_wait3A_222 : memref<1x4x2048xf32, #tpu.memory_space<vmem>> -> memref<4x2048xf32, #tpu.memory_space<vmem>>
      %dma_wait3A_224 = arith.constant 0 : i32
      %dma_wait3A_225 = arith.constant 0 : i32
      %dma_wait3A_226 = tpu.memref_slice %arg3[%dma_wait3A_224, %dma_wait3A_225] : memref<16x161792xf32, #tpu.memory_space<hbm>> -> memref<4x2048xf32, #tpu.memory_space<hbm>>
      tpu.wait_dma2 semaphore(%dma_wait3A_219 : memref<!tpu.dma_semaphore, #tpu.memory_space<semaphore_mem>>) src(%dma_wait3A_226 : memref<4x2048xf32, #tpu.memory_space<hbm>>) dst(%dma_wait3A_223 : memref<4x2048xf32, #tpu.memory_space<vmem>>)
      %add3A_227 = arith.constant 1 : i32
      %add3A_228 = arith.addi %scan3A_183, %add3A_227 : i32
      %lt3A_229 = arith.constant 79 : i32
      %lt3A_230 = arith.cmpi slt, %add3A_228, %lt3A_229 : i32
      %convert_element_type3A_231 = arith.extui %lt3A_230 : i1 to i32
      %cond3A_232 = arith.constant 0 : i32
      %cond3A_233 = arith.cmpi ne, %convert_element_type3A_231, %cond3A_232 : i32
      scf.if %cond3A_233 {
        %add3A_238 = arith.constant 1 : i32
        %add3A_239 = arith.addi %scan3A_183, %add3A_238 : i32
        %sub3A = arith.constant 1 : i32
        %sub3A_240 = arith.subi %sub3A, %rem3A_186 : i32
        %mul3A_241 = arith.constant 2048 : i32
        %mul3A_242 = arith.muli %add3A_239, %mul3A_241 : i32
        %dma_start3A_243 = arith.constant 0 : i32
        %dma_start3A_244 = tpu.memref_slice %arg12[%sub3A_240, %dma_start3A_243] : memref<2x2048xi32, #tpu.memory_space<vmem>> -> memref<1x2048xi32, #tpu.memory_space<vmem>>
        %dma_start3A_245 = tpu.memref_squeeze %dma_start3A_244 : memref<1x2048xi32, #tpu.memory_space<vmem>> -> memref<2048xi32, #tpu.memory_space<vmem>>
        %dma_start3A_246 = tpu.memref_slice %arg4[%mul3A_242] : memref<161792xi32, #tpu.memory_space<hbm>> -> memref<2048xi32, #tpu.memory_space<hbm>>
        %dma_start3A_247 = tpu.memref_slice %arg15[%sub3A_240] : memref<2x!tpu.dma_semaphore, #tpu.memory_space<semaphore_mem>> -> memref<1x!tpu.dma_semaphore, #tpu.memory_space<semaphore_mem>>
        %dma_start3A_248 = tpu.memref_squeeze %dma_start3A_247 : memref<1x!tpu.dma_semaphore, #tpu.memory_space<semaphore_mem>> -> memref<!tpu.dma_semaphore, #tpu.memory_space<semaphore_mem>>
        %dma_start3A_249 = arith.constant 0 : i32
        %dma_start3A_250 = tpu.memref_slice %arg12[%sub3A_240, %dma_start3A_249] : memref<2x2048xi32, #tpu.memory_space<vmem>> -> memref<1x2048xi32, #tpu.memory_space<vmem>>
        %dma_start3A_251 = tpu.memref_squeeze %dma_start3A_250 : memref<1x2048xi32, #tpu.memory_space<vmem>> -> memref<2048xi32, #tpu.memory_space<vmem>>
        %dma_start3A_252 = tpu.memref_slice %arg4[%mul3A_242] : memref<161792xi32, #tpu.memory_space<hbm>> -> memref<2048xi32, #tpu.memory_space<hbm>>
        tpu.enqueue_dma source(%dma_start3A_252 : memref<2048xi32, #tpu.memory_space<hbm>>) target(%dma_start3A_251 : memref<2048xi32, #tpu.memory_space<vmem>>) target_semaphore(%dma_start3A_248 : memref<!tpu.dma_semaphore, #tpu.memory_space<semaphore_mem>>)
        %dma_start3A_253 = arith.constant 0 : i32
        %dma_start3A_254 = tpu.memref_slice %arg13[%sub3A_240, %dma_start3A_253] : memref<2x2048xi32, #tpu.memory_space<vmem>> -> memref<1x2048xi32, #tpu.memory_space<vmem>>
        %dma_start3A_255 = tpu.memref_squeeze %dma_start3A_254 : memref<1x2048xi32, #tpu.memory_space<vmem>> -> memref<2048xi32, #tpu.memory_space<vmem>>
        %dma_start3A_256 = tpu.memref_slice %arg5[%mul3A_242] : memref<161792xi32, #tpu.memory_space<hbm>> -> memref<2048xi32, #tpu.memory_space<hbm>>
        %dma_start3A_257 = tpu.memref_slice %arg16[%sub3A_240] : memref<2x!tpu.dma_semaphore, #tpu.memory_space<semaphore_mem>> -> memref<1x!tpu.dma_semaphore, #tpu.memory_space<semaphore_mem>>
        %dma_start3A_258 = tpu.memref_squeeze %dma_start3A_257 : memref<1x!tpu.dma_semaphore, #tpu.memory_space<semaphore_mem>> -> memref<!tpu.dma_semaphore, #tpu.memory_space<semaphore_mem>>
        %dma_start3A_259 = arith.constant 0 : i32
        %dma_start3A_260 = tpu.memref_slice %arg13[%sub3A_240, %dma_start3A_259] : memref<2x2048xi32, #tpu.memory_space<vmem>> -> memref<1x2048xi32, #tpu.memory_space<vmem>>
        %dma_start3A_261 = tpu.memref_squeeze %dma_start3A_260 : memref<1x2048xi32, #tpu.memory_space<vmem>> -> memref<2048xi32, #tpu.memory_space<vmem>>
        %dma_start3A_262 = tpu.memref_slice %arg5[%mul3A_242] : memref<161792xi32, #tpu.memory_space<hbm>> -> memref<2048xi32, #tpu.memory_space<hbm>>
        tpu.enqueue_dma source(%dma_start3A_262 : memref<2048xi32, #tpu.memory_space<hbm>>) target(%dma_start3A_261 : memref<2048xi32, #tpu.memory_space<vmem>>) target_semaphore(%dma_start3A_258 : memref<!tpu.dma_semaphore, #tpu.memory_space<semaphore_mem>>)
        %dma_start3A_263 = arith.constant 0 : i32
        %dma_start3A_264 = arith.constant 0 : i32
        %dma_start3A_265 = tpu.memref_slice %arg14[%sub3A_240, %dma_start3A_263, %dma_start3A_264] : memref<2x4x2048xf32, #tpu.memory_space<vmem>> -> memref<1x4x2048xf32, #tpu.memory_space<vmem>>
        %dma_start3A_266 = tpu.memref_squeeze %dma_start3A_265 : memref<1x4x2048xf32, #tpu.memory_space<vmem>> -> memref<4x2048xf32, #tpu.memory_space<vmem>>
        %dma_start3A_267 = tpu.memref_slice %arg3[%mul3A_31, %mul3A_242] : memref<16x161792xf32, #tpu.memory_space<hbm>> -> memref<4x2048xf32, #tpu.memory_space<hbm>>
        %dma_start3A_268 = tpu.memref_slice %arg17[%sub3A_240] : memref<2x!tpu.dma_semaphore, #tpu.memory_space<semaphore_mem>> -> memref<1x!tpu.dma_semaphore, #tpu.memory_space<semaphore_mem>>
        %dma_start3A_269 = tpu.memref_squeeze %dma_start3A_268 : memref<1x!tpu.dma_semaphore, #tpu.memory_space<semaphore_mem>> -> memref<!tpu.dma_semaphore, #tpu.memory_space<semaphore_mem>>
        %dma_start3A_270 = arith.constant 0 : i32
        %dma_start3A_271 = arith.constant 0 : i32
        %dma_start3A_272 = tpu.memref_slice %arg14[%sub3A_240, %dma_start3A_270, %dma_start3A_271] : memref<2x4x2048xf32, #tpu.memory_space<vmem>> -> memref<1x4x2048xf32, #tpu.memory_space<vmem>>
        %dma_start3A_273 = tpu.memref_squeeze %dma_start3A_272 : memref<1x4x2048xf32, #tpu.memory_space<vmem>> -> memref<4x2048xf32, #tpu.memory_space<vmem>>
        %dma_start3A_274 = tpu.memref_slice %arg3[%mul3A_31, %mul3A_242] : memref<16x161792xf32, #tpu.memory_space<hbm>> -> memref<4x2048xf32, #tpu.memory_space<hbm>>
        tpu.enqueue_dma source(%dma_start3A_274 : memref<4x2048xf32, #tpu.memory_space<hbm>>) target(%dma_start3A_273 : memref<4x2048xf32, #tpu.memory_space<vmem>>) target_semaphore(%dma_start3A_269 : memref<!tpu.dma_semaphore, #tpu.memory_space<semaphore_mem>>)
      } else {
      }
      %parallel_loop3A_234 = arith.constant 0 : i32
      %parallel_loop3A_235 = arith.constant 128 : i32
      %parallel_loop3A_236 = arith.constant 1 : i32
      scf.for %parallel_loop3A_238 = %parallel_loop3A_234 to %parallel_loop3A_235 step %parallel_loop3A_236  : i32 {
        %parallel_loop3A_239 = arith.constant 16 : i32
        %parallel_loop3A_240 = arith.muli %parallel_loop3A_238, %parallel_loop3A_239 : i32
        %parallel_loop3A_241 = arith.index_cast %rem3A_186 : i32 to index
        %parallel_loop3A_242 = arith.index_cast %parallel_loop3A_240 : i32 to index
        %parallel_loop3A_243 = tpu.vector_load %arg12[%parallel_loop3A_241, %parallel_loop3A_242] {strides = array<i32>} : memref<2x2048xi32, #tpu.memory_space<vmem>>, vector<16xi32>,
        %parallel_loop3A_244 = arith.index_cast %rem3A_186 : i32 to index
        %parallel_loop3A_245 = arith.index_cast %parallel_loop3A_240 : i32 to index
        %parallel_loop3A_246 = tpu.vector_load %arg13[%parallel_loop3A_244, %parallel_loop3A_245] {strides = array<i32>} : memref<2x2048xi32, #tpu.memory_space<vmem>>, vector<16xi32>,
        %parallel_loop3A_247 = arith.constant 0 : i32
        %parallel_loop3A_248 = arith.index_cast %rem3A_186 : i32 to index
        %parallel_loop3A_249 = arith.index_cast %parallel_loop3A_247 : i32 to index
        %parallel_loop3A_250 = arith.index_cast %parallel_loop3A_240 : i32 to index
        %parallel_loop3A_251 = tpu.vector_load %arg14[%parallel_loop3A_248, %parallel_loop3A_249, %parallel_loop3A_250] {strides = array<i32>} : memref<2x4x2048xf32, #tpu.memory_space<vmem>>, vector<16xf32>,
        %parallel_loop3A_252 = arith.constant 1 : i32
        %parallel_loop3A_253 = arith.index_cast %rem3A_186 : i32 to index
        %parallel_loop3A_254 = arith.index_cast %parallel_loop3A_252 : i32 to index
        %parallel_loop3A_255 = arith.index_cast %parallel_loop3A_240 : i32 to index
        %parallel_loop3A_256 = tpu.vector_load %arg14[%parallel_loop3A_253, %parallel_loop3A_254, %parallel_loop3A_255] {strides = array<i32>} : memref<2x4x2048xf32, #tpu.memory_space<vmem>>, vector<16xf32>,
        %parallel_loop3A_257 = arith.constant 2 : i32
        %parallel_loop3A_258 = arith.index_cast %rem3A_186 : i32 to index
        %parallel_loop3A_259 = arith.index_cast %parallel_loop3A_257 : i32 to index
        %parallel_loop3A_260 = arith.index_cast %parallel_loop3A_240 : i32 to index
        %parallel_loop3A_261 = tpu.vector_load %arg14[%parallel_loop3A_258, %parallel_loop3A_259, %parallel_loop3A_260] {strides = array<i32>} : memref<2x4x2048xf32, #tpu.memory_space<vmem>>, vector<16xf32>,
        %parallel_loop3A_262 = arith.constant 3 : i32
        %parallel_loop3A_263 = arith.index_cast %rem3A_186 : i32 to index
        %parallel_loop3A_264 = arith.index_cast %parallel_loop3A_262 : i32 to index
        %parallel_loop3A_265 = arith.index_cast %parallel_loop3A_240 : i32 to index
        %parallel_loop3A_266 = tpu.vector_load %arg14[%parallel_loop3A_263, %parallel_loop3A_264, %parallel_loop3A_265] {strides = array<i32>} : memref<2x4x2048xf32, #tpu.memory_space<vmem>>, vector<16xf32>,
        %parallel_loop3A_267 = arith.constant 0 : i32
        %parallel_loop3A_268 = vector.broadcast %parallel_loop3A_267 : i32 to vector<16xi32>
        %parallel_loop3A_269 = tpu.vector_load_idx %arg10[%parallel_loop3A_268, %parallel_loop3A_243] : memref<2x10112xf32, #tpu.memory_space<vmem>>[vector<16xi32>, vector<16xi32>], vector<16xf32>,
        %parallel_loop3A_270 = arith.constant 0 : i32
        %parallel_loop3A_271 = vector.broadcast %parallel_loop3A_270 : i32 to vector<16xi32>
        %parallel_loop3A_272 = arith.addi %parallel_loop3A_246, %parallel_loop3A_271 : vector<16xi32>
        %parallel_loop3A_273 = arith.mulf %parallel_loop3A_269, %parallel_loop3A_251 : vector<16xf32>
        tpu.vector_store_idx %arg11[%parallel_loop3A_272], %parallel_loop3A_273 {add = true} : memref<80896xf32, #tpu.memory_space<vmem>>[vector<16xi32>], vector<16xf32>,
        %parallel_loop3A_274 = arith.constant 10112 : i32
        %parallel_loop3A_275 = vector.broadcast %parallel_loop3A_274 : i32 to vector<16xi32>
        %parallel_loop3A_276 = arith.addi %parallel_loop3A_246, %parallel_loop3A_275 : vector<16xi32>
        %parallel_loop3A_277 = arith.mulf %parallel_loop3A_269, %parallel_loop3A_256 : vector<16xf32>
        tpu.vector_store_idx %arg11[%parallel_loop3A_276], %parallel_loop3A_277 {add = true} : memref<80896xf32, #tpu.memory_space<vmem>>[vector<16xi32>], vector<16xf32>,
        %parallel_loop3A_278 = arith.constant 20224 : i32
        %parallel_loop3A_279 = vector.broadcast %parallel_loop3A_278 : i32 to vector<16xi32>
        %parallel_loop3A_280 = arith.addi %parallel_loop3A_246, %parallel_loop3A_279 : vector<16xi32>
        %parallel_loop3A_281 = arith.mulf %parallel_loop3A_269, %parallel_loop3A_261 : vector<16xf32>
        tpu.vector_store_idx %arg11[%parallel_loop3A_280], %parallel_loop3A_281 {add = true} : memref<80896xf32, #tpu.memory_space<vmem>>[vector<16xi32>], vector<16xf32>,
        %parallel_loop3A_282 = arith.constant 30336 : i32
        %parallel_loop3A_283 = vector.broadcast %parallel_loop3A_282 : i32 to vector<16xi32>
        %parallel_loop3A_284 = arith.addi %parallel_loop3A_246, %parallel_loop3A_283 : vector<16xi32>
        %parallel_loop3A_285 = arith.mulf %parallel_loop3A_269, %parallel_loop3A_266 : vector<16xf32>
        tpu.vector_store_idx %arg11[%parallel_loop3A_284], %parallel_loop3A_285 {add = true} : memref<80896xf32, #tpu.memory_space<vmem>>[vector<16xi32>], vector<16xf32>,
        %parallel_loop3A_286 = arith.constant 1 : i32
        %parallel_loop3A_287 = vector.broadcast %parallel_loop3A_286 : i32 to vector<16xi32>
        %parallel_loop3A_288 = tpu.vector_load_idx %arg10[%parallel_loop3A_287, %parallel_loop3A_243] : memref<2x10112xf32, #tpu.memory_space<vmem>>[vector<16xi32>, vector<16xi32>], vector<16xf32>,
        %parallel_loop3A_289 = arith.constant 40448 : i32
        %parallel_loop3A_290 = vector.broadcast %parallel_loop3A_289 : i32 to vector<16xi32>
        %parallel_loop3A_291 = arith.addi %parallel_loop3A_246, %parallel_loop3A_290 : vector<16xi32>
        %parallel_loop3A_292 = arith.mulf %parallel_loop3A_288, %parallel_loop3A_251 : vector<16xf32>
        tpu.vector_store_idx %arg11[%parallel_loop3A_291], %parallel_loop3A_292 {add = true} : memref<80896xf32, #tpu.memory_space<vmem>>[vector<16xi32>], vector<16xf32>,
        %parallel_loop3A_293 = arith.constant 50560 : i32
        %parallel_loop3A_294 = vector.broadcast %parallel_loop3A_293 : i32 to vector<16xi32>
        %parallel_loop3A_295 = arith.addi %parallel_loop3A_246, %parallel_loop3A_294 : vector<16xi32>
        %parallel_loop3A_296 = arith.mulf %parallel_loop3A_288, %parallel_loop3A_256 : vector<16xf32>
        tpu.vector_store_idx %arg11[%parallel_loop3A_295], %parallel_loop3A_296 {add = true} : memref<80896xf32, #tpu.memory_space<vmem>>[vector<16xi32>], vector<16xf32>,
        %parallel_loop3A_297 = arith.constant 60672 : i32
        %parallel_loop3A_298 = vector.broadcast %parallel_loop3A_297 : i32 to vector<16xi32>
        %parallel_loop3A_299 = arith.addi %parallel_loop3A_246, %parallel_loop3A_298 : vector<16xi32>
        %parallel_loop3A_300 = arith.mulf %parallel_loop3A_288, %parallel_loop3A_261 : vector<16xf32>
        tpu.vector_store_idx %arg11[%parallel_loop3A_299], %parallel_loop3A_300 {add = true} : memref<80896xf32, #tpu.memory_space<vmem>>[vector<16xi32>], vector<16xf32>,
        %parallel_loop3A_301 = arith.constant 70784 : i32
        %parallel_loop3A_302 = vector.broadcast %parallel_loop3A_301 : i32 to vector<16xi32>
        %parallel_loop3A_303 = arith.addi %parallel_loop3A_246, %parallel_loop3A_302 : vector<16xi32>
        %parallel_loop3A_304 = arith.mulf %parallel_loop3A_288, %parallel_loop3A_266 : vector<16xf32>
        tpu.vector_store_idx %arg11[%parallel_loop3A_303], %parallel_loop3A_304 {add = true} : memref<80896xf32, #tpu.memory_space<vmem>>[vector<16xi32>], vector<16xf32>,
      } {sc.loop_unroll_factor = 4 : i64, sc.parallel_access}
      %scan3A_237 = arith.constant 0 : i32
      scf.yield %scan3A_237 : i32
    }
    %scan3A_94 = arith.constant 79 : i32
    %mul3A_95 = arith.constant 2 : i32
    %mul3A_96 = arith.muli %rem3A_25, %mul3A_95 : i32
    %add3A_97 = arith.constant 0 : i32
    %add3A_98 = arith.addi %mul3A_96, %add3A_97 : i32
    %mul3A_99 = arith.constant 16 : i32
    %mul3A_100 = arith.muli %add3A_98, %mul3A_99 : i32
    %add3A_101 = arith.addi %mul3A_100, %mul3A_31 : i32
    %add3A_102 = arith.constant 0 : i32
    %add3A_103 = arith.addi %add3A_101, %add3A_102 : i32
    %mul3A_104 = arith.constant 10112 : i32
    %mul3A_105 = arith.muli %add3A_103, %mul3A_104 : i32
    "tpu.region"() ({
      %run_scoped3A = tpu.sem_alloc : memref<!tpu.dma_semaphore, #tpu.memory_space<semaphore_mem>>
      %dma_start3A_183 = arith.constant 0 : i32
      %dma_start3A_184 = tpu.memref_slice %arg11[%dma_start3A_183] : memref<80896xf32, #tpu.memory_space<vmem>> -> memref<10112xf32, #tpu.memory_space<vmem>>
      %dma_start3A_185 = tpu.memref_slice %arg8[%mul3A_105] : memref<2588672xf32, #tpu.memory_space<hbm>> -> memref<10112xf32, #tpu.memory_space<hbm>>
      %dma_start3A_186 = tpu.memref_slice %arg8[%mul3A_105] : memref<2588672xf32, #tpu.memory_space<hbm>> -> memref<10112xf32, #tpu.memory_space<hbm>>
      %dma_start3A_187 = arith.constant 0 : i32
      %dma_start3A_188 = tpu.memref_slice %arg11[%dma_start3A_187] : memref<80896xf32, #tpu.memory_space<vmem>> -> memref<10112xf32, #tpu.memory_space<vmem>>
      tpu.enqueue_dma source(%dma_start3A_188 : memref<10112xf32, #tpu.memory_space<vmem>>) target(%dma_start3A_186 : memref<10112xf32, #tpu.memory_space<hbm>>) target_semaphore(%run_scoped3A : memref<!tpu.dma_semaphore, #tpu.memory_space<semaphore_mem>>)
      %dma_wait3A_189 = arith.constant 0 : i32
      %dma_wait3A_190 = tpu.memref_slice %arg11[%dma_wait3A_189] : memref<80896xf32, #tpu.memory_space<vmem>> -> memref<10112xf32, #tpu.memory_space<vmem>>
      %dma_wait3A_191 = tpu.memref_slice %arg8[%mul3A_105] : memref<2588672xf32, #tpu.memory_space<hbm>> -> memref<10112xf32, #tpu.memory_space<hbm>>
      %dma_wait3A_192 = tpu.memref_slice %arg8[%mul3A_105] : memref<2588672xf32, #tpu.memory_space<hbm>> -> memref<10112xf32, #tpu.memory_space<hbm>>
      %dma_wait3A_193 = arith.constant 0 : i32
      %dma_wait3A_194 = tpu.memref_slice %arg11[%dma_wait3A_193] : memref<80896xf32, #tpu.memory_space<vmem>> -> memref<10112xf32, #tpu.memory_space<vmem>>
      tpu.wait_dma2 semaphore(%run_scoped3A : memref<!tpu.dma_semaphore, #tpu.memory_space<semaphore_mem>>) src(%dma_wait3A_194 : memref<10112xf32, #tpu.memory_space<vmem>>) dst(%dma_wait3A_192 : memref<10112xf32, #tpu.memory_space<hbm>>)
      tpu.yield
    }) : () -> ()
    %mul3A_106 = arith.constant 2 : i32
    %mul3A_107 = arith.muli %rem3A_25, %mul3A_106 : i32
    %add3A_108 = arith.constant 0 : i32
    %add3A_109 = arith.addi %mul3A_107, %add3A_108 : i32
    %mul3A_110 = arith.constant 16 : i32
    %mul3A_111 = arith.muli %add3A_109, %mul3A_110 : i32
    %add3A_112 = arith.addi %mul3A_111, %mul3A_31 : i32
    %add3A_113 = arith.constant 1 : i32
    %add3A_114 = arith.addi %add3A_112, %add3A_113 : i32
    %mul3A_115 = arith.constant 10112 : i32
    %mul3A_116 = arith.muli %add3A_114, %mul3A_115 : i32
    "tpu.region"() ({
      %run_scoped3A = tpu.sem_alloc : memref<!tpu.dma_semaphore, #tpu.memory_space<semaphore_mem>>
      %dma_start3A_183 = arith.constant 10112 : i32
      %dma_start3A_184 = tpu.memref_slice %arg11[%dma_start3A_183] : memref<80896xf32, #tpu.memory_space<vmem>> -> memref<10112xf32, #tpu.memory_space<vmem>>
      %dma_start3A_185 = tpu.memref_slice %arg8[%mul3A_116] : memref<2588672xf32, #tpu.memory_space<hbm>> -> memref<10112xf32, #tpu.memory_space<hbm>>
      %dma_start3A_186 = tpu.memref_slice %arg8[%mul3A_116] : memref<2588672xf32, #tpu.memory_space<hbm>> -> memref<10112xf32, #tpu.memory_space<hbm>>
      %dma_start3A_187 = arith.constant 10112 : i32
      %dma_start3A_188 = tpu.memref_slice %arg11[%dma_start3A_187] : memref<80896xf32, #tpu.memory_space<vmem>> -> memref<10112xf32, #tpu.memory_space<vmem>>
      tpu.enqueue_dma source(%dma_start3A_188 : memref<10112xf32, #tpu.memory_space<vmem>>) target(%dma_start3A_186 : memref<10112xf32, #tpu.memory_space<hbm>>) target_semaphore(%run_scoped3A : memref<!tpu.dma_semaphore, #tpu.memory_space<semaphore_mem>>)
      %dma_wait3A_189 = arith.constant 10112 : i32
      %dma_wait3A_190 = tpu.memref_slice %arg11[%dma_wait3A_189] : memref<80896xf32, #tpu.memory_space<vmem>> -> memref<10112xf32, #tpu.memory_space<vmem>>
      %dma_wait3A_191 = tpu.memref_slice %arg8[%mul3A_116] : memref<2588672xf32, #tpu.memory_space<hbm>> -> memref<10112xf32, #tpu.memory_space<hbm>>
      %dma_wait3A_192 = tpu.memref_slice %arg8[%mul3A_116] : memref<2588672xf32, #tpu.memory_space<hbm>> -> memref<10112xf32, #tpu.memory_space<hbm>>
      %dma_wait3A_193 = arith.constant 10112 : i32
      %dma_wait3A_194 = tpu.memref_slice %arg11[%dma_wait3A_193] : memref<80896xf32, #tpu.memory_space<vmem>> -> memref<10112xf32, #tpu.memory_space<vmem>>
      tpu.wait_dma2 semaphore(%run_scoped3A : memref<!tpu.dma_semaphore, #tpu.memory_space<semaphore_mem>>) src(%dma_wait3A_194 : memref<10112xf32, #tpu.memory_space<vmem>>) dst(%dma_wait3A_192 : memref<10112xf32, #tpu.memory_space<hbm>>)
      tpu.yield
    }) : () -> ()
    %mul3A_117 = arith.constant 2 : i32
    %mul3A_118 = arith.muli %rem3A_25, %mul3A_117 : i32
    %add3A_119 = arith.constant 0 : i32
    %add3A_120 = arith.addi %mul3A_118, %add3A_119 : i32
    %mul3A_121 = arith.constant 16 : i32
    %mul3A_122 = arith.muli %add3A_120, %mul3A_121 : i32
    %add3A_123 = arith.addi %mul3A_122, %mul3A_31 : i32
    %add3A_124 = arith.constant 2 : i32
    %add3A_125 = arith.addi %add3A_123, %add3A_124 : i32
    %mul3A_126 = arith.constant 10112 : i32
    %mul3A_127 = arith.muli %add3A_125, %mul3A_126 : i32
    "tpu.region"() ({
      %run_scoped3A = tpu.sem_alloc : memref<!tpu.dma_semaphore, #tpu.memory_space<semaphore_mem>>
      %dma_start3A_183 = arith.constant 20224 : i32
      %dma_start3A_184 = tpu.memref_slice %arg11[%dma_start3A_183] : memref<80896xf32, #tpu.memory_space<vmem>> -> memref<10112xf32, #tpu.memory_space<vmem>>
      %dma_start3A_185 = tpu.memref_slice %arg8[%mul3A_127] : memref<2588672xf32, #tpu.memory_space<hbm>> -> memref<10112xf32, #tpu.memory_space<hbm>>
      %dma_start3A_186 = tpu.memref_slice %arg8[%mul3A_127] : memref<2588672xf32, #tpu.memory_space<hbm>> -> memref<10112xf32, #tpu.memory_space<hbm>>
      %dma_start3A_187 = arith.constant 20224 : i32
      %dma_start3A_188 = tpu.memref_slice %arg11[%dma_start3A_187] : memref<80896xf32, #tpu.memory_space<vmem>> -> memref<10112xf32, #tpu.memory_space<vmem>>
      tpu.enqueue_dma source(%dma_start3A_188 : memref<10112xf32, #tpu.memory_space<vmem>>) target(%dma_start3A_186 : memref<10112xf32, #tpu.memory_space<hbm>>) target_semaphore(%run_scoped3A : memref<!tpu.dma_semaphore, #tpu.memory_space<semaphore_mem>>)
      %dma_wait3A_189 = arith.constant 20224 : i32
      %dma_wait3A_190 = tpu.memref_slice %arg11[%dma_wait3A_189] : memref<80896xf32, #tpu.memory_space<vmem>> -> memref<10112xf32, #tpu.memory_space<vmem>>
      %dma_wait3A_191 = tpu.memref_slice %arg8[%mul3A_127] : memref<2588672xf32, #tpu.memory_space<hbm>> -> memref<10112xf32, #tpu.memory_space<hbm>>
      %dma_wait3A_192 = tpu.memref_slice %arg8[%mul3A_127] : memref<2588672xf32, #tpu.memory_space<hbm>> -> memref<10112xf32, #tpu.memory_space<hbm>>
      %dma_wait3A_193 = arith.constant 20224 : i32
      %dma_wait3A_194 = tpu.memref_slice %arg11[%dma_wait3A_193] : memref<80896xf32, #tpu.memory_space<vmem>> -> memref<10112xf32, #tpu.memory_space<vmem>>
      tpu.wait_dma2 semaphore(%run_scoped3A : memref<!tpu.dma_semaphore, #tpu.memory_space<semaphore_mem>>) src(%dma_wait3A_194 : memref<10112xf32, #tpu.memory_space<vmem>>) dst(%dma_wait3A_192 : memref<10112xf32, #tpu.memory_space<hbm>>)
      tpu.yield
    }) : () -> ()
    %mul3A_128 = arith.constant 2 : i32
    %mul3A_129 = arith.muli %rem3A_25, %mul3A_128 : i32
    %add3A_130 = arith.constant 0 : i32
    %add3A_131 = arith.addi %mul3A_129, %add3A_130 : i32
    %mul3A_132 = arith.constant 16 : i32
    %mul3A_133 = arith.muli %add3A_131, %mul3A_132 : i32
    %add3A_134 = arith.addi %mul3A_133, %mul3A_31 : i32
    %add3A_135 = arith.constant 3 : i32
    %add3A_136 = arith.addi %add3A_134, %add3A_135 : i32
    %mul3A_137 = arith.constant 10112 : i32
    %mul3A_138 = arith.muli %add3A_136, %mul3A_137 : i32
    "tpu.region"() ({
      %run_scoped3A = tpu.sem_alloc : memref<!tpu.dma_semaphore, #tpu.memory_space<semaphore_mem>>
      %dma_start3A_183 = arith.constant 30336 : i32
      %dma_start3A_184 = tpu.memref_slice %arg11[%dma_start3A_183] : memref<80896xf32, #tpu.memory_space<vmem>> -> memref<10112xf32, #tpu.memory_space<vmem>>
      %dma_start3A_185 = tpu.memref_slice %arg8[%mul3A_138] : memref<2588672xf32, #tpu.memory_space<hbm>> -> memref<10112xf32, #tpu.memory_space<hbm>>
      %dma_start3A_186 = tpu.memref_slice %arg8[%mul3A_138] : memref<2588672xf32, #tpu.memory_space<hbm>> -> memref<10112xf32, #tpu.memory_space<hbm>>
      %dma_start3A_187 = arith.constant 30336 : i32
      %dma_start3A_188 = tpu.memref_slice %arg11[%dma_start3A_187] : memref<80896xf32, #tpu.memory_space<vmem>> -> memref<10112xf32, #tpu.memory_space<vmem>>
      tpu.enqueue_dma source(%dma_start3A_188 : memref<10112xf32, #tpu.memory_space<vmem>>) target(%dma_start3A_186 : memref<10112xf32, #tpu.memory_space<hbm>>) target_semaphore(%run_scoped3A : memref<!tpu.dma_semaphore, #tpu.memory_space<semaphore_mem>>)
      %dma_wait3A_189 = arith.constant 30336 : i32
      %dma_wait3A_190 = tpu.memref_slice %arg11[%dma_wait3A_189] : memref<80896xf32, #tpu.memory_space<vmem>> -> memref<10112xf32, #tpu.memory_space<vmem>>
      %dma_wait3A_191 = tpu.memref_slice %arg8[%mul3A_138] : memref<2588672xf32, #tpu.memory_space<hbm>> -> memref<10112xf32, #tpu.memory_space<hbm>>
      %dma_wait3A_192 = tpu.memref_slice %arg8[%mul3A_138] : memref<2588672xf32, #tpu.memory_space<hbm>> -> memref<10112xf32, #tpu.memory_space<hbm>>
      %dma_wait3A_193 = arith.constant 30336 : i32
      %dma_wait3A_194 = tpu.memref_slice %arg11[%dma_wait3A_193] : memref<80896xf32, #tpu.memory_space<vmem>> -> memref<10112xf32, #tpu.memory_space<vmem>>
      tpu.wait_dma2 semaphore(%run_scoped3A : memref<!tpu.dma_semaphore, #tpu.memory_space<semaphore_mem>>) src(%dma_wait3A_194 : memref<10112xf32, #tpu.memory_space<vmem>>) dst(%dma_wait3A_192 : memref<10112xf32, #tpu.memory_space<hbm>>)
      tpu.yield
    }) : () -> ()
    %mul3A_139 = arith.constant 2 : i32
    %mul3A_140 = arith.muli %rem3A_25, %mul3A_139 : i32
    %add3A_141 = arith.constant 1 : i32
    %add3A_142 = arith.addi %mul3A_140, %add3A_141 : i32
    %mul3A_143 = arith.constant 16 : i32
    %mul3A_144 = arith.muli %add3A_142, %mul3A_143 : i32
    %add3A_145 = arith.addi %mul3A_144, %mul3A_31 : i32
    %add3A_146 = arith.constant 0 : i32
    %add3A_147 = arith.addi %add3A_145, %add3A_146 : i32
    %mul3A_148 = arith.constant 10112 : i32
    %mul3A_149 = arith.muli %add3A_147, %mul3A_148 : i32
    "tpu.region"() ({
      %run_scoped3A = tpu.sem_alloc : memref<!tpu.dma_semaphore, #tpu.memory_space<semaphore_mem>>
      %dma_start3A_183 = arith.constant 40448 : i32
      %dma_start3A_184 = tpu.memref_slice %arg11[%dma_start3A_183] : memref<80896xf32, #tpu.memory_space<vmem>> -> memref<10112xf32, #tpu.memory_space<vmem>>
      %dma_start3A_185 = tpu.memref_slice %arg8[%mul3A_149] : memref<2588672xf32, #tpu.memory_space<hbm>> -> memref<10112xf32, #tpu.memory_space<hbm>>
      %dma_start3A_186 = tpu.memref_slice %arg8[%mul3A_149] : memref<2588672xf32, #tpu.memory_space<hbm>> -> memref<10112xf32, #tpu.memory_space<hbm>>
      %dma_start3A_187 = arith.constant 40448 : i32
      %dma_start3A_188 = tpu.memref_slice %arg11[%dma_start3A_187] : memref<80896xf32, #tpu.memory_space<vmem>> -> memref<10112xf32, #tpu.memory_space<vmem>>
      tpu.enqueue_dma source(%dma_start3A_188 : memref<10112xf32, #tpu.memory_space<vmem>>) target(%dma_start3A_186 : memref<10112xf32, #tpu.memory_space<hbm>>) target_semaphore(%run_scoped3A : memref<!tpu.dma_semaphore, #tpu.memory_space<semaphore_mem>>)
      %dma_wait3A_189 = arith.constant 40448 : i32
      %dma_wait3A_190 = tpu.memref_slice %arg11[%dma_wait3A_189] : memref<80896xf32, #tpu.memory_space<vmem>> -> memref<10112xf32, #tpu.memory_space<vmem>>
      %dma_wait3A_191 = tpu.memref_slice %arg8[%mul3A_149] : memref<2588672xf32, #tpu.memory_space<hbm>> -> memref<10112xf32, #tpu.memory_space<hbm>>
      %dma_wait3A_192 = tpu.memref_slice %arg8[%mul3A_149] : memref<2588672xf32, #tpu.memory_space<hbm>> -> memref<10112xf32, #tpu.memory_space<hbm>>
      %dma_wait3A_193 = arith.constant 40448 : i32
      %dma_wait3A_194 = tpu.memref_slice %arg11[%dma_wait3A_193] : memref<80896xf32, #tpu.memory_space<vmem>> -> memref<10112xf32, #tpu.memory_space<vmem>>
      tpu.wait_dma2 semaphore(%run_scoped3A : memref<!tpu.dma_semaphore, #tpu.memory_space<semaphore_mem>>) src(%dma_wait3A_194 : memref<10112xf32, #tpu.memory_space<vmem>>) dst(%dma_wait3A_192 : memref<10112xf32, #tpu.memory_space<hbm>>)
      tpu.yield
    }) : () -> ()
    %mul3A_150 = arith.constant 2 : i32
    %mul3A_151 = arith.muli %rem3A_25, %mul3A_150 : i32
    %add3A_152 = arith.constant 1 : i32
    %add3A_153 = arith.addi %mul3A_151, %add3A_152 : i32
    %mul3A_154 = arith.constant 16 : i32
    %mul3A_155 = arith.muli %add3A_153, %mul3A_154 : i32
    %add3A_156 = arith.addi %mul3A_155, %mul3A_31 : i32
    %add3A_157 = arith.constant 1 : i32
    %add3A_158 = arith.addi %add3A_156, %add3A_157 : i32
    %mul3A_159 = arith.constant 10112 : i32
    %mul3A_160 = arith.muli %add3A_158, %mul3A_159 : i32
    "tpu.region"() ({
      %run_scoped3A = tpu.sem_alloc : memref<!tpu.dma_semaphore, #tpu.memory_space<semaphore_mem>>
      %dma_start3A_183 = arith.constant 50560 : i32
      %dma_start3A_184 = tpu.memref_slice %arg11[%dma_start3A_183] : memref<80896xf32, #tpu.memory_space<vmem>> -> memref<10112xf32, #tpu.memory_space<vmem>>
      %dma_start3A_185 = tpu.memref_slice %arg8[%mul3A_160] : memref<2588672xf32, #tpu.memory_space<hbm>> -> memref<10112xf32, #tpu.memory_space<hbm>>
      %dma_start3A_186 = tpu.memref_slice %arg8[%mul3A_160] : memref<2588672xf32, #tpu.memory_space<hbm>> -> memref<10112xf32, #tpu.memory_space<hbm>>
      %dma_start3A_187 = arith.constant 50560 : i32
      %dma_start3A_188 = tpu.memref_slice %arg11[%dma_start3A_187] : memref<80896xf32, #tpu.memory_space<vmem>> -> memref<10112xf32, #tpu.memory_space<vmem>>
      tpu.enqueue_dma source(%dma_start3A_188 : memref<10112xf32, #tpu.memory_space<vmem>>) target(%dma_start3A_186 : memref<10112xf32, #tpu.memory_space<hbm>>) target_semaphore(%run_scoped3A : memref<!tpu.dma_semaphore, #tpu.memory_space<semaphore_mem>>)
      %dma_wait3A_189 = arith.constant 50560 : i32
      %dma_wait3A_190 = tpu.memref_slice %arg11[%dma_wait3A_189] : memref<80896xf32, #tpu.memory_space<vmem>> -> memref<10112xf32, #tpu.memory_space<vmem>>
      %dma_wait3A_191 = tpu.memref_slice %arg8[%mul3A_160] : memref<2588672xf32, #tpu.memory_space<hbm>> -> memref<10112xf32, #tpu.memory_space<hbm>>
      %dma_wait3A_192 = tpu.memref_slice %arg8[%mul3A_160] : memref<2588672xf32, #tpu.memory_space<hbm>> -> memref<10112xf32, #tpu.memory_space<hbm>>
      %dma_wait3A_193 = arith.constant 50560 : i32
      %dma_wait3A_194 = tpu.memref_slice %arg11[%dma_wait3A_193] : memref<80896xf32, #tpu.memory_space<vmem>> -> memref<10112xf32, #tpu.memory_space<vmem>>
      tpu.wait_dma2 semaphore(%run_scoped3A : memref<!tpu.dma_semaphore, #tpu.memory_space<semaphore_mem>>) src(%dma_wait3A_194 : memref<10112xf32, #tpu.memory_space<vmem>>) dst(%dma_wait3A_192 : memref<10112xf32, #tpu.memory_space<hbm>>)
      tpu.yield
    }) : () -> ()
    %mul3A_161 = arith.constant 2 : i32
    %mul3A_162 = arith.muli %rem3A_25, %mul3A_161 : i32
    %add3A_163 = arith.constant 1 : i32
    %add3A_164 = arith.addi %mul3A_162, %add3A_163 : i32
    %mul3A_165 = arith.constant 16 : i32
    %mul3A_166 = arith.muli %add3A_164, %mul3A_165 : i32
    %add3A_167 = arith.addi %mul3A_166, %mul3A_31 : i32
    %add3A_168 = arith.constant 2 : i32
    %add3A_169 = arith.addi %add3A_167, %add3A_168 : i32
    %mul3A_170 = arith.constant 10112 : i32
    %mul3A_171 = arith.muli %add3A_169, %mul3A_170 : i32
    "tpu.region"() ({
      %run_scoped3A = tpu.sem_alloc : memref<!tpu.dma_semaphore, #tpu.memory_space<semaphore_mem>>
      %dma_start3A_183 = arith.constant 60672 : i32
      %dma_start3A_184 = tpu.memref_slice %arg11[%dma_start3A_183] : memref<80896xf32, #tpu.memory_space<vmem>> -> memref<10112xf32, #tpu.memory_space<vmem>>
      %dma_start3A_185 = tpu.memref_slice %arg8[%mul3A_171] : memref<2588672xf32, #tpu.memory_space<hbm>> -> memref<10112xf32, #tpu.memory_space<hbm>>
      %dma_start3A_186 = tpu.memref_slice %arg8[%mul3A_171] : memref<2588672xf32, #tpu.memory_space<hbm>> -> memref<10112xf32, #tpu.memory_space<hbm>>
      %dma_start3A_187 = arith.constant 60672 : i32
      %dma_start3A_188 = tpu.memref_slice %arg11[%dma_start3A_187] : memref<80896xf32, #tpu.memory_space<vmem>> -> memref<10112xf32, #tpu.memory_space<vmem>>
      tpu.enqueue_dma source(%dma_start3A_188 : memref<10112xf32, #tpu.memory_space<vmem>>) target(%dma_start3A_186 : memref<10112xf32, #tpu.memory_space<hbm>>) target_semaphore(%run_scoped3A : memref<!tpu.dma_semaphore, #tpu.memory_space<semaphore_mem>>)
      %dma_wait3A_189 = arith.constant 60672 : i32
      %dma_wait3A_190 = tpu.memref_slice %arg11[%dma_wait3A_189] : memref<80896xf32, #tpu.memory_space<vmem>> -> memref<10112xf32, #tpu.memory_space<vmem>>
      %dma_wait3A_191 = tpu.memref_slice %arg8[%mul3A_171] : memref<2588672xf32, #tpu.memory_space<hbm>> -> memref<10112xf32, #tpu.memory_space<hbm>>
      %dma_wait3A_192 = tpu.memref_slice %arg8[%mul3A_171] : memref<2588672xf32, #tpu.memory_space<hbm>> -> memref<10112xf32, #tpu.memory_space<hbm>>
      %dma_wait3A_193 = arith.constant 60672 : i32
      %dma_wait3A_194 = tpu.memref_slice %arg11[%dma_wait3A_193] : memref<80896xf32, #tpu.memory_space<vmem>> -> memref<10112xf32, #tpu.memory_space<vmem>>
      tpu.wait_dma2 semaphore(%run_scoped3A : memref<!tpu.dma_semaphore, #tpu.memory_space<semaphore_mem>>) src(%dma_wait3A_194 : memref<10112xf32, #tpu.memory_space<vmem>>) dst(%dma_wait3A_192 : memref<10112xf32, #tpu.memory_space<hbm>>)
      tpu.yield
    }) : () -> ()
    %mul3A_172 = arith.constant 2 : i32
    %mul3A_173 = arith.muli %rem3A_25, %mul3A_172 : i32
    %add3A_174 = arith.constant 1 : i32
    %add3A_175 = arith.addi %mul3A_173, %add3A_174 : i32
    %mul3A_176 = arith.constant 16 : i32
    %mul3A_177 = arith.muli %add3A_175, %mul3A_176 : i32
    %add3A_178 = arith.addi %mul3A_177, %mul3A_31 : i32
    %add3A_179 = arith.constant 3 : i32
    %add3A_180 = arith.addi %add3A_178, %add3A_179 : i32
    %mul3A_181 = arith.constant 10112 : i32
    %mul3A_182 = arith.muli %add3A_180, %mul3A_181 : i32
    "tpu.region"() ({
      %run_scoped3A = tpu.sem_alloc : memref<!tpu.dma_semaphore, #tpu.memory_space<semaphore_mem>>
      %dma_start3A_183 = arith.constant 70784 : i32
      %dma_start3A_184 = tpu.memref_slice %arg11[%dma_start3A_183] : memref<80896xf32, #tpu.memory_space<vmem>> -> memref<10112xf32, #tpu.memory_space<vmem>>
      %dma_start3A_185 = tpu.memref_slice %arg8[%mul3A_182] : memref<2588672xf32, #tpu.memory_space<hbm>> -> memref<10112xf32, #tpu.memory_space<hbm>>
      %dma_start3A_186 = tpu.memref_slice %arg8[%mul3A_182] : memref<2588672xf32, #tpu.memory_space<hbm>> -> memref<10112xf32, #tpu.memory_space<hbm>>
      %dma_start3A_187 = arith.constant 70784 : i32
      %dma_start3A_188 = tpu.memref_slice %arg11[%dma_start3A_187] : memref<80896xf32, #tpu.memory_space<vmem>> -> memref<10112xf32, #tpu.memory_space<vmem>>
      tpu.enqueue_dma source(%dma_start3A_188 : memref<10112xf32, #tpu.memory_space<vmem>>) target(%dma_start3A_186 : memref<10112xf32, #tpu.memory_space<hbm>>) target_semaphore(%run_scoped3A : memref<!tpu.dma_semaphore, #tpu.memory_space<semaphore_mem>>)
      %dma_wait3A_189 = arith.constant 70784 : i32
      %dma_wait3A_190 = tpu.memref_slice %arg11[%dma_wait3A_189] : memref<80896xf32, #tpu.memory_space<vmem>> -> memref<10112xf32, #tpu.memory_space<vmem>>
      %dma_wait3A_191 = tpu.memref_slice %arg8[%mul3A_182] : memref<2588672xf32, #tpu.memory_space<hbm>> -> memref<10112xf32, #tpu.memory_space<hbm>>
      %dma_wait3A_192 = tpu.memref_slice %arg8[%mul3A_182] : memref<2588672xf32, #tpu.memory_space<hbm>> -> memref<10112xf32, #tpu.memory_space<hbm>>
      %dma_wait3A_193 = arith.constant 70784 : i32
      %dma_wait3A_194 = tpu.memref_slice %arg11[%dma_wait3A_193] : memref<80896xf32, #tpu.memory_space<vmem>> -> memref<10112xf32, #tpu.memory_space<vmem>>
      tpu.wait_dma2 semaphore(%run_scoped3A : memref<!tpu.dma_semaphore, #tpu.memory_space<semaphore_mem>>) src(%dma_wait3A_194 : memref<10112xf32, #tpu.memory_space<vmem>>) dst(%dma_wait3A_192 : memref<10112xf32, #tpu.memory_space<hbm>>)
      tpu.yield
    }) : () -> ()
    return
  }
}

#map = affine_map<(d0, d1) -> (0, 0)>
#map1 = affine_map<(d0, d1) -> (0)>
module attributes {stable_mosaic.version = 14 : i64} {
  func.func @_sc_scatter(%arg0: i32, %arg1: i32, %arg2: memref<16x10112xf32, #tpu.memory_space<hbm>>, %arg3: memref<16x161792xf32, #tpu.memory_space<hbm>>, %arg4: memref<161792xi32, #tpu.memory_space<hbm>>, %arg5: memref<161792xi32, #tpu.memory_space<hbm>>, %arg6: memref<2588672xf32, #tpu.memory_space<hbm>>, %arg7: memref<2x10112xf32, #tpu.memory_space<vmem>>, %arg8: memref<80896xf32, #tpu.memory_space<vmem>>, %arg9: memref<2x2048xi32, #tpu.memory_space<vmem>>, %arg10: memref<2x2048xi32, #tpu.memory_space<vmem>>, %arg11: memref<2x4x2048xf32, #tpu.memory_space<vmem>>, %arg12: memref<2x!tpu.dma_semaphore, #tpu.memory_space<semaphore_mem>>, %arg13: memref<2x!tpu.dma_semaphore, #tpu.memory_space<semaphore_mem>>, %arg14: memref<2x!tpu.dma_semaphore, #tpu.memory_space<semaphore_mem>>, %arg15: memref<!tpu.dma_semaphore, #tpu.memory_space<semaphore_mem>>) attributes {dimension_semantics = [#tpu.dimension_semantics<core_parallel>, #tpu.dimension_semantics<subcore_parallel>], iteration_bounds = array<i64: 2, 16>, scalar_prefetch = 0 : i64, scratch_operands = 9 : i64, tpu.core_type = #tpu.core_type<sc_vector_subcore>, window_params = [{transform_indices = #map}, {transform_indices = #map}, {transform_indices = #map1}, {transform_indices = #map1}, {transform_indices = #map1}]} {
    %rem3A = arith.constant 8 : i32
    %rem3A_0 = arith.remsi %arg1, %rem3A : i32
    %div3A = arith.constant 8 : i32
    %div3A_1 = arith.divsi %arg1, %div3A : i32
    %mul3A = arith.constant 2 : i32
    %mul3A_2 = arith.muli %mul3A, %arg0 : i32
    %add3A = arith.addi %div3A_1, %mul3A_2 : i32
    %mul3A_3 = arith.constant 4 : i32
    %mul3A_4 = arith.muli %add3A, %mul3A_3 : i32
    %mul3A_5 = arith.constant 2 : i32
    %mul3A_6 = arith.muli %rem3A_0, %mul3A_5 : i32
    %dma_start3A = arith.constant 0 : i32
    %dma_start3A_7 = tpu.memref_slice %arg2[%mul3A_6, %dma_start3A] : memref<16x10112xf32, #tpu.memory_space<hbm>> -> memref<2x10112xf32, #tpu.memory_space<hbm>>
    %dma_start3A_8 = arith.constant 0 : i32
    %dma_start3A_9 = tpu.memref_slice %arg2[%mul3A_6, %dma_start3A_8] : memref<16x10112xf32, #tpu.memory_space<hbm>> -> memref<2x10112xf32, #tpu.memory_space<hbm>>
    tpu.enqueue_dma source(%dma_start3A_9 : memref<2x10112xf32, #tpu.memory_space<hbm>>) target(%arg7 : memref<2x10112xf32, #tpu.memory_space<vmem>>) target_semaphore(%arg15 : memref<!tpu.dma_semaphore, #tpu.memory_space<semaphore_mem>>)
    %dma_wait3A = arith.constant 0 : i32
    %dma_wait3A_10 = tpu.memref_slice %arg2[%mul3A_6, %dma_wait3A] : memref<16x10112xf32, #tpu.memory_space<hbm>> -> memref<2x10112xf32, #tpu.memory_space<hbm>>
    %dma_wait3A_11 = arith.constant 0 : i32
    %dma_wait3A_12 = tpu.memref_slice %arg2[%mul3A_6, %dma_wait3A_11] : memref<16x10112xf32, #tpu.memory_space<hbm>> -> memref<2x10112xf32, #tpu.memory_space<hbm>>
    tpu.wait_dma2 semaphore(%arg15 : memref<!tpu.dma_semaphore, #tpu.memory_space<semaphore_mem>>) src(%dma_wait3A_12 : memref<2x10112xf32, #tpu.memory_space<hbm>>) dst(%arg7 : memref<2x10112xf32, #tpu.memory_space<vmem>>)
    %broadcast_in_dim3A = arith.constant 0.000000e+00 : f32
    %broadcast_in_dim3A_13 = vector.broadcast %broadcast_in_dim3A : f32 to vector<16xf32>
    %parallel_loop3A = arith.constant 0 : i32
    %parallel_loop3A_14 = arith.constant 5056 : i32
    %parallel_loop3A_15 = arith.constant 1 : i32
    scf.for %parallel_loop3A_154 = %parallel_loop3A to %parallel_loop3A_14 step %parallel_loop3A_15  : i32 {
      %parallel_loop3A_155 = arith.constant 16 : i32
      %parallel_loop3A_156 = arith.muli %parallel_loop3A_154, %parallel_loop3A_155 : i32
      %parallel_loop3A_157 = arith.index_cast %parallel_loop3A_156 : i32 to index
      %parallel_loop3A_158 = tpu.vector_load %arg8[%parallel_loop3A_157] {strides = array<i32>} : memref<80896xf32, #tpu.memory_space<vmem>>, vector<16xf32>,
      tpu.vector_store %arg8[%parallel_loop3A_157], %broadcast_in_dim3A_13 {strides = array<i32>} : memref<80896xf32, #tpu.memory_space<vmem>>, vector<16xf32>,
    } {sc.loop_unroll_factor = 8 : i64, sc.parallel_access}
    %dma_start3A_16 = arith.constant 0 : i32
    %dma_start3A_17 = arith.constant 0 : i32
    %dma_start3A_18 = arith.constant 0 : i32
    %dma_start3A_19 = tpu.memref_slice %arg9[%dma_start3A_16, %dma_start3A_18] : memref<2x2048xi32, #tpu.memory_space<vmem>> -> memref<1x2048xi32, #tpu.memory_space<vmem>>
    %dma_start3A_20 = tpu.memref_squeeze %dma_start3A_19 : memref<1x2048xi32, #tpu.memory_space<vmem>> -> memref<2048xi32, #tpu.memory_space<vmem>>
    %dma_start3A_21 = arith.constant 0 : i32
    %dma_start3A_22 = tpu.memref_slice %arg4[%dma_start3A_21] : memref<161792xi32, #tpu.memory_space<hbm>> -> memref<2048xi32, #tpu.memory_space<hbm>>
    %dma_start3A_23 = tpu.memref_slice %arg12[%dma_start3A_17] : memref<2x!tpu.dma_semaphore, #tpu.memory_space<semaphore_mem>> -> memref<1x!tpu.dma_semaphore, #tpu.memory_space<semaphore_mem>>
    %dma_start3A_24 = tpu.memref_squeeze %dma_start3A_23 : memref<1x!tpu.dma_semaphore, #tpu.memory_space<semaphore_mem>> -> memref<!tpu.dma_semaphore, #tpu.memory_space<semaphore_mem>>
    %dma_start3A_25 = arith.constant 0 : i32
    %dma_start3A_26 = tpu.memref_slice %arg9[%dma_start3A_16, %dma_start3A_25] : memref<2x2048xi32, #tpu.memory_space<vmem>> -> memref<1x2048xi32, #tpu.memory_space<vmem>>
    %dma_start3A_27 = tpu.memref_squeeze %dma_start3A_26 : memref<1x2048xi32, #tpu.memory_space<vmem>> -> memref<2048xi32, #tpu.memory_space<vmem>>
    %dma_start3A_28 = arith.constant 0 : i32
    %dma_start3A_29 = tpu.memref_slice %arg4[%dma_start3A_28] : memref<161792xi32, #tpu.memory_space<hbm>> -> memref<2048xi32, #tpu.memory_space<hbm>>
    tpu.enqueue_dma source(%dma_start3A_29 : memref<2048xi32, #tpu.memory_space<hbm>>) target(%dma_start3A_27 : memref<2048xi32, #tpu.memory_space<vmem>>) target_semaphore(%dma_start3A_24 : memref<!tpu.dma_semaphore, #tpu.memory_space<semaphore_mem>>)
    %dma_start3A_30 = arith.constant 0 : i32
    %dma_start3A_31 = arith.constant 0 : i32
    %dma_start3A_32 = arith.constant 0 : i32
    %dma_start3A_33 = tpu.memref_slice %arg10[%dma_start3A_30, %dma_start3A_32] : memref<2x2048xi32, #tpu.memory_space<vmem>> -> memref<1x2048xi32, #tpu.memory_space<vmem>>
    %dma_start3A_34 = tpu.memref_squeeze %dma_start3A_33 : memref<1x2048xi32, #tpu.memory_space<vmem>> -> memref<2048xi32, #tpu.memory_space<vmem>>
    %dma_start3A_35 = arith.constant 0 : i32
    %dma_start3A_36 = tpu.memref_slice %arg5[%dma_start3A_35] : memref<161792xi32, #tpu.memory_space<hbm>> -> memref<2048xi32, #tpu.memory_space<hbm>>
    %dma_start3A_37 = tpu.memref_slice %arg13[%dma_start3A_31] : memref<2x!tpu.dma_semaphore, #tpu.memory_space<semaphore_mem>> -> memref<1x!tpu.dma_semaphore, #tpu.memory_space<semaphore_mem>>
    %dma_start3A_38 = tpu.memref_squeeze %dma_start3A_37 : memref<1x!tpu.dma_semaphore, #tpu.memory_space<semaphore_mem>> -> memref<!tpu.dma_semaphore, #tpu.memory_space<semaphore_mem>>
    %dma_start3A_39 = arith.constant 0 : i32
    %dma_start3A_40 = tpu.memref_slice %arg10[%dma_start3A_30, %dma_start3A_39] : memref<2x2048xi32, #tpu.memory_space<vmem>> -> memref<1x2048xi32, #tpu.memory_space<vmem>>
    %dma_start3A_41 = tpu.memref_squeeze %dma_start3A_40 : memref<1x2048xi32, #tpu.memory_space<vmem>> -> memref<2048xi32, #tpu.memory_space<vmem>>
    %dma_start3A_42 = arith.constant 0 : i32
    %dma_start3A_43 = tpu.memref_slice %arg5[%dma_start3A_42] : memref<161792xi32, #tpu.memory_space<hbm>> -> memref<2048xi32, #tpu.memory_space<hbm>>
    tpu.enqueue_dma source(%dma_start3A_43 : memref<2048xi32, #tpu.memory_space<hbm>>) target(%dma_start3A_41 : memref<2048xi32, #tpu.memory_space<vmem>>) target_semaphore(%dma_start3A_38 : memref<!tpu.dma_semaphore, #tpu.memory_space<semaphore_mem>>)
    %dma_start3A_44 = arith.constant 0 : i32
    %dma_start3A_45 = arith.constant 0 : i32
    %dma_start3A_46 = arith.constant 0 : i32
    %dma_start3A_47 = arith.constant 0 : i32
    %dma_start3A_48 = tpu.memref_slice %arg11[%dma_start3A_44, %dma_start3A_46, %dma_start3A_47] : memref<2x4x2048xf32, #tpu.memory_space<vmem>> -> memref<1x4x2048xf32, #tpu.memory_space<vmem>>
    %dma_start3A_49 = tpu.memref_squeeze %dma_start3A_48 : memref<1x4x2048xf32, #tpu.memory_space<vmem>> -> memref<4x2048xf32, #tpu.memory_space<vmem>>
    %dma_start3A_50 = arith.constant 0 : i32
    %dma_start3A_51 = tpu.memref_slice %arg3[%mul3A_4, %dma_start3A_50] : memref<16x161792xf32, #tpu.memory_space<hbm>> -> memref<4x2048xf32, #tpu.memory_space<hbm>>
    %dma_start3A_52 = tpu.memref_slice %arg14[%dma_start3A_45] : memref<2x!tpu.dma_semaphore, #tpu.memory_space<semaphore_mem>> -> memref<1x!tpu.dma_semaphore, #tpu.memory_space<semaphore_mem>>
    %dma_start3A_53 = tpu.memref_squeeze %dma_start3A_52 : memref<1x!tpu.dma_semaphore, #tpu.memory_space<semaphore_mem>> -> memref<!tpu.dma_semaphore, #tpu.memory_space<semaphore_mem>>
    %dma_start3A_54 = arith.constant 0 : i32
    %dma_start3A_55 = arith.constant 0 : i32
    %dma_start3A_56 = tpu.memref_slice %arg11[%dma_start3A_44, %dma_start3A_54, %dma_start3A_55] : memref<2x4x2048xf32, #tpu.memory_space<vmem>> -> memref<1x4x2048xf32, #tpu.memory_space<vmem>>
    %dma_start3A_57 = tpu.memref_squeeze %dma_start3A_56 : memref<1x4x2048xf32, #tpu.memory_space<vmem>> -> memref<4x2048xf32, #tpu.memory_space<vmem>>
    %dma_start3A_58 = arith.constant 0 : i32
    %dma_start3A_59 = tpu.memref_slice %arg3[%mul3A_4, %dma_start3A_58] : memref<16x161792xf32, #tpu.memory_space<hbm>> -> memref<4x2048xf32, #tpu.memory_space<hbm>>
    tpu.enqueue_dma source(%dma_start3A_59 : memref<4x2048xf32, #tpu.memory_space<hbm>>) target(%dma_start3A_57 : memref<4x2048xf32, #tpu.memory_space<vmem>>) target_semaphore(%dma_start3A_53 : memref<!tpu.dma_semaphore, #tpu.memory_space<semaphore_mem>>)
    %scan3A = arith.constant 0 : i32
    %scan3A_60 = arith.constant 0 : i32
    %scan3A_61 = arith.constant 79 : i32
    %scan3A_62 = arith.addi %scan3A_60, %scan3A_61 : i32
    %scan3A_63 = arith.constant 1 : i32
    %scan3A_64 = scf.for %scan3A_154 = %scan3A_60 to %scan3A_62 step %scan3A_63 iter_args(%scan3A_155 = %scan3A) -> (i32)  : i32 {
      %rem3A_156 = arith.constant 2 : i32
      %rem3A_157 = arith.remsi %scan3A_154, %rem3A_156 : i32
      %dma_wait3A_158 = arith.constant 0 : i32
      %dma_wait3A_159 = tpu.memref_slice %arg9[%rem3A_157, %dma_wait3A_158] : memref<2x2048xi32, #tpu.memory_space<vmem>> -> memref<1x2048xi32, #tpu.memory_space<vmem>>
      %dma_wait3A_160 = tpu.memref_squeeze %dma_wait3A_159 : memref<1x2048xi32, #tpu.memory_space<vmem>> -> memref<2048xi32, #tpu.memory_space<vmem>>
      %dma_wait3A_161 = arith.constant 0 : i32
      %dma_wait3A_162 = tpu.memref_slice %arg4[%dma_wait3A_161] : memref<161792xi32, #tpu.memory_space<hbm>> -> memref<2048xi32, #tpu.memory_space<hbm>>
      %dma_wait3A_163 = tpu.memref_slice %arg12[%rem3A_157] : memref<2x!tpu.dma_semaphore, #tpu.memory_space<semaphore_mem>> -> memref<1x!tpu.dma_semaphore, #tpu.memory_space<semaphore_mem>>
      %dma_wait3A_164 = tpu.memref_squeeze %dma_wait3A_163 : memref<1x!tpu.dma_semaphore, #tpu.memory_space<semaphore_mem>> -> memref<!tpu.dma_semaphore, #tpu.memory_space<semaphore_mem>>
      %dma_wait3A_165 = arith.constant 0 : i32
      %dma_wait3A_166 = tpu.memref_slice %arg9[%rem3A_157, %dma_wait3A_165] : memref<2x2048xi32, #tpu.memory_space<vmem>> -> memref<1x2048xi32, #tpu.memory_space<vmem>>
      %dma_wait3A_167 = tpu.memref_squeeze %dma_wait3A_166 : memref<1x2048xi32, #tpu.memory_space<vmem>> -> memref<2048xi32, #tpu.memory_space<vmem>>
      %dma_wait3A_168 = arith.constant 0 : i32
      %dma_wait3A_169 = tpu.memref_slice %arg4[%dma_wait3A_168] : memref<161792xi32, #tpu.memory_space<hbm>> -> memref<2048xi32, #tpu.memory_space<hbm>>
      tpu.wait_dma2 semaphore(%dma_wait3A_164 : memref<!tpu.dma_semaphore, #tpu.memory_space<semaphore_mem>>) src(%dma_wait3A_169 : memref<2048xi32, #tpu.memory_space<hbm>>) dst(%dma_wait3A_167 : memref<2048xi32, #tpu.memory_space<vmem>>)
      %dma_wait3A_170 = arith.constant 0 : i32
      %dma_wait3A_171 = tpu.memref_slice %arg10[%rem3A_157, %dma_wait3A_170] : memref<2x2048xi32, #tpu.memory_space<vmem>> -> memref<1x2048xi32, #tpu.memory_space<vmem>>
      %dma_wait3A_172 = tpu.memref_squeeze %dma_wait3A_171 : memref<1x2048xi32, #tpu.memory_space<vmem>> -> memref<2048xi32, #tpu.memory_space<vmem>>
      %dma_wait3A_173 = arith.constant 0 : i32
      %dma_wait3A_174 = tpu.memref_slice %arg5[%dma_wait3A_173] : memref<161792xi32, #tpu.memory_space<hbm>> -> memref<2048xi32, #tpu.memory_space<hbm>>
      %dma_wait3A_175 = tpu.memref_slice %arg13[%rem3A_157] : memref<2x!tpu.dma_semaphore, #tpu.memory_space<semaphore_mem>> -> memref<1x!tpu.dma_semaphore, #tpu.memory_space<semaphore_mem>>
      %dma_wait3A_176 = tpu.memref_squeeze %dma_wait3A_175 : memref<1x!tpu.dma_semaphore, #tpu.memory_space<semaphore_mem>> -> memref<!tpu.dma_semaphore, #tpu.memory_space<semaphore_mem>>
      %dma_wait3A_177 = arith.constant 0 : i32
      %dma_wait3A_178 = tpu.memref_slice %arg10[%rem3A_157, %dma_wait3A_177] : memref<2x2048xi32, #tpu.memory_space<vmem>> -> memref<1x2048xi32, #tpu.memory_space<vmem>>
      %dma_wait3A_179 = tpu.memref_squeeze %dma_wait3A_178 : memref<1x2048xi32, #tpu.memory_space<vmem>> -> memref<2048xi32, #tpu.memory_space<vmem>>
      %dma_wait3A_180 = arith.constant 0 : i32
      %dma_wait3A_181 = tpu.memref_slice %arg5[%dma_wait3A_180] : memref<161792xi32, #tpu.memory_space<hbm>> -> memref<2048xi32, #tpu.memory_space<hbm>>
      tpu.wait_dma2 semaphore(%dma_wait3A_176 : memref<!tpu.dma_semaphore, #tpu.memory_space<semaphore_mem>>) src(%dma_wait3A_181 : memref<2048xi32, #tpu.memory_space<hbm>>) dst(%dma_wait3A_179 : memref<2048xi32, #tpu.memory_space<vmem>>)
      %dma_wait3A_182 = arith.constant 0 : i32
      %dma_wait3A_183 = arith.constant 0 : i32
      %dma_wait3A_184 = tpu.memref_slice %arg11[%rem3A_157, %dma_wait3A_182, %dma_wait3A_183] : memref<2x4x2048xf32, #tpu.memory_space<vmem>> -> memref<1x4x2048xf32, #tpu.memory_space<vmem>>
      %dma_wait3A_185 = tpu.memref_squeeze %dma_wait3A_184 : memref<1x4x2048xf32, #tpu.memory_space<vmem>> -> memref<4x2048xf32, #tpu.memory_space<vmem>>
      %dma_wait3A_186 = arith.constant 0 : i32
      %dma_wait3A_187 = arith.constant 0 : i32
      %dma_wait3A_188 = tpu.memref_slice %arg3[%dma_wait3A_186, %dma_wait3A_187] : memref<16x161792xf32, #tpu.memory_space<hbm>> -> memref<4x2048xf32, #tpu.memory_space<hbm>>
      %dma_wait3A_189 = tpu.memref_slice %arg14[%rem3A_157] : memref<2x!tpu.dma_semaphore, #tpu.memory_space<semaphore_mem>> -> memref<1x!tpu.dma_semaphore, #tpu.memory_space<semaphore_mem>>
      %dma_wait3A_190 = tpu.memref_squeeze %dma_wait3A_189 : memref<1x!tpu.dma_semaphore, #tpu.memory_space<semaphore_mem>> -> memref<!tpu.dma_semaphore, #tpu.memory_space<semaphore_mem>>
      %dma_wait3A_191 = arith.constant 0 : i32
      %dma_wait3A_192 = arith.constant 0 : i32
      %dma_wait3A_193 = tpu.memref_slice %arg11[%rem3A_157, %dma_wait3A_191, %dma_wait3A_192] : memref<2x4x2048xf32, #tpu.memory_space<vmem>> -> memref<1x4x2048xf32, #tpu.memory_space<vmem>>
      %dma_wait3A_194 = tpu.memref_squeeze %dma_wait3A_193 : memref<1x4x2048xf32, #tpu.memory_space<vmem>> -> memref<4x2048xf32, #tpu.memory_space<vmem>>
      %dma_wait3A_195 = arith.constant 0 : i32
      %dma_wait3A_196 = arith.constant 0 : i32
      %dma_wait3A_197 = tpu.memref_slice %arg3[%dma_wait3A_195, %dma_wait3A_196] : memref<16x161792xf32, #tpu.memory_space<hbm>> -> memref<4x2048xf32, #tpu.memory_space<hbm>>
      tpu.wait_dma2 semaphore(%dma_wait3A_190 : memref<!tpu.dma_semaphore, #tpu.memory_space<semaphore_mem>>) src(%dma_wait3A_197 : memref<4x2048xf32, #tpu.memory_space<hbm>>) dst(%dma_wait3A_194 : memref<4x2048xf32, #tpu.memory_space<vmem>>)
      %add3A_198 = arith.constant 1 : i32
      %add3A_199 = arith.addi %scan3A_154, %add3A_198 : i32
      %lt3A = arith.constant 79 : i32
      %lt3A_200 = arith.cmpi slt, %add3A_199, %lt3A : i32
      %convert_element_type3A = arith.extui %lt3A_200 : i1 to i32
      %cond3A = arith.constant 0 : i32
      %cond3A_201 = arith.cmpi ne, %convert_element_type3A, %cond3A : i32
      scf.if %cond3A_201 {
        %add3A_206 = arith.constant 1 : i32
        %add3A_207 = arith.addi %scan3A_154, %add3A_206 : i32
        %sub3A = arith.constant 1 : i32
        %sub3A_208 = arith.subi %sub3A, %rem3A_157 : i32
        %mul3A_209 = arith.constant 2048 : i32
        %mul3A_210 = arith.muli %add3A_207, %mul3A_209 : i32
        %dma_start3A_211 = arith.constant 0 : i32
        %dma_start3A_212 = tpu.memref_slice %arg9[%sub3A_208, %dma_start3A_211] : memref<2x2048xi32, #tpu.memory_space<vmem>> -> memref<1x2048xi32, #tpu.memory_space<vmem>>
        %dma_start3A_213 = tpu.memref_squeeze %dma_start3A_212 : memref<1x2048xi32, #tpu.memory_space<vmem>> -> memref<2048xi32, #tpu.memory_space<vmem>>
        %dma_start3A_214 = tpu.memref_slice %arg4[%mul3A_210] : memref<161792xi32, #tpu.memory_space<hbm>> -> memref<2048xi32, #tpu.memory_space<hbm>>
        %dma_start3A_215 = tpu.memref_slice %arg12[%sub3A_208] : memref<2x!tpu.dma_semaphore, #tpu.memory_space<semaphore_mem>> -> memref<1x!tpu.dma_semaphore, #tpu.memory_space<semaphore_mem>>
        %dma_start3A_216 = tpu.memref_squeeze %dma_start3A_215 : memref<1x!tpu.dma_semaphore, #tpu.memory_space<semaphore_mem>> -> memref<!tpu.dma_semaphore, #tpu.memory_space<semaphore_mem>>
        %dma_start3A_217 = arith.constant 0 : i32
        %dma_start3A_218 = tpu.memref_slice %arg9[%sub3A_208, %dma_start3A_217] : memref<2x2048xi32, #tpu.memory_space<vmem>> -> memref<1x2048xi32, #tpu.memory_space<vmem>>
        %dma_start3A_219 = tpu.memref_squeeze %dma_start3A_218 : memref<1x2048xi32, #tpu.memory_space<vmem>> -> memref<2048xi32, #tpu.memory_space<vmem>>
        %dma_start3A_220 = tpu.memref_slice %arg4[%mul3A_210] : memref<161792xi32, #tpu.memory_space<hbm>> -> memref<2048xi32, #tpu.memory_space<hbm>>
        tpu.enqueue_dma source(%dma_start3A_220 : memref<2048xi32, #tpu.memory_space<hbm>>) target(%dma_start3A_219 : memref<2048xi32, #tpu.memory_space<vmem>>) target_semaphore(%dma_start3A_216 : memref<!tpu.dma_semaphore, #tpu.memory_space<semaphore_mem>>)
        %dma_start3A_221 = arith.constant 0 : i32
        %dma_start3A_222 = tpu.memref_slice %arg10[%sub3A_208, %dma_start3A_221] : memref<2x2048xi32, #tpu.memory_space<vmem>> -> memref<1x2048xi32, #tpu.memory_space<vmem>>
        %dma_start3A_223 = tpu.memref_squeeze %dma_start3A_222 : memref<1x2048xi32, #tpu.memory_space<vmem>> -> memref<2048xi32, #tpu.memory_space<vmem>>
        %dma_start3A_224 = tpu.memref_slice %arg5[%mul3A_210] : memref<161792xi32, #tpu.memory_space<hbm>> -> memref<2048xi32, #tpu.memory_space<hbm>>
        %dma_start3A_225 = tpu.memref_slice %arg13[%sub3A_208] : memref<2x!tpu.dma_semaphore, #tpu.memory_space<semaphore_mem>> -> memref<1x!tpu.dma_semaphore, #tpu.memory_space<semaphore_mem>>
        %dma_start3A_226 = tpu.memref_squeeze %dma_start3A_225 : memref<1x!tpu.dma_semaphore, #tpu.memory_space<semaphore_mem>> -> memref<!tpu.dma_semaphore, #tpu.memory_space<semaphore_mem>>
        %dma_start3A_227 = arith.constant 0 : i32
        %dma_start3A_228 = tpu.memref_slice %arg10[%sub3A_208, %dma_start3A_227] : memref<2x2048xi32, #tpu.memory_space<vmem>> -> memref<1x2048xi32, #tpu.memory_space<vmem>>
        %dma_start3A_229 = tpu.memref_squeeze %dma_start3A_228 : memref<1x2048xi32, #tpu.memory_space<vmem>> -> memref<2048xi32, #tpu.memory_space<vmem>>
        %dma_start3A_230 = tpu.memref_slice %arg5[%mul3A_210] : memref<161792xi32, #tpu.memory_space<hbm>> -> memref<2048xi32, #tpu.memory_space<hbm>>
        tpu.enqueue_dma source(%dma_start3A_230 : memref<2048xi32, #tpu.memory_space<hbm>>) target(%dma_start3A_229 : memref<2048xi32, #tpu.memory_space<vmem>>) target_semaphore(%dma_start3A_226 : memref<!tpu.dma_semaphore, #tpu.memory_space<semaphore_mem>>)
        %dma_start3A_231 = arith.constant 0 : i32
        %dma_start3A_232 = arith.constant 0 : i32
        %dma_start3A_233 = tpu.memref_slice %arg11[%sub3A_208, %dma_start3A_231, %dma_start3A_232] : memref<2x4x2048xf32, #tpu.memory_space<vmem>> -> memref<1x4x2048xf32, #tpu.memory_space<vmem>>
        %dma_start3A_234 = tpu.memref_squeeze %dma_start3A_233 : memref<1x4x2048xf32, #tpu.memory_space<vmem>> -> memref<4x2048xf32, #tpu.memory_space<vmem>>
        %dma_start3A_235 = tpu.memref_slice %arg3[%mul3A_4, %mul3A_210] : memref<16x161792xf32, #tpu.memory_space<hbm>> -> memref<4x2048xf32, #tpu.memory_space<hbm>>
        %dma_start3A_236 = tpu.memref_slice %arg14[%sub3A_208] : memref<2x!tpu.dma_semaphore, #tpu.memory_space<semaphore_mem>> -> memref<1x!tpu.dma_semaphore, #tpu.memory_space<semaphore_mem>>
        %dma_start3A_237 = tpu.memref_squeeze %dma_start3A_236 : memref<1x!tpu.dma_semaphore, #tpu.memory_space<semaphore_mem>> -> memref<!tpu.dma_semaphore, #tpu.memory_space<semaphore_mem>>
        %dma_start3A_238 = arith.constant 0 : i32
        %dma_start3A_239 = arith.constant 0 : i32
        %dma_start3A_240 = tpu.memref_slice %arg11[%sub3A_208, %dma_start3A_238, %dma_start3A_239] : memref<2x4x2048xf32, #tpu.memory_space<vmem>> -> memref<1x4x2048xf32, #tpu.memory_space<vmem>>
        %dma_start3A_241 = tpu.memref_squeeze %dma_start3A_240 : memref<1x4x2048xf32, #tpu.memory_space<vmem>> -> memref<4x2048xf32, #tpu.memory_space<vmem>>
        %dma_start3A_242 = tpu.memref_slice %arg3[%mul3A_4, %mul3A_210] : memref<16x161792xf32, #tpu.memory_space<hbm>> -> memref<4x2048xf32, #tpu.memory_space<hbm>>
        tpu.enqueue_dma source(%dma_start3A_242 : memref<4x2048xf32, #tpu.memory_space<hbm>>) target(%dma_start3A_241 : memref<4x2048xf32, #tpu.memory_space<vmem>>) target_semaphore(%dma_start3A_237 : memref<!tpu.dma_semaphore, #tpu.memory_space<semaphore_mem>>)
      } else {
      }
      %parallel_loop3A_202 = arith.constant 0 : i32
      %parallel_loop3A_203 = arith.constant 128 : i32
      %parallel_loop3A_204 = arith.constant 1 : i32
      scf.for %parallel_loop3A_206 = %parallel_loop3A_202 to %parallel_loop3A_203 step %parallel_loop3A_204  : i32 {
        %parallel_loop3A_207 = arith.constant 16 : i32
        %parallel_loop3A_208 = arith.muli %parallel_loop3A_206, %parallel_loop3A_207 : i32
        %parallel_loop3A_209 = arith.index_cast %rem3A_157 : i32 to index
        %parallel_loop3A_210 = arith.index_cast %parallel_loop3A_208 : i32 to index
        %parallel_loop3A_211 = tpu.vector_load %arg9[%parallel_loop3A_209, %parallel_loop3A_210] {strides = array<i32>} : memref<2x2048xi32, #tpu.memory_space<vmem>>, vector<16xi32>,
        %parallel_loop3A_212 = arith.index_cast %rem3A_157 : i32 to index
        %parallel_loop3A_213 = arith.index_cast %parallel_loop3A_208 : i32 to index
        %parallel_loop3A_214 = tpu.vector_load %arg10[%parallel_loop3A_212, %parallel_loop3A_213] {strides = array<i32>} : memref<2x2048xi32, #tpu.memory_space<vmem>>, vector<16xi32>,
        %parallel_loop3A_215 = arith.constant 0 : i32
        %parallel_loop3A_216 = arith.index_cast %rem3A_157 : i32 to index
        %parallel_loop3A_217 = arith.index_cast %parallel_loop3A_215 : i32 to index
        %parallel_loop3A_218 = arith.index_cast %parallel_loop3A_208 : i32 to index
        %parallel_loop3A_219 = tpu.vector_load %arg11[%parallel_loop3A_216, %parallel_loop3A_217, %parallel_loop3A_218] {strides = array<i32>} : memref<2x4x2048xf32, #tpu.memory_space<vmem>>, vector<16xf32>,
        %parallel_loop3A_220 = arith.constant 1 : i32
        %parallel_loop3A_221 = arith.index_cast %rem3A_157 : i32 to index
        %parallel_loop3A_222 = arith.index_cast %parallel_loop3A_220 : i32 to index
        %parallel_loop3A_223 = arith.index_cast %parallel_loop3A_208 : i32 to index
        %parallel_loop3A_224 = tpu.vector_load %arg11[%parallel_loop3A_221, %parallel_loop3A_222, %parallel_loop3A_223] {strides = array<i32>} : memref<2x4x2048xf32, #tpu.memory_space<vmem>>, vector<16xf32>,
        %parallel_loop3A_225 = arith.constant 2 : i32
        %parallel_loop3A_226 = arith.index_cast %rem3A_157 : i32 to index
        %parallel_loop3A_227 = arith.index_cast %parallel_loop3A_225 : i32 to index
        %parallel_loop3A_228 = arith.index_cast %parallel_loop3A_208 : i32 to index
        %parallel_loop3A_229 = tpu.vector_load %arg11[%parallel_loop3A_226, %parallel_loop3A_227, %parallel_loop3A_228] {strides = array<i32>} : memref<2x4x2048xf32, #tpu.memory_space<vmem>>, vector<16xf32>,
        %parallel_loop3A_230 = arith.constant 3 : i32
        %parallel_loop3A_231 = arith.index_cast %rem3A_157 : i32 to index
        %parallel_loop3A_232 = arith.index_cast %parallel_loop3A_230 : i32 to index
        %parallel_loop3A_233 = arith.index_cast %parallel_loop3A_208 : i32 to index
        %parallel_loop3A_234 = tpu.vector_load %arg11[%parallel_loop3A_231, %parallel_loop3A_232, %parallel_loop3A_233] {strides = array<i32>} : memref<2x4x2048xf32, #tpu.memory_space<vmem>>, vector<16xf32>,
        %parallel_loop3A_235 = arith.constant 0 : i32
        %parallel_loop3A_236 = vector.broadcast %parallel_loop3A_235 : i32 to vector<16xi32>
        %parallel_loop3A_237 = tpu.vector_load_idx %arg7[%parallel_loop3A_236, %parallel_loop3A_211] : memref<2x10112xf32, #tpu.memory_space<vmem>>[vector<16xi32>, vector<16xi32>], vector<16xf32>,
        %parallel_loop3A_238 = arith.constant 0 : i32
        %parallel_loop3A_239 = vector.broadcast %parallel_loop3A_238 : i32 to vector<16xi32>
        %parallel_loop3A_240 = arith.addi %parallel_loop3A_214, %parallel_loop3A_239 : vector<16xi32>
        %parallel_loop3A_241 = arith.mulf %parallel_loop3A_237, %parallel_loop3A_219 : vector<16xf32>
        tpu.vector_store_idx %arg8[%parallel_loop3A_240], %parallel_loop3A_241 {add = true} : memref<80896xf32, #tpu.memory_space<vmem>>[vector<16xi32>], vector<16xf32>,
        %parallel_loop3A_242 = arith.constant 10112 : i32
        %parallel_loop3A_243 = vector.broadcast %parallel_loop3A_242 : i32 to vector<16xi32>
        %parallel_loop3A_244 = arith.addi %parallel_loop3A_214, %parallel_loop3A_243 : vector<16xi32>
        %parallel_loop3A_245 = arith.mulf %parallel_loop3A_237, %parallel_loop3A_224 : vector<16xf32>
        tpu.vector_store_idx %arg8[%parallel_loop3A_244], %parallel_loop3A_245 {add = true} : memref<80896xf32, #tpu.memory_space<vmem>>[vector<16xi32>], vector<16xf32>,
        %parallel_loop3A_246 = arith.constant 20224 : i32
        %parallel_loop3A_247 = vector.broadcast %parallel_loop3A_246 : i32 to vector<16xi32>
        %parallel_loop3A_248 = arith.addi %parallel_loop3A_214, %parallel_loop3A_247 : vector<16xi32>
        %parallel_loop3A_249 = arith.mulf %parallel_loop3A_237, %parallel_loop3A_229 : vector<16xf32>
        tpu.vector_store_idx %arg8[%parallel_loop3A_248], %parallel_loop3A_249 {add = true} : memref<80896xf32, #tpu.memory_space<vmem>>[vector<16xi32>], vector<16xf32>,
        %parallel_loop3A_250 = arith.constant 30336 : i32
        %parallel_loop3A_251 = vector.broadcast %parallel_loop3A_250 : i32 to vector<16xi32>
        %parallel_loop3A_252 = arith.addi %parallel_loop3A_214, %parallel_loop3A_251 : vector<16xi32>
        %parallel_loop3A_253 = arith.mulf %parallel_loop3A_237, %parallel_loop3A_234 : vector<16xf32>
        tpu.vector_store_idx %arg8[%parallel_loop3A_252], %parallel_loop3A_253 {add = true} : memref<80896xf32, #tpu.memory_space<vmem>>[vector<16xi32>], vector<16xf32>,
        %parallel_loop3A_254 = arith.constant 1 : i32
        %parallel_loop3A_255 = vector.broadcast %parallel_loop3A_254 : i32 to vector<16xi32>
        %parallel_loop3A_256 = tpu.vector_load_idx %arg7[%parallel_loop3A_255, %parallel_loop3A_211] : memref<2x10112xf32, #tpu.memory_space<vmem>>[vector<16xi32>, vector<16xi32>], vector<16xf32>,
        %parallel_loop3A_257 = arith.constant 40448 : i32
        %parallel_loop3A_258 = vector.broadcast %parallel_loop3A_257 : i32 to vector<16xi32>
        %parallel_loop3A_259 = arith.addi %parallel_loop3A_214, %parallel_loop3A_258 : vector<16xi32>
        %parallel_loop3A_260 = arith.mulf %parallel_loop3A_256, %parallel_loop3A_219 : vector<16xf32>
        tpu.vector_store_idx %arg8[%parallel_loop3A_259], %parallel_loop3A_260 {add = true} : memref<80896xf32, #tpu.memory_space<vmem>>[vector<16xi32>], vector<16xf32>,
        %parallel_loop3A_261 = arith.constant 50560 : i32
        %parallel_loop3A_262 = vector.broadcast %parallel_loop3A_261 : i32 to vector<16xi32>
        %parallel_loop3A_263 = arith.addi %parallel_loop3A_214, %parallel_loop3A_262 : vector<16xi32>
        %parallel_loop3A_264 = arith.mulf %parallel_loop3A_256, %parallel_loop3A_224 : vector<16xf32>
        tpu.vector_store_idx %arg8[%parallel_loop3A_263], %parallel_loop3A_264 {add = true} : memref<80896xf32, #tpu.memory_space<vmem>>[vector<16xi32>], vector<16xf32>,
        %parallel_loop3A_265 = arith.constant 60672 : i32
        %parallel_loop3A_266 = vector.broadcast %parallel_loop3A_265 : i32 to vector<16xi32>
        %parallel_loop3A_267 = arith.addi %parallel_loop3A_214, %parallel_loop3A_266 : vector<16xi32>
        %parallel_loop3A_268 = arith.mulf %parallel_loop3A_256, %parallel_loop3A_229 : vector<16xf32>
        tpu.vector_store_idx %arg8[%parallel_loop3A_267], %parallel_loop3A_268 {add = true} : memref<80896xf32, #tpu.memory_space<vmem>>[vector<16xi32>], vector<16xf32>,
        %parallel_loop3A_269 = arith.constant 70784 : i32
        %parallel_loop3A_270 = vector.broadcast %parallel_loop3A_269 : i32 to vector<16xi32>
        %parallel_loop3A_271 = arith.addi %parallel_loop3A_214, %parallel_loop3A_270 : vector<16xi32>
        %parallel_loop3A_272 = arith.mulf %parallel_loop3A_256, %parallel_loop3A_234 : vector<16xf32>
        tpu.vector_store_idx %arg8[%parallel_loop3A_271], %parallel_loop3A_272 {add = true} : memref<80896xf32, #tpu.memory_space<vmem>>[vector<16xi32>], vector<16xf32>,
      } {sc.loop_unroll_factor = 4 : i64, sc.parallel_access}
      %scan3A_205 = arith.constant 0 : i32
      scf.yield %scan3A_205 : i32
    }
    %scan3A_65 = arith.constant 79 : i32
    %mul3A_66 = arith.constant 2 : i32
    %mul3A_67 = arith.muli %rem3A_0, %mul3A_66 : i32
    %add3A_68 = arith.constant 0 : i32
    %add3A_69 = arith.addi %mul3A_67, %add3A_68 : i32
    %mul3A_70 = arith.constant 16 : i32
    %mul3A_71 = arith.muli %add3A_69, %mul3A_70 : i32
    %add3A_72 = arith.addi %mul3A_71, %mul3A_4 : i32
    %add3A_73 = arith.constant 0 : i32
    %add3A_74 = arith.addi %add3A_72, %add3A_73 : i32
    %mul3A_75 = arith.constant 10112 : i32
    %mul3A_76 = arith.muli %add3A_74, %mul3A_75 : i32
    "tpu.region"() ({
      %run_scoped3A = tpu.sem_alloc : memref<!tpu.dma_semaphore, #tpu.memory_space<semaphore_mem>>
      %dma_start3A_154 = arith.constant 0 : i32
      %dma_start3A_155 = tpu.memref_slice %arg8[%dma_start3A_154] : memref<80896xf32, #tpu.memory_space<vmem>> -> memref<10112xf32, #tpu.memory_space<vmem>>
      %dma_start3A_156 = tpu.memref_slice %arg6[%mul3A_76] : memref<2588672xf32, #tpu.memory_space<hbm>> -> memref<10112xf32, #tpu.memory_space<hbm>>
      %dma_start3A_157 = tpu.memref_slice %arg6[%mul3A_76] : memref<2588672xf32, #tpu.memory_space<hbm>> -> memref<10112xf32, #tpu.memory_space<hbm>>
      %dma_start3A_158 = arith.constant 0 : i32
      %dma_start3A_159 = tpu.memref_slice %arg8[%dma_start3A_158] : memref<80896xf32, #tpu.memory_space<vmem>> -> memref<10112xf32, #tpu.memory_space<vmem>>
      tpu.enqueue_dma source(%dma_start3A_159 : memref<10112xf32, #tpu.memory_space<vmem>>) target(%dma_start3A_157 : memref<10112xf32, #tpu.memory_space<hbm>>) target_semaphore(%run_scoped3A : memref<!tpu.dma_semaphore, #tpu.memory_space<semaphore_mem>>)
      %dma_wait3A_160 = arith.constant 0 : i32
      %dma_wait3A_161 = tpu.memref_slice %arg8[%dma_wait3A_160] : memref<80896xf32, #tpu.memory_space<vmem>> -> memref<10112xf32, #tpu.memory_space<vmem>>
      %dma_wait3A_162 = tpu.memref_slice %arg6[%mul3A_76] : memref<2588672xf32, #tpu.memory_space<hbm>> -> memref<10112xf32, #tpu.memory_space<hbm>>
      %dma_wait3A_163 = tpu.memref_slice %arg6[%mul3A_76] : memref<2588672xf32, #tpu.memory_space<hbm>> -> memref<10112xf32, #tpu.memory_space<hbm>>
      %dma_wait3A_164 = arith.constant 0 : i32
      %dma_wait3A_165 = tpu.memref_slice %arg8[%dma_wait3A_164] : memref<80896xf32, #tpu.memory_space<vmem>> -> memref<10112xf32, #tpu.memory_space<vmem>>
      tpu.wait_dma2 semaphore(%run_scoped3A : memref<!tpu.dma_semaphore, #tpu.memory_space<semaphore_mem>>) src(%dma_wait3A_165 : memref<10112xf32, #tpu.memory_space<vmem>>) dst(%dma_wait3A_163 : memref<10112xf32, #tpu.memory_space<hbm>>)
      tpu.yield
    }) : () -> ()
    %mul3A_77 = arith.constant 2 : i32
    %mul3A_78 = arith.muli %rem3A_0, %mul3A_77 : i32
    %add3A_79 = arith.constant 0 : i32
    %add3A_80 = arith.addi %mul3A_78, %add3A_79 : i32
    %mul3A_81 = arith.constant 16 : i32
    %mul3A_82 = arith.muli %add3A_80, %mul3A_81 : i32
    %add3A_83 = arith.addi %mul3A_82, %mul3A_4 : i32
    %add3A_84 = arith.constant 1 : i32
    %add3A_85 = arith.addi %add3A_83, %add3A_84 : i32
    %mul3A_86 = arith.constant 10112 : i32
    %mul3A_87 = arith.muli %add3A_85, %mul3A_86 : i32
    "tpu.region"() ({
      %run_scoped3A = tpu.sem_alloc : memref<!tpu.dma_semaphore, #tpu.memory_space<semaphore_mem>>
      %dma_start3A_154 = arith.constant 10112 : i32
      %dma_start3A_155 = tpu.memref_slice %arg8[%dma_start3A_154] : memref<80896xf32, #tpu.memory_space<vmem>> -> memref<10112xf32, #tpu.memory_space<vmem>>
      %dma_start3A_156 = tpu.memref_slice %arg6[%mul3A_87] : memref<2588672xf32, #tpu.memory_space<hbm>> -> memref<10112xf32, #tpu.memory_space<hbm>>
      %dma_start3A_157 = tpu.memref_slice %arg6[%mul3A_87] : memref<2588672xf32, #tpu.memory_space<hbm>> -> memref<10112xf32, #tpu.memory_space<hbm>>
      %dma_start3A_158 = arith.constant 10112 : i32
      %dma_start3A_159 = tpu.memref_slice %arg8[%dma_start3A_158] : memref<80896xf32, #tpu.memory_space<vmem>> -> memref<10112xf32, #tpu.memory_space<vmem>>
      tpu.enqueue_dma source(%dma_start3A_159 : memref<10112xf32, #tpu.memory_space<vmem>>) target(%dma_start3A_157 : memref<10112xf32, #tpu.memory_space<hbm>>) target_semaphore(%run_scoped3A : memref<!tpu.dma_semaphore, #tpu.memory_space<semaphore_mem>>)
      %dma_wait3A_160 = arith.constant 10112 : i32
      %dma_wait3A_161 = tpu.memref_slice %arg8[%dma_wait3A_160] : memref<80896xf32, #tpu.memory_space<vmem>> -> memref<10112xf32, #tpu.memory_space<vmem>>
      %dma_wait3A_162 = tpu.memref_slice %arg6[%mul3A_87] : memref<2588672xf32, #tpu.memory_space<hbm>> -> memref<10112xf32, #tpu.memory_space<hbm>>
      %dma_wait3A_163 = tpu.memref_slice %arg6[%mul3A_87] : memref<2588672xf32, #tpu.memory_space<hbm>> -> memref<10112xf32, #tpu.memory_space<hbm>>
      %dma_wait3A_164 = arith.constant 10112 : i32
      %dma_wait3A_165 = tpu.memref_slice %arg8[%dma_wait3A_164] : memref<80896xf32, #tpu.memory_space<vmem>> -> memref<10112xf32, #tpu.memory_space<vmem>>
      tpu.wait_dma2 semaphore(%run_scoped3A : memref<!tpu.dma_semaphore, #tpu.memory_space<semaphore_mem>>) src(%dma_wait3A_165 : memref<10112xf32, #tpu.memory_space<vmem>>) dst(%dma_wait3A_163 : memref<10112xf32, #tpu.memory_space<hbm>>)
      tpu.yield
    }) : () -> ()
    %mul3A_88 = arith.constant 2 : i32
    %mul3A_89 = arith.muli %rem3A_0, %mul3A_88 : i32
    %add3A_90 = arith.constant 0 : i32
    %add3A_91 = arith.addi %mul3A_89, %add3A_90 : i32
    %mul3A_92 = arith.constant 16 : i32
    %mul3A_93 = arith.muli %add3A_91, %mul3A_92 : i32
    %add3A_94 = arith.addi %mul3A_93, %mul3A_4 : i32
    %add3A_95 = arith.constant 2 : i32
    %add3A_96 = arith.addi %add3A_94, %add3A_95 : i32
    %mul3A_97 = arith.constant 10112 : i32
    %mul3A_98 = arith.muli %add3A_96, %mul3A_97 : i32
    "tpu.region"() ({
      %run_scoped3A = tpu.sem_alloc : memref<!tpu.dma_semaphore, #tpu.memory_space<semaphore_mem>>
      %dma_start3A_154 = arith.constant 20224 : i32
      %dma_start3A_155 = tpu.memref_slice %arg8[%dma_start3A_154] : memref<80896xf32, #tpu.memory_space<vmem>> -> memref<10112xf32, #tpu.memory_space<vmem>>
      %dma_start3A_156 = tpu.memref_slice %arg6[%mul3A_98] : memref<2588672xf32, #tpu.memory_space<hbm>> -> memref<10112xf32, #tpu.memory_space<hbm>>
      %dma_start3A_157 = tpu.memref_slice %arg6[%mul3A_98] : memref<2588672xf32, #tpu.memory_space<hbm>> -> memref<10112xf32, #tpu.memory_space<hbm>>
      %dma_start3A_158 = arith.constant 20224 : i32
      %dma_start3A_159 = tpu.memref_slice %arg8[%dma_start3A_158] : memref<80896xf32, #tpu.memory_space<vmem>> -> memref<10112xf32, #tpu.memory_space<vmem>>
      tpu.enqueue_dma source(%dma_start3A_159 : memref<10112xf32, #tpu.memory_space<vmem>>) target(%dma_start3A_157 : memref<10112xf32, #tpu.memory_space<hbm>>) target_semaphore(%run_scoped3A : memref<!tpu.dma_semaphore, #tpu.memory_space<semaphore_mem>>)
      %dma_wait3A_160 = arith.constant 20224 : i32
      %dma_wait3A_161 = tpu.memref_slice %arg8[%dma_wait3A_160] : memref<80896xf32, #tpu.memory_space<vmem>> -> memref<10112xf32, #tpu.memory_space<vmem>>
      %dma_wait3A_162 = tpu.memref_slice %arg6[%mul3A_98] : memref<2588672xf32, #tpu.memory_space<hbm>> -> memref<10112xf32, #tpu.memory_space<hbm>>
      %dma_wait3A_163 = tpu.memref_slice %arg6[%mul3A_98] : memref<2588672xf32, #tpu.memory_space<hbm>> -> memref<10112xf32, #tpu.memory_space<hbm>>
      %dma_wait3A_164 = arith.constant 20224 : i32
      %dma_wait3A_165 = tpu.memref_slice %arg8[%dma_wait3A_164] : memref<80896xf32, #tpu.memory_space<vmem>> -> memref<10112xf32, #tpu.memory_space<vmem>>
      tpu.wait_dma2 semaphore(%run_scoped3A : memref<!tpu.dma_semaphore, #tpu.memory_space<semaphore_mem>>) src(%dma_wait3A_165 : memref<10112xf32, #tpu.memory_space<vmem>>) dst(%dma_wait3A_163 : memref<10112xf32, #tpu.memory_space<hbm>>)
      tpu.yield
    }) : () -> ()
    %mul3A_99 = arith.constant 2 : i32
    %mul3A_100 = arith.muli %rem3A_0, %mul3A_99 : i32
    %add3A_101 = arith.constant 0 : i32
    %add3A_102 = arith.addi %mul3A_100, %add3A_101 : i32
    %mul3A_103 = arith.constant 16 : i32
    %mul3A_104 = arith.muli %add3A_102, %mul3A_103 : i32
    %add3A_105 = arith.addi %mul3A_104, %mul3A_4 : i32
    %add3A_106 = arith.constant 3 : i32
    %add3A_107 = arith.addi %add3A_105, %add3A_106 : i32
    %mul3A_108 = arith.constant 10112 : i32
    %mul3A_109 = arith.muli %add3A_107, %mul3A_108 : i32
    "tpu.region"() ({
      %run_scoped3A = tpu.sem_alloc : memref<!tpu.dma_semaphore, #tpu.memory_space<semaphore_mem>>
      %dma_start3A_154 = arith.constant 30336 : i32
      %dma_start3A_155 = tpu.memref_slice %arg8[%dma_start3A_154] : memref<80896xf32, #tpu.memory_space<vmem>> -> memref<10112xf32, #tpu.memory_space<vmem>>
      %dma_start3A_156 = tpu.memref_slice %arg6[%mul3A_109] : memref<2588672xf32, #tpu.memory_space<hbm>> -> memref<10112xf32, #tpu.memory_space<hbm>>
      %dma_start3A_157 = tpu.memref_slice %arg6[%mul3A_109] : memref<2588672xf32, #tpu.memory_space<hbm>> -> memref<10112xf32, #tpu.memory_space<hbm>>
      %dma_start3A_158 = arith.constant 30336 : i32
      %dma_start3A_159 = tpu.memref_slice %arg8[%dma_start3A_158] : memref<80896xf32, #tpu.memory_space<vmem>> -> memref<10112xf32, #tpu.memory_space<vmem>>
      tpu.enqueue_dma source(%dma_start3A_159 : memref<10112xf32, #tpu.memory_space<vmem>>) target(%dma_start3A_157 : memref<10112xf32, #tpu.memory_space<hbm>>) target_semaphore(%run_scoped3A : memref<!tpu.dma_semaphore, #tpu.memory_space<semaphore_mem>>)
      %dma_wait3A_160 = arith.constant 30336 : i32
      %dma_wait3A_161 = tpu.memref_slice %arg8[%dma_wait3A_160] : memref<80896xf32, #tpu.memory_space<vmem>> -> memref<10112xf32, #tpu.memory_space<vmem>>
      %dma_wait3A_162 = tpu.memref_slice %arg6[%mul3A_109] : memref<2588672xf32, #tpu.memory_space<hbm>> -> memref<10112xf32, #tpu.memory_space<hbm>>
      %dma_wait3A_163 = tpu.memref_slice %arg6[%mul3A_109] : memref<2588672xf32, #tpu.memory_space<hbm>> -> memref<10112xf32, #tpu.memory_space<hbm>>
      %dma_wait3A_164 = arith.constant 30336 : i32
      %dma_wait3A_165 = tpu.memref_slice %arg8[%dma_wait3A_164] : memref<80896xf32, #tpu.memory_space<vmem>> -> memref<10112xf32, #tpu.memory_space<vmem>>
      tpu.wait_dma2 semaphore(%run_scoped3A : memref<!tpu.dma_semaphore, #tpu.memory_space<semaphore_mem>>) src(%dma_wait3A_165 : memref<10112xf32, #tpu.memory_space<vmem>>) dst(%dma_wait3A_163 : memref<10112xf32, #tpu.memory_space<hbm>>)
      tpu.yield
    }) : () -> ()
    %mul3A_110 = arith.constant 2 : i32
    %mul3A_111 = arith.muli %rem3A_0, %mul3A_110 : i32
    %add3A_112 = arith.constant 1 : i32
    %add3A_113 = arith.addi %mul3A_111, %add3A_112 : i32
    %mul3A_114 = arith.constant 16 : i32
    %mul3A_115 = arith.muli %add3A_113, %mul3A_114 : i32
    %add3A_116 = arith.addi %mul3A_115, %mul3A_4 : i32
    %add3A_117 = arith.constant 0 : i32
    %add3A_118 = arith.addi %add3A_116, %add3A_117 : i32
    %mul3A_119 = arith.constant 10112 : i32
    %mul3A_120 = arith.muli %add3A_118, %mul3A_119 : i32
    "tpu.region"() ({
      %run_scoped3A = tpu.sem_alloc : memref<!tpu.dma_semaphore, #tpu.memory_space<semaphore_mem>>
      %dma_start3A_154 = arith.constant 40448 : i32
      %dma_start3A_155 = tpu.memref_slice %arg8[%dma_start3A_154] : memref<80896xf32, #tpu.memory_space<vmem>> -> memref<10112xf32, #tpu.memory_space<vmem>>
      %dma_start3A_156 = tpu.memref_slice %arg6[%mul3A_120] : memref<2588672xf32, #tpu.memory_space<hbm>> -> memref<10112xf32, #tpu.memory_space<hbm>>
      %dma_start3A_157 = tpu.memref_slice %arg6[%mul3A_120] : memref<2588672xf32, #tpu.memory_space<hbm>> -> memref<10112xf32, #tpu.memory_space<hbm>>
      %dma_start3A_158 = arith.constant 40448 : i32
      %dma_start3A_159 = tpu.memref_slice %arg8[%dma_start3A_158] : memref<80896xf32, #tpu.memory_space<vmem>> -> memref<10112xf32, #tpu.memory_space<vmem>>
      tpu.enqueue_dma source(%dma_start3A_159 : memref<10112xf32, #tpu.memory_space<vmem>>) target(%dma_start3A_157 : memref<10112xf32, #tpu.memory_space<hbm>>) target_semaphore(%run_scoped3A : memref<!tpu.dma_semaphore, #tpu.memory_space<semaphore_mem>>)
      %dma_wait3A_160 = arith.constant 40448 : i32
      %dma_wait3A_161 = tpu.memref_slice %arg8[%dma_wait3A_160] : memref<80896xf32, #tpu.memory_space<vmem>> -> memref<10112xf32, #tpu.memory_space<vmem>>
      %dma_wait3A_162 = tpu.memref_slice %arg6[%mul3A_120] : memref<2588672xf32, #tpu.memory_space<hbm>> -> memref<10112xf32, #tpu.memory_space<hbm>>
      %dma_wait3A_163 = tpu.memref_slice %arg6[%mul3A_120] : memref<2588672xf32, #tpu.memory_space<hbm>> -> memref<10112xf32, #tpu.memory_space<hbm>>
      %dma_wait3A_164 = arith.constant 40448 : i32
      %dma_wait3A_165 = tpu.memref_slice %arg8[%dma_wait3A_164] : memref<80896xf32, #tpu.memory_space<vmem>> -> memref<10112xf32, #tpu.memory_space<vmem>>
      tpu.wait_dma2 semaphore(%run_scoped3A : memref<!tpu.dma_semaphore, #tpu.memory_space<semaphore_mem>>) src(%dma_wait3A_165 : memref<10112xf32, #tpu.memory_space<vmem>>) dst(%dma_wait3A_163 : memref<10112xf32, #tpu.memory_space<hbm>>)
      tpu.yield
    }) : () -> ()
    %mul3A_121 = arith.constant 2 : i32
    %mul3A_122 = arith.muli %rem3A_0, %mul3A_121 : i32
    %add3A_123 = arith.constant 1 : i32
    %add3A_124 = arith.addi %mul3A_122, %add3A_123 : i32
    %mul3A_125 = arith.constant 16 : i32
    %mul3A_126 = arith.muli %add3A_124, %mul3A_125 : i32
    %add3A_127 = arith.addi %mul3A_126, %mul3A_4 : i32
    %add3A_128 = arith.constant 1 : i32
    %add3A_129 = arith.addi %add3A_127, %add3A_128 : i32
    %mul3A_130 = arith.constant 10112 : i32
    %mul3A_131 = arith.muli %add3A_129, %mul3A_130 : i32
    "tpu.region"() ({
      %run_scoped3A = tpu.sem_alloc : memref<!tpu.dma_semaphore, #tpu.memory_space<semaphore_mem>>
      %dma_start3A_154 = arith.constant 50560 : i32
      %dma_start3A_155 = tpu.memref_slice %arg8[%dma_start3A_154] : memref<80896xf32, #tpu.memory_space<vmem>> -> memref<10112xf32, #tpu.memory_space<vmem>>
      %dma_start3A_156 = tpu.memref_slice %arg6[%mul3A_131] : memref<2588672xf32, #tpu.memory_space<hbm>> -> memref<10112xf32, #tpu.memory_space<hbm>>
      %dma_start3A_157 = tpu.memref_slice %arg6[%mul3A_131] : memref<2588672xf32, #tpu.memory_space<hbm>> -> memref<10112xf32, #tpu.memory_space<hbm>>
      %dma_start3A_158 = arith.constant 50560 : i32
      %dma_start3A_159 = tpu.memref_slice %arg8[%dma_start3A_158] : memref<80896xf32, #tpu.memory_space<vmem>> -> memref<10112xf32, #tpu.memory_space<vmem>>
      tpu.enqueue_dma source(%dma_start3A_159 : memref<10112xf32, #tpu.memory_space<vmem>>) target(%dma_start3A_157 : memref<10112xf32, #tpu.memory_space<hbm>>) target_semaphore(%run_scoped3A : memref<!tpu.dma_semaphore, #tpu.memory_space<semaphore_mem>>)
      %dma_wait3A_160 = arith.constant 50560 : i32
      %dma_wait3A_161 = tpu.memref_slice %arg8[%dma_wait3A_160] : memref<80896xf32, #tpu.memory_space<vmem>> -> memref<10112xf32, #tpu.memory_space<vmem>>
      %dma_wait3A_162 = tpu.memref_slice %arg6[%mul3A_131] : memref<2588672xf32, #tpu.memory_space<hbm>> -> memref<10112xf32, #tpu.memory_space<hbm>>
      %dma_wait3A_163 = tpu.memref_slice %arg6[%mul3A_131] : memref<2588672xf32, #tpu.memory_space<hbm>> -> memref<10112xf32, #tpu.memory_space<hbm>>
      %dma_wait3A_164 = arith.constant 50560 : i32
      %dma_wait3A_165 = tpu.memref_slice %arg8[%dma_wait3A_164] : memref<80896xf32, #tpu.memory_space<vmem>> -> memref<10112xf32, #tpu.memory_space<vmem>>
      tpu.wait_dma2 semaphore(%run_scoped3A : memref<!tpu.dma_semaphore, #tpu.memory_space<semaphore_mem>>) src(%dma_wait3A_165 : memref<10112xf32, #tpu.memory_space<vmem>>) dst(%dma_wait3A_163 : memref<10112xf32, #tpu.memory_space<hbm>>)
      tpu.yield
    }) : () -> ()
    %mul3A_132 = arith.constant 2 : i32
    %mul3A_133 = arith.muli %rem3A_0, %mul3A_132 : i32
    %add3A_134 = arith.constant 1 : i32
    %add3A_135 = arith.addi %mul3A_133, %add3A_134 : i32
    %mul3A_136 = arith.constant 16 : i32
    %mul3A_137 = arith.muli %add3A_135, %mul3A_136 : i32
    %add3A_138 = arith.addi %mul3A_137, %mul3A_4 : i32
    %add3A_139 = arith.constant 2 : i32
    %add3A_140 = arith.addi %add3A_138, %add3A_139 : i32
    %mul3A_141 = arith.constant 10112 : i32
    %mul3A_142 = arith.muli %add3A_140, %mul3A_141 : i32
    "tpu.region"() ({
      %run_scoped3A = tpu.sem_alloc : memref<!tpu.dma_semaphore, #tpu.memory_space<semaphore_mem>>
      %dma_start3A_154 = arith.constant 60672 : i32
      %dma_start3A_155 = tpu.memref_slice %arg8[%dma_start3A_154] : memref<80896xf32, #tpu.memory_space<vmem>> -> memref<10112xf32, #tpu.memory_space<vmem>>
      %dma_start3A_156 = tpu.memref_slice %arg6[%mul3A_142] : memref<2588672xf32, #tpu.memory_space<hbm>> -> memref<10112xf32, #tpu.memory_space<hbm>>
      %dma_start3A_157 = tpu.memref_slice %arg6[%mul3A_142] : memref<2588672xf32, #tpu.memory_space<hbm>> -> memref<10112xf32, #tpu.memory_space<hbm>>
      %dma_start3A_158 = arith.constant 60672 : i32
      %dma_start3A_159 = tpu.memref_slice %arg8[%dma_start3A_158] : memref<80896xf32, #tpu.memory_space<vmem>> -> memref<10112xf32, #tpu.memory_space<vmem>>
      tpu.enqueue_dma source(%dma_start3A_159 : memref<10112xf32, #tpu.memory_space<vmem>>) target(%dma_start3A_157 : memref<10112xf32, #tpu.memory_space<hbm>>) target_semaphore(%run_scoped3A : memref<!tpu.dma_semaphore, #tpu.memory_space<semaphore_mem>>)
      %dma_wait3A_160 = arith.constant 60672 : i32
      %dma_wait3A_161 = tpu.memref_slice %arg8[%dma_wait3A_160] : memref<80896xf32, #tpu.memory_space<vmem>> -> memref<10112xf32, #tpu.memory_space<vmem>>
      %dma_wait3A_162 = tpu.memref_slice %arg6[%mul3A_142] : memref<2588672xf32, #tpu.memory_space<hbm>> -> memref<10112xf32, #tpu.memory_space<hbm>>
      %dma_wait3A_163 = tpu.memref_slice %arg6[%mul3A_142] : memref<2588672xf32, #tpu.memory_space<hbm>> -> memref<10112xf32, #tpu.memory_space<hbm>>
      %dma_wait3A_164 = arith.constant 60672 : i32
      %dma_wait3A_165 = tpu.memref_slice %arg8[%dma_wait3A_164] : memref<80896xf32, #tpu.memory_space<vmem>> -> memref<10112xf32, #tpu.memory_space<vmem>>
      tpu.wait_dma2 semaphore(%run_scoped3A : memref<!tpu.dma_semaphore, #tpu.memory_space<semaphore_mem>>) src(%dma_wait3A_165 : memref<10112xf32, #tpu.memory_space<vmem>>) dst(%dma_wait3A_163 : memref<10112xf32, #tpu.memory_space<hbm>>)
      tpu.yield
    }) : () -> ()
    %mul3A_143 = arith.constant 2 : i32
    %mul3A_144 = arith.muli %rem3A_0, %mul3A_143 : i32
    %add3A_145 = arith.constant 1 : i32
    %add3A_146 = arith.addi %mul3A_144, %add3A_145 : i32
    %mul3A_147 = arith.constant 16 : i32
    %mul3A_148 = arith.muli %add3A_146, %mul3A_147 : i32
    %add3A_149 = arith.addi %mul3A_148, %mul3A_4 : i32
    %add3A_150 = arith.constant 3 : i32
    %add3A_151 = arith.addi %add3A_149, %add3A_150 : i32
    %mul3A_152 = arith.constant 10112 : i32
    %mul3A_153 = arith.muli %add3A_151, %mul3A_152 : i32
    "tpu.region"() ({
      %run_scoped3A = tpu.sem_alloc : memref<!tpu.dma_semaphore, #tpu.memory_space<semaphore_mem>>
      %dma_start3A_154 = arith.constant 70784 : i32
      %dma_start3A_155 = tpu.memref_slice %arg8[%dma_start3A_154] : memref<80896xf32, #tpu.memory_space<vmem>> -> memref<10112xf32, #tpu.memory_space<vmem>>
      %dma_start3A_156 = tpu.memref_slice %arg6[%mul3A_153] : memref<2588672xf32, #tpu.memory_space<hbm>> -> memref<10112xf32, #tpu.memory_space<hbm>>
      %dma_start3A_157 = tpu.memref_slice %arg6[%mul3A_153] : memref<2588672xf32, #tpu.memory_space<hbm>> -> memref<10112xf32, #tpu.memory_space<hbm>>
      %dma_start3A_158 = arith.constant 70784 : i32
      %dma_start3A_159 = tpu.memref_slice %arg8[%dma_start3A_158] : memref<80896xf32, #tpu.memory_space<vmem>> -> memref<10112xf32, #tpu.memory_space<vmem>>
      tpu.enqueue_dma source(%dma_start3A_159 : memref<10112xf32, #tpu.memory_space<vmem>>) target(%dma_start3A_157 : memref<10112xf32, #tpu.memory_space<hbm>>) target_semaphore(%run_scoped3A : memref<!tpu.dma_semaphore, #tpu.memory_space<semaphore_mem>>)
      %dma_wait3A_160 = arith.constant 70784 : i32
      %dma_wait3A_161 = tpu.memref_slice %arg8[%dma_wait3A_160] : memref<80896xf32, #tpu.memory_space<vmem>> -> memref<10112xf32, #tpu.memory_space<vmem>>
      %dma_wait3A_162 = tpu.memref_slice %arg6[%mul3A_153] : memref<2588672xf32, #tpu.memory_space<hbm>> -> memref<10112xf32, #tpu.memory_space<hbm>>
      %dma_wait3A_163 = tpu.memref_slice %arg6[%mul3A_153] : memref<2588672xf32, #tpu.memory_space<hbm>> -> memref<10112xf32, #tpu.memory_space<hbm>>
      %dma_wait3A_164 = arith.constant 70784 : i32
      %dma_wait3A_165 = tpu.memref_slice %arg8[%dma_wait3A_164] : memref<80896xf32, #tpu.memory_space<vmem>> -> memref<10112xf32, #tpu.memory_space<vmem>>
      tpu.wait_dma2 semaphore(%run_scoped3A : memref<!tpu.dma_semaphore, #tpu.memory_space<semaphore_mem>>) src(%dma_wait3A_165 : memref<10112xf32, #tpu.memory_space<vmem>>) dst(%dma_wait3A_163 : memref<10112xf32, #tpu.memory_space<hbm>>)
      tpu.yield
    }) : () -> ()
    return
  }
}

module attributes {stable_mosaic.version = 14 : i64} {
  func.func @_front_body(%arg0: i32, %arg1: memref<3x2048xf32, #tpu.memory_space<vmem>>, %arg2: memref<1x2048xf32, #tpu.memory_space<vmem>>, %arg3: memref<128x128xf32, #tpu.memory_space<vmem>>, %arg4: memref<128x64xf32, #tpu.memory_space<vmem>>, %arg5: memref<64x16xf32, #tpu.memory_space<vmem>>, %arg6: memref<16x2048xf32, #tpu.memory_space<vmem>>, %arg7: memref<128x64xf32, #tpu.memory_space<vmem>>, %arg8: memref<16x128xf32, #tpu.memory_space<vmem>>, %arg9: memref<1x1x64xf32, #tpu.memory_space<vmem>>) attributes {dimension_semantics = [#tpu.dimension_semantics<arbitrary>], iteration_bounds = array<i64: 79>, scalar_prefetch = 0 : i64, scratch_operands = 0 : i64, tpu.core_type = #tpu.core_type<tc>, window_params = [{transform_indices = @transform_0, window_bounds = array<i64: 3, 2048>}, {transform_indices = @transform_1, window_bounds = array<i64: 1, 2048>}, {transform_indices = @transform_2, window_bounds = array<i64: 128, 128>}, {pipeline_mode = #tpu.pipeline_mode<synchronous>, transform_indices = @transform_3, window_bounds = array<i64: 128, 64>}, {pipeline_mode = #tpu.pipeline_mode<synchronous>, transform_indices = @transform_4, window_bounds = array<i64: 64, 16>}, {transform_indices = @transform_5, window_bounds = array<i64: 16, 2048>}, {transform_indices = @transform_6, window_bounds = array<i64: 128, 64>}, {transform_indices = @transform_7, window_bounds = array<i64: 16, 128>}, {transform_indices = @transform_8, window_bounds = array<i64: 1, 1, 64>}]} {
    %get3A = arith.constant 0 : index
    %get3A_0 = arith.constant 0 : index
    %get3A_1 = vector.load %arg1[%get3A, %get3A_0] : memref<3x2048xf32, #tpu.memory_space<vmem>>, vector<1x2048xf32>
    %get3A_2 = arith.constant 1 : index
    %get3A_3 = arith.constant 0 : index
    %get3A_4 = vector.load %arg1[%get3A_2, %get3A_3] : memref<3x2048xf32, #tpu.memory_space<vmem>>, vector<1x2048xf32>
    %get3A_5 = arith.constant 2 : index
    %get3A_6 = arith.constant 0 : index
    %get3A_7 = vector.load %arg1[%get3A_5, %get3A_6] : memref<3x2048xf32, #tpu.memory_space<vmem>>, vector<1x2048xf32>
    %mul3A = arith.mulf %get3A_1, %get3A_1 : vector<1x2048xf32>
    %mul3A_8 = arith.mulf %get3A_4, %get3A_4 : vector<1x2048xf32>
    %add3A = arith.addf %mul3A, %mul3A_8 : vector<1x2048xf32>
    %mul3A_9 = arith.mulf %get3A_7, %get3A_7 : vector<1x2048xf32>
    %add3A_10 = arith.addf %add3A, %mul3A_9 : vector<1x2048xf32>
    %sqrt3A = math.sqrt %add3A_10 : vector<1x2048xf32>
    %add3A_11 = arith.constant 9.99999971E-10 : f32
    %add3A_12 = vector.broadcast %add3A_11 : f32 to vector<1x2048xf32>
    %add3A_13 = arith.addf %sqrt3A, %add3A_12 : vector<1x2048xf32>
    %div3A = arith.constant 1.000000e+00 : f32
    %div3A_14 = vector.broadcast %div3A : f32 to vector<1x2048xf32>
    %div3A_15 = arith.divf %div3A_14, %add3A_13 : vector<1x2048xf32>
    %mul3A_16 = arith.mulf %get3A_1, %div3A_15 : vector<1x2048xf32>
    %mul3A_17 = arith.mulf %get3A_4, %div3A_15 : vector<1x2048xf32>
    %mul3A_18 = arith.mulf %get3A_7, %div3A_15 : vector<1x2048xf32>
    %get3A_19 = arith.constant 0 : index
    %get3A_20 = arith.constant 0 : index
    %get3A_21 = vector.load %arg2[%get3A_19, %get3A_20] : memref<1x2048xf32, #tpu.memory_space<vmem>>, vector<1x2048xf32>
    %mul3A_22 = arith.constant 1.000000e-01 : f32
    %mul3A_23 = vector.broadcast %mul3A_22 : f32 to vector<1x2048xf32>
    %mul3A_24 = arith.mulf %get3A_21, %mul3A_23 : vector<1x2048xf32>
    %broadcast_in_dim3A = arith.constant 1.000000e+00 : f32
    %broadcast_in_dim3A_25 = vector.broadcast %broadcast_in_dim3A : f32 to vector<1x2048xf32>
    %mul3A_26 = arith.mulf %mul3A_16, %mul3A_16 : vector<1x2048xf32>
    %mul3A_27 = arith.mulf %mul3A_17, %mul3A_17 : vector<1x2048xf32>
    %mul3A_28 = arith.mulf %mul3A_18, %mul3A_18 : vector<1x2048xf32>
    %mul3A_29 = arith.constant 1.73205078 : f32
    %mul3A_30 = vector.broadcast %mul3A_29 : f32 to vector<1x2048xf32>
    %mul3A_31 = arith.mulf %mul3A_30, %mul3A_16 : vector<1x2048xf32>
    %mul3A_32 = arith.mulf %mul3A_31, %mul3A_17 : vector<1x2048xf32>
    %mul3A_33 = arith.constant 1.73205078 : f32
    %mul3A_34 = vector.broadcast %mul3A_33 : f32 to vector<1x2048xf32>
    %mul3A_35 = arith.mulf %mul3A_34, %mul3A_17 : vector<1x2048xf32>
    %mul3A_36 = arith.mulf %mul3A_35, %mul3A_18 : vector<1x2048xf32>
    %mul3A_37 = arith.constant 3.000000e+00 : f32
    %mul3A_38 = vector.broadcast %mul3A_37 : f32 to vector<1x2048xf32>
    %mul3A_39 = arith.mulf %mul3A_38, %mul3A_28 : vector<1x2048xf32>
    %sub3A = arith.constant 1.000000e+00 : f32
    %sub3A_40 = vector.broadcast %sub3A : f32 to vector<1x2048xf32>
    %sub3A_41 = arith.subf %mul3A_39, %sub3A_40 : vector<1x2048xf32>
    %mul3A_42 = arith.constant 5.000000e-01 : f32
    %mul3A_43 = vector.broadcast %mul3A_42 : f32 to vector<1x2048xf32>
    %mul3A_44 = arith.mulf %mul3A_43, %sub3A_41 : vector<1x2048xf32>
    %mul3A_45 = arith.constant 1.73205078 : f32
    %mul3A_46 = vector.broadcast %mul3A_45 : f32 to vector<1x2048xf32>
    %mul3A_47 = arith.mulf %mul3A_46, %mul3A_16 : vector<1x2048xf32>
    %mul3A_48 = arith.mulf %mul3A_47, %mul3A_18 : vector<1x2048xf32>
    %sub3A_49 = arith.subf %mul3A_26, %mul3A_27 : vector<1x2048xf32>
    %mul3A_50 = arith.constant 0.866025388 : f32
    %mul3A_51 = vector.broadcast %mul3A_50 : f32 to vector<1x2048xf32>
    %mul3A_52 = arith.mulf %mul3A_51, %sub3A_49 : vector<1x2048xf32>
    %mul3A_53 = arith.constant 3.000000e+00 : f32
    %mul3A_54 = vector.broadcast %mul3A_53 : f32 to vector<1x2048xf32>
    %mul3A_55 = arith.mulf %mul3A_54, %mul3A_26 : vector<1x2048xf32>
    %sub3A_56 = arith.subf %mul3A_55, %mul3A_27 : vector<1x2048xf32>
    %mul3A_57 = arith.mulf %mul3A_17, %sub3A_56 : vector<1x2048xf32>
    %mul3A_58 = arith.mulf %mul3A_16, %mul3A_17 : vector<1x2048xf32>
    %mul3A_59 = arith.mulf %mul3A_58, %mul3A_18 : vector<1x2048xf32>
    %mul3A_60 = arith.constant 5.000000e+00 : f32
    %mul3A_61 = vector.broadcast %mul3A_60 : f32 to vector<1x2048xf32>
    %mul3A_62 = arith.mulf %mul3A_61, %mul3A_28 : vector<1x2048xf32>
    %sub3A_63 = arith.constant 1.000000e+00 : f32
    %sub3A_64 = vector.broadcast %sub3A_63 : f32 to vector<1x2048xf32>
    %sub3A_65 = arith.subf %mul3A_62, %sub3A_64 : vector<1x2048xf32>
    %mul3A_66 = arith.mulf %mul3A_17, %sub3A_65 : vector<1x2048xf32>
    %mul3A_67 = arith.constant 5.000000e+00 : f32
    %mul3A_68 = vector.broadcast %mul3A_67 : f32 to vector<1x2048xf32>
    %mul3A_69 = arith.mulf %mul3A_68, %mul3A_28 : vector<1x2048xf32>
    %sub3A_70 = arith.constant 3.000000e+00 : f32
    %sub3A_71 = vector.broadcast %sub3A_70 : f32 to vector<1x2048xf32>
    %sub3A_72 = arith.subf %mul3A_69, %sub3A_71 : vector<1x2048xf32>
    %mul3A_73 = arith.mulf %mul3A_18, %sub3A_72 : vector<1x2048xf32>
    %mul3A_74 = arith.constant 5.000000e+00 : f32
    %mul3A_75 = vector.broadcast %mul3A_74 : f32 to vector<1x2048xf32>
    %mul3A_76 = arith.mulf %mul3A_75, %mul3A_28 : vector<1x2048xf32>
    %sub3A_77 = arith.constant 1.000000e+00 : f32
    %sub3A_78 = vector.broadcast %sub3A_77 : f32 to vector<1x2048xf32>
    %sub3A_79 = arith.subf %mul3A_76, %sub3A_78 : vector<1x2048xf32>
    %mul3A_80 = arith.mulf %mul3A_16, %sub3A_79 : vector<1x2048xf32>
    %sub3A_81 = arith.subf %mul3A_26, %mul3A_27 : vector<1x2048xf32>
    %mul3A_82 = arith.mulf %mul3A_18, %sub3A_81 : vector<1x2048xf32>
    %mul3A_83 = arith.constant 3.000000e+00 : f32
    %mul3A_84 = vector.broadcast %mul3A_83 : f32 to vector<1x2048xf32>
    %mul3A_85 = arith.mulf %mul3A_84, %mul3A_27 : vector<1x2048xf32>
    %sub3A_86 = arith.subf %mul3A_26, %mul3A_85 : vector<1x2048xf32>
    %mul3A_87 = arith.mulf %mul3A_16, %sub3A_86 : vector<1x2048xf32>
    %mul3A_88 = arith.mulf %broadcast_in_dim3A_25, %mul3A_24 : vector<1x2048xf32>
    %mul3A_89 = arith.mulf %mul3A_16, %mul3A_24 : vector<1x2048xf32>
    %mul3A_90 = arith.mulf %mul3A_17, %mul3A_24 : vector<1x2048xf32>
    %mul3A_91 = arith.mulf %mul3A_18, %mul3A_24 : vector<1x2048xf32>
    %mul3A_92 = arith.mulf %mul3A_32, %mul3A_24 : vector<1x2048xf32>
    %mul3A_93 = arith.mulf %mul3A_36, %mul3A_24 : vector<1x2048xf32>
    %mul3A_94 = arith.mulf %mul3A_44, %mul3A_24 : vector<1x2048xf32>
    %mul3A_95 = arith.mulf %mul3A_48, %mul3A_24 : vector<1x2048xf32>
    %mul3A_96 = arith.mulf %mul3A_52, %mul3A_24 : vector<1x2048xf32>
    %mul3A_97 = arith.mulf %mul3A_57, %mul3A_24 : vector<1x2048xf32>
    %mul3A_98 = arith.mulf %mul3A_59, %mul3A_24 : vector<1x2048xf32>
    %mul3A_99 = arith.mulf %mul3A_66, %mul3A_24 : vector<1x2048xf32>
    %mul3A_100 = arith.mulf %mul3A_73, %mul3A_24 : vector<1x2048xf32>
    %mul3A_101 = arith.mulf %mul3A_80, %mul3A_24 : vector<1x2048xf32>
    %mul3A_102 = arith.mulf %mul3A_82, %mul3A_24 : vector<1x2048xf32>
    %mul3A_103 = arith.mulf %mul3A_87, %mul3A_24 : vector<1x2048xf32>
    %concatenate3A = tpu.concatenate %mul3A_88, %mul3A_89, %mul3A_90, %mul3A_91, %mul3A_92, %mul3A_93, %mul3A_94, %mul3A_95, %mul3A_96, %mul3A_97, %mul3A_98, %mul3A_99, %mul3A_100, %mul3A_101, %mul3A_102, %mul3A_103 in 0 : vector<1x2048xf32>, vector<1x2048xf32>, vector<1x2048xf32>, vector<1x2048xf32>, vector<1x2048xf32>, vector<1x2048xf32>, vector<1x2048xf32>, vector<1x2048xf32>, vector<1x2048xf32>, vector<1x2048xf32>, vector<1x2048xf32>, vector<1x2048xf32>, vector<1x2048xf32>, vector<1x2048xf32>, vector<1x2048xf32>, vector<1x2048xf32> -> vector<16x2048xf32>
    %swap3A = arith.constant 0 : index
    %swap3A_104 = arith.constant 0 : index
    %swap3A_105 = vector.load %arg6[%swap3A, %swap3A_104] : memref<16x2048xf32, #tpu.memory_space<vmem>>, vector<16x2048xf32>
    tpu.vector_store %arg6[%swap3A, %swap3A_104], %concatenate3A {strides = array<i32>} : memref<16x2048xf32, #tpu.memory_space<vmem>>, vector<16x2048xf32>,
    %get3A_106 = arith.constant 0 : index
    %get3A_107 = arith.constant 0 : index
    %get3A_108 = vector.load %arg3[%get3A_106, %get3A_107] : memref<128x128xf32, #tpu.memory_space<vmem>>, vector<128x128xf32>
    %get3A_109 = arith.constant 0 : index
    %get3A_110 = arith.constant 0 : index
    %get3A_111 = vector.load %arg4[%get3A_109, %get3A_110] : memref<128x64xf32, #tpu.memory_space<vmem>>, vector<128x64xf32>
    %dot_general3A = arith.constant dense<0.000000e+00> : vector<128x64xf32>
    %dot_general3A_112 = tpu.matmul %get3A_108, %get3A_111, %dot_general3A {dimension_numbers = #tpu.dot_dimension_numbers<[1], [0], [0], [1], [0, 0, 1, 1], [], []>, transpose_lhs_hint = false} : vector<128x128xf32>, vector<128x64xf32>, vector<128x64xf32> -> vector<128x64xf32>
    %tanh3A = math.tanh %dot_general3A_112 : vector<128x64xf32>
    %swap3A_113 = arith.constant 0 : index
    %swap3A_114 = arith.constant 0 : index
    %swap3A_115 = vector.load %arg7[%swap3A_113, %swap3A_114] : memref<128x64xf32, #tpu.memory_space<vmem>>, vector<128x64xf32>
    tpu.vector_store %arg7[%swap3A_113, %swap3A_114], %tanh3A {strides = array<i32>} : memref<128x64xf32, #tpu.memory_space<vmem>>, vector<128x64xf32>,
    %get3A_116 = arith.constant 0 : index
    %get3A_117 = arith.constant 0 : index
    %get3A_118 = vector.load %arg5[%get3A_116, %get3A_117] : memref<64x16xf32, #tpu.memory_space<vmem>>, vector<64x16xf32>
    %dot_general3A_119 = arith.constant dense<0.000000e+00> : vector<16x128xf32>
    %dot_general3A_120 = tpu.matmul %get3A_118, %tanh3A, %dot_general3A_119 {dimension_numbers = #tpu.dot_dimension_numbers<[0], [1], [1], [0], [0, 1, 1, 0], [], []>, transpose_lhs_hint = false} : vector<64x16xf32>, vector<128x64xf32>, vector<16x128xf32> -> vector<16x128xf32>
    %swap3A_121 = arith.constant 0 : index
    %swap3A_122 = arith.constant 0 : index
    %swap3A_123 = vector.load %arg8[%swap3A_121, %swap3A_122] : memref<16x128xf32, #tpu.memory_space<vmem>>, vector<16x128xf32>
    tpu.vector_store %arg8[%swap3A_121, %swap3A_122], %dot_general3A_120 {strides = array<i32>} : memref<16x128xf32, #tpu.memory_space<vmem>>, vector<16x128xf32>,
    %reduce_sum3A = arith.constant dense<0.000000e+00> : vector<64xf32>
    %reduce_sum3A_124 = vector.multi_reduction <add>, %tanh3A, %reduce_sum3A [0] : vector<128x64xf32> to vector<64xf32>
    %broadcast_in_dim3A_125 = vector.shape_cast %reduce_sum3A_124 : vector<64xf32> to vector<1x64xf32>
    %mul3A_126 = arith.constant 7.812500e-03 : f32
    %mul3A_127 = vector.broadcast %mul3A_126 : f32 to vector<1x64xf32>
    %mul3A_128 = arith.mulf %broadcast_in_dim3A_125, %mul3A_127 : vector<1x64xf32>
    %reshape3A = vector.shape_cast %mul3A_128 : vector<1x64xf32> to vector<1x1x64xf32>
    %swap3A_129 = arith.constant 0 : index
    %swap3A_130 = arith.constant 0 : index
    %swap3A_131 = arith.constant 0 : index
    %swap3A_132 = vector.load %arg9[%swap3A_129, %swap3A_130, %swap3A_131] : memref<1x1x64xf32, #tpu.memory_space<vmem>>, vector<1x1x64xf32>
    tpu.vector_store %arg9[%swap3A_129, %swap3A_130, %swap3A_131], %reshape3A {strides = array<i32>} : memref<1x1x64xf32, #tpu.memory_space<vmem>>, vector<1x1x64xf32>,
    return
  }
  func.func @transform_0(%arg0: i32) -> (i32, i32) {
    %c0_i32 = arith.constant 0 : i32
    %c0_i32_0 = arith.constant 0 : i32
    return %c0_i32, %arg0 : i32, i32
  }
  func.func @transform_1(%arg0: i32) -> (i32, i32) {
    %c0_i32 = arith.constant 0 : i32
    %c0_i32_0 = arith.constant 0 : i32
    return %c0_i32, %arg0 : i32, i32
  }
  func.func @transform_2(%arg0: i32) -> (i32, i32) {
    %c0_i32 = arith.constant 0 : i32
    %c0_i32_0 = arith.constant 0 : i32
    return %arg0, %c0_i32 : i32, i32
  }
  func.func @transform_3(%arg0: i32) -> (i32, i32) {
    %c0_i32 = arith.constant 0 : i32
    %c0_i32_0 = arith.constant 0 : i32
    %c0_i32_1 = arith.constant 0 : i32
    return %c0_i32, %c0_i32_0 : i32, i32
  }
  func.func @transform_4(%arg0: i32) -> (i32, i32) {
    %c0_i32 = arith.constant 0 : i32
    %c0_i32_0 = arith.constant 0 : i32
    %c0_i32_1 = arith.constant 0 : i32
    return %c0_i32, %c0_i32_0 : i32, i32
  }
  func.func @transform_5(%arg0: i32) -> (i32, i32) {
    %c0_i32 = arith.constant 0 : i32
    %c0_i32_0 = arith.constant 0 : i32
    return %c0_i32, %arg0 : i32, i32
  }
  func.func @transform_6(%arg0: i32) -> (i32, i32) {
    %c0_i32 = arith.constant 0 : i32
    %c0_i32_0 = arith.constant 0 : i32
    return %arg0, %c0_i32 : i32, i32
  }
  func.func @transform_7(%arg0: i32) -> (i32, i32) {
    %c0_i32 = arith.constant 0 : i32
    %c0_i32_0 = arith.constant 0 : i32
    return %c0_i32, %arg0 : i32, i32
  }
  func.func @transform_8(%arg0: i32) -> (i32, i32, i32) {
    %c0_i32 = arith.constant 0 : i32
    %c0_i32_0 = arith.constant 0 : i32
    %c0_i32_1 = arith.constant 0 : i32
    return %arg0, %c0_i32, %c0_i32_0 : i32, i32, i32
  }
}

module attributes {stable_mosaic.version = 14 : i64} {
  func.func @_dense_body_pr(%arg0: i32, %arg1: memref<256x128xf32, #tpu.memory_space<vmem>>, %arg2: memref<128x64xf32, #tpu.memory_space<vmem>>, %arg3: memref<128x128xf32, #tpu.memory_space<vmem>>, %arg4: memref<256x256xf32, #tpu.memory_space<vmem>>, %arg5: memref<256x256xf32, #tpu.memory_space<vmem>>, %arg6: memref<256x256xf32, #tpu.memory_space<vmem>>, %arg7: memref<64x256xf32, #tpu.memory_space<vmem>>, %arg8: memref<128x256xf32, #tpu.memory_space<vmem>>, %arg9: memref<256x16xf32, #tpu.memory_space<vmem>>, %arg10: memref<128x256xf32, #tpu.memory_space<vmem>>, %arg11: memref<16x128xf32, #tpu.memory_space<vmem>>, %arg12: memref<1x1x256xf32, #tpu.memory_space<vmem>>) attributes {dimension_semantics = [#tpu.dimension_semantics<arbitrary>], iteration_bounds = array<i64: 79>, scalar_prefetch = 0 : i64, scratch_operands = 0 : i64, tpu.core_type = #tpu.core_type<tc>, window_params = [{transform_indices = @transform_0, window_bounds = array<i64: 256, 128>}, {transform_indices = @transform_1, window_bounds = array<i64: 128, 64>}, {transform_indices = @transform_2, window_bounds = array<i64: 128, 128>}, {pipeline_mode = #tpu.pipeline_mode<synchronous>, transform_indices = @transform_3, window_bounds = array<i64: 256, 256>}, {pipeline_mode = #tpu.pipeline_mode<synchronous>, transform_indices = @transform_4, window_bounds = array<i64: 256, 256>}, {pipeline_mode = #tpu.pipeline_mode<synchronous>, transform_indices = @transform_5, window_bounds = array<i64: 256, 256>}, {pipeline_mode = #tpu.pipeline_mode<synchronous>, transform_indices = @transform_6, window_bounds = array<i64: 64, 256>}, {pipeline_mode = #tpu.pipeline_mode<synchronous>, transform_indices = @transform_7, window_bounds = array<i64: 128, 256>}, {pipeline_mode = #tpu.pipeline_mode<synchronous>, transform_indices = @transform_8, window_bounds = array<i64: 256, 16>}, {transform_indices = @transform_9, window_bounds = array<i64: 128, 256>}, {transform_indices = @transform_10, window_bounds = array<i64: 16, 128>}, {transform_indices = @transform_11, window_bounds = array<i64: 1, 1, 256>}]} {
    %get3A = arith.constant 0 : index
    %get3A_0 = arith.constant 0 : index
    %get3A_1 = vector.load %arg1[%get3A, %get3A_0] : memref<256x128xf32, #tpu.memory_space<vmem>>, vector<256x128xf32>
    %get3A_2 = arith.constant 0 : index
    %get3A_3 = arith.constant 0 : index
    %get3A_4 = vector.load %arg4[%get3A_2, %get3A_3] : memref<256x256xf32, #tpu.memory_space<vmem>>, vector<256x256xf32>
    %dot_general3A = arith.constant dense<0.000000e+00> : vector<128x256xf32>
    %dot_general3A_5 = tpu.matmul %get3A_1, %get3A_4, %dot_general3A {dimension_numbers = #tpu.dot_dimension_numbers<[0], [0], [1], [1], [0, 1, 1, 1], [], []>, transpose_lhs_hint = false} : vector<256x128xf32>, vector<256x256xf32>, vector<128x256xf32> -> vector<128x256xf32>
    %mul3A = arith.mulf %get3A_1, %get3A_1 : vector<256x128xf32>
    %get3A_6 = arith.constant 0 : index
    %get3A_7 = arith.constant 0 : index
    %get3A_8 = vector.load %arg5[%get3A_6, %get3A_7] : memref<256x256xf32, #tpu.memory_space<vmem>>, vector<256x256xf32>
    %dot_general3A_9 = arith.constant dense<0.000000e+00> : vector<128x256xf32>
    %dot_general3A_10 = tpu.matmul %mul3A, %get3A_8, %dot_general3A_9 {dimension_numbers = #tpu.dot_dimension_numbers<[0], [0], [1], [1], [0, 1, 1, 1], [], []>, transpose_lhs_hint = false} : vector<256x128xf32>, vector<256x256xf32>, vector<128x256xf32> -> vector<128x256xf32>
    %add3A = arith.addf %dot_general3A_5, %dot_general3A_10 : vector<128x256xf32>
    %mul3A_11 = arith.mulf %mul3A, %get3A_1 : vector<256x128xf32>
    %get3A_12 = arith.constant 0 : index
    %get3A_13 = arith.constant 0 : index
    %get3A_14 = vector.load %arg6[%get3A_12, %get3A_13] : memref<256x256xf32, #tpu.memory_space<vmem>>, vector<256x256xf32>
    %dot_general3A_15 = arith.constant dense<0.000000e+00> : vector<128x256xf32>
    %dot_general3A_16 = tpu.matmul %mul3A_11, %get3A_14, %dot_general3A_15 {dimension_numbers = #tpu.dot_dimension_numbers<[0], [0], [1], [1], [0, 1, 1, 1], [], []>, transpose_lhs_hint = false} : vector<256x128xf32>, vector<256x256xf32>, vector<128x256xf32> -> vector<128x256xf32>
    %add3A_17 = arith.addf %add3A, %dot_general3A_16 : vector<128x256xf32>
    %get3A_18 = arith.constant 0 : index
    %get3A_19 = arith.constant 0 : index
    %get3A_20 = vector.load %arg2[%get3A_18, %get3A_19] : memref<128x64xf32, #tpu.memory_space<vmem>>, vector<128x64xf32>
    %get3A_21 = arith.constant 0 : index
    %get3A_22 = arith.constant 0 : index
    %get3A_23 = vector.load %arg7[%get3A_21, %get3A_22] : memref<64x256xf32, #tpu.memory_space<vmem>>, vector<64x256xf32>
    %dot_general3A_24 = arith.constant dense<0.000000e+00> : vector<128x256xf32>
    %dot_general3A_25 = tpu.matmul %get3A_20, %get3A_23, %dot_general3A_24 {dimension_numbers = #tpu.dot_dimension_numbers<[1], [0], [0], [1], [0, 0, 1, 1], [], []>, transpose_lhs_hint = false} : vector<128x64xf32>, vector<64x256xf32>, vector<128x256xf32> -> vector<128x256xf32>
    %get3A_26 = arith.constant 0 : index
    %get3A_27 = arith.constant 0 : index
    %get3A_28 = vector.load %arg3[%get3A_26, %get3A_27] : memref<128x128xf32, #tpu.memory_space<vmem>>, vector<128x128xf32>
    %get3A_29 = arith.constant 0 : index
    %get3A_30 = arith.constant 0 : index
    %get3A_31 = vector.load %arg8[%get3A_29, %get3A_30] : memref<128x256xf32, #tpu.memory_space<vmem>>, vector<128x256xf32>
    %dot_general3A_32 = arith.constant dense<0.000000e+00> : vector<128x256xf32>
    %dot_general3A_33 = tpu.matmul %get3A_28, %get3A_31, %dot_general3A_32 {dimension_numbers = #tpu.dot_dimension_numbers<[1], [0], [0], [1], [0, 0, 1, 1], [], []>, transpose_lhs_hint = false} : vector<128x128xf32>, vector<128x256xf32>, vector<128x256xf32> -> vector<128x256xf32>
    %mul3A_34 = arith.mulf %dot_general3A_25, %dot_general3A_33 : vector<128x256xf32>
    %add3A_35 = arith.addf %add3A_17, %mul3A_34 : vector<128x256xf32>
    %tanh3A = math.tanh %add3A_35 : vector<128x256xf32>
    %swap3A = arith.constant 0 : index
    %swap3A_36 = arith.constant 0 : index
    %swap3A_37 = vector.load %arg10[%swap3A, %swap3A_36] : memref<128x256xf32, #tpu.memory_space<vmem>>, vector<128x256xf32>
    tpu.vector_store %arg10[%swap3A, %swap3A_36], %tanh3A {strides = array<i32>} : memref<128x256xf32, #tpu.memory_space<vmem>>, vector<128x256xf32>,
    %get3A_38 = arith.constant 0 : index
    %get3A_39 = arith.constant 0 : index
    %get3A_40 = vector.load %arg9[%get3A_38, %get3A_39] : memref<256x16xf32, #tpu.memory_space<vmem>>, vector<256x16xf32>
    %dot_general3A_41 = arith.constant dense<0.000000e+00> : vector<16x128xf32>
    %dot_general3A_42 = tpu.matmul %get3A_40, %tanh3A, %dot_general3A_41 {dimension_numbers = #tpu.dot_dimension_numbers<[0], [1], [1], [0], [0, 1, 1, 0], [], []>, transpose_lhs_hint = false} : vector<256x16xf32>, vector<128x256xf32>, vector<16x128xf32> -> vector<16x128xf32>
    %swap3A_43 = arith.constant 0 : index
    %swap3A_44 = arith.constant 0 : index
    %swap3A_45 = vector.load %arg11[%swap3A_43, %swap3A_44] : memref<16x128xf32, #tpu.memory_space<vmem>>, vector<16x128xf32>
    tpu.vector_store %arg11[%swap3A_43, %swap3A_44], %dot_general3A_42 {strides = array<i32>} : memref<16x128xf32, #tpu.memory_space<vmem>>, vector<16x128xf32>,
    %reduce_sum3A = arith.constant dense<0.000000e+00> : vector<256xf32>
    %reduce_sum3A_46 = vector.multi_reduction <add>, %tanh3A, %reduce_sum3A [0] : vector<128x256xf32> to vector<256xf32>
    %broadcast_in_dim3A = vector.shape_cast %reduce_sum3A_46 : vector<256xf32> to vector<1x256xf32>
    %mul3A_47 = arith.constant 7.812500e-03 : f32
    %mul3A_48 = vector.broadcast %mul3A_47 : f32 to vector<1x256xf32>
    %mul3A_49 = arith.mulf %broadcast_in_dim3A, %mul3A_48 : vector<1x256xf32>
    %reshape3A = vector.shape_cast %mul3A_49 : vector<1x256xf32> to vector<1x1x256xf32>
    %swap3A_50 = arith.constant 0 : index
    %swap3A_51 = arith.constant 0 : index
    %swap3A_52 = arith.constant 0 : index
    %swap3A_53 = vector.load %arg12[%swap3A_50, %swap3A_51, %swap3A_52] : memref<1x1x256xf32, #tpu.memory_space<vmem>>, vector<1x1x256xf32>
    tpu.vector_store %arg12[%swap3A_50, %swap3A_51, %swap3A_52], %reshape3A {strides = array<i32>} : memref<1x1x256xf32, #tpu.memory_space<vmem>>, vector<1x1x256xf32>,
    return
  }
  func.func @transform_0(%arg0: i32) -> (i32, i32) {
    %c0_i32 = arith.constant 0 : i32
    %c0_i32_0 = arith.constant 0 : i32
    return %c0_i32, %arg0 : i32, i32
  }
  func.func @transform_1(%arg0: i32) -> (i32, i32) {
    %c0_i32 = arith.constant 0 : i32
    %c0_i32_0 = arith.constant 0 : i32
    return %arg0, %c0_i32 : i32, i32
  }
  func.func @transform_2(%arg0: i32) -> (i32, i32) {
    %c0_i32 = arith.constant 0 : i32
    %c0_i32_0 = arith.constant 0 : i32
    return %arg0, %c0_i32 : i32, i32
  }
  func.func @transform_3(%arg0: i32) -> (i32, i32) {
    %c0_i32 = arith.constant 0 : i32
    %c0_i32_0 = arith.constant 0 : i32
    %c0_i32_1 = arith.constant 0 : i32
    return %c0_i32, %c0_i32_0 : i32, i32
  }
  func.func @transform_4(%arg0: i32) -> (i32, i32) {
    %c0_i32 = arith.constant 0 : i32
    %c0_i32_0 = arith.constant 0 : i32
    %c0_i32_1 = arith.constant 0 : i32
    return %c0_i32, %c0_i32_0 : i32, i32
  }
  func.func @transform_5(%arg0: i32) -> (i32, i32) {
    %c0_i32 = arith.constant 0 : i32
    %c0_i32_0 = arith.constant 0 : i32
    %c0_i32_1 = arith.constant 0 : i32
    return %c0_i32, %c0_i32_0 : i32, i32
  }
  func.func @transform_6(%arg0: i32) -> (i32, i32) {
    %c0_i32 = arith.constant 0 : i32
    %c0_i32_0 = arith.constant 0 : i32
    %c0_i32_1 = arith.constant 0 : i32
    return %c0_i32, %c0_i32_0 : i32, i32
  }
  func.func @transform_7(%arg0: i32) -> (i32, i32) {
    %c0_i32 = arith.constant 0 : i32
    %c0_i32_0 = arith.constant 0 : i32
    %c0_i32_1 = arith.constant 0 : i32
    return %c0_i32, %c0_i32_0 : i32, i32
  }
  func.func @transform_8(%arg0: i32) -> (i32, i32) {
    %c0_i32 = arith.constant 0 : i32
    %c0_i32_0 = arith.constant 0 : i32
    %c0_i32_1 = arith.constant 0 : i32
    return %c0_i32, %c0_i32_0 : i32, i32
  }
  func.func @transform_9(%arg0: i32) -> (i32, i32) {
    %c0_i32 = arith.constant 0 : i32
    %c0_i32_0 = arith.constant 0 : i32
    return %arg0, %c0_i32 : i32, i32
  }
  func.func @transform_10(%arg0: i32) -> (i32, i32) {
    %c0_i32 = arith.constant 0 : i32
    %c0_i32_0 = arith.constant 0 : i32
    return %c0_i32, %arg0 : i32, i32
  }
  func.func @transform_11(%arg0: i32) -> (i32, i32, i32) {
    %c0_i32 = arith.constant 0 : i32
    %c0_i32_0 = arith.constant 0 : i32
    %c0_i32_1 = arith.constant 0 : i32
    return %arg0, %c0_i32, %c0_i32_0 : i32, i32, i32
  }
}

module attributes {stable_mosaic.version = 14 : i64} {
  func.func @_dense_body_pr(%arg0: i32, %arg1: memref<256x128xf32, #tpu.memory_space<vmem>>, %arg2: memref<128x256xf32, #tpu.memory_space<vmem>>, %arg3: memref<128x128xf32, #tpu.memory_space<vmem>>, %arg4: memref<256x256xf32, #tpu.memory_space<vmem>>, %arg5: memref<256x256xf32, #tpu.memory_space<vmem>>, %arg6: memref<256x256xf32, #tpu.memory_space<vmem>>, %arg7: memref<256x256xf32, #tpu.memory_space<vmem>>, %arg8: memref<128x256xf32, #tpu.memory_space<vmem>>, %arg9: memref<256x16xf32, #tpu.memory_space<vmem>>, %arg10: memref<128x256xf32, #tpu.memory_space<vmem>>, %arg11: memref<16x128xf32, #tpu.memory_space<vmem>>, %arg12: memref<1x1x256xf32, #tpu.memory_space<vmem>>) attributes {dimension_semantics = [#tpu.dimension_semantics<arbitrary>], iteration_bounds = array<i64: 79>, scalar_prefetch = 0 : i64, scratch_operands = 0 : i64, tpu.core_type = #tpu.core_type<tc>, window_params = [{transform_indices = @transform_0, window_bounds = array<i64: 256, 128>}, {transform_indices = @transform_1, window_bounds = array<i64: 128, 256>}, {transform_indices = @transform_2, window_bounds = array<i64: 128, 128>}, {pipeline_mode = #tpu.pipeline_mode<synchronous>, transform_indices = @transform_3, window_bounds = array<i64: 256, 256>}, {pipeline_mode = #tpu.pipeline_mode<synchronous>, transform_indices = @transform_4, window_bounds = array<i64: 256, 256>}, {pipeline_mode = #tpu.pipeline_mode<synchronous>, transform_indices = @transform_5, window_bounds = array<i64: 256, 256>}, {pipeline_mode = #tpu.pipeline_mode<synchronous>, transform_indices = @transform_6, window_bounds = array<i64: 256, 256>}, {pipeline_mode = #tpu.pipeline_mode<synchronous>, transform_indices = @transform_7, window_bounds = array<i64: 128, 256>}, {pipeline_mode = #tpu.pipeline_mode<synchronous>, transform_indices = @transform_8, window_bounds = array<i64: 256, 16>}, {transform_indices = @transform_9, window_bounds = array<i64: 128, 256>}, {transform_indices = @transform_10, window_bounds = array<i64: 16, 128>}, {transform_indices = @transform_11, window_bounds = array<i64: 1, 1, 256>}]} {
    %get3A = arith.constant 0 : index
    %get3A_0 = arith.constant 0 : index
    %get3A_1 = vector.load %arg1[%get3A, %get3A_0] : memref<256x128xf32, #tpu.memory_space<vmem>>, vector<256x128xf32>
    %get3A_2 = arith.constant 0 : index
    %get3A_3 = arith.constant 0 : index
    %get3A_4 = vector.load %arg4[%get3A_2, %get3A_3] : memref<256x256xf32, #tpu.memory_space<vmem>>, vector<256x256xf32>
    %dot_general3A = arith.constant dense<0.000000e+00> : vector<128x256xf32>
    %dot_general3A_5 = tpu.matmul %get3A_1, %get3A_4, %dot_general3A {dimension_numbers = #tpu.dot_dimension_numbers<[0], [0], [1], [1], [0, 1, 1, 1], [], []>, transpose_lhs_hint = false} : vector<256x128xf32>, vector<256x256xf32>, vector<128x256xf32> -> vector<128x256xf32>
    %mul3A = arith.mulf %get3A_1, %get3A_1 : vector<256x128xf32>
    %get3A_6 = arith.constant 0 : index
    %get3A_7 = arith.constant 0 : index
    %get3A_8 = vector.load %arg5[%get3A_6, %get3A_7] : memref<256x256xf32, #tpu.memory_space<vmem>>, vector<256x256xf32>
    %dot_general3A_9 = arith.constant dense<0.000000e+00> : vector<128x256xf32>
    %dot_general3A_10 = tpu.matmul %mul3A, %get3A_8, %dot_general3A_9 {dimension_numbers = #tpu.dot_dimension_numbers<[0], [0], [1], [1], [0, 1, 1, 1], [], []>, transpose_lhs_hint = false} : vector<256x128xf32>, vector<256x256xf32>, vector<128x256xf32> -> vector<128x256xf32>
    %add3A = arith.addf %dot_general3A_5, %dot_general3A_10 : vector<128x256xf32>
    %mul3A_11 = arith.mulf %mul3A, %get3A_1 : vector<256x128xf32>
    %get3A_12 = arith.constant 0 : index
    %get3A_13 = arith.constant 0 : index
    %get3A_14 = vector.load %arg6[%get3A_12, %get3A_13] : memref<256x256xf32, #tpu.memory_space<vmem>>, vector<256x256xf32>
    %dot_general3A_15 = arith.constant dense<0.000000e+00> : vector<128x256xf32>
    %dot_general3A_16 = tpu.matmul %mul3A_11, %get3A_14, %dot_general3A_15 {dimension_numbers = #tpu.dot_dimension_numbers<[0], [0], [1], [1], [0, 1, 1, 1], [], []>, transpose_lhs_hint = false} : vector<256x128xf32>, vector<256x256xf32>, vector<128x256xf32> -> vector<128x256xf32>
    %add3A_17 = arith.addf %add3A, %dot_general3A_16 : vector<128x256xf32>
    %get3A_18 = arith.constant 0 : index
    %get3A_19 = arith.constant 0 : index
    %get3A_20 = vector.load %arg2[%get3A_18, %get3A_19] : memref<128x256xf32, #tpu.memory_space<vmem>>, vector<128x256xf32>
    %get3A_21 = arith.constant 0 : index
    %get3A_22 = arith.constant 0 : index
    %get3A_23 = vector.load %arg7[%get3A_21, %get3A_22] : memref<256x256xf32, #tpu.memory_space<vmem>>, vector<256x256xf32>
    %dot_general3A_24 = arith.constant dense<0.000000e+00> : vector<128x256xf32>
    %dot_general3A_25 = tpu.matmul %get3A_20, %get3A_23, %dot_general3A_24 {dimension_numbers = #tpu.dot_dimension_numbers<[1], [0], [0], [1], [0, 0, 1, 1], [], []>, transpose_lhs_hint = false} : vector<128x256xf32>, vector<256x256xf32>, vector<128x256xf32> -> vector<128x256xf32>
    %get3A_26 = arith.constant 0 : index
    %get3A_27 = arith.constant 0 : index
    %get3A_28 = vector.load %arg3[%get3A_26, %get3A_27] : memref<128x128xf32, #tpu.memory_space<vmem>>, vector<128x128xf32>
    %get3A_29 = arith.constant 0 : index
    %get3A_30 = arith.constant 0 : index
    %get3A_31 = vector.load %arg8[%get3A_29, %get3A_30] : memref<128x256xf32, #tpu.memory_space<vmem>>, vector<128x256xf32>
    %dot_general3A_32 = arith.constant dense<0.000000e+00> : vector<128x256xf32>
    %dot_general3A_33 = tpu.matmul %get3A_28, %get3A_31, %dot_general3A_32 {dimension_numbers = #tpu.dot_dimension_numbers<[1], [0], [0], [1], [0, 0, 1, 1], [], []>, transpose_lhs_hint = false} : vector<128x128xf32>, vector<128x256xf32>, vector<128x256xf32> -> vector<128x256xf32>
    %mul3A_34 = arith.mulf %dot_general3A_25, %dot_general3A_33 : vector<128x256xf32>
    %add3A_35 = arith.addf %add3A_17, %mul3A_34 : vector<128x256xf32>
    %tanh3A = math.tanh %add3A_35 : vector<128x256xf32>
    %swap3A = arith.constant 0 : index
    %swap3A_36 = arith.constant 0 : index
    %swap3A_37 = vector.load %arg10[%swap3A, %swap3A_36] : memref<128x256xf32, #tpu.memory_space<vmem>>, vector<128x256xf32>
    tpu.vector_store %arg10[%swap3A, %swap3A_36], %tanh3A {strides = array<i32>} : memref<128x256xf32, #tpu.memory_space<vmem>>, vector<128x256xf32>,
    %get3A_38 = arith.constant 0 : index
    %get3A_39 = arith.constant 0 : index
    %get3A_40 = vector.load %arg9[%get3A_38, %get3A_39] : memref<256x16xf32, #tpu.memory_space<vmem>>, vector<256x16xf32>
    %dot_general3A_41 = arith.constant dense<0.000000e+00> : vector<16x128xf32>
    %dot_general3A_42 = tpu.matmul %get3A_40, %tanh3A, %dot_general3A_41 {dimension_numbers = #tpu.dot_dimension_numbers<[0], [1], [1], [0], [0, 1, 1, 0], [], []>, transpose_lhs_hint = false} : vector<256x16xf32>, vector<128x256xf32>, vector<16x128xf32> -> vector<16x128xf32>
    %swap3A_43 = arith.constant 0 : index
    %swap3A_44 = arith.constant 0 : index
    %swap3A_45 = vector.load %arg11[%swap3A_43, %swap3A_44] : memref<16x128xf32, #tpu.memory_space<vmem>>, vector<16x128xf32>
    tpu.vector_store %arg11[%swap3A_43, %swap3A_44], %dot_general3A_42 {strides = array<i32>} : memref<16x128xf32, #tpu.memory_space<vmem>>, vector<16x128xf32>,
    %reduce_sum3A = arith.constant dense<0.000000e+00> : vector<256xf32>
    %reduce_sum3A_46 = vector.multi_reduction <add>, %tanh3A, %reduce_sum3A [0] : vector<128x256xf32> to vector<256xf32>
    %broadcast_in_dim3A = vector.shape_cast %reduce_sum3A_46 : vector<256xf32> to vector<1x256xf32>
    %mul3A_47 = arith.constant 7.812500e-03 : f32
    %mul3A_48 = vector.broadcast %mul3A_47 : f32 to vector<1x256xf32>
    %mul3A_49 = arith.mulf %broadcast_in_dim3A, %mul3A_48 : vector<1x256xf32>
    %reshape3A = vector.shape_cast %mul3A_49 : vector<1x256xf32> to vector<1x1x256xf32>
    %swap3A_50 = arith.constant 0 : index
    %swap3A_51 = arith.constant 0 : index
    %swap3A_52 = arith.constant 0 : index
    %swap3A_53 = vector.load %arg12[%swap3A_50, %swap3A_51, %swap3A_52] : memref<1x1x256xf32, #tpu.memory_space<vmem>>, vector<1x1x256xf32>
    tpu.vector_store %arg12[%swap3A_50, %swap3A_51, %swap3A_52], %reshape3A {strides = array<i32>} : memref<1x1x256xf32, #tpu.memory_space<vmem>>, vector<1x1x256xf32>,
    return
  }
  func.func @transform_0(%arg0: i32) -> (i32, i32) {
    %c0_i32 = arith.constant 0 : i32
    %c0_i32_0 = arith.constant 0 : i32
    return %c0_i32, %arg0 : i32, i32
  }
  func.func @transform_1(%arg0: i32) -> (i32, i32) {
    %c0_i32 = arith.constant 0 : i32
    %c0_i32_0 = arith.constant 0 : i32
    return %arg0, %c0_i32 : i32, i32
  }
  func.func @transform_2(%arg0: i32) -> (i32, i32) {
    %c0_i32 = arith.constant 0 : i32
    %c0_i32_0 = arith.constant 0 : i32
    return %arg0, %c0_i32 : i32, i32
  }
  func.func @transform_3(%arg0: i32) -> (i32, i32) {
    %c0_i32 = arith.constant 0 : i32
    %c0_i32_0 = arith.constant 0 : i32
    %c0_i32_1 = arith.constant 0 : i32
    return %c0_i32, %c0_i32_0 : i32, i32
  }
  func.func @transform_4(%arg0: i32) -> (i32, i32) {
    %c0_i32 = arith.constant 0 : i32
    %c0_i32_0 = arith.constant 0 : i32
    %c0_i32_1 = arith.constant 0 : i32
    return %c0_i32, %c0_i32_0 : i32, i32
  }
  func.func @transform_5(%arg0: i32) -> (i32, i32) {
    %c0_i32 = arith.constant 0 : i32
    %c0_i32_0 = arith.constant 0 : i32
    %c0_i32_1 = arith.constant 0 : i32
    return %c0_i32, %c0_i32_0 : i32, i32
  }
  func.func @transform_6(%arg0: i32) -> (i32, i32) {
    %c0_i32 = arith.constant 0 : i32
    %c0_i32_0 = arith.constant 0 : i32
    %c0_i32_1 = arith.constant 0 : i32
    return %c0_i32, %c0_i32_0 : i32, i32
  }
  func.func @transform_7(%arg0: i32) -> (i32, i32) {
    %c0_i32 = arith.constant 0 : i32
    %c0_i32_0 = arith.constant 0 : i32
    %c0_i32_1 = arith.constant 0 : i32
    return %c0_i32, %c0_i32_0 : i32, i32
  }
  func.func @transform_8(%arg0: i32) -> (i32, i32) {
    %c0_i32 = arith.constant 0 : i32
    %c0_i32_0 = arith.constant 0 : i32
    %c0_i32_1 = arith.constant 0 : i32
    return %c0_i32, %c0_i32_0 : i32, i32
  }
  func.func @transform_9(%arg0: i32) -> (i32, i32) {
    %c0_i32 = arith.constant 0 : i32
    %c0_i32_0 = arith.constant 0 : i32
    return %arg0, %c0_i32 : i32, i32
  }
  func.func @transform_10(%arg0: i32) -> (i32, i32) {
    %c0_i32 = arith.constant 0 : i32
    %c0_i32_0 = arith.constant 0 : i32
    return %c0_i32, %arg0 : i32, i32
  }
  func.func @transform_11(%arg0: i32) -> (i32, i32, i32) {
    %c0_i32 = arith.constant 0 : i32
    %c0_i32_0 = arith.constant 0 : i32
    %c0_i32_1 = arith.constant 0 : i32
    return %arg0, %c0_i32, %c0_i32_0 : i32, i32, i32
  }
}

module attributes {stable_mosaic.version = 14 : i64} {
  func.func @_dense_body(%arg0: i32, %arg1: memref<256x128xf32, #tpu.memory_space<vmem>>, %arg2: memref<128x256xf32, #tpu.memory_space<vmem>>, %arg3: memref<128x128xf32, #tpu.memory_space<vmem>>, %arg4: memref<256x64xf32, #tpu.memory_space<vmem>>, %arg5: memref<256x64xf32, #tpu.memory_space<vmem>>, %arg6: memref<256x64xf32, #tpu.memory_space<vmem>>, %arg7: memref<256x64xf32, #tpu.memory_space<vmem>>, %arg8: memref<128x64xf32, #tpu.memory_space<vmem>>, %arg9: memref<128x64xf32, #tpu.memory_space<vmem>>, %arg10: memref<1x1x64xf32, #tpu.memory_space<vmem>>) attributes {dimension_semantics = [#tpu.dimension_semantics<arbitrary>], iteration_bounds = array<i64: 79>, scalar_prefetch = 0 : i64, scratch_operands = 0 : i64, tpu.core_type = #tpu.core_type<tc>, window_params = [{transform_indices = @transform_0, window_bounds = array<i64: 256, 128>}, {transform_indices = @transform_1, window_bounds = array<i64: 128, 256>}, {transform_indices = @transform_2, window_bounds = array<i64: 128, 128>}, {pipeline_mode = #tpu.pipeline_mode<synchronous>, transform_indices = @transform_3, window_bounds = array<i64: 256, 64>}, {pipeline_mode = #tpu.pipeline_mode<synchronous>, transform_indices = @transform_4, window_bounds = array<i64: 256, 64>}, {pipeline_mode = #tpu.pipeline_mode<synchronous>, transform_indices = @transform_5, window_bounds = array<i64: 256, 64>}, {pipeline_mode = #tpu.pipeline_mode<synchronous>, transform_indices = @transform_6, window_bounds = array<i64: 256, 64>}, {pipeline_mode = #tpu.pipeline_mode<synchronous>, transform_indices = @transform_7, window_bounds = array<i64: 128, 64>}, {transform_indices = @transform_8, window_bounds = array<i64: 128, 64>}, {transform_indices = @transform_9, window_bounds = array<i64: 1, 1, 64>}]} {
    %get3A = arith.constant 0 : index
    %get3A_0 = arith.constant 0 : index
    %get3A_1 = vector.load %arg1[%get3A, %get3A_0] : memref<256x128xf32, #tpu.memory_space<vmem>>, vector<256x128xf32>
    %get3A_2 = arith.constant 0 : index
    %get3A_3 = arith.constant 0 : index
    %get3A_4 = vector.load %arg4[%get3A_2, %get3A_3] : memref<256x64xf32, #tpu.memory_space<vmem>>, vector<256x64xf32>
    %dot_general3A = arith.constant dense<0.000000e+00> : vector<128x64xf32>
    %dot_general3A_5 = tpu.matmul %get3A_1, %get3A_4, %dot_general3A {dimension_numbers = #tpu.dot_dimension_numbers<[0], [0], [1], [1], [0, 1, 1, 1], [], []>, transpose_lhs_hint = false} : vector<256x128xf32>, vector<256x64xf32>, vector<128x64xf32> -> vector<128x64xf32>
    %mul3A = arith.mulf %get3A_1, %get3A_1 : vector<256x128xf32>
    %get3A_6 = arith.constant 0 : index
    %get3A_7 = arith.constant 0 : index
    %get3A_8 = vector.load %arg5[%get3A_6, %get3A_7] : memref<256x64xf32, #tpu.memory_space<vmem>>, vector<256x64xf32>
    %dot_general3A_9 = arith.constant dense<0.000000e+00> : vector<128x64xf32>
    %dot_general3A_10 = tpu.matmul %mul3A, %get3A_8, %dot_general3A_9 {dimension_numbers = #tpu.dot_dimension_numbers<[0], [0], [1], [1], [0, 1, 1, 1], [], []>, transpose_lhs_hint = false} : vector<256x128xf32>, vector<256x64xf32>, vector<128x64xf32> -> vector<128x64xf32>
    %add3A = arith.addf %dot_general3A_5, %dot_general3A_10 : vector<128x64xf32>
    %mul3A_11 = arith.mulf %mul3A, %get3A_1 : vector<256x128xf32>
    %get3A_12 = arith.constant 0 : index
    %get3A_13 = arith.constant 0 : index
    %get3A_14 = vector.load %arg6[%get3A_12, %get3A_13] : memref<256x64xf32, #tpu.memory_space<vmem>>, vector<256x64xf32>
    %dot_general3A_15 = arith.constant dense<0.000000e+00> : vector<128x64xf32>
    %dot_general3A_16 = tpu.matmul %mul3A_11, %get3A_14, %dot_general3A_15 {dimension_numbers = #tpu.dot_dimension_numbers<[0], [0], [1], [1], [0, 1, 1, 1], [], []>, transpose_lhs_hint = false} : vector<256x128xf32>, vector<256x64xf32>, vector<128x64xf32> -> vector<128x64xf32>
    %add3A_17 = arith.addf %add3A, %dot_general3A_16 : vector<128x64xf32>
    %get3A_18 = arith.constant 0 : index
    %get3A_19 = arith.constant 0 : index
    %get3A_20 = vector.load %arg2[%get3A_18, %get3A_19] : memref<128x256xf32, #tpu.memory_space<vmem>>, vector<128x256xf32>
    %get3A_21 = arith.constant 0 : index
    %get3A_22 = arith.constant 0 : index
    %get3A_23 = vector.load %arg7[%get3A_21, %get3A_22] : memref<256x64xf32, #tpu.memory_space<vmem>>, vector<256x64xf32>
    %dot_general3A_24 = arith.constant dense<0.000000e+00> : vector<128x64xf32>
    %dot_general3A_25 = tpu.matmul %get3A_20, %get3A_23, %dot_general3A_24 {dimension_numbers = #tpu.dot_dimension_numbers<[1], [0], [0], [1], [0, 0, 1, 1], [], []>, transpose_lhs_hint = false} : vector<128x256xf32>, vector<256x64xf32>, vector<128x64xf32> -> vector<128x64xf32>
    %get3A_26 = arith.constant 0 : index
    %get3A_27 = arith.constant 0 : index
    %get3A_28 = vector.load %arg3[%get3A_26, %get3A_27] : memref<128x128xf32, #tpu.memory_space<vmem>>, vector<128x128xf32>
    %get3A_29 = arith.constant 0 : index
    %get3A_30 = arith.constant 0 : index
    %get3A_31 = vector.load %arg8[%get3A_29, %get3A_30] : memref<128x64xf32, #tpu.memory_space<vmem>>, vector<128x64xf32>
    %dot_general3A_32 = arith.constant dense<0.000000e+00> : vector<128x64xf32>
    %dot_general3A_33 = tpu.matmul %get3A_28, %get3A_31, %dot_general3A_32 {dimension_numbers = #tpu.dot_dimension_numbers<[1], [0], [0], [1], [0, 0, 1, 1], [], []>, transpose_lhs_hint = false} : vector<128x128xf32>, vector<128x64xf32>, vector<128x64xf32> -> vector<128x64xf32>
    %mul3A_34 = arith.mulf %dot_general3A_25, %dot_general3A_33 : vector<128x64xf32>
    %add3A_35 = arith.addf %add3A_17, %mul3A_34 : vector<128x64xf32>
    %tanh3A = math.tanh %add3A_35 : vector<128x64xf32>
    %swap3A = arith.constant 0 : index
    %swap3A_36 = arith.constant 0 : index
    %swap3A_37 = vector.load %arg9[%swap3A, %swap3A_36] : memref<128x64xf32, #tpu.memory_space<vmem>>, vector<128x64xf32>
    tpu.vector_store %arg9[%swap3A, %swap3A_36], %tanh3A {strides = array<i32>} : memref<128x64xf32, #tpu.memory_space<vmem>>, vector<128x64xf32>,
    %reduce_sum3A = arith.constant dense<0.000000e+00> : vector<64xf32>
    %reduce_sum3A_38 = vector.multi_reduction <add>, %tanh3A, %reduce_sum3A [0] : vector<128x64xf32> to vector<64xf32>
    %broadcast_in_dim3A = vector.shape_cast %reduce_sum3A_38 : vector<64xf32> to vector<1x64xf32>
    %mul3A_39 = arith.constant 7.812500e-03 : f32
    %mul3A_40 = vector.broadcast %mul3A_39 : f32 to vector<1x64xf32>
    %mul3A_41 = arith.mulf %broadcast_in_dim3A, %mul3A_40 : vector<1x64xf32>
    %reshape3A = vector.shape_cast %mul3A_41 : vector<1x64xf32> to vector<1x1x64xf32>
    %swap3A_42 = arith.constant 0 : index
    %swap3A_43 = arith.constant 0 : index
    %swap3A_44 = arith.constant 0 : index
    %swap3A_45 = vector.load %arg10[%swap3A_42, %swap3A_43, %swap3A_44] : memref<1x1x64xf32, #tpu.memory_space<vmem>>, vector<1x1x64xf32>
    tpu.vector_store %arg10[%swap3A_42, %swap3A_43, %swap3A_44], %reshape3A {strides = array<i32>} : memref<1x1x64xf32, #tpu.memory_space<vmem>>, vector<1x1x64xf32>,
    return
  }
  func.func @transform_0(%arg0: i32) -> (i32, i32) {
    %c0_i32 = arith.constant 0 : i32
    %c0_i32_0 = arith.constant 0 : i32
    return %c0_i32, %arg0 : i32, i32
  }
  func.func @transform_1(%arg0: i32) -> (i32, i32) {
    %c0_i32 = arith.constant 0 : i32
    %c0_i32_0 = arith.constant 0 : i32
    return %arg0, %c0_i32 : i32, i32
  }
  func.func @transform_2(%arg0: i32) -> (i32, i32) {
    %c0_i32 = arith.constant 0 : i32
    %c0_i32_0 = arith.constant 0 : i32
    return %arg0, %c0_i32 : i32, i32
  }
  func.func @transform_3(%arg0: i32) -> (i32, i32) {
    %c0_i32 = arith.constant 0 : i32
    %c0_i32_0 = arith.constant 0 : i32
    %c0_i32_1 = arith.constant 0 : i32
    return %c0_i32, %c0_i32_0 : i32, i32
  }
  func.func @transform_4(%arg0: i32) -> (i32, i32) {
    %c0_i32 = arith.constant 0 : i32
    %c0_i32_0 = arith.constant 0 : i32
    %c0_i32_1 = arith.constant 0 : i32
    return %c0_i32, %c0_i32_0 : i32, i32
  }
  func.func @transform_5(%arg0: i32) -> (i32, i32) {
    %c0_i32 = arith.constant 0 : i32
    %c0_i32_0 = arith.constant 0 : i32
    %c0_i32_1 = arith.constant 0 : i32
    return %c0_i32, %c0_i32_0 : i32, i32
  }
  func.func @transform_6(%arg0: i32) -> (i32, i32) {
    %c0_i32 = arith.constant 0 : i32
    %c0_i32_0 = arith.constant 0 : i32
    %c0_i32_1 = arith.constant 0 : i32
    return %c0_i32, %c0_i32_0 : i32, i32
  }
  func.func @transform_7(%arg0: i32) -> (i32, i32) {
    %c0_i32 = arith.constant 0 : i32
    %c0_i32_0 = arith.constant 0 : i32
    %c0_i32_1 = arith.constant 0 : i32
    return %c0_i32, %c0_i32_0 : i32, i32
  }
  func.func @transform_8(%arg0: i32) -> (i32, i32) {
    %c0_i32 = arith.constant 0 : i32
    %c0_i32_0 = arith.constant 0 : i32
    return %arg0, %c0_i32 : i32, i32
  }
  func.func @transform_9(%arg0: i32) -> (i32, i32, i32) {
    %c0_i32 = arith.constant 0 : i32
    %c0_i32_0 = arith.constant 0 : i32
    %c0_i32_1 = arith.constant 0 : i32
    return %arg0, %c0_i32, %c0_i32_0 : i32, i32, i32
  }
}

module attributes {stable_mosaic.version = 14 : i64} {
  func.func @_head_body(%arg0: memref<79x8128xf32, #tpu.memory_space<vmem>>, %arg1: memref<79x640xf32, #tpu.memory_space<vmem>>, %arg2: memref<1x8128xf32, #tpu.memory_space<vmem>>, %arg3: memref<1x8128xf32, #tpu.memory_space<vmem>>, %arg4: memref<1x640xf32, #tpu.memory_space<vmem>>, %arg5: memref<1x640xf32, #tpu.memory_space<vmem>>, %arg6: memref<8128x512xf32, #tpu.memory_space<vmem>>, %arg7: memref<640x512xf32, #tpu.memory_space<vmem>>, %arg8: memref<1x512xf32, #tpu.memory_space<vmem>>, %arg9: memref<1x512xf32, #tpu.memory_space<vmem>>, %arg10: memref<1x512xf32, #tpu.memory_space<vmem>>, %arg11: memref<512x256xf32, #tpu.memory_space<vmem>>, %arg12: memref<1x256xf32, #tpu.memory_space<vmem>>, %arg13: memref<1x256xf32, #tpu.memory_space<vmem>>, %arg14: memref<1x256xf32, #tpu.memory_space<vmem>>, %arg15: memref<256x256xf32, #tpu.memory_space<vmem>>, %arg16: memref<1x256xf32, #tpu.memory_space<vmem>>, %arg17: memref<1x256xf32, #tpu.memory_space<vmem>>, %arg18: memref<1x256xf32, #tpu.memory_space<vmem>>, %arg19: memref<256x10xf32, #tpu.memory_space<vmem>>, %arg20: memref<1x10xf32, #tpu.memory_space<vmem>>, %arg21: memref<79x10xf32, #tpu.memory_space<vmem>>) attributes {dimension_semantics = [], scalar_prefetch = 0 : i64, scratch_operands = 0 : i64, tpu.core_type = #tpu.core_type<tc>} {
    %get3A = arith.constant 0 : index
    %get3A_0 = arith.constant 0 : index
    %get3A_1 = vector.load %arg0[%get3A, %get3A_0] : memref<79x8128xf32, #tpu.memory_space<vmem>>, vector<79x8128xf32>
    %get3A_2 = arith.constant 0 : index
    %get3A_3 = arith.constant 0 : index
    %get3A_4 = vector.load %arg2[%get3A_2, %get3A_3] : memref<1x8128xf32, #tpu.memory_space<vmem>>, vector<1x8128xf32>
    %get3A_5 = arith.constant 0 : index
    %get3A_6 = arith.constant 0 : index
    %get3A_7 = vector.load %arg3[%get3A_5, %get3A_6] : memref<1x8128xf32, #tpu.memory_space<vmem>>, vector<1x8128xf32>
    %reduce_sum3A = arith.constant dense<0.000000e+00> : vector<8128xf32>
    %reduce_sum3A_8 = vector.multi_reduction <add>, %get3A_1, %reduce_sum3A [0] : vector<79x8128xf32> to vector<8128xf32>
    %broadcast_in_dim3A = vector.shape_cast %reduce_sum3A_8 : vector<8128xf32> to vector<1x8128xf32>
    %div3A = arith.constant 7.900000e+01 : f32
    %div3A_9 = vector.broadcast %div3A : f32 to vector<1x8128xf32>
    %div3A_10 = arith.divf %broadcast_in_dim3A, %div3A_9 : vector<1x8128xf32>
    %sub3A = vector.broadcast %div3A_10 : vector<1x8128xf32> to vector<79x8128xf32>
    %sub3A_11 = arith.subf %get3A_1, %sub3A : vector<79x8128xf32>
    %sub3A_12 = vector.broadcast %div3A_10 : vector<1x8128xf32> to vector<79x8128xf32>
    %sub3A_13 = arith.subf %get3A_1, %sub3A_12 : vector<79x8128xf32>
    %mul3A = arith.mulf %sub3A_11, %sub3A_13 : vector<79x8128xf32>
    %reduce_sum3A_14 = arith.constant dense<0.000000e+00> : vector<8128xf32>
    %reduce_sum3A_15 = vector.multi_reduction <add>, %mul3A, %reduce_sum3A_14 [0] : vector<79x8128xf32> to vector<8128xf32>
    %broadcast_in_dim3A_16 = vector.shape_cast %reduce_sum3A_15 : vector<8128xf32> to vector<1x8128xf32>
    %div3A_17 = arith.constant 7.900000e+01 : f32
    %div3A_18 = vector.broadcast %div3A_17 : f32 to vector<1x8128xf32>
    %div3A_19 = arith.divf %broadcast_in_dim3A_16, %div3A_18 : vector<1x8128xf32>
    %sub3A_20 = vector.broadcast %div3A_10 : vector<1x8128xf32> to vector<79x8128xf32>
    %sub3A_21 = arith.subf %get3A_1, %sub3A_20 : vector<79x8128xf32>
    %add3A = arith.constant 9.99999974E-6 : f32
    %add3A_22 = vector.broadcast %add3A : f32 to vector<1x8128xf32>
    %add3A_23 = arith.addf %div3A_19, %add3A_22 : vector<1x8128xf32>
    %rsqrt3A = math.rsqrt %add3A_23 : vector<1x8128xf32>
    %mul3A_24 = vector.broadcast %rsqrt3A : vector<1x8128xf32> to vector<79x8128xf32>
    %mul3A_25 = arith.mulf %sub3A_21, %mul3A_24 : vector<79x8128xf32>
    %mul3A_26 = vector.broadcast %get3A_4 : vector<1x8128xf32> to vector<79x8128xf32>
    %mul3A_27 = arith.mulf %mul3A_25, %mul3A_26 : vector<79x8128xf32>
    %add3A_28 = vector.broadcast %get3A_7 : vector<1x8128xf32> to vector<79x8128xf32>
    %add3A_29 = arith.addf %mul3A_27, %add3A_28 : vector<79x8128xf32>
    %get3A_30 = arith.constant 0 : index
    %get3A_31 = arith.constant 0 : index
    %get3A_32 = vector.load %arg1[%get3A_30, %get3A_31] : memref<79x640xf32, #tpu.memory_space<vmem>>, vector<79x640xf32>
    %get3A_33 = arith.constant 0 : index
    %get3A_34 = arith.constant 0 : index
    %get3A_35 = vector.load %arg4[%get3A_33, %get3A_34] : memref<1x640xf32, #tpu.memory_space<vmem>>, vector<1x640xf32>
    %get3A_36 = arith.constant 0 : index
    %get3A_37 = arith.constant 0 : index
    %get3A_38 = vector.load %arg5[%get3A_36, %get3A_37] : memref<1x640xf32, #tpu.memory_space<vmem>>, vector<1x640xf32>
    %reduce_sum3A_39 = arith.constant dense<0.000000e+00> : vector<640xf32>
    %reduce_sum3A_40 = vector.multi_reduction <add>, %get3A_32, %reduce_sum3A_39 [0] : vector<79x640xf32> to vector<640xf32>
    %broadcast_in_dim3A_41 = vector.shape_cast %reduce_sum3A_40 : vector<640xf32> to vector<1x640xf32>
    %div3A_42 = arith.constant 7.900000e+01 : f32
    %div3A_43 = vector.broadcast %div3A_42 : f32 to vector<1x640xf32>
    %div3A_44 = arith.divf %broadcast_in_dim3A_41, %div3A_43 : vector<1x640xf32>
    %sub3A_45 = vector.broadcast %div3A_44 : vector<1x640xf32> to vector<79x640xf32>
    %sub3A_46 = arith.subf %get3A_32, %sub3A_45 : vector<79x640xf32>
    %sub3A_47 = vector.broadcast %div3A_44 : vector<1x640xf32> to vector<79x640xf32>
    %sub3A_48 = arith.subf %get3A_32, %sub3A_47 : vector<79x640xf32>
    %mul3A_49 = arith.mulf %sub3A_46, %sub3A_48 : vector<79x640xf32>
    %reduce_sum3A_50 = arith.constant dense<0.000000e+00> : vector<640xf32>
    %reduce_sum3A_51 = vector.multi_reduction <add>, %mul3A_49, %reduce_sum3A_50 [0] : vector<79x640xf32> to vector<640xf32>
    %broadcast_in_dim3A_52 = vector.shape_cast %reduce_sum3A_51 : vector<640xf32> to vector<1x640xf32>
    %div3A_53 = arith.constant 7.900000e+01 : f32
    %div3A_54 = vector.broadcast %div3A_53 : f32 to vector<1x640xf32>
    %div3A_55 = arith.divf %broadcast_in_dim3A_52, %div3A_54 : vector<1x640xf32>
    %sub3A_56 = vector.broadcast %div3A_44 : vector<1x640xf32> to vector<79x640xf32>
    %sub3A_57 = arith.subf %get3A_32, %sub3A_56 : vector<79x640xf32>
    %add3A_58 = arith.constant 9.99999974E-6 : f32
    %add3A_59 = vector.broadcast %add3A_58 : f32 to vector<1x640xf32>
    %add3A_60 = arith.addf %div3A_55, %add3A_59 : vector<1x640xf32>
    %rsqrt3A_61 = math.rsqrt %add3A_60 : vector<1x640xf32>
    %mul3A_62 = vector.broadcast %rsqrt3A_61 : vector<1x640xf32> to vector<79x640xf32>
    %mul3A_63 = arith.mulf %sub3A_57, %mul3A_62 : vector<79x640xf32>
    %mul3A_64 = vector.broadcast %get3A_35 : vector<1x640xf32> to vector<79x640xf32>
    %mul3A_65 = arith.mulf %mul3A_63, %mul3A_64 : vector<79x640xf32>
    %add3A_66 = vector.broadcast %get3A_38 : vector<1x640xf32> to vector<79x640xf32>
    %add3A_67 = arith.addf %mul3A_65, %add3A_66 : vector<79x640xf32>
    %get3A_68 = arith.constant 0 : index
    %get3A_69 = arith.constant 0 : index
    %get3A_70 = vector.load %arg6[%get3A_68, %get3A_69] : memref<8128x512xf32, #tpu.memory_space<vmem>>, vector<8128x512xf32>
    %dot_general3A = arith.constant dense<0.000000e+00> : vector<79x512xf32>
    %dot_general3A_71 = tpu.matmul %add3A_29, %get3A_70, %dot_general3A {dimension_numbers = #tpu.dot_dimension_numbers<[1], [0], [0], [1], [0, 0, 1, 1], [], []>, transpose_lhs_hint = false} : vector<79x8128xf32>, vector<8128x512xf32>, vector<79x512xf32> -> vector<79x512xf32>
    %get3A_72 = arith.constant 0 : index
    %get3A_73 = arith.constant 0 : index
    %get3A_74 = vector.load %arg7[%get3A_72, %get3A_73] : memref<640x512xf32, #tpu.memory_space<vmem>>, vector<640x512xf32>
    %dot_general3A_75 = arith.constant dense<0.000000e+00> : vector<79x512xf32>
    %dot_general3A_76 = tpu.matmul %add3A_67, %get3A_74, %dot_general3A_75 {dimension_numbers = #tpu.dot_dimension_numbers<[1], [0], [0], [1], [0, 0, 1, 1], [], []>, transpose_lhs_hint = false} : vector<79x640xf32>, vector<640x512xf32>, vector<79x512xf32> -> vector<79x512xf32>
    %add3A_77 = arith.addf %dot_general3A_71, %dot_general3A_76 : vector<79x512xf32>
    %get3A_78 = arith.constant 0 : index
    %get3A_79 = arith.constant 0 : index
    %get3A_80 = vector.load %arg8[%get3A_78, %get3A_79] : memref<1x512xf32, #tpu.memory_space<vmem>>, vector<1x512xf32>
    %add3A_81 = vector.broadcast %get3A_80 : vector<1x512xf32> to vector<79x512xf32>
    %add3A_82 = arith.addf %add3A_77, %add3A_81 : vector<79x512xf32>
    %get3A_83 = arith.constant 0 : index
    %get3A_84 = arith.constant 0 : index
    %get3A_85 = vector.load %arg9[%get3A_83, %get3A_84] : memref<1x512xf32, #tpu.memory_space<vmem>>, vector<1x512xf32>
    %get3A_86 = arith.constant 0 : index
    %get3A_87 = arith.constant 0 : index
    %get3A_88 = vector.load %arg10[%get3A_86, %get3A_87] : memref<1x512xf32, #tpu.memory_space<vmem>>, vector<1x512xf32>
    %reduce_sum3A_89 = arith.constant dense<0.000000e+00> : vector<512xf32>
    %reduce_sum3A_90 = vector.multi_reduction <add>, %add3A_82, %reduce_sum3A_89 [0] : vector<79x512xf32> to vector<512xf32>
    %broadcast_in_dim3A_91 = vector.shape_cast %reduce_sum3A_90 : vector<512xf32> to vector<1x512xf32>
    %div3A_92 = arith.constant 7.900000e+01 : f32
    %div3A_93 = vector.broadcast %div3A_92 : f32 to vector<1x512xf32>
    %div3A_94 = arith.divf %broadcast_in_dim3A_91, %div3A_93 : vector<1x512xf32>
    %sub3A_95 = vector.broadcast %div3A_94 : vector<1x512xf32> to vector<79x512xf32>
    %sub3A_96 = arith.subf %add3A_82, %sub3A_95 : vector<79x512xf32>
    %sub3A_97 = vector.broadcast %div3A_94 : vector<1x512xf32> to vector<79x512xf32>
    %sub3A_98 = arith.subf %add3A_82, %sub3A_97 : vector<79x512xf32>
    %mul3A_99 = arith.mulf %sub3A_96, %sub3A_98 : vector<79x512xf32>
    %reduce_sum3A_100 = arith.constant dense<0.000000e+00> : vector<512xf32>
    %reduce_sum3A_101 = vector.multi_reduction <add>, %mul3A_99, %reduce_sum3A_100 [0] : vector<79x512xf32> to vector<512xf32>
    %broadcast_in_dim3A_102 = vector.shape_cast %reduce_sum3A_101 : vector<512xf32> to vector<1x512xf32>
    %div3A_103 = arith.constant 7.900000e+01 : f32
    %div3A_104 = vector.broadcast %div3A_103 : f32 to vector<1x512xf32>
    %div3A_105 = arith.divf %broadcast_in_dim3A_102, %div3A_104 : vector<1x512xf32>
    %sub3A_106 = vector.broadcast %div3A_94 : vector<1x512xf32> to vector<79x512xf32>
    %sub3A_107 = arith.subf %add3A_82, %sub3A_106 : vector<79x512xf32>
    %add3A_108 = arith.constant 9.99999974E-6 : f32
    %add3A_109 = vector.broadcast %add3A_108 : f32 to vector<1x512xf32>
    %add3A_110 = arith.addf %div3A_105, %add3A_109 : vector<1x512xf32>
    %rsqrt3A_111 = math.rsqrt %add3A_110 : vector<1x512xf32>
    %mul3A_112 = vector.broadcast %rsqrt3A_111 : vector<1x512xf32> to vector<79x512xf32>
    %mul3A_113 = arith.mulf %sub3A_107, %mul3A_112 : vector<79x512xf32>
    %mul3A_114 = vector.broadcast %get3A_85 : vector<1x512xf32> to vector<79x512xf32>
    %mul3A_115 = arith.mulf %mul3A_113, %mul3A_114 : vector<79x512xf32>
    %add3A_116 = vector.broadcast %get3A_88 : vector<1x512xf32> to vector<79x512xf32>
    %add3A_117 = arith.addf %mul3A_115, %add3A_116 : vector<79x512xf32>
    %max3A = arith.constant 0.000000e+00 : f32
    %max3A_118 = vector.broadcast %max3A : f32 to vector<79x512xf32>
    %max3A_119 = arith.maximumf %add3A_117, %max3A_118 : vector<79x512xf32>
    %get3A_120 = arith.constant 0 : index
    %get3A_121 = arith.constant 0 : index
    %get3A_122 = vector.load %arg11[%get3A_120, %get3A_121] : memref<512x256xf32, #tpu.memory_space<vmem>>, vector<512x256xf32>
    %dot_general3A_123 = arith.constant dense<0.000000e+00> : vector<79x256xf32>
    %dot_general3A_124 = tpu.matmul %max3A_119, %get3A_122, %dot_general3A_123 {dimension_numbers = #tpu.dot_dimension_numbers<[1], [0], [0], [1], [0, 0, 1, 1], [], []>, transpose_lhs_hint = false} : vector<79x512xf32>, vector<512x256xf32>, vector<79x256xf32> -> vector<79x256xf32>
    %get3A_125 = arith.constant 0 : index
    %get3A_126 = arith.constant 0 : index
    %get3A_127 = vector.load %arg12[%get3A_125, %get3A_126] : memref<1x256xf32, #tpu.memory_space<vmem>>, vector<1x256xf32>
    %add3A_128 = vector.broadcast %get3A_127 : vector<1x256xf32> to vector<79x256xf32>
    %add3A_129 = arith.addf %dot_general3A_124, %add3A_128 : vector<79x256xf32>
    %get3A_130 = arith.constant 0 : index
    %get3A_131 = arith.constant 0 : index
    %get3A_132 = vector.load %arg13[%get3A_130, %get3A_131] : memref<1x256xf32, #tpu.memory_space<vmem>>, vector<1x256xf32>
    %get3A_133 = arith.constant 0 : index
    %get3A_134 = arith.constant 0 : index
    %get3A_135 = vector.load %arg14[%get3A_133, %get3A_134] : memref<1x256xf32, #tpu.memory_space<vmem>>, vector<1x256xf32>
    %reduce_sum3A_136 = arith.constant dense<0.000000e+00> : vector<256xf32>
    %reduce_sum3A_137 = vector.multi_reduction <add>, %add3A_129, %reduce_sum3A_136 [0] : vector<79x256xf32> to vector<256xf32>
    %broadcast_in_dim3A_138 = vector.shape_cast %reduce_sum3A_137 : vector<256xf32> to vector<1x256xf32>
    %div3A_139 = arith.constant 7.900000e+01 : f32
    %div3A_140 = vector.broadcast %div3A_139 : f32 to vector<1x256xf32>
    %div3A_141 = arith.divf %broadcast_in_dim3A_138, %div3A_140 : vector<1x256xf32>
    %sub3A_142 = vector.broadcast %div3A_141 : vector<1x256xf32> to vector<79x256xf32>
    %sub3A_143 = arith.subf %add3A_129, %sub3A_142 : vector<79x256xf32>
    %sub3A_144 = vector.broadcast %div3A_141 : vector<1x256xf32> to vector<79x256xf32>
    %sub3A_145 = arith.subf %add3A_129, %sub3A_144 : vector<79x256xf32>
    %mul3A_146 = arith.mulf %sub3A_143, %sub3A_145 : vector<79x256xf32>
    %reduce_sum3A_147 = arith.constant dense<0.000000e+00> : vector<256xf32>
    %reduce_sum3A_148 = vector.multi_reduction <add>, %mul3A_146, %reduce_sum3A_147 [0] : vector<79x256xf32> to vector<256xf32>
    %broadcast_in_dim3A_149 = vector.shape_cast %reduce_sum3A_148 : vector<256xf32> to vector<1x256xf32>
    %div3A_150 = arith.constant 7.900000e+01 : f32
    %div3A_151 = vector.broadcast %div3A_150 : f32 to vector<1x256xf32>
    %div3A_152 = arith.divf %broadcast_in_dim3A_149, %div3A_151 : vector<1x256xf32>
    %sub3A_153 = vector.broadcast %div3A_141 : vector<1x256xf32> to vector<79x256xf32>
    %sub3A_154 = arith.subf %add3A_129, %sub3A_153 : vector<79x256xf32>
    %add3A_155 = arith.constant 9.99999974E-6 : f32
    %add3A_156 = vector.broadcast %add3A_155 : f32 to vector<1x256xf32>
    %add3A_157 = arith.addf %div3A_152, %add3A_156 : vector<1x256xf32>
    %rsqrt3A_158 = math.rsqrt %add3A_157 : vector<1x256xf32>
    %mul3A_159 = vector.broadcast %rsqrt3A_158 : vector<1x256xf32> to vector<79x256xf32>
    %mul3A_160 = arith.mulf %sub3A_154, %mul3A_159 : vector<79x256xf32>
    %mul3A_161 = vector.broadcast %get3A_132 : vector<1x256xf32> to vector<79x256xf32>
    %mul3A_162 = arith.mulf %mul3A_160, %mul3A_161 : vector<79x256xf32>
    %add3A_163 = vector.broadcast %get3A_135 : vector<1x256xf32> to vector<79x256xf32>
    %add3A_164 = arith.addf %mul3A_162, %add3A_163 : vector<79x256xf32>
    %max3A_165 = arith.constant 0.000000e+00 : f32
    %max3A_166 = vector.broadcast %max3A_165 : f32 to vector<79x256xf32>
    %max3A_167 = arith.maximumf %add3A_164, %max3A_166 : vector<79x256xf32>
    %get3A_168 = arith.constant 0 : index
    %get3A_169 = arith.constant 0 : index
    %get3A_170 = vector.load %arg15[%get3A_168, %get3A_169] : memref<256x256xf32, #tpu.memory_space<vmem>>, vector<256x256xf32>
    %dot_general3A_171 = arith.constant dense<0.000000e+00> : vector<79x256xf32>
    %dot_general3A_172 = tpu.matmul %max3A_167, %get3A_170, %dot_general3A_171 {dimension_numbers = #tpu.dot_dimension_numbers<[1], [0], [0], [1], [0, 0, 1, 1], [], []>, transpose_lhs_hint = false} : vector<79x256xf32>, vector<256x256xf32>, vector<79x256xf32> -> vector<79x256xf32>
    %get3A_173 = arith.constant 0 : index
    %get3A_174 = arith.constant 0 : index
    %get3A_175 = vector.load %arg16[%get3A_173, %get3A_174] : memref<1x256xf32, #tpu.memory_space<vmem>>, vector<1x256xf32>
    %add3A_176 = vector.broadcast %get3A_175 : vector<1x256xf32> to vector<79x256xf32>
    %add3A_177 = arith.addf %dot_general3A_172, %add3A_176 : vector<79x256xf32>
    %get3A_178 = arith.constant 0 : index
    %get3A_179 = arith.constant 0 : index
    %get3A_180 = vector.load %arg17[%get3A_178, %get3A_179] : memref<1x256xf32, #tpu.memory_space<vmem>>, vector<1x256xf32>
    %get3A_181 = arith.constant 0 : index
    %get3A_182 = arith.constant 0 : index
    %get3A_183 = vector.load %arg18[%get3A_181, %get3A_182] : memref<1x256xf32, #tpu.memory_space<vmem>>, vector<1x256xf32>
    %reduce_sum3A_184 = arith.constant dense<0.000000e+00> : vector<256xf32>
    %reduce_sum3A_185 = vector.multi_reduction <add>, %add3A_177, %reduce_sum3A_184 [0] : vector<79x256xf32> to vector<256xf32>
    %broadcast_in_dim3A_186 = vector.shape_cast %reduce_sum3A_185 : vector<256xf32> to vector<1x256xf32>
    %div3A_187 = arith.constant 7.900000e+01 : f32
    %div3A_188 = vector.broadcast %div3A_187 : f32 to vector<1x256xf32>
    %div3A_189 = arith.divf %broadcast_in_dim3A_186, %div3A_188 : vector<1x256xf32>
    %sub3A_190 = vector.broadcast %div3A_189 : vector<1x256xf32> to vector<79x256xf32>
    %sub3A_191 = arith.subf %add3A_177, %sub3A_190 : vector<79x256xf32>
    %sub3A_192 = vector.broadcast %div3A_189 : vector<1x256xf32> to vector<79x256xf32>
    %sub3A_193 = arith.subf %add3A_177, %sub3A_192 : vector<79x256xf32>
    %mul3A_194 = arith.mulf %sub3A_191, %sub3A_193 : vector<79x256xf32>
    %reduce_sum3A_195 = arith.constant dense<0.000000e+00> : vector<256xf32>
    %reduce_sum3A_196 = vector.multi_reduction <add>, %mul3A_194, %reduce_sum3A_195 [0] : vector<79x256xf32> to vector<256xf32>
    %broadcast_in_dim3A_197 = vector.shape_cast %reduce_sum3A_196 : vector<256xf32> to vector<1x256xf32>
    %div3A_198 = arith.constant 7.900000e+01 : f32
    %div3A_199 = vector.broadcast %div3A_198 : f32 to vector<1x256xf32>
    %div3A_200 = arith.divf %broadcast_in_dim3A_197, %div3A_199 : vector<1x256xf32>
    %sub3A_201 = vector.broadcast %div3A_189 : vector<1x256xf32> to vector<79x256xf32>
    %sub3A_202 = arith.subf %add3A_177, %sub3A_201 : vector<79x256xf32>
    %add3A_203 = arith.constant 9.99999974E-6 : f32
    %add3A_204 = vector.broadcast %add3A_203 : f32 to vector<1x256xf32>
    %add3A_205 = arith.addf %div3A_200, %add3A_204 : vector<1x256xf32>
    %rsqrt3A_206 = math.rsqrt %add3A_205 : vector<1x256xf32>
    %mul3A_207 = vector.broadcast %rsqrt3A_206 : vector<1x256xf32> to vector<79x256xf32>
    %mul3A_208 = arith.mulf %sub3A_202, %mul3A_207 : vector<79x256xf32>
    %mul3A_209 = vector.broadcast %get3A_180 : vector<1x256xf32> to vector<79x256xf32>
    %mul3A_210 = arith.mulf %mul3A_208, %mul3A_209 : vector<79x256xf32>
    %add3A_211 = vector.broadcast %get3A_183 : vector<1x256xf32> to vector<79x256xf32>
    %add3A_212 = arith.addf %mul3A_210, %add3A_211 : vector<79x256xf32>
    %max3A_213 = arith.constant 0.000000e+00 : f32
    %max3A_214 = vector.broadcast %max3A_213 : f32 to vector<79x256xf32>
    %max3A_215 = arith.maximumf %add3A_212, %max3A_214 : vector<79x256xf32>
    %get3A_216 = arith.constant 0 : index
    %get3A_217 = arith.constant 0 : index
    %get3A_218 = vector.load %arg19[%get3A_216, %get3A_217] : memref<256x10xf32, #tpu.memory_space<vmem>>, vector<256x10xf32>
    %dot_general3A_219 = arith.constant dense<0.000000e+00> : vector<79x10xf32>
    %dot_general3A_220 = tpu.matmul %max3A_215, %get3A_218, %dot_general3A_219 {dimension_numbers = #tpu.dot_dimension_numbers<[1], [0], [0], [1], [0, 0, 1, 1], [], []>, transpose_lhs_hint = false} : vector<79x256xf32>, vector<256x10xf32>, vector<79x10xf32> -> vector<79x10xf32>
    %get3A_221 = arith.constant 0 : index
    %get3A_222 = arith.constant 0 : index
    %get3A_223 = vector.load %arg20[%get3A_221, %get3A_222] : memref<1x10xf32, #tpu.memory_space<vmem>>, vector<1x10xf32>
    %add3A_224 = vector.broadcast %get3A_223 : vector<1x10xf32> to vector<79x10xf32>
    %add3A_225 = arith.addf %dot_general3A_220, %add3A_224 : vector<79x10xf32>
    %reduce_max3A = arith.constant dense<0xFF800000> : vector<79xf32>
    %reduce_max3A_226 = vector.multi_reduction <maximumf>, %add3A_225, %reduce_max3A [1] : vector<79x10xf32> to vector<79xf32>
    %broadcast_in_dim3A_227 = vector.shape_cast %reduce_max3A_226 : vector<79xf32> to vector<79x1xf32>
    %sub3A_228 = vector.broadcast %broadcast_in_dim3A_227 : vector<79x1xf32> to vector<79x10xf32>
    %sub3A_229 = arith.subf %add3A_225, %sub3A_228 : vector<79x10xf32>
    %exp3A = math.exp %sub3A_229 : vector<79x10xf32>
    %reduce_sum3A_230 = arith.constant dense<0.000000e+00> : vector<79xf32>
    %reduce_sum3A_231 = vector.multi_reduction <add>, %exp3A, %reduce_sum3A_230 [1] : vector<79x10xf32> to vector<79xf32>
    %broadcast_in_dim3A_232 = vector.shape_cast %reduce_sum3A_231 : vector<79xf32> to vector<79x1xf32>
    %log3A = math.log %broadcast_in_dim3A_232 : vector<79x1xf32>
    %sub3A_233 = vector.broadcast %log3A : vector<79x1xf32> to vector<79x10xf32>
    %sub3A_234 = arith.subf %sub3A_229, %sub3A_233 : vector<79x10xf32>
    %swap3A = arith.constant 0 : index
    %swap3A_235 = arith.constant 0 : index
    %swap3A_236 = vector.load %arg21[%swap3A, %swap3A_235] : memref<79x10xf32, #tpu.memory_space<vmem>>, vector<79x10xf32>
    tpu.vector_store %arg21[%swap3A, %swap3A_235], %sub3A_234 {strides = array<i32>} : memref<79x10xf32, #tpu.memory_space<vmem>>, vector<79x10xf32>,
    return
  }
}

</mosaic_0001>

<sc_bundles>
// kernel: kernel.10.cloned.1.call-start
scs
__scs_entry_jumppad:
0x0: {  	(pc) =	sbr.rel $0x88, $3  }
0x1: {  	(tag) =	ssettag $0x0;
	lr =	simm.s32 $0x1  }
0x2: {  	[smem:$0x3F78] =	sst lr;
	_ =	strace $0xD0000000  }
0x3: {  	_ = 	snop  }
0x4: {  	_ = 	snop  }
0x5: {  	_ = 	snop  }
0x6: {  	_ = 	snop  }
0x7: {  	_ = 	snop  }
__scs_overlays_trampoline_lowered:
0x8: {  	[smem:$0x3F87] =	sst s0  }
0x9: {  	[smem:$0x3F88] =	sst s1  }
0xa: {  	[smem:$0x3F89] =	sst s2  }
0xb: {  	[smem:$0x3F8A] =	sst s3  }
0xc: {  	[smem:$0x3F8B] =	sst s4  }
0xd: {  	[smem:$0x3F8C] =	sst s5  }
0xe: {  	[smem:$0x3F8D] =	sst s6  }
0xf: {  	[smem:$0x3F8E] =	sst s7  }
0x10: {  	[smem:$0x3F8F] =	sst s8  }
0x11: {  	[smem:$0x3F90] =	sst s9;
	s0 =	simm.s32 @!p0 $0x0  }
0x12: {  	s1 =	sld [smem:$0x3F76];
	s0 =	simm.s32 @p0 $0x1  }
0x13: {  	[smem:$0x3F91] =	sst s0;
	s0 =	simm.s32 @!p1 $0x0  }
0x14: {  	s2 =	sld [smem:$0x3F75];
	s0 =	simm.s32 @p1 $0x1  }
0x15: {  	[smem:$0x3F92] =	sst s0;
	s0 =	simm.s32 @!p2 $0x0  }
0x16: {  	s3 =	sld [smem:$0x3FDB];
	s0 =	simm.s32 @p2 $0x1  }
0x17: {  	s4 =	simm.s32 $0x1BF5;
	[smem:$0x3F94] =	sst s0  }
0x18: {  	s0 =	sld [smem:$0x3F77];
	_ =	swait.ge [sflag:s4], $0x0  }
0x19: {  	s7 =	sld [smem:$0x3F78]  }
0x1a: {  	s8 =	sadd.s32 $0xFFFFE003, lr  }
0x1b: {  	s9 =	sadd.s32 $0xFFFFFEF7, lr;
	s5 =	simm.s32 $0xFFFFFFFF;
	p2 =	slt.u32 s8, $0xFFFFF086  }
0x1c: {  	p1 =	slt.u32 s9, $0xF7A;
	s5 =	simm.s32 @!p2 $0x0  }
0x1d: {  	s5 =	simm.s32 @p1 $0x1;
	p0 =	seq.s32 s7, s2  }
0x1e: {  	s7 =	smul.u32 @!p0 $0xF7A, s2;
	p2 =	seq.s32 @!p0 s5, $0x0  }
0x1f: {  	s9 =	smul.u32 $0xF7A, s1;
	s8 =	simm.s32 @!p0 $0x1BF5;
	p2 =	por !p2, p0  }
0x20: {  	[sflag:s8] =	ssyncset.s32 @!p0 $0xFFFFF086;
	s6 =	sadd.s32 @!p0 s3, s7;
	s7 =	simm.s32 @!p0 $0x108  }
0x21: {  	s3 =	sadd.s32 s3, s9;
	s6 =	sadd.s32 @!p0 $0x88, s6;
	s7 =	simm.s32 @p2 $0x1082  }
0x22: {  	[simem:s7], [sflag:s8] =	dma.local @!p0 [hbm:s6], $0xF7A  }
0x23: {  	s9 =	sor.u32 $0xD0000000, s2;
	s6 =	simm.s32 $0x108;
	_ =	swait.ge @!p0 [sflag:s8], $0x0  }
0x24: {  	s3 =	sadd.s32 $0x88, s3;
	s6 =	simm.s32 @!p1 $0x1082;
	[sflag:s4] =	ssyncset.s32 $0xFFFFF086  }
0x25: {  	[simem:s6], [sflag:s4] =	dma.local [hbm:s3], $0xF7A  }
0x26: {  	[smem:$0x3F78] =	sst s1;
	(tag) =	ssettag s2;
	_ =	strace s9  }
0x27: {  	s1 =	sld [smem:$0x3F88]  }
0x28: {  	s2 =	sld [smem:$0x3F89]  }
0x29: {  	s4 =	sld [smem:$0x3F8B]  }
0x2a: {  	p0 =	seq.s32 s5, $0x0;
	s5 =	sld [smem:$0x3F8C]  }
0x2b: {  	s6 =	sld [smem:$0x3F8D]  }
0x2c: {  	s7 =	sld [smem:$0x3F8E]  }
0x2d: {  	s3 =	simm.s32 $0x108;
	s8 =	sld [smem:$0x3F8F]  }
0x2e: {  	s3 =	simm.s32 @!p0 $0x1082;
	s9 =	sld [smem:$0x3F90]  }
0x2f: {  	lr =	sadd.s32 s0, s3;
	s0 =	sld [smem:$0x3F87]  }
0x30: {  	s3 =	sld [smem:$0x3F8A]  }
0x31: {  	[smem:$0x3F93] =	sst s10  }
0x32: {  	s10 =	sld [smem:$0x3F91];
	_ =	sdelay $0x3  }
0x33: {  	p0 =	seq.s32 s10, $0x1;
	s10 =	sld [smem:$0x3F93];
	_ =	sdelay $0x3  }
0x34: {  	[smem:$0x3F93] =	sst s10  }
0x35: {  	s10 =	sld [smem:$0x3F92];
	_ =	sdelay $0x3  }
0x36: {  	p1 =	seq.s32 s10, $0x1;
	s10 =	sld [smem:$0x3F93];
	_ =	sdelay $0x3  }
0x37: {  	[smem:$0x3F93] =	sst s10  }
0x38: {  	s10 =	sld [smem:$0x3F94]  }
0x39: {  	_ = 	snop;
	(pc) =	sbr.ind lr, $3  }
0x3a: {  	_ = 	snop  }
0x3b: {  	_ = 	snop  }
0x3c: {  	p2 =	seq.s32 s10, $0x1;
	s10 =	sld [smem:$0x3F93]  }
0x3d: {  	_ =	shalt  }
0x3e: {  	_ =	shalt  }
0x3f: {  	_ =	shalt  }
0x40: {  	_ =	shalt  }
0x41: {  	_ =	shalt  }
0x42: {  	_ =	shalt  }
0x43: {  	_ =	shalt  }
0x44: {  	_ =	shalt  }
0x45: {  	_ =	shalt  }
0x46: {  	_ =	shalt  }
0x47: {  	_ =	shalt  }
0x48: {  	_ =	shalt  }
0x49: {  	_ =	shalt  }
0x4a: {  	_ =	shalt  }
0x4b: {  	_ =	shalt  }
0x4c: {  	_ =	shalt  }
0x4d: {  	_ =	shalt  }
0x4e: {  	_ =	shalt  }
0x4f: {  	_ =	shalt  }
0x50: {  	_ =	shalt  }
0x51: {  	_ =	shalt  }
0x52: {  	_ =	shalt  }
0x53: {  	_ =	shalt  }
0x54: {  	_ =	shalt  }
0x55: {  	_ =	shalt  }
0x56: {  	_ =	shalt  }
0x57: {  	_ =	shalt  }
0x58: {  	_ =	shalt  }
0x59: {  	_ =	shalt  }
0x5a: {  	_ =	shalt  }
0x5b: {  	_ =	shalt  }
0x5c: {  	_ =	shalt  }
0x5d: {  	_ =	shalt  }
0x5e: {  	_ =	shalt  }
0x5f: {  	_ =	shalt  }
0x60: {  	_ =	shalt  }
0x61: {  	_ =	shalt  }
0x62: {  	_ =	shalt  }
0x63: {  	_ =	shalt  }
0x64: {  	_ =	shalt  }
0x65: {  	_ =	shalt  }
0x66: {  	_ =	shalt  }
0x67: {  	_ =	shalt  }
0x68: {  	_ =	shalt  }
0x69: {  	_ =	shalt  }
0x6a: {  	_ =	shalt  }
0x6b: {  	_ =	shalt  }
0x6c: {  	_ =	shalt  }
0x6d: {  	_ =	shalt  }
0x6e: {  	_ =	shalt  }
0x6f: {  	_ =	shalt  }
0x70: {  	_ =	shalt  }
0x71: {  	_ =	shalt  }
0x72: {  	_ =	shalt  }
0x73: {  	_ =	shalt  }
0x74: {  	_ =	shalt  }
0x75: {  	_ =	shalt  }
0x76: {  	_ =	shalt  }
0x77: {  	_ =	shalt  }
0x78: {  	_ =	shalt  }
0x79: {  	_ =	shalt  }
0x7a: {  	_ =	shalt  }
0x7b: {  	_ =	shalt  }
0x7c: {  	_ =	shalt  }
0x7d: {  	_ =	shalt  }
0x7e: {  	_ =	shalt  }
0x7f: {  	_ =	shalt  }
0x80: {  	_ =	shalt  }
0x81: {  	_ =	shalt  }
0x82: {  	_ =	shalt  }
0x83: {  	_ =	shalt  }
0x84: {  	_ =	shalt  }
0x85: {  	_ =	shalt  }
0x86: {  	_ =	shalt  }
0x87: {  	_ =	shalt  }
.Lfunc_end0:
.L_simem_size_0:
called_computation_lowered:
.L_overlay_start_0:
0x88: {  	s2 =	sld [smem:$0x3FD9]  }
0x89: {  	s3 =	sld [smem:$0x3FFE];
	_ =	sdelay $0x1  }
0x8a: {  	s1 =	srdreg.scid  }
0x8b: {  	s0 =	sand.u32 $0x1, s1  }
0x8c: {  	s16 =	sshll.u32 s0, $0xA;
	s2 =	sadd.s32 s3, s2  }
0x8d: {  	s2 =	sadd.s32 s2, s16  }
0x8e: {  	[smem:$0x3F9F] =	sst s2  }
0x8f: {  	_ = 	snop  }
0x90: {  	(tm) =	ssettm $0x1  }
0x91: {  	s17 =	sld [smem:$0x3FFB];
	_ =	sdelay $0x3  }
0x92: {  	_ =	strace s17  }
0x93: {  	s2 =	sld [smem:$0x3FFC];
	_ =	sdelay $0x3  }
0x94: {  	_ =	strace s2  }
0x95: {  	s2 =	sld [smem:$0x3FFD];
	_ =	sdelay $0x3  }
0x96: {  	_ =	strace s2  }
0x97: {  	_ =	strace $0x8FFFFFFF  }
0x98: {  	s18 =	sld [smem:$0x3FDB];
	_ =	sdelay $0x1  }
0x99: {  	s19 =	simm.s32 $_scs_section_size  }
0x9a: {  	s4 =	simm.s32 $_size__tile_overlayer_lowered;
	s5 =	simm.s32 $_tile_overlayer_lowered  }
0x9b: {  	s22 =	simm.s32 $0x1BFF;
	s21 =	sshll.u32 s5, $0x1;
	s2 =	sadd.s32 s19, s18  }
0x9c: {  	s6 =	simm.s32 $0x0;
	s20 =	sshll.u32 s4, $0x1;
	s4 =	sadd.s32 s21, s2  }
0x9d: {  	[timem:s6], [sflag:s22] =	dma.local [hbm:s4], s20  }
0x9e: {  	_ =	swait.ge [sflag:s22], s20  }
0x9f: {  	s3 =	ssub.s32 $0x0, s20;
	[sflag:s22] =	ssyncset.done $0x0  }
0xa0: {  	[sflag:s22] =	ssyncadd.s32 s3;
	_ =	sdelay $0x1  }
0xa1: {  	s23 =	simm.s32 $0x1B8B  }
0xa2: {  	_ =	swait.ge [sflag:s23], $0x1  }
0xa3: {  	[sflag:s23] =	ssyncset.done $0x0  }
0xa4: {  	s25 =	simm.s32 $0x1B8E;
	s24 =	sld [smem:$0x3FFE];
	[sflag:s23] =	ssyncadd.s32 $0xFFFFFFFF  }
0xa5: {  	s26 =	simm.s32 $execute0_lowered;
	[smem:$0x3FD2] =	sst s25  }
0xa6: {  	s4 =	sshll.u32 s26, $0x1;
	_ =	strace $0x80000046;
	[dreg:$0x1] =	wrdreg $0xFFFFFFFF  }
0xa7: {  	s28 =	simm.s32 $_size_execute0_lowered;
	s2 =	sadd.s32 s2, s4;
	[dreg:$0x0] =	wrdreg $0x0  }
0xa8: {  	s4 =	sshll.u32 s28, $0x1;
	[dreg:$0x2] =	wrdreg s2  }
0xa9: {  	[dreg:$0x3] =	wrdreg s4  }
0xaa: {  	[dreg:$0x4] =	wrdreg $0xC0  }
0xab: {  	_ =	task [dreg:s6], $0x5FFFF  }
0xac: {  	[dreg:$0x1] =	wrdreg $0xFFFFFFFF  }
0xad: {  	[dreg:$0x0] =	wrdreg $0x60  }
0xae: {  	[dreg:$0x2] =	wrdreg s24  }
0xaf: {  	[dreg:$0x3] =	wrdreg $0x9  }
0xb0: {  	_ =	task.clear_ibuf [dreg:s6], $0x4FFFF;
	_ =	strace $0x90000046  }
0xb1: {  	s29 =	simm.s32 $0x9;
	_ =	strace $0x80000048  }
0xb2: {  	_ =	swait.ge [sflag:s29], $0x1  }
0xb3: {  	[sflag:s29] =	ssyncadd.s32 $0xFFFFFFFF  }
0xb4: {  	_ =	strace $0x90000048  }
0xb5: {  	_ =	sfence  }
0xb6: {  	s30 =	sld [smem:$0x0];
	_ =	sdelay $0x2  }
0xb7: {  	s31 =	sshll.u32 s1, $0xD;
	s1 =	sshrl.u32 s1, $0x2  }
0xb8: {  	s3 =	sand.u32 $0x4000, s31;
	s1 =	sadd.s32 s1, s30  }
0xb9: {  	s0 =	sor.u32 s3, s0;
	s1 =	sshll.u32 s1, $0x11  }
0xba: {  	s0 =	sor.u32 s1, s0  }
0xbb: {  	s0 =	sadd.s32 $0x8F2B, s0  }
0xbc: {  	[sflag:s0] =	ssyncadd.remote.s32 $0x1  }
0xbd: {  	_ =	sfence.sel $0xFFFF  }
0xbe: {  	[dreg:$0x0] =	wrdreg $0xFFFFFFFF;
	(pc) =	sbr.abs _section_cstart, $3  }
0xbf: {  	[dreg:$0x1] =	wrdreg $0xFFFFFFFF  }
0xc0: {  	_ =	task.clear_ibuf [dreg:s6], $0x2FFFF;
	_ =	strace $0x9FFFFFFF  }
0xc1: {  	(tm) =	ssettm $0x7FFFFFFF  }
tec
execute0_lowered:
.L_overlay_start_1:
0x0: {  	(tag) =	ssettag $0x1  }
0x1: {  	s19 =	stileid.u32;
	s0 =	rddreg [dreg:$0x0]  }
0x2: {  	s5 =	srdreg.scid;
	s1 =	sand.u32 $0x7, s19;
	s4 =	sshll.u32 s19, $0x8  }
0x3: {  	s7 =	sand.u32 $0x1, s5;
	s8 =	sshll.u32 s19, $0x1;
	s9 =	sadd.s32 $0x11E00, s0  }
0x4: {  	s10 =	sadd.s32 $0x8DE00, s0;
	s23 =	sshll.u32 s19, $0xF;
	s12 =	sadd.s32 $0x8E200, s0  }
0x5: {  	s13 =	sadd.s32 $0xDD200, s0;
	s2 =	sshrl.u32 s1, $0x2;
	s4 =	sand.u32 $0x300, s4  }
0x6: {  	s8 =	sor.u32 s7, s8;
	s14 =	ssub.s32 $0x2, s7;
	s1 =	sshll.u32 s1, $0x5  }
0x7: {  	s3 =	smul.u32 $0x13C00, s2;
	s2 =	simm.s32 $0x0;
	s11 =	sshll.u32 s8, $0x7  }
0x8: {  	s15 =	sor.u32 $0x20, s8;
	s16 =	sshrl.u32 s14, $0x1;
	s25 =	smul.u32 $0x3F8, s8  }
0x9: {  	s26 =	sor.u32 $0x40, s8;
	p0 =	sgt.u32 s8, $0xE;
	s8 =	sadd.s32 $0xCEB0, s0  }
0xa: {  	[smem:$0x7FF] =	sst s2;
	s17 =	sshll.u32 s15, $0xE;
	s14 =	ssub.s32 s14, s16  }
0xb: {  	s15 =	smul.u32 $0x3F8, s15;
	s18 =	sshll.u32 s26, $0xE;
	s3 =	sor.u32 s4, s3  }
0xc: {  	_ =	strace $0x80000047;
	[dreg:$0x2] =	wrdreg s10;
	s10 =	sor.u32 s23, s11  }
0xd: {  	s24 =	sor.u32 s11, s17;
	s16 =	sadd.s32 s13, s25;
	s28 =	sor.u32 s11, s18  }
0xe: {  	s18 =	sshrl.u32 s19, $0x3;
	s19 =	sshll.u32 s7, $0x3;
	s17 =	smul.u32 $0x3F8, s26  }
0xf: {  	s7 =	smul.u32 $0x13C000, s7;
	[dreg:$0x1e] =	wrdreg s8;
	s3 =	sshrl.u32 s3, $0x3  }
0x10: {  	s10 =	sand.u32 $0x60380, s10;
	[dreg:$0x4] =	wrdreg s16;
	s16 =	sadd.s32 s13, s15  }
0x11: {  	s20 =	sshll.u32 s18, $0x2;
	[dreg:$0x6] =	wrdreg s16;
	s21 =	sadd.s32 s13, s17  }
0x12: {  	s15 =	sor.u32 s19, s20;
	s19 =	smax.u32 s14, $0x1;
	[dreg:$0x8] =	wrdreg s21  }
0x13: {  	s22 =	sshll.u32 s18, $0x9;
	s20 =	sadd.s32 $0xCE10, s0;
	[dreg:$0x13] =	wrdreg s19  }
0x14: {  	s13 =	sor.u32 s7, s22;
	s22 =	sadd.s32 $0xCE30, s0;
	[dreg:$0x14] =	wrdreg s20  }
0x15: {  	s10 =	sshrl.u32 s10, $0x3;
	s14 =	sadd.s32 $0x7E10, s0;
	[dreg:$0x16] =	wrdreg s22  }
0x16: {  	s6 =	sadd.s32 s3, s0;
	s10 =	sadd.s32 s9, s10;
	[smem:$0x7F0] =	sst s14  }
0x17: {  	s3 =	sadd.s32 $0x39E00, s0;
	s6 =	sadd.s32 $0x88E00, s6;
	[dreg:$0x3] =	wrdreg s10  }
0x18: {  	s1 =	sor.u32 s1, s15;
	s21 =	sadd.s32 $0xCE20, s0;
	[dreg:$0x9] =	wrdreg s6  }
0x19: {  	s25 =	sshrl.u32 s13, $0x3;
	s19 =	sadd.s32 $0x7E60, s0;
	[dreg:$0x15] =	wrdreg s21  }
0x1a: {  	s20 =	sadd.s32 $0x7E70, s0;
	s22 =	sadd.s32 $0x7E90, s0;
	[smem:$0x7F5] =	sst s19  }
0x1b: {  	s10 =	sand.u32 $0xE0380, s24;
	s23 =	smul.u32 $0x4F0, s1;
	[smem:$0x7F6] =	sst s20  }
0x1c: {  	s24 =	smul.u32 $0x2780, s1;
	s6 =	sadd.s32 s3, s25;
	[smem:$0x7F8] =	sst s22  }
0x1d: {  	s1 =	sor.u32 $0x10, s1;
	s25 =	sadd.s32 $0xCE60, s0;
	[dreg:$0xa] =	wrdreg s6  }
0x1e: {  	s21 =	sadd.s32 $0x7E80, s0;
	s10 =	sshrl.u32 s10, $0x3;
	[dreg:$0x19] =	wrdreg s25  }
0x1f: {  	s26 =	smul.u32 $0x2780, s1;
	[smem:$0x7F7] =	sst s21;
	s25 =	sadd.s32 $0x7EC0, s0  }
0x20: {  	s1 =	smul.u32 $0x4F0, s1;
	s10 =	sadd.s32 s9, s10;
	[smem:$0x7FB] =	sst s25  }
0x21: {  	s7 =	sshrl.u32 s24, $0x3;
	s24 =	sadd.s32 $0xCE50, s0;
	[dreg:$0x5] =	wrdreg s10  }
0x22: {  	s10 =	sand.u32 $0x120380, s28;
	s28 =	sadd.s32 s12, s23;
	[dreg:$0x18] =	wrdreg s24  }
0x23: {  	s1 =	sadd.s32 s12, s1;
	[dreg:$0xb] =	wrdreg s28  }
0x24: {  	s23 =	sadd.s32 $0xCE40, s0;
	[dreg:$0xf] =	wrdreg s1  }
0x25: {  	s6 =	sadd.s32 s12, s7;
	s24 =	sadd.s32 $0x7EB0, s0;
	[dreg:$0x17] =	wrdreg s23  }
0x26: {  	s11 =	sadd.s32 $0x4F0, s6;
	[smem:$0x7FA] =	sst s24  }
0x27: {  	s15 =	sadd.s32 $0x9E0, s6;
	[dreg:$0xc] =	wrdreg s11  }
0x28: {  	s6 =	sadd.s32 $0xED0, s6;
	[dreg:$0xd] =	wrdreg s15  }
0x29: {  	s28 =	sadd.s32 $0xCE80, s0;
	[dreg:$0xe] =	wrdreg s6  }
0x2a: {  	s10 =	sshrl.u32 s10, $0x3;
	s23 =	sadd.s32 $0x7EA0, s0;
	[dreg:$0x1b] =	wrdreg s28  }
0x2b: {  	s9 =	sadd.s32 s9, s10;
	[smem:$0x7F9] =	sst s23  }
0x2c: {  	s10 =	sshrl.u32 s26, $0x3;
	s26 =	sadd.s32 $0xCE70, s0;
	[dreg:$0x7] =	wrdreg s9  }
0x2d: {  	s6 =	sadd.s32 $0xCE90, s0;
	[dreg:$0x1a] =	wrdreg s26  }
0x2e: {  	s11 =	sadd.s32 $0xCEE0, s0;
	[dreg:$0x1c] =	wrdreg s6  }
0x2f: {  	s15 =	sadd.s32 $0x7E20, s0;
	[smem:$0x7EE] =	sst s11  }
0x30: {  	s28 =	sadd.s32 $0x7EE0, s0;
	[smem:$0x7F1] =	sst s15  }
0x31: {  	s30 =	simm.s32 $0x4F00;
	s9 =	sadd.s32 $0xCEC0, s0;
	[smem:$0x7FD] =	sst s28  }
0x32: {  	s7 =	sadd.s32 s12, s10;
	s10 =	sadd.s32 $0xCED0, s0;
	[dreg:$0x1f] =	wrdreg s9  }
0x33: {  	s31 =	simm.s32 $0x7;
	s12 =	sadd.s32 $0xCEF0, s0;
	[smem:$0x7ED] =	sst s10  }
0x34: {  	s5 =	sadd.s32 $0x7E00, s0;
	s26 =	sadd.s32 $0x7ED0, s0;
	[smem:$0x7EF] =	sst s12  }
0x35: {  	s29 =	sadd.s32 $0x7EF0, s0;
	s16 =	sadd.s32 $0x4F0, s7;
	[smem:$0x7FC] =	sst s26  }
0x36: {  	s4 =	sadd.s32 $0xCE00, s0;
	s17 =	sadd.s32 $0x9E0, s7;
	[dreg:$0x10] =	wrdreg s16  }
0x37: {  	s8 =	simm.s32 $0x0;
	s18 =	sadd.s32 $0xED0, s7;
	[dreg:$0x11] =	wrdreg s17  }
0x38: {  	s1 =	simm.s32 $0x80;
	s7 =	sadd.s32 $0xCEA0, s0;
	[dreg:$0x12] =	wrdreg s18  }
0x39: {  	s11 =	simm.s32 $0x6F00;
	[dreg:$0x1d] =	wrdreg s7;
	s16 =	sadd.s32 $0x7E30, s0  }
0x3a: {  	s6 =	simm.s32 $0x8;
	s17 =	sadd.s32 $0x7E40, s0;
	[smem:$0x7F2] =	sst s16  }
0x3b: {  	s12 =	simm.s32 $0xAF00;
	s18 =	sadd.s32 $0x7E50, s0;
	[smem:$0x7F3] =	sst s17  }
0x3c: {  	v0 =	vimm.f32 $0.0e+00;
	s0 =	simm.s32 $0x400;
	s7 =	simm.s32 $0x200;
	[smem:$0x7F4] =	sst s18  }
.LBB2_1:
0x3d: {  	s9 =	rddreg [dreg:$0x2]  }
0x3e: {  	[tilespmem:s30], [sflag:$0x7] =	stream.linear.gather [hbm4b:s9+s2], $0x1FC0, $0x38;
	[tilespmem:$0x1EB00] =	vst v63  }
0x3f: {  	_ =	swait.ge [sflag:s31], $0x1FC0  }
0x40: {  	[sflag:s31] =	ssyncset.done $0x0  }
0x41: {  	s28 =	rddreg [dreg:$0x3];
	[sflag:s31] =	ssyncadd.s32 $0xFFFFE040  }
0x42: {  	[tilespmem:s11], [sflag:$0x7] =	stream.strided.gather [hbm4b:s28+s1], $0x4000, s0, s1, $0x38;
	[tilespmem:$0x1EB00] =	vst v63  }
0x43: {  	_ =	swait.ge [sflag:s31], $0x4000  }
0x44: {  	[sflag:s31] =	ssyncset.done $0x0  }
0x45: {  	s10 =	simm.s32 $0xAF30;
	[sflag:s31] =	ssyncadd.s32 $0xFFFFC000  }
0x46: {  	v1 =	vld [tilespmem:s10+$0xFFFFA000];
	_ =	sdelay $0x1  }
0x47: {  	v3 =	vld [tilespmem:s10+$0xFFFF9FD0]  }
0x48: {  	v4 =	vld [tilespmem:s10+$0xFFFF9FE0]  }
0x49: {  	s9 =	simm.s32 $0xAF70;
	v8 =	vld [tilespmem:s10+$0xFFFF9FF0]  }
0x4a: {  	v9 =	vld [tilespmem:s9+$0xFFFFA000]  }
0x4b: {  	v2 =	vld [tilespmem:s9+$0xFFFF9FE0]  }
0x4c: {  	v7 =	vld [tilespmem:s9+$0xFFFF9FD0]  }
0x4d: {  	v10 =	vld.idx.msk [tilespmem:v1+s30+$0x0], $0xffff  }
0x4e: {  	v1 =	vld [tilespmem:s9+$0xFFFF9FF0]  }
0x4f: {  	v6 =	vld.idx.msk [tilespmem:v3+s30+$0x0], $0xffff  }
0x50: {  	v5 =	vld.idx.msk [tilespmem:v4+s30+$0x0], $0xffff  }
0x51: {  	v4 =	vld.idx.msk [tilespmem:v8+s30+$0x0], $0xffff  }
0x52: {  	s15 =	simm.s32 $0x4;
	s16 =	simm.s32 $0xAFB0;
	s14 =	simm.s32 $0x0;
	v3 =	vld.idx.msk [tilespmem:v9+s30+$0x0], $0xffff;
	[tilespmem:s10+$0x0] =	vst v10  }
.LBB2_2:
0x53: {  	v8 =	vld [tilespmem:s16+$0xFFFFA000];
	s15 =	sadd.s32 $0x4, s15;
	s17 =	sand.u32 $0x1FC0, s14  }
0x54: {  	v9 =	vld [tilespmem:s16+$0xFFFF9FE0];
	p1 =	slt.u32 s15, $0x1F8;
	[tilespmem:s17+$0xAF00] =	vst v6  }
0x55: {  	v10 =	vld [tilespmem:s16+$0xFFFF9FF0];
	[tilespmem:s10+$0xFFFFFFE0] =	vst v5  }
0x56: {  	v11 =	vld [tilespmem:s16+$0xFFFF9FD0];
	[tilespmem:s10+$0xFFFFFFF0] =	vst v4;
	s10 =	smov.u32 s9;
	s9 =	smov.u32 s16  }
.Ltmp0:
0x57: {  	v6 =	vld.idx.msk [tilespmem:v7+s30+$0x0], $0xffff;
	(pc) =	sbr.rel @p1 .LBB2_2-.Ltmp0, $4  }
0x58: {  	v5 =	vld.idx.msk [tilespmem:v2+s30+$0x0], $0xffff;
	[tilespmem:s10+$0x0] =	vst v3  }
0x59: {  	v4 =	vld.idx.msk [tilespmem:v1+s30+$0x0], $0xffff;
	v2 =	vmov v9  }
0x5a: {  	v1 =	vmov v10  }
0x5b: {  	s14 =	sadd.s32 $0x40, s14;
	s16 =	sadd.s32 $0x40, s16;
	v3 =	vld.idx.msk [tilespmem:v8+s30+$0x0], $0xffff;
	v7 =	vmov v11  }
0x5c: {  	_ =	sdelay $0x3  }
0x5d: {  	s15 =	sand.u32 $0x1FC0, s14;
	v7 =	vld.idx.msk [tilespmem:v7+s30+$0x0], $0xffff  }
0x5e: {  	v2 =	vld.idx.msk [tilespmem:v2+s30+$0x0], $0xffff;
	[tilespmem:s15+$0xAF00] =	vst v6  }
0x5f: {  	v1 =	vld.idx.msk [tilespmem:v1+s30+$0x0], $0xffff;
	[tilespmem:s10+$0xFFFFFFE0] =	vst v5  }
0x60: {  	s26 =	sadd.s32 $0x40, s14;
	[tilespmem:s10+$0xFFFFFFF0] =	vst v4  }
0x61: {  	s10 =	sand.u32 $0x1FC0, s26;
	[tilespmem:s9+$0x0] =	vst v3  }
0x62: {  	[tilespmem:s10+$0xAF00] =	vst v7  }
0x63: {  	[tilespmem:s9+$0xFFFFFFE0] =	vst v2  }
0x64: {  	[tilespmem:s9+$0xFFFFFFF0] =	vst v1  }
0x65: {  	s9 =	simm.s32 $0x0;
	s10 =	rddreg [dreg:$0x4]  }
0x66: {  	[hbm4b:s10+s9] =	stream.linear.scatter [tilespmem:s12], [sflag:$0x8], $0x1FC0, $0x38;
	[tilespmem:$0x1EB00] =	vst v63  }
0x67: {  	_ =	swait.ge [sflag:s6], $0x1FC0  }
0x68: {  	[sflag:s6] =	ssyncset.done $0x0  }
0x69: {  	s28 =	rddreg [dreg:$0x5];
	[sflag:s6] =	ssyncadd.s32 $0xFFFFE040  }
0x6a: {  	[tilespmem:s11], [sflag:$0x7] =	stream.strided.gather [hbm4b:s28+s1], $0x4000, s0, s1, $0x38;
	[tilespmem:$0x1EB00] =	vst v63  }
0x6b: {  	_ =	swait.ge [sflag:s31], $0x4000  }
0x6c: {  	[sflag:s31] =	ssyncset.done $0x0  }
0x6d: {  	s14 =	simm.s32 $0xAF30;
	[sflag:s31] =	ssyncadd.s32 $0xFFFFC000  }
0x6e: {  	v1 =	vld [tilespmem:s14+$0xFFFFA000];
	_ =	sdelay $0x1  }
0x6f: {  	v3 =	vld [tilespmem:s14+$0xFFFF9FD0]  }
0x70: {  	v4 =	vld [tilespmem:s14+$0xFFFF9FE0]  }
0x71: {  	s10 =	simm.s32 $0xAF70;
	v8 =	vld [tilespmem:s14+$0xFFFF9FF0]  }
0x72: {  	v9 =	vld [tilespmem:s10+$0xFFFFA000]  }
0x73: {  	v2 =	vld [tilespmem:s10+$0xFFFF9FE0]  }
0x74: {  	v7 =	vld [tilespmem:s10+$0xFFFF9FD0]  }
0x75: {  	v10 =	vld.idx.msk [tilespmem:v1+s30+$0x0], $0xffff  }
0x76: {  	v1 =	vld [tilespmem:s10+$0xFFFF9FF0]  }
0x77: {  	v6 =	vld.idx.msk [tilespmem:v3+s30+$0x0], $0xffff  }
0x78: {  	v5 =	vld.idx.msk [tilespmem:v4+s30+$0x0], $0xffff  }
0x79: {  	v4 =	vld.idx.msk [tilespmem:v8+s30+$0x0], $0xffff  }
0x7a: {  	s16 =	simm.s32 $0xAFB0;
	s15 =	simm.s32 $0x4;
	v3 =	vld.idx.msk [tilespmem:v9+s30+$0x0], $0xffff;
	[tilespmem:s14+$0x0] =	vst v10  }
.LBB2_4:
0x7b: {  	v8 =	vld [tilespmem:s16+$0xFFFFA000];
	s15 =	sadd.s32 $0x4, s15;
	s17 =	sand.u32 $0x1FC0, s9  }
0x7c: {  	v9 =	vld [tilespmem:s16+$0xFFFF9FE0];
	p1 =	slt.u32 s15, $0x1F8;
	[tilespmem:s17+$0xAF00] =	vst v6  }
0x7d: {  	v10 =	vld [tilespmem:s16+$0xFFFF9FF0];
	[tilespmem:s14+$0xFFFFFFE0] =	vst v5  }
0x7e: {  	v11 =	vld [tilespmem:s16+$0xFFFF9FD0];
	[tilespmem:s14+$0xFFFFFFF0] =	vst v4;
	s14 =	smov.u32 s10;
	s10 =	smov.u32 s16  }
.Ltmp1:
0x7f: {  	v6 =	vld.idx.msk [tilespmem:v7+s30+$0x0], $0xffff;
	(pc) =	sbr.rel @p1 .LBB2_4-.Ltmp1, $4  }
0x80: {  	v5 =	vld.idx.msk [tilespmem:v2+s30+$0x0], $0xffff;
	[tilespmem:s14+$0x0] =	vst v3  }
0x81: {  	v4 =	vld.idx.msk [tilespmem:v1+s30+$0x0], $0xffff;
	v2 =	vmov v9  }
0x82: {  	v1 =	vmov v10  }
0x83: {  	s9 =	sadd.s32 $0x40, s9;
	s16 =	sadd.s32 $0x40, s16;
	v3 =	vld.idx.msk [tilespmem:v8+s30+$0x0], $0xffff;
	v7 =	vmov v11  }
0x84: {  	_ =	sdelay $0x3  }
0x85: {  	s15 =	sand.u32 $0x1FC0, s9;
	v7 =	vld.idx.msk [tilespmem:v7+s30+$0x0], $0xffff  }
0x86: {  	v2 =	vld.idx.msk [tilespmem:v2+s30+$0x0], $0xffff;
	[tilespmem:s15+$0xAF00] =	vst v6  }
0x87: {  	v1 =	vld.idx.msk [tilespmem:v1+s30+$0x0], $0xffff;
	[tilespmem:s14+$0xFFFFFFE0] =	vst v5  }
0x88: {  	s28 =	sadd.s32 $0x40, s9;
	[tilespmem:s14+$0xFFFFFFF0] =	vst v4  }
0x89: {  	s9 =	sand.u32 $0x1FC0, s28;
	[tilespmem:s10+$0x0] =	vst v3  }
0x8a: {  	[tilespmem:s9+$0xAF00] =	vst v7  }
0x8b: {  	[tilespmem:s10+$0xFFFFFFE0] =	vst v2  }
0x8c: {  	[tilespmem:s10+$0xFFFFFFF0] =	vst v1  }
.Ltmp2:
0x8d: {  	s9 =	rddreg [dreg:$0x6];
	(pc) =	sbr.rel @p0 .LBB2_9-.Ltmp2, $4  }
0x8e: {  	[hbm4b:s9+s2] =	stream.linear.scatter [tilespmem:s12], [sflag:$0x8], $0x1FC0, $0x38;
	[tilespmem:$0x1EB00] =	vst v63  }
0x8f: {  	_ =	swait.ge [sflag:s6], $0x1FC0  }
0x90: {  	[sflag:s6] =	ssyncset.done $0x0  }
0x91: {  	[sflag:s6] =	ssyncadd.s32 $0xFFFFE040  }
0x92: {  	s9 =	rddreg [dreg:$0x7]  }
0x93: {  	[tilespmem:s11], [sflag:$0x7] =	stream.strided.gather [hbm4b:s9+s1], $0x4000, s0, s1, $0x38;
	[tilespmem:$0x1EB00] =	vst v63  }
0x94: {  	_ =	swait.ge [sflag:s31], $0x4000  }
0x95: {  	[sflag:s31] =	ssyncset.done $0x0  }
0x96: {  	s10 =	simm.s32 $0xAF30;
	[sflag:s31] =	ssyncadd.s32 $0xFFFFC000  }
0x97: {  	v1 =	vld [tilespmem:s10+$0xFFFFA000];
	_ =	sdelay $0x1  }
0x98: {  	v3 =	vld [tilespmem:s10+$0xFFFF9FD0]  }
0x99: {  	v4 =	vld [tilespmem:s10+$0xFFFF9FE0]  }
0x9a: {  	s9 =	simm.s32 $0xAF70;
	v8 =	vld [tilespmem:s10+$0xFFFF9FF0]  }
0x9b: {  	v9 =	vld [tilespmem:s9+$0xFFFFA000]  }
0x9c: {  	v2 =	vld [tilespmem:s9+$0xFFFF9FE0]  }
0x9d: {  	v7 =	vld [tilespmem:s9+$0xFFFF9FD0]  }
0x9e: {  	v10 =	vld.idx.msk [tilespmem:v1+s30+$0x0], $0xffff  }
0x9f: {  	v1 =	vld [tilespmem:s9+$0xFFFF9FF0]  }
0xa0: {  	v6 =	vld.idx.msk [tilespmem:v3+s30+$0x0], $0xffff  }
0xa1: {  	v5 =	vld.idx.msk [tilespmem:v4+s30+$0x0], $0xffff  }
0xa2: {  	v3 =	vld.idx.msk [tilespmem:v8+s30+$0x0], $0xffff  }
0xa3: {  	s14 =	simm.s32 $0x0;
	s15 =	simm.s32 $0x4;
	s16 =	simm.s32 $0xAFB0;
	v4 =	vld.idx.msk [tilespmem:v9+s30+$0x0], $0xffff;
	[tilespmem:s10+$0x0] =	vst v10  }
.LBB2_7:
0xa4: {  	v8 =	vld [tilespmem:s16+$0xFFFFA000];
	s15 =	sadd.s32 $0x4, s15;
	s17 =	sand.u32 $0x1FC0, s14  }
0xa5: {  	v9 =	vld [tilespmem:s16+$0xFFFF9FE0];
	p1 =	slt.u32 s15, $0x1F8;
	[tilespmem:s17+$0xAF00] =	vst v6  }
0xa6: {  	v10 =	vld [tilespmem:s16+$0xFFFF9FF0];
	[tilespmem:s10+$0xFFFFFFE0] =	vst v5  }
0xa7: {  	v11 =	vld [tilespmem:s16+$0xFFFF9FD0];
	[tilespmem:s10+$0xFFFFFFF0] =	vst v3;
	s10 =	smov.u32 s9;
	s9 =	smov.u32 s16  }
.Ltmp3:
0xa8: {  	v6 =	vld.idx.msk [tilespmem:v7+s30+$0x0], $0xffff;
	(pc) =	sbr.rel @p1 .LBB2_7-.Ltmp3, $4  }
0xa9: {  	v5 =	vld.idx.msk [tilespmem:v2+s30+$0x0], $0xffff;
	[tilespmem:s10+$0x0] =	vst v4  }
0xaa: {  	v3 =	vld.idx.msk [tilespmem:v1+s30+$0x0], $0xffff;
	v2 =	vmov v9  }
0xab: {  	v1 =	vmov v10  }
0xac: {  	s14 =	sadd.s32 $0x40, s14;
	s16 =	sadd.s32 $0x40, s16;
	v4 =	vld.idx.msk [tilespmem:v8+s30+$0x0], $0xffff;
	v7 =	vmov v11  }
0xad: {  	_ =	sdelay $0x3  }
0xae: {  	s15 =	sand.u32 $0x1FC0, s14;
	v7 =	vld.idx.msk [tilespmem:v7+s30+$0x0], $0xffff  }
0xaf: {  	v2 =	vld.idx.msk [tilespmem:v2+s30+$0x0], $0xffff;
	[tilespmem:s15+$0xAF00] =	vst v6  }
0xb0: {  	v1 =	vld.idx.msk [tilespmem:v1+s30+$0x0], $0xffff;
	[tilespmem:s10+$0xFFFFFFE0] =	vst v5  }
0xb1: {  	s28 =	sadd.s32 $0x40, s14;
	[tilespmem:s10+$0xFFFFFFF0] =	vst v3  }
0xb2: {  	s10 =	sand.u32 $0x1FC0, s28;
	[tilespmem:s9+$0x0] =	vst v4  }
0xb3: {  	[tilespmem:s10+$0xAF00] =	vst v7  }
0xb4: {  	[tilespmem:s9+$0xFFFFFFE0] =	vst v2  }
0xb5: {  	[tilespmem:s9+$0xFFFFFFF0] =	vst v1  }
0xb6: {  	s9 =	rddreg [dreg:$0x8]  }
0xb7: {  	[hbm4b:s9+s2] =	stream.linear.scatter [tilespmem:s12], [sflag:$0x8], $0x1FC0, $0x38;
	[tilespmem:$0x1EB00] =	vst v63  }
0xb8: {  	_ =	swait.ge [sflag:s6], $0x1FC0  }
0xb9: {  	[sflag:s6] =	ssyncset.done $0x0  }
0xba: {  	[sflag:s6] =	ssyncadd.s32 $0xFFFFE040  }
.LBB2_9:
0xbb: {  	s9 =	rddreg [dreg:$0x9];
	s10 =	simm.s32 $0x100  }
0xbc: {  	[tilespmem:s2], [sflag:$0x7] =	stream.strided.gather [hbm4b:s9+s10], $0x4F00, s0, s10, $0x38;
	[tilespmem:$0x1EB00] =	vst v63  }
0xbd: {  	_ =	swait.ge [sflag:s31], $0x4F00  }
0xbe: {  	[sflag:s31] =	ssyncset.done $0x0  }
0xbf: {  	s9 =	simm.s32 $0x4F40;
	[sflag:s31] =	ssyncadd.s32 $0xFFFFB100  }
0xc0: {  	[tilespmem:s9+$0xFFFFFFC0] =	vst v0  }
0xc1: {  	[tilespmem:s9+$0x30] =	vst v0  }
0xc2: {  	[tilespmem:s9+$0x20] =	vst v0  }
0xc3: {  	[tilespmem:s9+$0x10] =	vst v0  }
0xc4: {  	[tilespmem:s9+$0x0] =	vst v0  }
0xc5: {  	[tilespmem:s9+$0xFFFFFFF0] =	vst v0  }
0xc6: {  	s10 =	simm.s32 $0x0;
	[tilespmem:s9+$0xFFFFFFE0] =	vst v0  }
.LBB2_10:
0xc7: {  	s10 =	sadd.s32 $0x8, s10;
	[tilespmem:s9+$0xFFFFFFD0] =	vst v0;
	s9 =	sadd.s32 $0x80, s9  }
0xc8: {  	[tilespmem:s9+$0xFFFFFFC0] =	vst v0;
	p1 =	slt.u32 s10, $0x13B8  }
0xc9: {  	[tilespmem:s9+$0x30] =	vst v0  }
.Ltmp4:
0xca: {  	[tilespmem:s9+$0x20] =	vst v0;
	(pc) =	sbr.rel @p1 .LBB2_10-.Ltmp4, $4  }
0xcb: {  	[tilespmem:s9+$0x10] =	vst v0  }
0xcc: {  	[tilespmem:s9+$0x0] =	vst v0  }
0xcd: {  	[tilespmem:s9+$0xFFFFFFF0] =	vst v0  }
0xce: {  	[tilespmem:s9+$0xFFFFFFE0] =	vst v0  }
0xcf: {  	[tilespmem:s9+$0xFFFFFFD0] =	vst v0;
	s10 =	simm.s32 $0x0;
	s20 =	simm.s32 $0x18B00  }
0xd0: {  	[tilespmem:s20], [sflag:$0x1] =	stream.linear.gather [hbm4b:s4+s10], $0x80, $0x38;
	[tilespmem:$0x1EB00] =	vst v63  }
0xd1: {  	s21 =	rddreg [dreg:$0x14]  }
0xd2: {  	s14 =	simm.s32 $0x18C00;
	s22 =	rddreg [dreg:$0x15]  }
0xd3: {  	[tilespmem:s14], [sflag:$0x1] =	stream.linear.gather [hbm4b:s21+s10], $0x80, $0x38;
	[tilespmem:$0x1EB00] =	vst v63  }
0xd4: {  	s23 =	simm.s32 $0x18D00;
	s24 =	rddreg [dreg:$0x16]  }
0xd5: {  	[tilespmem:s23], [sflag:$0x1] =	stream.linear.gather [hbm4b:s22+s10], $0x80, $0x38;
	[tilespmem:$0x1EB00] =	vst v63  }
0xd6: {  	s25 =	simm.s32 $0x18E00;
	s26 =	rddreg [dreg:$0x17]  }
0xd7: {  	[tilespmem:s25], [sflag:$0x1] =	stream.linear.gather [hbm4b:s24+s10], $0x80, $0x38;
	[tilespmem:$0x1EB00] =	vst v63  }
0xd8: {  	s28 =	simm.s32 $0x18F00;
	s16 =	rddreg [dreg:$0x19]  }
0xd9: {  	[tilespmem:s28], [sflag:$0x1] =	stream.linear.gather [hbm4b:s26+s10], $0x80, $0x38;
	[tilespmem:$0x1EB00] =	vst v63  }
0xda: {  	s15 =	simm.s32 $0x19000;
	s14 =	rddreg [dreg:$0x18]  }
0xdb: {  	[tilespmem:s15], [sflag:$0x1] =	stream.linear.gather [hbm4b:s14+s10], $0x80, $0x38;
	[tilespmem:$0x1EB00] =	vst v63  }
0xdc: {  	s17 =	simm.s32 $0x19100;
	s18 =	rddreg [dreg:$0x1a]  }
0xdd: {  	[tilespmem:s17], [sflag:$0x1] =	stream.linear.gather [hbm4b:s16+s10], $0x80, $0x38;
	[tilespmem:$0x1EB00] =	vst v63  }
0xde: {  	s19 =	simm.s32 $0x19200;
	s20 =	rddreg [dreg:$0x1b]  }
0xdf: {  	[tilespmem:s19], [sflag:$0x1] =	stream.linear.gather [hbm4b:s18+s10], $0x80, $0x38;
	[tilespmem:$0x1EB00] =	vst v63  }
0xe0: {  	s21 =	simm.s32 $0x19300;
	s22 =	rddreg [dreg:$0x1c]  }
0xe1: {  	[tilespmem:s21], [sflag:$0x1] =	stream.linear.gather [hbm4b:s20+s10], $0x80, $0x38;
	[tilespmem:$0x1EB00] =	vst v63  }
0xe2: {  	s23 =	simm.s32 $0x19400;
	s24 =	rddreg [dreg:$0x1d]  }
0xe3: {  	[tilespmem:s23], [sflag:$0x1] =	stream.linear.gather [hbm4b:s22+s10], $0x80, $0x38;
	[tilespmem:$0x1EB00] =	vst v63  }
0xe4: {  	s25 =	simm.s32 $0x19500;
	s26 =	rddreg [dreg:$0x1e]  }
0xe5: {  	[tilespmem:s25], [sflag:$0x1] =	stream.linear.gather [hbm4b:s24+s10], $0x80, $0x38;
	[tilespmem:$0x1EB00] =	vst v63  }
0xe6: {  	s28 =	simm.s32 $0x19600;
	s15 =	rddreg [dreg:$0x1f]  }
0xe7: {  	[tilespmem:s28], [sflag:$0x1] =	stream.linear.gather [hbm4b:s26+s10], $0x80, $0x38;
	[tilespmem:$0x1EB00] =	vst v63  }
0xe8: {  	s16 =	simm.s32 $0x19700;
	s17 =	sld [smem:$0x7ED]  }
0xe9: {  	[tilespmem:s16], [sflag:$0x1] =	stream.linear.gather [hbm4b:s15+s10], $0x80, $0x38;
	[tilespmem:$0x1EB00] =	vst v63  }
0xea: {  	s18 =	simm.s32 $0x19800;
	s19 =	sld [smem:$0x7EE]  }
0xeb: {  	[tilespmem:s18], [sflag:$0x1] =	stream.linear.gather [hbm4b:s17+s10], $0x80, $0x38;
	[tilespmem:$0x1EB00] =	vst v63  }
0xec: {  	s20 =	simm.s32 $0x19900;
	s21 =	sld [smem:$0x7EF]  }
0xed: {  	[tilespmem:s20], [sflag:$0x1] =	stream.linear.gather [hbm4b:s19+s10], $0x80, $0x38;
	[tilespmem:$0x1EB00] =	vst v63  }
0xee: {  	s22 =	simm.s32 $0x19A00  }
0xef: {  	[tilespmem:s22], [sflag:$0x1] =	stream.linear.gather [hbm4b:s21+s10], $0x80, $0x38;
	[tilespmem:$0x1EB00] =	vst v63  }
0xf0: {  	s23 =	simm.s32 $0x19B00;
	s24 =	sld [smem:$0x7F0]  }
0xf1: {  	[tilespmem:s23], [sflag:$0x3] =	stream.linear.gather [hbm4b:s5+s10], $0x80, $0x38;
	[tilespmem:$0x1EB00] =	vst v63  }
0xf2: {  	s25 =	simm.s32 $0x19C00;
	s26 =	sld [smem:$0x7F1]  }
0xf3: {  	[tilespmem:s25], [sflag:$0x3] =	stream.linear.gather [hbm4b:s24+s10], $0x80, $0x38;
	[tilespmem:$0x1EB00] =	vst v63  }
0xf4: {  	s14 =	sld [smem:$0x7F2];
	s28 =	simm.s32 $0x19D00  }
0xf5: {  	[tilespmem:s28], [sflag:$0x3] =	stream.linear.gather [hbm4b:s26+s10], $0x80, $0x38;
	[tilespmem:$0x1EB00] =	vst v63  }
0xf6: {  	s15 =	simm.s32 $0x19E00;
	s16 =	sld [smem:$0x7F3]  }
0xf7: {  	[tilespmem:s15], [sflag:$0x3] =	stream.linear.gather [hbm4b:s14+s10], $0x80, $0x38;
	[tilespmem:$0x1EB00] =	vst v63  }
0xf8: {  	s17 =	simm.s32 $0x19F00;
	s18 =	sld [smem:$0x7F4]  }
0xf9: {  	[tilespmem:s17], [sflag:$0x3] =	stream.linear.gather [hbm4b:s16+s10], $0x80, $0x38;
	[tilespmem:$0x1EB00] =	vst v63  }
0xfa: {  	s19 =	simm.s32 $0x1A000;
	s20 =	sld [smem:$0x7F5]  }
0xfb: {  	[tilespmem:s19], [sflag:$0x3] =	stream.linear.gather [hbm4b:s18+s10], $0x80, $0x38;
	[tilespmem:$0x1EB00] =	vst v63  }
0xfc: {  	s21 =	simm.s32 $0x1A100;
	s22 =	sld [smem:$0x7F6]  }
0xfd: {  	[tilespmem:s21], [sflag:$0x3] =	stream.linear.gather [hbm4b:s20+s10], $0x80, $0x38;
	[tilespmem:$0x1EB00] =	vst v63  }
0xfe: {  	s23 =	simm.s32 $0x1A200;
	s24 =	sld [smem:$0x7F7]  }
0xff: {  	[tilespmem:s23], [sflag:$0x3] =	stream.linear.gather [hbm4b:s22+s10], $0x80, $0x38;
	[tilespmem:$0x1EB00] =	vst v63  }
0x100: {  	s25 =	simm.s32 $0x1A300;
	s26 =	sld [smem:$0x7F8]  }
0x101: {  	[tilespmem:s25], [sflag:$0x3] =	stream.linear.gather [hbm4b:s24+s10], $0x80, $0x38;
	[tilespmem:$0x1EB00] =	vst v63  }
0x102: {  	s28 =	simm.s32 $0x1A400;
	s15 =	sld [smem:$0x7F9]  }
0x103: {  	[tilespmem:s28], [sflag:$0x3] =	stream.linear.gather [hbm4b:s26+s10], $0x80, $0x38;
	[tilespmem:$0x1EB00] =	vst v63  }
0x104: {  	s16 =	simm.s32 $0x1A500;
	s17 =	sld [smem:$0x7FA]  }
0x105: {  	[tilespmem:s16], [sflag:$0x3] =	stream.linear.gather [hbm4b:s15+s10], $0x80, $0x38;
	[tilespmem:$0x1EB00] =	vst v63  }
0x106: {  	s18 =	simm.s32 $0x1A600;
	s19 =	sld [smem:$0x7FB]  }
0x107: {  	[tilespmem:s18], [sflag:$0x3] =	stream.linear.gather [hbm4b:s17+s10], $0x80, $0x38;
	[tilespmem:$0x1EB00] =	vst v63  }
0x108: {  	s20 =	simm.s32 $0x1A700;
	s21 =	sld [smem:$0x7FC]  }
0x109: {  	[tilespmem:s20], [sflag:$0x3] =	stream.linear.gather [hbm4b:s19+s10], $0x80, $0x38;
	[tilespmem:$0x1EB00] =	vst v63  }
0x10a: {  	s22 =	simm.s32 $0x1A800;
	s23 =	sld [smem:$0x7FD]  }
0x10b: {  	[tilespmem:s22], [sflag:$0x3] =	stream.linear.gather [hbm4b:s21+s10], $0x80, $0x38;
	[tilespmem:$0x1EB00] =	vst v63  }
0x10c: {  	s24 =	simm.s32 $0x1A900  }
0x10d: {  	[tilespmem:s24], [sflag:$0x3] =	stream.linear.gather [hbm4b:s23+s10], $0x80, $0x38;
	[tilespmem:$0x1EB00] =	vst v63  }
0x10e: {  	s25 =	simm.s32 $0x1AA00  }
0x10f: {  	[tilespmem:s25], [sflag:$0x3] =	stream.linear.gather [hbm4b:s29+s10], $0x80, $0x38;
	[tilespmem:$0x1EB00] =	vst v63  }
0x110: {  	s26 =	rddreg [dreg:$0xa];
	s28 =	simm.s32 $0x1AB00  }
0x111: {  	[tilespmem:s28], [sflag:$0x5] =	stream.strided.gather [hbm4b:s26+s7], $0x2000, s0, s7, $0x38;
	[tilespmem:$0x1EB00] =	vst v63  }
.LBB2_13:
0x112: {  	s15 =	sand.u32 $0x1, s10  }
0x113: {  	s9 =	sadd.s32 $0x1, s15  }
0x114: {  	_ =	swait.ge [sflag:s9], $0x800  }
0x115: {  	[sflag:s9] =	ssyncset.done $0x0  }
0x116: {  	s26 =	sadd.s32 $0x3, s15;
	[sflag:s9] =	ssyncadd.s32 $0xFFFFF800  }
0x117: {  	p1 =	seq.s32 s10, $0x4E;
	_ =	swait.ge [sflag:s26], $0x800  }
.Ltmp5:
0x118: {  	[sflag:s26] =	ssyncset.done $0x0;
	(pc) =	sbr.rel @p1 .LBB2_15-.Ltmp5, $4  }
0x119: {  	s28 =	sadd.s32 $0x5, s15;
	[sflag:s26] =	ssyncadd.s32 $0xFFFFF800  }
0x11a: {  	_ =	swait.ge [sflag:s28], $0x2000  }
0x11b: {  	[sflag:s28] =	ssyncset.done $0x0  }
0x11c: {  	s9 =	sadd.s32 $0x1, s10;
	[sflag:s28] =	ssyncadd.s32 $0xFFFFE000  }
0x11d: {  	s14 =	sxor.u32 $0x1, s15  }
0x11e: {  	s17 =	sshll.u32 s9, $0x8;
	s16 =	sshll.u32 s14, $0x7  }
0x11f: {  	s18 =	sadd.s32 $0x1, s14;
	s20 =	sadd.s32 s4, s17;
	s19 =	sor.u32 $0x18B00, s16  }
0x120: {  	[tilespmem:s19], [sflag:s18] =	stream.linear.gather [hbm4b:s20+s2], $0x80, $0x38;
	[tilespmem:$0x1EB00] =	vst v63  }
0x121: {  	s23 =	sadd.s32 $0x10, s20;
	s21 =	sor.u32 $0x18C00, s16  }
0x122: {  	[tilespmem:s21], [sflag:s18] =	stream.linear.gather [hbm4b:s23+s2], $0x80, $0x38;
	[tilespmem:$0x1EB00] =	vst v63  }
0x123: {  	s24 =	sadd.s32 $0x20, s20;
	s25 =	sor.u32 $0x18D00, s16  }
0x124: {  	[tilespmem:s25], [sflag:s18] =	stream.linear.gather [hbm4b:s24+s2], $0x80, $0x38;
	[tilespmem:$0x1EB00] =	vst v63  }
0x125: {  	s26 =	sadd.s32 $0x30, s20;
	s28 =	sor.u32 $0x18E00, s16  }
0x126: {  	[tilespmem:s28], [sflag:s18] =	stream.linear.gather [hbm4b:s26+s2], $0x80, $0x38;
	[tilespmem:$0x1EB00] =	vst v63  }
0x127: {  	s22 =	sadd.s32 $0x40, s20;
	s23 =	sor.u32 $0x18F00, s16  }
0x128: {  	[tilespmem:s23], [sflag:s18] =	stream.linear.gather [hbm4b:s22+s2], $0x80, $0x38;
	[tilespmem:$0x1EB00] =	vst v63  }
0x129: {  	s24 =	sadd.s32 $0x50, s20;
	s25 =	sor.u32 $0x19000, s16  }
0x12a: {  	[tilespmem:s25], [sflag:s18] =	stream.linear.gather [hbm4b:s24+s2], $0x80, $0x38;
	[tilespmem:$0x1EB00] =	vst v63  }
0x12b: {  	s26 =	sadd.s32 $0x60, s20;
	s28 =	sor.u32 $0x19100, s16  }
0x12c: {  	[tilespmem:s28], [sflag:s18] =	stream.linear.gather [hbm4b:s26+s2], $0x80, $0x38;
	[tilespmem:$0x1EB00] =	vst v63  }
0x12d: {  	s22 =	sadd.s32 $0x70, s20;
	s23 =	sor.u32 $0x19200, s16  }
0x12e: {  	[tilespmem:s23], [sflag:s18] =	stream.linear.gather [hbm4b:s22+s2], $0x80, $0x38;
	[tilespmem:$0x1EB00] =	vst v63  }
0x12f: {  	s24 =	sadd.s32 $0x80, s20;
	s25 =	sor.u32 $0x19300, s16  }
0x130: {  	[tilespmem:s25], [sflag:s18] =	stream.linear.gather [hbm4b:s24+s2], $0x80, $0x38;
	[tilespmem:$0x1EB00] =	vst v63  }
0x131: {  	s26 =	sadd.s32 $0x90, s20;
	s28 =	sor.u32 $0x19400, s16  }
0x132: {  	[tilespmem:s28], [sflag:s18] =	stream.linear.gather [hbm4b:s26+s2], $0x80, $0x38;
	[tilespmem:$0x1EB00] =	vst v63  }
0x133: {  	s22 =	sadd.s32 $0xA0, s20;
	s23 =	sor.u32 $0x19500, s16  }
0x134: {  	[tilespmem:s23], [sflag:s18] =	stream.linear.gather [hbm4b:s22+s2], $0x80, $0x38;
	[tilespmem:$0x1EB00] =	vst v63  }
0x135: {  	s24 =	sadd.s32 $0xB0, s20;
	s25 =	sor.u32 $0x19600, s16  }
0x136: {  	[tilespmem:s25], [sflag:s18] =	stream.linear.gather [hbm4b:s24+s2], $0x80, $0x38;
	[tilespmem:$0x1EB00] =	vst v63  }
0x137: {  	s26 =	sadd.s32 $0xC0, s20;
	s28 =	sor.u32 $0x19700, s16  }
0x138: {  	[tilespmem:s28], [sflag:s18] =	stream.linear.gather [hbm4b:s26+s2], $0x80, $0x38;
	[tilespmem:$0x1EB00] =	vst v63  }
0x139: {  	s22 =	sadd.s32 $0xD0, s20;
	s23 =	sor.u32 $0x19800, s16  }
0x13a: {  	[tilespmem:s23], [sflag:s18] =	stream.linear.gather [hbm4b:s22+s2], $0x80, $0x38;
	[tilespmem:$0x1EB00] =	vst v63  }
0x13b: {  	s24 =	sadd.s32 $0xE0, s20;
	s25 =	sor.u32 $0x19900, s16  }
0x13c: {  	[tilespmem:s25], [sflag:s18] =	stream.linear.gather [hbm4b:s24+s2], $0x80, $0x38;
	[tilespmem:$0x1EB00] =	vst v63  }
0x13d: {  	s26 =	sadd.s32 $0xF0, s20;
	s28 =	sor.u32 $0x19A00, s16  }
0x13e: {  	[tilespmem:s28], [sflag:s18] =	stream.linear.gather [hbm4b:s26+s2], $0x80, $0x38;
	[tilespmem:$0x1EB00] =	vst v63  }
0x13f: {  	s17 =	sadd.s32 s5, s17;
	s21 =	sor.u32 $0x19B00, s16;
	s18 =	sadd.s32 $0x3, s14  }
0x140: {  	[tilespmem:s21], [sflag:s18] =	stream.linear.gather [hbm4b:s17+s2], $0x80, $0x38;
	[tilespmem:$0x1EB00] =	vst v63  }
0x141: {  	s22 =	sadd.s32 $0x10, s17;
	s23 =	sor.u32 $0x19C00, s16  }
0x142: {  	[tilespmem:s23], [sflag:s18] =	stream.linear.gather [hbm4b:s22+s2], $0x80, $0x38;
	[tilespmem:$0x1EB00] =	vst v63  }
0x143: {  	s24 =	sadd.s32 $0x20, s17;
	s25 =	sor.u32 $0x19D00, s16  }
0x144: {  	[tilespmem:s25], [sflag:s18] =	stream.linear.gather [hbm4b:s24+s2], $0x80, $0x38;
	[tilespmem:$0x1EB00] =	vst v63  }
0x145: {  	s26 =	sadd.s32 $0x30, s17;
	s28 =	sor.u32 $0x19E00, s16  }
0x146: {  	[tilespmem:s28], [sflag:s18] =	stream.linear.gather [hbm4b:s26+s2], $0x80, $0x38;
	[tilespmem:$0x1EB00] =	vst v63  }
0x147: {  	s20 =	sadd.s32 $0x40, s17;
	s21 =	sor.u32 $0x19F00, s16  }
0x148: {  	[tilespmem:s21], [sflag:s18] =	stream.linear.gather [hbm4b:s20+s2], $0x80, $0x38;
	[tilespmem:$0x1EB00] =	vst v63  }
0x149: {  	s22 =	sadd.s32 $0x50, s17;
	s23 =	sor.u32 $0x1A000, s16  }
0x14a: {  	[tilespmem:s23], [sflag:s18] =	stream.linear.gather [hbm4b:s22+s2], $0x80, $0x38;
	[tilespmem:$0x1EB00] =	vst v63  }
0x14b: {  	s24 =	sadd.s32 $0x60, s17;
	s25 =	sor.u32 $0x1A100, s16  }
0x14c: {  	[tilespmem:s25], [sflag:s18] =	stream.linear.gather [hbm4b:s24+s2], $0x80, $0x38;
	[tilespmem:$0x1EB00] =	vst v63  }
0x14d: {  	s26 =	sadd.s32 $0x70, s17;
	s28 =	sor.u32 $0x1A200, s16  }
0x14e: {  	[tilespmem:s28], [sflag:s18] =	stream.linear.gather [hbm4b:s26+s2], $0x80, $0x38;
	[tilespmem:$0x1EB00] =	vst v63  }
0x14f: {  	s20 =	sadd.s32 $0x80, s17;
	s21 =	sor.u32 $0x1A300, s16  }
0x150: {  	[tilespmem:s21], [sflag:s18] =	stream.linear.gather [hbm4b:s20+s2], $0x80, $0x38;
	[tilespmem:$0x1EB00] =	vst v63  }
0x151: {  	s22 =	sadd.s32 $0x90, s17;
	s23 =	sor.u32 $0x1A400, s16  }
0x152: {  	[tilespmem:s23], [sflag:s18] =	stream.linear.gather [hbm4b:s22+s2], $0x80, $0x38;
	[tilespmem:$0x1EB00] =	vst v63  }
0x153: {  	s24 =	sadd.s32 $0xA0, s17;
	s25 =	sor.u32 $0x1A500, s16  }
0x154: {  	[tilespmem:s25], [sflag:s18] =	stream.linear.gather [hbm4b:s24+s2], $0x80, $0x38;
	[tilespmem:$0x1EB00] =	vst v63  }
0x155: {  	s26 =	sadd.s32 $0xB0, s17;
	s28 =	sor.u32 $0x1A600, s16  }
0x156: {  	[tilespmem:s28], [sflag:s18] =	stream.linear.gather [hbm4b:s26+s2], $0x80, $0x38;
	[tilespmem:$0x1EB00] =	vst v63  }
0x157: {  	s20 =	sadd.s32 $0xC0, s17;
	s21 =	sor.u32 $0x1A700, s16  }
0x158: {  	[tilespmem:s21], [sflag:s18] =	stream.linear.gather [hbm4b:s20+s2], $0x80, $0x38;
	[tilespmem:$0x1EB00] =	vst v63  }
0x159: {  	s22 =	sadd.s32 $0xD0, s17;
	s23 =	sor.u32 $0x1A800, s16  }
0x15a: {  	[tilespmem:s23], [sflag:s18] =	stream.linear.gather [hbm4b:s22+s2], $0x80, $0x38;
	[tilespmem:$0x1EB00] =	vst v63  }
0x15b: {  	s24 =	sadd.s32 $0xE0, s17;
	s25 =	sor.u32 $0x1A900, s16  }
0x15c: {  	[tilespmem:s25], [sflag:s18] =	stream.linear.gather [hbm4b:s24+s2], $0x80, $0x38;
	[tilespmem:$0x1EB00] =	vst v63  }
0x15d: {  	s17 =	sadd.s32 $0xF0, s17;
	s16 =	sor.u32 $0x1AA00, s16;
	s26 =	sshll.u32 s9, $0xE  }
0x15e: {  	[tilespmem:s16], [sflag:s18] =	stream.linear.gather [hbm4b:s17+s2], $0x80, $0x38;
	[tilespmem:$0x1EB00] =	vst v63  }
0x15f: {  	s16 =	sadd.s32 s13, s26  }
0x160: {  	s28 =	sshll.u32 s14, $0xD;
	s16 =	sshrl.u32 s16, $0x3  }
0x161: {  	s14 =	sadd.s32 $0x5, s14;
	s17 =	sadd.s32 $0x1AB00, s28;
	s16 =	sadd.s32 s3, s16  }
0x162: {  	[tilespmem:s17], [sflag:s14] =	stream.strided.gather [hbm4b:s16+s7], $0x2000, s0, s7, $0x38;
	[tilespmem:$0x1EB00] =	vst v63  }
.LBB2_15:
0x163: {  	s10 =	sshll.u32 s10, $0x7;
	s16 =	simm.s32 $0x0  }
0x164: {  	s14 =	simm.s32 $0x0;
	s10 =	sand.u32 $0x80, s10;
	s16 =	sand.u32 $0xFFFFFF00, s16  }
0x165: {  	s17 =	sand.u32 $0x40, s14;
	s16 =	sor.u32 s10, s16  }
0x166: {  	s19 =	sor.u32 $0x20, s17;
	s18 =	sor.u32 s17, s16  }
0x167: {  	s20 =	sor.u32 $0x10, s17;
	s21 =	sor.u32 s19, s16;
	v3 =	vld [tilespmem:s18+$0x18B00]  }
0x168: {  	s22 =	sor.u32 s20, s16;
	v1 =	vld [tilespmem:s21+$0x19B00]  }
0x169: {  	s15 =	sshll.u32 s15, $0xD;
	s23 =	simm.s32 $0x0;
	v2 =	vld [tilespmem:s22+$0x19B00]  }
0x16a: {  	s15 =	sadd.s32 $0x1AB00, s15;
	s23 =	sand.u32 $0x3FFFFE00, s23;
	v6 =	vld [tilespmem:s21+$0x18B00]  }
0x16b: {  	s25 =	sadd.s32 s23, s15;
	v12 =	vld [tilespmem:s18+$0x19B00]  }
0x16c: {  	s26 =	sadd.s32 s19, s25;
	v9 =	vld [tilespmem:s22+$0x18B00]  }
0x16d: {  	v15 =	vld [tilespmem:s26+$0x180]  }
0x16e: {  	s28 =	sadd.s32 s17, s25;
	v14 =	vld [tilespmem:s26+$0x80]  }
0x16f: {  	v13 =	vld [tilespmem:s28+$0x100]  }
0x170: {  	s17 =	sor.u32 $0x30, s17;
	v18 =	vld [tilespmem:s26+$0x100]  }
0x171: {  	v16 =	vld [tilespmem:s28+$0x180];
	s16 =	sor.u32 s17, s16  }
0x172: {  	v20 =	vld [tilespmem:s16+$0x18B00]  }
0x173: {  	v17 =	vld [tilespmem:s28+$0x80]  }
0x174: {  	s20 =	sadd.s32 s20, s25;
	v19 =	vld [tilespmem:s28+$0x0]  }
0x175: {  	v5 =	vld [tilespmem:s20+$0x100];
	v4 =	vshll.u32 v3, $0x1  }
0x176: {  	v8 =	vld [tilespmem:s20+$0x80];
	v3 =	vand.u32 $0x7F, v3;
	v4 =	vand.u32 $0xFFFFFF00, v4  }
0x177: {  	s21 =	sadd.s32 s17, s25;
	v27 =	vld [tilespmem:s26+$0x0];
	v25 =	vshll.u32 v20, $0x1;
	v11 =	vor.u32 v3, v4  }
0x178: {  	v7 =	vld [tilespmem:s21+$0x100];
	v20 =	vand.u32 $0x7F, v20;
	v25 =	vand.u32 $0xFFFFFF00, v25  }
0x179: {  	v10 =	vshll.u32 v6, $0x1;
	v22 =	vand.u32 $0x7F, v6;
	v6 =	vld [tilespmem:s20+$0x180];
	v20 =	vor.u32 v20, v25  }
0x17a: {  	v23 =	vshll.u32 v9, $0x1;
	v10 =	vand.u32 $0xFFFFFF00, v10;
	v3 =	vld [tilespmem:s20+$0x0]  }
0x17b: {  	v9 =	vand.u32 $0x7F, v9;
	v23 =	vand.u32 $0xFFFFFF00, v23;
	v22 =	vor.u32 v22, v10;
	v10 =	vld [tilespmem:s21+$0x0]  }
0x17c: {  	v23 =	vor.u32 v9, v23;
	v21 =	vld.idx.msk [tilespmem:v11+s2+$0x0], $0xffff  }
0x17d: {  	v9 =	vld [tilespmem:s16+$0x19B00]  }
0x17e: {  	v32 =	vld.idx.msk [tilespmem:v20+s2+$0x0], $0xffff  }
0x17f: {  	v24 =	vadd.s32 $0x2780, v12;
	v4 =	vld [tilespmem:s21+$0x180]  }
0x180: {  	v46 =	vld.idx.msk [tilespmem:v22+s2+$0x0], $0xffff  }
0x181: {  	v45 =	vadd.s32 $0x4F00, v12;
	v48 =	vld.idx.msk [tilespmem:v23+s2+$0x0], $0xffff;
	v26 =	vmul.f32 v21, v19  }
0x182: {  	v29 =	vadd.s32 $0x7680, v12;
	v47 =	vor.u32 $0x80, v11;
	v11 =	vld [tilespmem:s21+$0x80];
	v28 =	vmul.f32 v21, v17  }
0x183: {  	v53 =	vmul.f32 v32, v10;
	[tilespmem:v12+s30+$0x0] =	vst.idx.add.f32.msk $0xffff, v26  }
0x184: {  	v30 =	vmul.f32 v21, v13;
	[tilespmem:v24+s30+$0x0] =	vst.idx.add.f32.msk $0xffff, v28  }
0x185: {  	v31 =	vadd.s32 $0x2780, v1;
	v21 =	vmul.f32 v21, v16;
	[tilespmem:v9+s30+$0x0] =	vst.idx.add.f32.msk $0xffff, v53  }
0x186: {  	v33 =	vadd.s32 $0x4F00, v1;
	[tilespmem:v45+s30+$0x0] =	vst.idx.add.f32.msk $0xffff, v30  }
0x187: {  	v49 =	vadd.s32 $0x7680, v1;
	[tilespmem:v29+s30+$0x0] =	vst.idx.add.f32.msk $0xffff, v21;
	v21 =	vmul.f32 v46, v27  }
0x188: {  	v22 =	vor.u32 $0x80, v22;
	v50 =	vmul.f32 v46, v14;
	v24 =	vld.idx.msk [tilespmem:v47+s2+$0x0], $0xffff  }
0x189: {  	v51 =	vmul.f32 v46, v18;
	[tilespmem:v1+s30+$0x0] =	vst.idx.add.f32.msk $0xffff, v21;
	v21 =	vadd.s32 $0x2780, v9  }
0x18a: {  	v52 =	vadd.s32 $0x4F00, v9;
	v26 =	vmul.f32 v46, v15;
	[tilespmem:v31+s30+$0x0] =	vst.idx.add.f32.msk $0xffff, v50  }
0x18b: {  	v57 =	vadd.s32 $0x9E00, v12;
	[tilespmem:v33+s30+$0x0] =	vst.idx.add.f32.msk $0xffff, v51  }
0x18c: {  	v54 =	vmul.f32 v32, v11;
	[tilespmem:v49+s30+$0x0] =	vst.idx.add.f32.msk $0xffff, v26  }
0x18d: {  	v58 =	vadd.s32 $0xC580, v12;
	v56 =	vmul.f32 v32, v7;
	v22 =	vld.idx.msk [tilespmem:v22+s2+$0x0], $0xffff  }
0x18e: {  	v34 =	vadd.s32 $0x7680, v9;
	v19 =	vmul.f32 v24, v19;
	[tilespmem:v21+s30+$0x0] =	vst.idx.add.f32.msk $0xffff, v54  }
0x18f: {  	v55 =	vadd.s32 $0x2780, v2;
	v21 =	vmul.f32 v48, v3;
	[tilespmem:v52+s30+$0x0] =	vst.idx.add.f32.msk $0xffff, v56  }
0x190: {  	v20 =	vor.u32 $0x80, v20;
	v17 =	vmul.f32 v24, v17;
	[tilespmem:v57+s30+$0x0] =	vst.idx.add.f32.msk $0xffff, v19  }
0x191: {  	v60 =	vmul.f32 v32, v4;
	[tilespmem:v2+s30+$0x0] =	vst.idx.add.f32.msk $0xffff, v21;
	v21 =	vadd.s32 $0xED00, v12  }
0x192: {  	v61 =	vadd.s32 $0x9E00, v1;
	v59 =	vmul.f32 v48, v8;
	[tilespmem:v58+s30+$0x0] =	vst.idx.add.f32.msk $0xffff, v17  }
0x193: {  	v62 =	vadd.s32 $0xC580, v1;
	[tilespmem:v34+s30+$0x0] =	vst.idx.add.f32.msk $0xffff, v60  }
0x194: {  	v12 =	vadd.s32 $0x11480, v12;
	v17 =	vmul.f32 v24, v13;
	[tilespmem:v55+s30+$0x0] =	vst.idx.add.f32.msk $0xffff, v59  }
0x195: {  	v19 =	vadd.s32 $0x4F00, v2;
	v13 =	vld.idx.msk [tilespmem:v20+s2+$0x0], $0xffff;
	v20 =	vmul.f32 v22, v27  }
0x196: {  	v63 =	vmul.f32 v22, v14;
	[tilespmem:v21+s30+$0x0] =	vst.idx.add.f32.msk $0xffff, v17;
	v21 =	vadd.s32 $0x7680, v2  }
0x197: {  	v24 =	vmul.f32 v24, v16;
	[tilespmem:v61+s30+$0x0] =	vst.idx.add.f32.msk $0xffff, v20;
	v20 =	vor.u32 $0x80, v23  }
0x198: {  	v16 =	vmul.f32 v48, v5;
	v14 =	vmul.f32 v22, v18;
	v18 =	vadd.s32 $0xED00, v1;
	[tilespmem:v62+s30+$0x0] =	vst.idx.add.f32.msk $0xffff, v63  }
0x199: {  	s16 =	simm.s32 $0x0;
	v17 =	vmul.f32 v48, v6;
	[tilespmem:v12+s30+$0x0] =	vst.idx.add.f32.msk $0xffff, v24;
	v12 =	vmul.f32 v22, v15;
	v15 =	vadd.s32 $0x9E00, v9  }
.LBB2_16:
0x19a: {  	s16 =	sadd.s32 $0x4, s16;
	[tilespmem:v19+s30+$0x0] =	vst.idx.add.f32.msk $0xffff, v16;
	s14 =	sadd.s32 $0x40, s14  }
0x19b: {  	v10 =	vmul.f32 v13, v10;
	v16 =	vadd.s32 $0xC580, v9;
	s17 =	sshll.u32 s16, $0x5;
	s18 =	sshll.u32 s16, $0x6;
	p1 =	slt.u32 s16, $0x7C;
	[tilespmem:v21+s30+$0x0] =	vst.idx.add.f32.msk $0xffff, v17  }
0x19c: {  	s17 =	sand.u32 $0xFFFFFF00, s17;
	s19 =	sand.u32 $0x3FFFFE00, s18;
	v17 =	vld.idx.msk [tilespmem:v20+s2+$0x0], $0xffff  }
0x19d: {  	s20 =	sand.u32 $0x40, s14;
	s17 =	sor.u32 s10, s17;
	[tilespmem:v18+s30+$0x0] =	vst.idx.add.f32.msk $0xffff, v14;
	v14 =	vadd.s32 $0xED00, v9  }
0x19e: {  	s22 =	sor.u32 $0x10, s20;
	s21 =	sor.u32 s20, s17;
	[tilespmem:v15+s30+$0x0] =	vst.idx.add.f32.msk $0xffff, v10;
	v10 =	vmul.f32 v13, v11  }
0x19f: {  	v7 =	vmul.f32 v13, v7;
	s24 =	sor.u32 $0x20, s20;
	s23 =	sor.u32 s22, s17;
	v15 =	vadd.s32 $0x9E00, v2;
	v11 =	vld [tilespmem:s21+$0x18B00]  }
0x1a0: {  	s26 =	sor.u32 $0x30, s20;
	v18 =	vadd.s32 $0xC580, v2;
	s25 =	sor.u32 s24, s17;
	[tilespmem:v16+s30+$0x0] =	vst.idx.add.f32.msk $0xffff, v10  }
0x1a1: {  	s18 =	sor.u32 s26, s17;
	v16 =	vadd.s32 $0xED00, v2;
	v10 =	vld [tilespmem:s25+$0x19B00]  }
0x1a2: {  	v4 =	vmul.f32 v13, v4;
	v3 =	vmul.f32 v17, v3;
	[tilespmem:v14+s30+$0x0] =	vst.idx.add.f32.msk $0xffff, v7  }
0x1a3: {  	s28 =	sadd.s32 s19, s15;
	v5 =	vmul.f32 v17, v5;
	v7 =	vmul.f32 v17, v8;
	v8 =	vadd.s32 $0x11480, v2;
	v2 =	vld [tilespmem:s23+$0x19B00]  }
0x1a4: {  	s19 =	sadd.s32 s24, s28;
	s17 =	sadd.s32 s26, s28;
	[tilespmem:v15+s30+$0x0] =	vst.idx.add.f32.msk $0xffff, v3;
	v3 =	vmul.f32 v17, v6;
	v6 =	vadd.s32 $0x11480, v1  }
0x1a5: {  	[tilespmem:v18+s30+$0x0] =	vst.idx.add.f32.msk $0xffff, v7;
	v7 =	vadd.s32 $0x11480, v9  }
0x1a6: {  	[tilespmem:v16+s30+$0x0] =	vst.idx.add.f32.msk $0xffff, v5;
	v1 =	vmov v10  }
0x1a7: {  	v9 =	vld [tilespmem:s25+$0x18B00]  }
0x1a8: {  	s20 =	sadd.s32 s20, s28;
	v5 =	vshll.u32 v11, $0x1;
	[tilespmem:v8+s30+$0x0] =	vst.idx.add.f32.msk $0xffff, v3  }
0x1a9: {  	v3 =	vand.u32 $0xFFFFFF00, v5;
	[tilespmem:v6+s30+$0x0] =	vst.idx.add.f32.msk $0xffff, v12  }
0x1aa: {  	v13 =	vld [tilespmem:s21+$0x19B00];
	s21 =	sadd.s32 s22, s28  }
0x1ab: {  	[tilespmem:v7+s30+$0x0] =	vst.idx.add.f32.msk $0xffff, v4  }
0x1ac: {  	v4 =	vld [tilespmem:s23+$0x18B00]  }
0x1ad: {  	v12 =	vld [tilespmem:s19+$0x180]  }
0x1ae: {  	v15 =	vld [tilespmem:s19+$0x80]  }
0x1af: {  	v18 =	vld [tilespmem:s20+$0x100]  }
0x1b0: {  	v14 =	vld [tilespmem:s19+$0x100]  }
0x1b1: {  	v17 =	vadd.s32 $0x2780, v1;
	v5 =	vand.u32 $0x7F, v11;
	v19 =	vld [tilespmem:s20+$0x180];
	v6 =	vshll.u32 v4, $0x1  }
0x1b2: {  	v21 =	vadd.s32 $0x4F00, v1;
	v11 =	vor.u32 v5, v3;
	v4 =	vand.u32 $0x7F, v4;
	v20 =	vld [tilespmem:s20+$0x80]  }
0x1b3: {  	v22 =	vadd.s32 $0x7680, v1;
	v5 =	vand.u32 $0xFFFFFF00, v6;
	v3 =	vld [tilespmem:s21+$0x0]  }
0x1b4: {  	v23 =	vor.u32 v4, v5;
	v7 =	vld [tilespmem:s17+$0x100]  }
0x1b5: {  	v25 =	vadd.s32 $0x2780, v2;
	v24 =	vld [tilespmem:s20+$0x0]  }
0x1b6: {  	v16 =	vadd.s32 $0x2780, v13;
	v26 =	vld [tilespmem:s18+$0x18B00]  }
0x1b7: {  	v28 =	vadd.s32 $0x4F00, v13;
	v27 =	vld.idx.msk [tilespmem:v11+s2+$0x0], $0xffff  }
0x1b8: {  	v29 =	vadd.s32 $0x7680, v13;
	v4 =	vld [tilespmem:s17+$0x180]  }
0x1b9: {  	v6 =	vshll.u32 v9, $0x1;
	v5 =	vld [tilespmem:s21+$0x100]  }
0x1ba: {  	v9 =	vand.u32 $0x7F, v9;
	v10 =	vand.u32 $0xFFFFFF00, v6;
	v8 =	vld [tilespmem:s21+$0x80]  }
0x1bb: {  	v30 =	vor.u32 v9, v10;
	v6 =	vld [tilespmem:s21+$0x180]  }
0x1bc: {  	v31 =	vshll.u32 v26, $0x1;
	v10 =	vld [tilespmem:s17+$0x0]  }
0x1bd: {  	v26 =	vand.u32 $0x7F, v26;
	v32 =	vmul.f32 v27, v24;
	v33 =	vmul.f32 v27, v18;
	v9 =	vld [tilespmem:s18+$0x19B00]  }
0x1be: {  	v34 =	vmul.f32 v27, v20;
	v31 =	vand.u32 $0xFFFFFF00, v31;
	v35 =	vld [tilespmem:s19+$0x0]  }
0x1bf: {  	v26 =	vor.u32 v26, v31;
	[tilespmem:v13+s30+$0x0] =	vst.idx.add.f32.msk $0xffff, v32  }
0x1c0: {  	v31 =	vld.idx.msk [tilespmem:v30+s2+$0x0], $0xffff  }
0x1c1: {  	[tilespmem:v16+s30+$0x0] =	vst.idx.add.f32.msk $0xffff, v34;
	v16 =	vmul.f32 v27, v19  }
0x1c2: {  	v27 =	vor.u32 $0x80, v11;
	v32 =	vld.idx.msk [tilespmem:v23+s2+$0x0], $0xffff  }
0x1c3: {  	v11 =	vld [tilespmem:s17+$0x80]  }
0x1c4: {  	v34 =	vld.idx.msk [tilespmem:v26+s2+$0x0], $0xffff  }
0x1c5: {  	[tilespmem:v28+s30+$0x0] =	vst.idx.add.f32.msk $0xffff, v33  }
0x1c6: {  	v28 =	vmul.f32 v31, v15;
	[tilespmem:v29+s30+$0x0] =	vst.idx.add.f32.msk $0xffff, v16;
	v16 =	vmul.f32 v31, v35  }
0x1c7: {  	v29 =	vmul.f32 v31, v14;
	v31 =	vmul.f32 v31, v12;
	v27 =	vld.idx.msk [tilespmem:v27+s2+$0x0], $0xffff  }
0x1c8: {  	v37 =	vadd.s32 $0x2780, v9;
	v33 =	vmul.f32 v32, v3;
	v36 =	vmul.f32 v32, v8;
	[tilespmem:v1+s30+$0x0] =	vst.idx.add.f32.msk $0xffff, v16  }
0x1c9: {  	v16 =	vmul.f32 v32, v5;
	[tilespmem:v17+s30+$0x0] =	vst.idx.add.f32.msk $0xffff, v28;
	v28 =	vor.u32 $0x80, v30;
	v30 =	vadd.s32 $0x4F00, v9  }
0x1ca: {  	[tilespmem:v21+s30+$0x0] =	vst.idx.add.f32.msk $0xffff, v29;
	v21 =	vmul.f32 v34, v10;
	v29 =	vmul.f32 v34, v7  }
0x1cb: {  	v17 =	vmul.f32 v32, v6;
	[tilespmem:v22+s30+$0x0] =	vst.idx.add.f32.msk $0xffff, v31;
	v22 =	vmul.f32 v34, v11  }
0x1cc: {  	[tilespmem:v9+s30+$0x0] =	vst.idx.add.f32.msk $0xffff, v21;
	v21 =	vadd.s32 $0x7680, v9  }
0x1cd: {  	v31 =	vadd.s32 $0x9E00, v13;
	v24 =	vmul.f32 v27, v24;
	v20 =	vmul.f32 v27, v20;
	[tilespmem:v37+s30+$0x0] =	vst.idx.add.f32.msk $0xffff, v22  }
0x1ce: {  	v18 =	vmul.f32 v27, v18;
	v27 =	vmul.f32 v27, v19;
	v22 =	vadd.s32 $0xC580, v13;
	v28 =	vld.idx.msk [tilespmem:v28+s2+$0x0], $0xffff  }
0x1cf: {  	v19 =	vmul.f32 v34, v4;
	[tilespmem:v30+s30+$0x0] =	vst.idx.add.f32.msk $0xffff, v29  }
0x1d0: {  	v26 =	vor.u32 $0x80, v26;
	[tilespmem:v2+s30+$0x0] =	vst.idx.add.f32.msk $0xffff, v33  }
0x1d1: {  	v29 =	vadd.s32 $0xED00, v13;
	[tilespmem:v25+s30+$0x0] =	vst.idx.add.f32.msk $0xffff, v36  }
0x1d2: {  	[tilespmem:v31+s30+$0x0] =	vst.idx.add.f32.msk $0xffff, v24;
	v24 =	vadd.s32 $0x11480, v13  }
0x1d3: {  	[tilespmem:v22+s30+$0x0] =	vst.idx.add.f32.msk $0xffff, v20;
	v22 =	vadd.s32 $0x9E00, v1  }
0x1d4: {  	v30 =	vadd.s32 $0xC580, v1;
	v25 =	vmul.f32 v28, v35;
	v15 =	vmul.f32 v28, v15;
	[tilespmem:v21+s30+$0x0] =	vst.idx.add.f32.msk $0xffff, v19  }
.Ltmp6:
0x1d5: {  	v14 =	vmul.f32 v28, v14;
	v12 =	vmul.f32 v28, v12;
	v19 =	vadd.s32 $0x4F00, v2;
	v13 =	vld.idx.msk [tilespmem:v26+s2+$0x0], $0xffff;
	(pc) =	sbr.rel @p1 .LBB2_16-.Ltmp6, $4  }
0x1d6: {  	v21 =	vadd.s32 $0x7680, v2;
	[tilespmem:v29+s30+$0x0] =	vst.idx.add.f32.msk $0xffff, v18  }
0x1d7: {  	v20 =	vor.u32 $0x80, v23;
	[tilespmem:v24+s30+$0x0] =	vst.idx.add.f32.msk $0xffff, v27  }
0x1d8: {  	v18 =	vadd.s32 $0xED00, v1;
	[tilespmem:v22+s30+$0x0] =	vst.idx.add.f32.msk $0xffff, v25  }
0x1d9: {  	[tilespmem:v30+s30+$0x0] =	vst.idx.add.f32.msk $0xffff, v15;
	v15 =	vadd.s32 $0x9E00, v9  }
0x1da: {  	_ =	sdelay $0x3  }
0x1db: {  	[tilespmem:v19+s30+$0x0] =	vst.idx.add.f32.msk $0xffff, v16  }
0x1dc: {  	[tilespmem:v21+s30+$0x0] =	vst.idx.add.f32.msk $0xffff, v17  }
0x1dd: {  	v58 =	vadd.s32 $0xC580, v9;
	v17 =	vld.idx.msk [tilespmem:v20+s2+$0x0], $0xffff  }
0x1de: {  	v1 =	vadd.s32 $0x11480, v1  }
0x1df: {  	v10 =	vmul.f32 v13, v10;
	v60 =	vadd.s32 $0x9E00, v2  }
0x1e0: {  	v59 =	vadd.s32 $0xED00, v9;
	[tilespmem:v18+s30+$0x0] =	vst.idx.add.f32.msk $0xffff, v14;
	v11 =	vmul.f32 v13, v11  }
0x1e1: {  	v61 =	vadd.s32 $0xC580, v2;
	[tilespmem:v15+s30+$0x0] =	vst.idx.add.f32.msk $0xffff, v10  }
0x1e2: {  	v62 =	vadd.s32 $0xED00, v2;
	[tilespmem:v58+s30+$0x0] =	vst.idx.add.f32.msk $0xffff, v11;
	v3 =	vmul.f32 v17, v3  }
0x1e3: {  	v7 =	vmul.f32 v13, v7;
	v2 =	vadd.s32 $0x11480, v2;
	[tilespmem:v1+s30+$0x0] =	vst.idx.add.f32.msk $0xffff, v12  }
0x1e4: {  	v63 =	vmul.f32 v17, v8;
	[tilespmem:v60+s30+$0x0] =	vst.idx.add.f32.msk $0xffff, v3;
	v3 =	vadd.s32 $0x11480, v9  }
0x1e5: {  	[tilespmem:v59+s30+$0x0] =	vst.idx.add.f32.msk $0xffff, v7;
	v5 =	vmul.f32 v17, v5  }
0x1e6: {  	v6 =	vmul.f32 v17, v6;
	[tilespmem:v61+s30+$0x0] =	vst.idx.add.f32.msk $0xffff, v63  }
0x1e7: {  	v4 =	vmul.f32 v13, v4;
	[tilespmem:v62+s30+$0x0] =	vst.idx.add.f32.msk $0xffff, v5  }
0x1e8: {  	[tilespmem:v2+s30+$0x0] =	vst.idx.add.f32.msk $0xffff, v6  }
0x1e9: {  	[tilespmem:v3+s30+$0x0] =	vst.idx.add.f32.msk $0xffff, v4  }
0x1ea: {  	p1 =	seq.s32 s9, $0x4F  }
.Ltmp7:
0x1eb: {  	_ = 	snop;
	(pc) =	sbr.rel @!p1 .LBB2_13-.Ltmp7, $2  }
0x1ec: {  	_ =	sdelay $0x2  }
0x1ed: {  	s10 =	smov.u32 s9  }
0x1ee: {  	s9 =	rddreg [dreg:$0xb]  }
0x1ef: {  	[hbm4b:s9+s2] =	stream.linear.scatter [tilespmem:s30], [sflag:$0x8], $0x2780, $0x38;
	[tilespmem:$0x1EB00] =	vst v63  }
0x1f0: {  	_ =	swait.ge [sflag:s6], $0x2780  }
0x1f1: {  	[sflag:s6] =	ssyncset.done $0x0  }
0x1f2: {  	s10 =	simm.s32 $0x7680;
	s14 =	rddreg [dreg:$0xc];
	[sflag:s6] =	ssyncadd.s32 $0xFFFFD880  }
0x1f3: {  	[hbm4b:s14+s2] =	stream.linear.scatter [tilespmem:s10], [sflag:$0x8], $0x2780, $0x38;
	[tilespmem:$0x1EB00] =	vst v63  }
0x1f4: {  	_ =	swait.ge [sflag:s6], $0x2780  }
0x1f5: {  	[sflag:s6] =	ssyncset.done $0x0  }
0x1f6: {  	s16 =	simm.s32 $0x9E00;
	s15 =	rddreg [dreg:$0xd];
	[sflag:s6] =	ssyncadd.s32 $0xFFFFD880  }
0x1f7: {  	[hbm4b:s15+s2] =	stream.linear.scatter [tilespmem:s16], [sflag:$0x8], $0x2780, $0x38;
	[tilespmem:$0x1EB00] =	vst v63  }
0x1f8: {  	_ =	swait.ge [sflag:s6], $0x2780  }
0x1f9: {  	[sflag:s6] =	ssyncset.done $0x0  }
0x1fa: {  	s18 =	simm.s32 $0xC580;
	s17 =	rddreg [dreg:$0xe];
	[sflag:s6] =	ssyncadd.s32 $0xFFFFD880  }
0x1fb: {  	[hbm4b:s17+s2] =	stream.linear.scatter [tilespmem:s18], [sflag:$0x8], $0x2780, $0x38;
	[tilespmem:$0x1EB00] =	vst v63  }
0x1fc: {  	_ =	swait.ge [sflag:s6], $0x2780  }
0x1fd: {  	[sflag:s6] =	ssyncset.done $0x0  }
0x1fe: {  	s20 =	simm.s32 $0xED00;
	s19 =	rddreg [dreg:$0xf];
	[sflag:s6] =	ssyncadd.s32 $0xFFFFD880  }
0x1ff: {  	[hbm4b:s19+s2] =	stream.linear.scatter [tilespmem:s20], [sflag:$0x8], $0x2780, $0x38;
	[tilespmem:$0x1EB00] =	vst v63  }
0x200: {  	_ =	swait.ge [sflag:s6], $0x2780  }
0x201: {  	[sflag:s6] =	ssyncset.done $0x0  }
0x202: {  	s22 =	simm.s32 $0x11480;
	s21 =	rddreg [dreg:$0x10];
	[sflag:s6] =	ssyncadd.s32 $0xFFFFD880  }
0x203: {  	[hbm4b:s21+s2] =	stream.linear.scatter [tilespmem:s22], [sflag:$0x8], $0x2780, $0x38;
	[tilespmem:$0x1EB00] =	vst v63  }
0x204: {  	_ =	swait.ge [sflag:s6], $0x2780  }
0x205: {  	[sflag:s6] =	ssyncset.done $0x0  }
0x206: {  	s24 =	simm.s32 $0x13C00;
	s23 =	rddreg [dreg:$0x11];
	[sflag:s6] =	ssyncadd.s32 $0xFFFFD880  }
0x207: {  	[hbm4b:s23+s2] =	stream.linear.scatter [tilespmem:s24], [sflag:$0x8], $0x2780, $0x38;
	[tilespmem:$0x1EB00] =	vst v63  }
0x208: {  	_ =	swait.ge [sflag:s6], $0x2780  }
0x209: {  	[sflag:s6] =	ssyncset.done $0x0  }
0x20a: {  	s26 =	simm.s32 $0x16380;
	s25 =	rddreg [dreg:$0x12];
	[sflag:s6] =	ssyncadd.s32 $0xFFFFD880  }
0x20b: {  	[hbm4b:s25+s2] =	stream.linear.scatter [tilespmem:s26], [sflag:$0x8], $0x2780, $0x38;
	[tilespmem:$0x1EB00] =	vst v63  }
0x20c: {  	_ =	swait.ge [sflag:s6], $0x2780  }
0x20d: {  	s8 =	sadd.s32 $0x1, s8;
	s28 =	rddreg [dreg:$0x13]  }
0x20e: {  	p1 =	sne.s32 s8, s28  }
.Ltmp8:
0x20f: {  	_ = 	snop;
	(pc) =	sbr.rel @p1 .LBB2_1-.Ltmp8, $3  }
0x210: {  	_ =	sdelay $0x1  }
0x211: {  	[sflag:s6] =	ssyncset.done $0x0  }
0x212: {  	[sflag:s6] =	ssyncadd.s32 $0xFFFFD880  }
0x213: {  	_ =	sfence.sel $0x180000  }
0x214: {  	[bflag:$0x0] =	sbarrier.arrive $0xFFFF  }
0x215: {  	_ =	strace $0x90000047  }
0x216: {  	s0 =	stileid.u32;
	[bflag:$0x2] =	sbarrier.arrive $0xFFFF  }
0x217: {  	p0 =	sne.s32 s0, $0x0;
	s0 =	rddreg [dreg:$0x1]  }
0x218: {  	s0 =	sadd.s32 @!p0 $0x100000, s0  }
0x219: {  	[sflag:s0] =	ssyncadd.tile.s32 @!p0 $0x1;
	_ =	shalt  }
.Lfunc_end2:
_tile_overlayer_lowered:
.L_overlay_start_2:
0x21a: {  	(tag) =	ssettag $0x2  }
0x21b: {  	s0 =	rddreg [dreg:$0x0];
	s2 =	stileid.u32  }
0x21c: {  	s1 =	rddreg [dreg:$0x1];
	p0 =	sne.s32 s2, $0x0  }
0x21d: {  	s3 =	rddreg [dreg:$0x2];
	[bflag:$0x3] =	sbarrier.arrive $0xFFFF;
	s2 =	simm.s32 @!p0 $0x1C08  }
0x21e: {  	[timem:s3], [sflag:s2] =	dma.local @!p0 [hbm:s0], s1  }
0x21f: {  	s0 =	simm.s32 @!p0 $0x8  }
0x220: {  	_ =	swait.ge @!p0 [sflag:s0], s1  }
0x221: {  	s1 =	ssub.s32 @!p0 $0x0, s1;
	[sflag:s0] =	ssyncset.done @!p0 $0x0  }
0x222: {  	[sflag:s0] =	ssyncadd.s32 @!p0 s1  }
0x223: {  	[bflag:$0x3] =	sbarrier.arrive $0xFFFF  }
0x224: {  	_ =	shalt  }

// kernel: kernel.13.cloned.1.call-start
scs
__scs_entry_jumppad:
0x0: {  	(pc) =	sbr.rel $0x88, $3  }
0x1: {  	(tag) =	ssettag $0x0;
	lr =	simm.s32 $0x1  }
0x2: {  	[smem:$0x3F78] =	sst lr;
	_ =	strace $0xD0000000  }
0x3: {  	_ = 	snop  }
0x4: {  	_ = 	snop  }
0x5: {  	_ = 	snop  }
0x6: {  	_ = 	snop  }
0x7: {  	_ = 	snop  }
__scs_overlays_trampoline_lowered:
0x8: {  	[smem:$0x3F87] =	sst s0  }
0x9: {  	[smem:$0x3F88] =	sst s1  }
0xa: {  	[smem:$0x3F89] =	sst s2  }
0xb: {  	[smem:$0x3F8A] =	sst s3  }
0xc: {  	[smem:$0x3F8B] =	sst s4  }
0xd: {  	[smem:$0x3F8C] =	sst s5  }
0xe: {  	[smem:$0x3F8D] =	sst s6  }
0xf: {  	[smem:$0x3F8E] =	sst s7  }
0x10: {  	[smem:$0x3F8F] =	sst s8  }
0x11: {  	[smem:$0x3F90] =	sst s9;
	s0 =	simm.s32 @!p0 $0x0  }
0x12: {  	s1 =	sld [smem:$0x3F76];
	s0 =	simm.s32 @p0 $0x1  }
0x13: {  	[smem:$0x3F91] =	sst s0;
	s0 =	simm.s32 @!p1 $0x0  }
0x14: {  	s2 =	sld [smem:$0x3F75];
	s0 =	simm.s32 @p1 $0x1  }
0x15: {  	[smem:$0x3F92] =	sst s0;
	s0 =	simm.s32 @!p2 $0x0  }
0x16: {  	s3 =	sld [smem:$0x3FDB];
	s0 =	simm.s32 @p2 $0x1  }
0x17: {  	s4 =	simm.s32 $0x1BF5;
	[smem:$0x3F94] =	sst s0  }
0x18: {  	s0 =	sld [smem:$0x3F77];
	_ =	swait.ge [sflag:s4], $0x0  }
0x19: {  	s7 =	sld [smem:$0x3F78]  }
0x1a: {  	s8 =	sadd.s32 $0xFFFFE003, lr  }
0x1b: {  	s9 =	sadd.s32 $0xFFFFFEF7, lr;
	s5 =	simm.s32 $0xFFFFFFFF;
	p2 =	slt.u32 s8, $0xFFFFF086  }
0x1c: {  	p1 =	slt.u32 s9, $0xF7A;
	s5 =	simm.s32 @!p2 $0x0  }
0x1d: {  	s5 =	simm.s32 @p1 $0x1;
	p0 =	seq.s32 s7, s2  }
0x1e: {  	s7 =	smul.u32 @!p0 $0xF7A, s2;
	p2 =	seq.s32 @!p0 s5, $0x0  }
0x1f: {  	s9 =	smul.u32 $0xF7A, s1;
	s8 =	simm.s32 @!p0 $0x1BF5;
	p2 =	por !p2, p0  }
0x20: {  	[sflag:s8] =	ssyncset.s32 @!p0 $0xFFFFF086;
	s6 =	sadd.s32 @!p0 s3, s7;
	s7 =	simm.s32 @!p0 $0x108  }
0x21: {  	s3 =	sadd.s32 s3, s9;
	s6 =	sadd.s32 @!p0 $0x88, s6;
	s7 =	simm.s32 @p2 $0x1082  }
0x22: {  	[simem:s7], [sflag:s8] =	dma.local @!p0 [hbm:s6], $0xF7A  }
0x23: {  	s9 =	sor.u32 $0xD0000000, s2;
	s6 =	simm.s32 $0x108;
	_ =	swait.ge @!p0 [sflag:s8], $0x0  }
0x24: {  	s3 =	sadd.s32 $0x88, s3;
	s6 =	simm.s32 @!p1 $0x1082;
	[sflag:s4] =	ssyncset.s32 $0xFFFFF086  }
0x25: {  	[simem:s6], [sflag:s4] =	dma.local [hbm:s3], $0xF7A  }
0x26: {  	[smem:$0x3F78] =	sst s1;
	(tag) =	ssettag s2;
	_ =	strace s9  }
0x27: {  	s1 =	sld [smem:$0x3F88]  }
0x28: {  	s2 =	sld [smem:$0x3F89]  }
0x29: {  	s4 =	sld [smem:$0x3F8B]  }
0x2a: {  	p0 =	seq.s32 s5, $0x0;
	s5 =	sld [smem:$0x3F8C]  }
0x2b: {  	s6 =	sld [smem:$0x3F8D]  }
0x2c: {  	s7 =	sld [smem:$0x3F8E]  }
0x2d: {  	s3 =	simm.s32 $0x108;
	s8 =	sld [smem:$0x3F8F]  }
0x2e: {  	s3 =	simm.s32 @!p0 $0x1082;
	s9 =	sld [smem:$0x3F90]  }
0x2f: {  	lr =	sadd.s32 s0, s3;
	s0 =	sld [smem:$0x3F87]  }
0x30: {  	s3 =	sld [smem:$0x3F8A]  }
0x31: {  	[smem:$0x3F93] =	sst s10  }
0x32: {  	s10 =	sld [smem:$0x3F91];
	_ =	sdelay $0x3  }
0x33: {  	p0 =	seq.s32 s10, $0x1;
	s10 =	sld [smem:$0x3F93];
	_ =	sdelay $0x3  }
0x34: {  	[smem:$0x3F93] =	sst s10  }
0x35: {  	s10 =	sld [smem:$0x3F92];
	_ =	sdelay $0x3  }
0x36: {  	p1 =	seq.s32 s10, $0x1;
	s10 =	sld [smem:$0x3F93];
	_ =	sdelay $0x3  }
0x37: {  	[smem:$0x3F93] =	sst s10  }
0x38: {  	s10 =	sld [smem:$0x3F94]  }
0x39: {  	_ = 	snop;
	(pc) =	sbr.ind lr, $3  }
0x3a: {  	_ = 	snop  }
0x3b: {  	_ = 	snop  }
0x3c: {  	p2 =	seq.s32 s10, $0x1;
	s10 =	sld [smem:$0x3F93]  }
0x3d: {  	_ =	shalt  }
0x3e: {  	_ =	shalt  }
0x3f: {  	_ =	shalt  }
0x40: {  	_ =	shalt  }
0x41: {  	_ =	shalt  }
0x42: {  	_ =	shalt  }
0x43: {  	_ =	shalt  }
0x44: {  	_ =	shalt  }
0x45: {  	_ =	shalt  }
0x46: {  	_ =	shalt  }
0x47: {  	_ =	shalt  }
0x48: {  	_ =	shalt  }
0x49: {  	_ =	shalt  }
0x4a: {  	_ =	shalt  }
0x4b: {  	_ =	shalt  }
0x4c: {  	_ =	shalt  }
0x4d: {  	_ =	shalt  }
0x4e: {  	_ =	shalt  }
0x4f: {  	_ =	shalt  }
0x50: {  	_ =	shalt  }
0x51: {  	_ =	shalt  }
0x52: {  	_ =	shalt  }
0x53: {  	_ =	shalt  }
0x54: {  	_ =	shalt  }
0x55: {  	_ =	shalt  }
0x56: {  	_ =	shalt  }
0x57: {  	_ =	shalt  }
0x58: {  	_ =	shalt  }
0x59: {  	_ =	shalt  }
0x5a: {  	_ =	shalt  }
0x5b: {  	_ =	shalt  }
0x5c: {  	_ =	shalt  }
0x5d: {  	_ =	shalt  }
0x5e: {  	_ =	shalt  }
0x5f: {  	_ =	shalt  }
0x60: {  	_ =	shalt  }
0x61: {  	_ =	shalt  }
0x62: {  	_ =	shalt  }
0x63: {  	_ =	shalt  }
0x64: {  	_ =	shalt  }
0x65: {  	_ =	shalt  }
0x66: {  	_ =	shalt  }
0x67: {  	_ =	shalt  }
0x68: {  	_ =	shalt  }
0x69: {  	_ =	shalt  }
0x6a: {  	_ =	shalt  }
0x6b: {  	_ =	shalt  }
0x6c: {  	_ =	shalt  }
0x6d: {  	_ =	shalt  }
0x6e: {  	_ =	shalt  }
0x6f: {  	_ =	shalt  }
0x70: {  	_ =	shalt  }
0x71: {  	_ =	shalt  }
0x72: {  	_ =	shalt  }
0x73: {  	_ =	shalt  }
0x74: {  	_ =	shalt  }
0x75: {  	_ =	shalt  }
0x76: {  	_ =	shalt  }
0x77: {  	_ =	shalt  }
0x78: {  	_ =	shalt  }
0x79: {  	_ =	shalt  }
0x7a: {  	_ =	shalt  }
0x7b: {  	_ =	shalt  }
0x7c: {  	_ =	shalt  }
0x7d: {  	_ =	shalt  }
0x7e: {  	_ =	shalt  }
0x7f: {  	_ =	shalt  }
0x80: {  	_ =	shalt  }
0x81: {  	_ =	shalt  }
0x82: {  	_ =	shalt  }
0x83: {  	_ =	shalt  }
0x84: {  	_ =	shalt  }
0x85: {  	_ =	shalt  }
0x86: {  	_ =	shalt  }
0x87: {  	_ =	shalt  }
.Lfunc_end0:
.L_simem_size_0:
called_computation.1_lowered:
.L_overlay_start_0:
0x88: {  	s2 =	sld [smem:$0x3FD9]  }
0x89: {  	s3 =	sld [smem:$0x3FFE];
	_ =	sdelay $0x1  }
0x8a: {  	s1 =	srdreg.scid  }
0x8b: {  	s0 =	sand.u32 $0x1, s1  }
0x8c: {  	s16 =	sshll.u32 s0, $0xA;
	s2 =	sadd.s32 s3, s2  }
0x8d: {  	s2 =	sadd.s32 s2, s16  }
0x8e: {  	[smem:$0x3F9F] =	sst s2  }
0x8f: {  	_ = 	snop  }
0x90: {  	(tm) =	ssettm $0x1  }
0x91: {  	s17 =	sld [smem:$0x3FFB];
	_ =	sdelay $0x3  }
0x92: {  	_ =	strace s17  }
0x93: {  	s2 =	sld [smem:$0x3FFC];
	_ =	sdelay $0x3  }
0x94: {  	_ =	strace s2  }
0x95: {  	s2 =	sld [smem:$0x3FFD];
	_ =	sdelay $0x3  }
0x96: {  	_ =	strace s2  }
0x97: {  	_ =	strace $0x8FFFFFFF  }
0x98: {  	s18 =	sld [smem:$0x3FDB];
	_ =	sdelay $0x1  }
0x99: {  	s19 =	simm.s32 $_scs_section_size  }
0x9a: {  	s4 =	simm.s32 $_size__tile_overlayer_lowered;
	s5 =	simm.s32 $_tile_overlayer_lowered  }
0x9b: {  	s22 =	simm.s32 $0x1BFF;
	s21 =	sshll.u32 s5, $0x1;
	s2 =	sadd.s32 s19, s18  }
0x9c: {  	s6 =	simm.s32 $0x0;
	s20 =	sshll.u32 s4, $0x1;
	s4 =	sadd.s32 s21, s2  }
0x9d: {  	[timem:s6], [sflag:s22] =	dma.local [hbm:s4], s20  }
0x9e: {  	_ =	swait.ge [sflag:s22], s20  }
0x9f: {  	s3 =	ssub.s32 $0x0, s20;
	[sflag:s22] =	ssyncset.done $0x0  }
0xa0: {  	[sflag:s22] =	ssyncadd.s32 s3;
	_ =	sdelay $0x1  }
0xa1: {  	s23 =	simm.s32 $0x1B8B  }
0xa2: {  	_ =	swait.ge [sflag:s23], $0x1  }
0xa3: {  	[sflag:s23] =	ssyncset.done $0x0  }
0xa4: {  	s25 =	simm.s32 $0x1B8E;
	s24 =	sld [smem:$0x3FFE];
	[sflag:s23] =	ssyncadd.s32 $0xFFFFFFFF  }
0xa5: {  	s26 =	simm.s32 $execute0_lowered;
	[smem:$0x3FD2] =	sst s25  }
0xa6: {  	s4 =	sshll.u32 s26, $0x1;
	_ =	strace $0x80000049;
	[dreg:$0x1] =	wrdreg $0xFFFFFFFF  }
0xa7: {  	s28 =	simm.s32 $_size_execute0_lowered;
	s2 =	sadd.s32 s2, s4;
	[dreg:$0x0] =	wrdreg $0x0  }
0xa8: {  	s4 =	sshll.u32 s28, $0x1;
	[dreg:$0x2] =	wrdreg s2  }
0xa9: {  	[dreg:$0x3] =	wrdreg s4  }
0xaa: {  	[dreg:$0x4] =	wrdreg $0xC0  }
0xab: {  	_ =	task [dreg:s6], $0x5FFFF  }
0xac: {  	[dreg:$0x1] =	wrdreg $0xFFFFFFFF  }
0xad: {  	[dreg:$0x0] =	wrdreg $0x60  }
0xae: {  	[dreg:$0x2] =	wrdreg s24  }
0xaf: {  	[dreg:$0x3] =	wrdreg $0x9  }
0xb0: {  	_ =	task.clear_ibuf [dreg:s6], $0x4FFFF;
	_ =	strace $0x90000049  }
0xb1: {  	s29 =	simm.s32 $0x9;
	_ =	strace $0x8000004B  }
0xb2: {  	_ =	swait.ge [sflag:s29], $0x1  }
0xb3: {  	[sflag:s29] =	ssyncadd.s32 $0xFFFFFFFF  }
0xb4: {  	_ =	strace $0x9000004B  }
0xb5: {  	_ =	sfence  }
0xb6: {  	s30 =	sld [smem:$0x0];
	_ =	sdelay $0x2  }
0xb7: {  	s31 =	sshll.u32 s1, $0xD;
	s1 =	sshrl.u32 s1, $0x2  }
0xb8: {  	s3 =	sand.u32 $0x4000, s31;
	s1 =	sadd.s32 s1, s30  }
0xb9: {  	s0 =	sor.u32 s3, s0;
	s1 =	sshll.u32 s1, $0x11  }
0xba: {  	s0 =	sor.u32 s1, s0  }
0xbb: {  	s0 =	sadd.s32 $0x8F2B, s0  }
0xbc: {  	[sflag:s0] =	ssyncadd.remote.s32 $0x1  }
0xbd: {  	_ =	sfence.sel $0xFFFF  }
0xbe: {  	[dreg:$0x0] =	wrdreg $0xFFFFFFFF;
	(pc) =	sbr.abs _section_cstart, $3  }
0xbf: {  	[dreg:$0x1] =	wrdreg $0xFFFFFFFF  }
0xc0: {  	_ =	task.clear_ibuf [dreg:s6], $0x2FFFF;
	_ =	strace $0x9FFFFFFF  }
0xc1: {  	(tm) =	ssettm $0x7FFFFFFF  }
tec
execute0_lowered:
.L_overlay_start_1:
0x0: {  	(tag) =	ssettag $0x1  }
0x1: {  	s10 =	stileid.u32  }
0x2: {  	s0 =	rddreg [dreg:$0x0];
	s7 =	srdreg.scid;
	s1 =	sand.u32 $0x7, s10  }
0x3: {  	s4 =	sshll.u32 s10, $0x8;
	s7 =	sand.u32 $0x1, s7;
	s8 =	sadd.s32 $0xF0C00, s0  }
0x4: {  	s10 =	sshrl.u32 s10, $0x3;
	s29 =	sadd.s32 $0xCE10, s0;
	s30 =	sadd.s32 $0xCE20, s0  }
0x5: {  	s31 =	sadd.s32 $0xCE30, s0;
	s14 =	sadd.s32 $0xCEB0, s0;
	s2 =	sshrl.u32 s1, $0x2  }
0x6: {  	s15 =	sadd.s32 $0xCEC0, s0;
	s3 =	smul.u32 $0x13C00, s2;
	s2 =	simm.s32 $0x0  }
0x7: {  	s16 =	sadd.s32 $0xCED0, s0;
	s12 =	sshll.u32 s7, $0x3;
	[smem:$0x7FF] =	sst s2  }
0x8: {  	s13 =	sshll.u32 s10, $0x2;
	_ =	strace $0x8000004A;
	[dreg:$0xd] =	wrdreg s29  }
0x9: {  	s1 =	sshll.u32 s1, $0x5;
	s12 =	sor.u32 s12, s13;
	[dreg:$0xe] =	wrdreg s30  }
0xa: {  	s1 =	sor.u32 s1, s12;
	s12 =	sadd.s32 $0xCE90, s0;
	[dreg:$0xf] =	wrdreg s31  }
0xb: {  	s17 =	sadd.s32 $0xCEE0, s0;
	s13 =	sadd.s32 $0xCEA0, s0;
	[dreg:$0x15] =	wrdreg s12  }
0xc: {  	s4 =	sand.u32 $0x300, s4;
	s9 =	ssub.s32 $0x2, s7;
	[dreg:$0x16] =	wrdreg s13  }
0xd: {  	s7 =	smul.u32 $0x13C000, s7;
	s11 =	sshrl.u32 s9, $0x1;
	[dreg:$0x17] =	wrdreg s14  }
0xe: {  	s10 =	sshll.u32 s10, $0x9;
	s9 =	ssub.s32 s9, s11;
	[dreg:$0x18] =	wrdreg s15  }
0xf: {  	s7 =	sor.u32 s7, s10;
	s3 =	sor.u32 s4, s3;
	[dreg:$0x19] =	wrdreg s16  }
0x10: {  	s18 =	smul.u32 $0x2780, s1;
	s26 =	smax.u32 s9, $0x1;
	[dreg:$0x1a] =	wrdreg s17  }
0x11: {  	s10 =	sshrl.u32 s7, $0x3;
	s9 =	sadd.s32 $0xCE60, s0;
	[dreg:$0xc] =	wrdreg s26  }
0x12: {  	s19 =	smul.u32 $0x4F0, s1;
	s29 =	sadd.s32 $0x7E90, s0;
	[dreg:$0x12] =	wrdreg s9  }
0x13: {  	s1 =	sor.u32 $0x10, s1;
	s30 =	sadd.s32 $0x7EA0, s0;
	[smem:$0x7FB] =	sst s29  }
0x14: {  	s31 =	sadd.s32 $0x7EB0, s0;
	s3 =	sshrl.u32 s3, $0x3;
	[smem:$0x7FC] =	sst s30  }
0x15: {  	s20 =	smul.u32 $0x2780, s1;
	s26 =	sadd.s32 $0x7E80, s0;
	[smem:$0x7FD] =	sst s31  }
0x16: {  	s1 =	smul.u32 $0x4F0, s1;
	s11 =	sadd.s32 s8, s19;
	[smem:$0x7FA] =	sst s26  }
0x17: {  	s6 =	sadd.s32 s3, s0;
	s19 =	sadd.s32 $0x7E10, s0;
	[dreg:$0x4] =	wrdreg s11  }
0x18: {  	s3 =	sadd.s32 $0x39E00, s0;
	s6 =	sadd.s32 $0x11E00, s6;
	[dreg:$0x1c] =	wrdreg s19  }
0x19: {  	s10 =	sadd.s32 s3, s10;
	[dreg:$0x2] =	wrdreg s6  }
0x1a: {  	s1 =	sadd.s32 s8, s1;
	[dreg:$0x3] =	wrdreg s10  }
0x1b: {  	s11 =	sadd.s32 $0xCE80, s0;
	s6 =	sshrl.u32 s18, $0x3;
	[dreg:$0x8] =	wrdreg s1  }
0x1c: {  	s10 =	sshrl.u32 s20, $0x3;
	[dreg:$0x14] =	wrdreg s11;
	s18 =	sadd.s32 $0xCEF0, s0  }
0x1d: {  	s20 =	sadd.s32 $0x7E20, s0;
	s6 =	sadd.s32 s8, s6;
	[dreg:$0x1b] =	wrdreg s18  }
0x1e: {  	s23 =	sadd.s32 s8, s10;
	s8 =	sadd.s32 $0xCE50, s0;
	[dreg:$0x1d] =	wrdreg s20  }
0x1f: {  	s10 =	sadd.s32 $0xCE70, s0;
	[dreg:$0x11] =	wrdreg s8  }
0x20: {  	s21 =	sadd.s32 $0x4F0, s6;
	[dreg:$0x13] =	wrdreg s10  }
0x21: {  	s22 =	sadd.s32 $0x9E0, s6;
	[dreg:$0x5] =	wrdreg s21  }
0x22: {  	s6 =	sadd.s32 $0xED0, s6;
	[dreg:$0x6] =	wrdreg s22  }
0x23: {  	s24 =	sadd.s32 $0x4F0, s23;
	[dreg:$0x7] =	wrdreg s6  }
0x24: {  	s25 =	sadd.s32 $0x9E0, s23;
	[dreg:$0x9] =	wrdreg s24  }
0x25: {  	s28 =	simm.s32 $0x0;
	s1 =	sadd.s32 $0xED0, s23;
	[dreg:$0xa] =	wrdreg s25  }
0x26: {  	s5 =	sadd.s32 $0x7E00, s0;
	s23 =	sadd.s32 $0x7E50, s0;
	[dreg:$0xb] =	wrdreg s1  }
0x27: {  	s4 =	sadd.s32 $0xCE00, s0;
	s6 =	sadd.s32 $0xCE40, s0;
	[smem:$0x7F7] =	sst s23  }
0x28: {  	s26 =	simm.s32 $0x8;
	s21 =	sadd.s32 $0x7E30, s0;
	[dreg:$0x10] =	wrdreg s6  }
0x29: {  	s19 =	sadd.s32 $0x7ED0, s0;
	s22 =	sadd.s32 $0x7E40, s0;
	[dreg:$0x1e] =	wrdreg s21  }
0x2a: {  	s18 =	sadd.s32 $0x7EC0, s0;
	s24 =	sadd.s32 $0x7E60, s0;
	[dreg:$0x1f] =	wrdreg s22  }
0x2b: {  	s20 =	sadd.s32 $0x7EE0, s0;
	s25 =	sadd.s32 $0x7E70, s0;
	[smem:$0x7F8] =	sst s24  }
0x2c: {  	s23 =	simm.s32 $0x7;
	[smem:$0x7F9] =	sst s25;
	s21 =	sadd.s32 $0x7EF0, s0  }
0x2d: {  	v0 =	vimm.f32 $0.0e+00;
	s22 =	simm.s32 $0x400;
	s24 =	simm.s32 $0x200;
	s25 =	simm.s32 $0x4F00  }
.LBB2_1:
0x2e: {  	s0 =	rddreg [dreg:$0x2];
	s1 =	simm.s32 $0x100  }
0x2f: {  	[tilespmem:s2], [sflag:$0x7] =	stream.strided.gather [hbm4b:s0+s1], $0x4F00, s22, s1, $0x38;
	[tilespmem:$0x1EB00] =	vst v63  }
0x30: {  	_ =	swait.ge [sflag:s23], $0x4F00  }
0x31: {  	[sflag:s23] =	ssyncset.done $0x0  }
0x32: {  	s0 =	simm.s32 $0x4F40;
	[sflag:s23] =	ssyncadd.s32 $0xFFFFB100  }
0x33: {  	[tilespmem:s0+$0xFFFFFFC0] =	vst v0  }
0x34: {  	[tilespmem:s0+$0x30] =	vst v0  }
0x35: {  	[tilespmem:s0+$0x20] =	vst v0  }
0x36: {  	[tilespmem:s0+$0x10] =	vst v0  }
0x37: {  	[tilespmem:s0+$0x0] =	vst v0  }
0x38: {  	[tilespmem:s0+$0xFFFFFFF0] =	vst v0  }
0x39: {  	s1 =	simm.s32 $0x0;
	[tilespmem:s0+$0xFFFFFFE0] =	vst v0  }
.LBB2_2:
0x3a: {  	s1 =	sadd.s32 $0x8, s1;
	[tilespmem:s0+$0xFFFFFFD0] =	vst v0;
	s0 =	sadd.s32 $0x80, s0  }
0x3b: {  	[tilespmem:s0+$0xFFFFFFC0] =	vst v0;
	p0 =	slt.u32 s1, $0x13B8  }
0x3c: {  	[tilespmem:s0+$0x30] =	vst v0  }
.Ltmp0:
0x3d: {  	[tilespmem:s0+$0x20] =	vst v0;
	(pc) =	sbr.rel @p0 .LBB2_2-.Ltmp0, $4  }
0x3e: {  	[tilespmem:s0+$0x10] =	vst v0  }
0x3f: {  	[tilespmem:s0+$0x0] =	vst v0  }
0x40: {  	[tilespmem:s0+$0xFFFFFFF0] =	vst v0  }
0x41: {  	[tilespmem:s0+$0xFFFFFFE0] =	vst v0  }
0x42: {  	[tilespmem:s0+$0xFFFFFFD0] =	vst v0;
	s0 =	simm.s32 $0x0;
	s1 =	simm.s32 $0x18B00  }
0x43: {  	[tilespmem:s1], [sflag:$0x1] =	stream.linear.gather [hbm4b:s4+s0], $0x80, $0x38;
	[tilespmem:$0x1EB00] =	vst v63  }
0x44: {  	s6 =	simm.s32 $0x18C00;
	s29 =	rddreg [dreg:$0xd]  }
0x45: {  	[tilespmem:s6], [sflag:$0x1] =	stream.linear.gather [hbm4b:s29+s0], $0x80, $0x38;
	[tilespmem:$0x1EB00] =	vst v63  }
0x46: {  	s31 =	simm.s32 $0x18D00;
	s30 =	rddreg [dreg:$0xe]  }
0x47: {  	[tilespmem:s31], [sflag:$0x1] =	stream.linear.gather [hbm4b:s30+s0], $0x80, $0x38;
	[tilespmem:$0x1EB00] =	vst v63  }
0x48: {  	s8 =	simm.s32 $0x18E00;
	s6 =	rddreg [dreg:$0xf]  }
0x49: {  	[tilespmem:s8], [sflag:$0x1] =	stream.linear.gather [hbm4b:s6+s0], $0x80, $0x38;
	[tilespmem:$0x1EB00] =	vst v63  }
0x4a: {  	s10 =	simm.s32 $0x18F00;
	s9 =	rddreg [dreg:$0x10]  }
0x4b: {  	[tilespmem:s10], [sflag:$0x1] =	stream.linear.gather [hbm4b:s9+s0], $0x80, $0x38;
	[tilespmem:$0x1EB00] =	vst v63  }
0x4c: {  	s12 =	simm.s32 $0x19000;
	s11 =	rddreg [dreg:$0x11]  }
0x4d: {  	[tilespmem:s12], [sflag:$0x1] =	stream.linear.gather [hbm4b:s11+s0], $0x80, $0x38;
	[tilespmem:$0x1EB00] =	vst v63  }
0x4e: {  	s14 =	simm.s32 $0x19100;
	s13 =	rddreg [dreg:$0x12]  }
0x4f: {  	[tilespmem:s14], [sflag:$0x1] =	stream.linear.gather [hbm4b:s13+s0], $0x80, $0x38;
	[tilespmem:$0x1EB00] =	vst v63  }
0x50: {  	s16 =	simm.s32 $0x19200;
	s15 =	rddreg [dreg:$0x13]  }
0x51: {  	[tilespmem:s16], [sflag:$0x1] =	stream.linear.gather [hbm4b:s15+s0], $0x80, $0x38;
	[tilespmem:$0x1EB00] =	vst v63  }
0x52: {  	s17 =	rddreg [dreg:$0x14];
	s29 =	simm.s32 $0x19300  }
0x53: {  	[tilespmem:s29], [sflag:$0x1] =	stream.linear.gather [hbm4b:s17+s0], $0x80, $0x38;
	[tilespmem:$0x1EB00] =	vst v63  }
0x54: {  	s30 =	rddreg [dreg:$0x15];
	s31 =	simm.s32 $0x19400  }
0x55: {  	[tilespmem:s31], [sflag:$0x1] =	stream.linear.gather [hbm4b:s30+s0], $0x80, $0x38;
	[tilespmem:$0x1EB00] =	vst v63  }
0x56: {  	s8 =	rddreg [dreg:$0x16];
	s9 =	simm.s32 $0x19500  }
0x57: {  	[tilespmem:s9], [sflag:$0x1] =	stream.linear.gather [hbm4b:s8+s0], $0x80, $0x38;
	[tilespmem:$0x1EB00] =	vst v63  }
0x58: {  	s10 =	rddreg [dreg:$0x17];
	s11 =	simm.s32 $0x19600  }
0x59: {  	[tilespmem:s11], [sflag:$0x1] =	stream.linear.gather [hbm4b:s10+s0], $0x80, $0x38;
	[tilespmem:$0x1EB00] =	vst v63  }
0x5a: {  	s12 =	rddreg [dreg:$0x18];
	s13 =	simm.s32 $0x19700  }
0x5b: {  	[tilespmem:s13], [sflag:$0x1] =	stream.linear.gather [hbm4b:s12+s0], $0x80, $0x38;
	[tilespmem:$0x1EB00] =	vst v63  }
0x5c: {  	s14 =	rddreg [dreg:$0x19];
	s15 =	simm.s32 $0x19800  }
0x5d: {  	[tilespmem:s15], [sflag:$0x1] =	stream.linear.gather [hbm4b:s14+s0], $0x80, $0x38;
	[tilespmem:$0x1EB00] =	vst v63  }
0x5e: {  	s16 =	rddreg [dreg:$0x1a];
	s17 =	simm.s32 $0x19900  }
0x5f: {  	[tilespmem:s17], [sflag:$0x1] =	stream.linear.gather [hbm4b:s16+s0], $0x80, $0x38;
	[tilespmem:$0x1EB00] =	vst v63  }
0x60: {  	s29 =	rddreg [dreg:$0x1b];
	s30 =	simm.s32 $0x19A00  }
0x61: {  	[tilespmem:s30], [sflag:$0x1] =	stream.linear.gather [hbm4b:s29+s0], $0x80, $0x38;
	[tilespmem:$0x1EB00] =	vst v63  }
0x62: {  	s6 =	rddreg [dreg:$0x1c];
	s31 =	simm.s32 $0x19B00  }
0x63: {  	[tilespmem:s31], [sflag:$0x3] =	stream.linear.gather [hbm4b:s5+s0], $0x80, $0x38;
	[tilespmem:$0x1EB00] =	vst v63  }
0x64: {  	s8 =	simm.s32 $0x19C00;
	s9 =	rddreg [dreg:$0x1d]  }
0x65: {  	[tilespmem:s8], [sflag:$0x3] =	stream.linear.gather [hbm4b:s6+s0], $0x80, $0x38;
	[tilespmem:$0x1EB00] =	vst v63  }
0x66: {  	s10 =	simm.s32 $0x19D00;
	s11 =	rddreg [dreg:$0x1e]  }
0x67: {  	[tilespmem:s10], [sflag:$0x3] =	stream.linear.gather [hbm4b:s9+s0], $0x80, $0x38;
	[tilespmem:$0x1EB00] =	vst v63  }
0x68: {  	s12 =	simm.s32 $0x19E00;
	s13 =	rddreg [dreg:$0x1f]  }
0x69: {  	[tilespmem:s12], [sflag:$0x3] =	stream.linear.gather [hbm4b:s11+s0], $0x80, $0x38;
	[tilespmem:$0x1EB00] =	vst v63  }
0x6a: {  	s14 =	simm.s32 $0x19F00;
	s15 =	sld [smem:$0x7F7]  }
0x6b: {  	[tilespmem:s14], [sflag:$0x3] =	stream.linear.gather [hbm4b:s13+s0], $0x80, $0x38;
	[tilespmem:$0x1EB00] =	vst v63  }
0x6c: {  	s16 =	simm.s32 $0x1A000;
	s17 =	sld [smem:$0x7F8]  }
0x6d: {  	[tilespmem:s16], [sflag:$0x3] =	stream.linear.gather [hbm4b:s15+s0], $0x80, $0x38;
	[tilespmem:$0x1EB00] =	vst v63  }
0x6e: {  	s29 =	simm.s32 $0x1A100;
	s30 =	sld [smem:$0x7F9]  }
0x6f: {  	[tilespmem:s29], [sflag:$0x3] =	stream.linear.gather [hbm4b:s17+s0], $0x80, $0x38;
	[tilespmem:$0x1EB00] =	vst v63  }
0x70: {  	s31 =	simm.s32 $0x1A200;
	s6 =	sld [smem:$0x7FA]  }
0x71: {  	[tilespmem:s31], [sflag:$0x3] =	stream.linear.gather [hbm4b:s30+s0], $0x80, $0x38;
	[tilespmem:$0x1EB00] =	vst v63  }
0x72: {  	s8 =	simm.s32 $0x1A300;
	s9 =	sld [smem:$0x7FB]  }
0x73: {  	[tilespmem:s8], [sflag:$0x3] =	stream.linear.gather [hbm4b:s6+s0], $0x80, $0x38;
	[tilespmem:$0x1EB00] =	vst v63  }
0x74: {  	s10 =	simm.s32 $0x1A400;
	s11 =	sld [smem:$0x7FC]  }
0x75: {  	[tilespmem:s10], [sflag:$0x3] =	stream.linear.gather [hbm4b:s9+s0], $0x80, $0x38;
	[tilespmem:$0x1EB00] =	vst v63  }
0x76: {  	s12 =	simm.s32 $0x1A500;
	s13 =	sld [smem:$0x7FD]  }
0x77: {  	[tilespmem:s12], [sflag:$0x3] =	stream.linear.gather [hbm4b:s11+s0], $0x80, $0x38;
	[tilespmem:$0x1EB00] =	vst v63  }
0x78: {  	s14 =	simm.s32 $0x1A600  }
0x79: {  	[tilespmem:s14], [sflag:$0x3] =	stream.linear.gather [hbm4b:s13+s0], $0x80, $0x38;
	[tilespmem:$0x1EB00] =	vst v63  }
0x7a: {  	s15 =	simm.s32 $0x1A700  }
0x7b: {  	[tilespmem:s15], [sflag:$0x3] =	stream.linear.gather [hbm4b:s18+s0], $0x80, $0x38;
	[tilespmem:$0x1EB00] =	vst v63  }
0x7c: {  	s16 =	simm.s32 $0x1A800  }
0x7d: {  	[tilespmem:s16], [sflag:$0x3] =	stream.linear.gather [hbm4b:s19+s0], $0x80, $0x38;
	[tilespmem:$0x1EB00] =	vst v63  }
0x7e: {  	s17 =	simm.s32 $0x1A900  }
0x7f: {  	[tilespmem:s17], [sflag:$0x3] =	stream.linear.gather [hbm4b:s20+s0], $0x80, $0x38;
	[tilespmem:$0x1EB00] =	vst v63  }
0x80: {  	s29 =	simm.s32 $0x1AA00  }
0x81: {  	[tilespmem:s29], [sflag:$0x3] =	stream.linear.gather [hbm4b:s21+s0], $0x80, $0x38;
	[tilespmem:$0x1EB00] =	vst v63  }
0x82: {  	s30 =	rddreg [dreg:$0x3];
	s31 =	simm.s32 $0x1AB00  }
0x83: {  	[tilespmem:s31], [sflag:$0x5] =	stream.strided.gather [hbm4b:s30+s24], $0x2000, s22, s24, $0x38;
	[tilespmem:$0x1EB00] =	vst v63  }
.LBB2_5:
0x84: {  	s1 =	sand.u32 $0x1, s0  }
0x85: {  	s6 =	sadd.s32 $0x1, s1  }
0x86: {  	_ =	swait.ge [sflag:s6], $0x800  }
0x87: {  	[sflag:s6] =	ssyncset.done $0x0  }
0x88: {  	s30 =	sadd.s32 $0x3, s1;
	[sflag:s6] =	ssyncadd.s32 $0xFFFFF800  }
0x89: {  	p0 =	seq.s32 s0, $0x4E;
	_ =	swait.ge [sflag:s30], $0x800  }
.Ltmp1:
0x8a: {  	[sflag:s30] =	ssyncset.done $0x0;
	(pc) =	sbr.rel @p0 .LBB2_7-.Ltmp1, $4  }
0x8b: {  	s31 =	sadd.s32 $0x5, s1;
	[sflag:s30] =	ssyncadd.s32 $0xFFFFF800  }
0x8c: {  	_ =	swait.ge [sflag:s31], $0x2000  }
0x8d: {  	[sflag:s31] =	ssyncset.done $0x0  }
0x8e: {  	s29 =	sadd.s32 $0x1, s0;
	[sflag:s31] =	ssyncadd.s32 $0xFFFFE000  }
0x8f: {  	s30 =	sxor.u32 $0x1, s1  }
0x90: {  	s6 =	sshll.u32 s29, $0x8;
	s31 =	sshll.u32 s30, $0x7  }
0x91: {  	s8 =	sadd.s32 $0x1, s30;
	s10 =	sadd.s32 s4, s6;
	s9 =	sor.u32 $0x18B00, s31  }
0x92: {  	[tilespmem:s9], [sflag:s8] =	stream.linear.gather [hbm4b:s10+s2], $0x80, $0x38;
	[tilespmem:$0x1EB00] =	vst v63  }
0x93: {  	s13 =	sadd.s32 $0x10, s10;
	s11 =	sor.u32 $0x18C00, s31  }
0x94: {  	[tilespmem:s11], [sflag:s8] =	stream.linear.gather [hbm4b:s13+s2], $0x80, $0x38;
	[tilespmem:$0x1EB00] =	vst v63  }
0x95: {  	s14 =	sadd.s32 $0x20, s10;
	s15 =	sor.u32 $0x18D00, s31  }
0x96: {  	[tilespmem:s15], [sflag:s8] =	stream.linear.gather [hbm4b:s14+s2], $0x80, $0x38;
	[tilespmem:$0x1EB00] =	vst v63  }
0x97: {  	s16 =	sadd.s32 $0x30, s10;
	s17 =	sor.u32 $0x18E00, s31  }
0x98: {  	[tilespmem:s17], [sflag:s8] =	stream.linear.gather [hbm4b:s16+s2], $0x80, $0x38;
	[tilespmem:$0x1EB00] =	vst v63  }
0x99: {  	s12 =	sadd.s32 $0x40, s10;
	s13 =	sor.u32 $0x18F00, s31  }
0x9a: {  	[tilespmem:s13], [sflag:s8] =	stream.linear.gather [hbm4b:s12+s2], $0x80, $0x38;
	[tilespmem:$0x1EB00] =	vst v63  }
0x9b: {  	s14 =	sadd.s32 $0x50, s10;
	s15 =	sor.u32 $0x19000, s31  }
0x9c: {  	[tilespmem:s15], [sflag:s8] =	stream.linear.gather [hbm4b:s14+s2], $0x80, $0x38;
	[tilespmem:$0x1EB00] =	vst v63  }
0x9d: {  	s16 =	sadd.s32 $0x60, s10;
	s17 =	sor.u32 $0x19100, s31  }
0x9e: {  	[tilespmem:s17], [sflag:s8] =	stream.linear.gather [hbm4b:s16+s2], $0x80, $0x38;
	[tilespmem:$0x1EB00] =	vst v63  }
0x9f: {  	s12 =	sadd.s32 $0x70, s10;
	s13 =	sor.u32 $0x19200, s31  }
0xa0: {  	[tilespmem:s13], [sflag:s8] =	stream.linear.gather [hbm4b:s12+s2], $0x80, $0x38;
	[tilespmem:$0x1EB00] =	vst v63  }
0xa1: {  	s14 =	sadd.s32 $0x80, s10;
	s15 =	sor.u32 $0x19300, s31  }
0xa2: {  	[tilespmem:s15], [sflag:s8] =	stream.linear.gather [hbm4b:s14+s2], $0x80, $0x38;
	[tilespmem:$0x1EB00] =	vst v63  }
0xa3: {  	s16 =	sadd.s32 $0x90, s10;
	s17 =	sor.u32 $0x19400, s31  }
0xa4: {  	[tilespmem:s17], [sflag:s8] =	stream.linear.gather [hbm4b:s16+s2], $0x80, $0x38;
	[tilespmem:$0x1EB00] =	vst v63  }
0xa5: {  	s12 =	sadd.s32 $0xA0, s10;
	s13 =	sor.u32 $0x19500, s31  }
0xa6: {  	[tilespmem:s13], [sflag:s8] =	stream.linear.gather [hbm4b:s12+s2], $0x80, $0x38;
	[tilespmem:$0x1EB00] =	vst v63  }
0xa7: {  	s14 =	sadd.s32 $0xB0, s10;
	s15 =	sor.u32 $0x19600, s31  }
0xa8: {  	[tilespmem:s15], [sflag:s8] =	stream.linear.gather [hbm4b:s14+s2], $0x80, $0x38;
	[tilespmem:$0x1EB00] =	vst v63  }
0xa9: {  	s16 =	sadd.s32 $0xC0, s10;
	s17 =	sor.u32 $0x19700, s31  }
0xaa: {  	[tilespmem:s17], [sflag:s8] =	stream.linear.gather [hbm4b:s16+s2], $0x80, $0x38;
	[tilespmem:$0x1EB00] =	vst v63  }
0xab: {  	s11 =	sadd.s32 $0xD0, s10;
	s12 =	sor.u32 $0x19800, s31  }
0xac: {  	[tilespmem:s12], [sflag:s8] =	stream.linear.gather [hbm4b:s11+s2], $0x80, $0x38;
	[tilespmem:$0x1EB00] =	vst v63  }
0xad: {  	s13 =	sadd.s32 $0xE0, s10;
	s14 =	sor.u32 $0x19900, s31  }
0xae: {  	[tilespmem:s14], [sflag:s8] =	stream.linear.gather [hbm4b:s13+s2], $0x80, $0x38;
	[tilespmem:$0x1EB00] =	vst v63  }
0xaf: {  	s15 =	sadd.s32 $0xF0, s10;
	s16 =	sor.u32 $0x19A00, s31  }
0xb0: {  	[tilespmem:s16], [sflag:s8] =	stream.linear.gather [hbm4b:s15+s2], $0x80, $0x38;
	[tilespmem:$0x1EB00] =	vst v63  }
0xb1: {  	s6 =	sadd.s32 s5, s6;
	s17 =	sor.u32 $0x19B00, s31;
	s8 =	sadd.s32 $0x3, s30  }
0xb2: {  	[tilespmem:s17], [sflag:s8] =	stream.linear.gather [hbm4b:s6+s2], $0x80, $0x38;
	[tilespmem:$0x1EB00] =	vst v63  }
0xb3: {  	s10 =	sadd.s32 $0x10, s6;
	s11 =	sor.u32 $0x19C00, s31  }
0xb4: {  	[tilespmem:s11], [sflag:s8] =	stream.linear.gather [hbm4b:s10+s2], $0x80, $0x38;
	[tilespmem:$0x1EB00] =	vst v63  }
0xb5: {  	s12 =	sadd.s32 $0x20, s6;
	s13 =	sor.u32 $0x19D00, s31  }
0xb6: {  	[tilespmem:s13], [sflag:s8] =	stream.linear.gather [hbm4b:s12+s2], $0x80, $0x38;
	[tilespmem:$0x1EB00] =	vst v63  }
0xb7: {  	s14 =	sadd.s32 $0x30, s6;
	s15 =	sor.u32 $0x19E00, s31  }
0xb8: {  	[tilespmem:s15], [sflag:s8] =	stream.linear.gather [hbm4b:s14+s2], $0x80, $0x38;
	[tilespmem:$0x1EB00] =	vst v63  }
0xb9: {  	s16 =	sadd.s32 $0x40, s6;
	s17 =	sor.u32 $0x19F00, s31  }
0xba: {  	[tilespmem:s17], [sflag:s8] =	stream.linear.gather [hbm4b:s16+s2], $0x80, $0x38;
	[tilespmem:$0x1EB00] =	vst v63  }
0xbb: {  	s10 =	sadd.s32 $0x50, s6;
	s11 =	sor.u32 $0x1A000, s31  }
0xbc: {  	[tilespmem:s11], [sflag:s8] =	stream.linear.gather [hbm4b:s10+s2], $0x80, $0x38;
	[tilespmem:$0x1EB00] =	vst v63  }
0xbd: {  	s12 =	sadd.s32 $0x60, s6;
	s13 =	sor.u32 $0x1A100, s31  }
0xbe: {  	[tilespmem:s13], [sflag:s8] =	stream.linear.gather [hbm4b:s12+s2], $0x80, $0x38;
	[tilespmem:$0x1EB00] =	vst v63  }
0xbf: {  	s14 =	sadd.s32 $0x70, s6;
	s15 =	sor.u32 $0x1A200, s31  }
0xc0: {  	[tilespmem:s15], [sflag:s8] =	stream.linear.gather [hbm4b:s14+s2], $0x80, $0x38;
	[tilespmem:$0x1EB00] =	vst v63  }
0xc1: {  	s16 =	sadd.s32 $0x80, s6;
	s17 =	sor.u32 $0x1A300, s31  }
0xc2: {  	[tilespmem:s17], [sflag:s8] =	stream.linear.gather [hbm4b:s16+s2], $0x80, $0x38;
	[tilespmem:$0x1EB00] =	vst v63  }
0xc3: {  	s10 =	sadd.s32 $0x90, s6;
	s11 =	sor.u32 $0x1A400, s31  }
0xc4: {  	[tilespmem:s11], [sflag:s8] =	stream.linear.gather [hbm4b:s10+s2], $0x80, $0x38;
	[tilespmem:$0x1EB00] =	vst v63  }
0xc5: {  	s12 =	sadd.s32 $0xA0, s6;
	s13 =	sor.u32 $0x1A500, s31  }
0xc6: {  	[tilespmem:s13], [sflag:s8] =	stream.linear.gather [hbm4b:s12+s2], $0x80, $0x38;
	[tilespmem:$0x1EB00] =	vst v63  }
0xc7: {  	s14 =	sadd.s32 $0xB0, s6;
	s15 =	sor.u32 $0x1A600, s31  }
0xc8: {  	[tilespmem:s15], [sflag:s8] =	stream.linear.gather [hbm4b:s14+s2], $0x80, $0x38;
	[tilespmem:$0x1EB00] =	vst v63  }
0xc9: {  	s16 =	sadd.s32 $0xC0, s6;
	s17 =	sor.u32 $0x1A700, s31  }
0xca: {  	[tilespmem:s17], [sflag:s8] =	stream.linear.gather [hbm4b:s16+s2], $0x80, $0x38;
	[tilespmem:$0x1EB00] =	vst v63  }
0xcb: {  	s11 =	sadd.s32 $0xD0, s6;
	s12 =	sor.u32 $0x1A800, s31  }
0xcc: {  	[tilespmem:s12], [sflag:s8] =	stream.linear.gather [hbm4b:s11+s2], $0x80, $0x38;
	[tilespmem:$0x1EB00] =	vst v63  }
0xcd: {  	s13 =	sadd.s32 $0xE0, s6;
	s14 =	sor.u32 $0x1A900, s31  }
0xce: {  	[tilespmem:s14], [sflag:s8] =	stream.linear.gather [hbm4b:s13+s2], $0x80, $0x38;
	[tilespmem:$0x1EB00] =	vst v63  }
0xcf: {  	s6 =	sadd.s32 $0xF0, s6;
	s15 =	sor.u32 $0x1AA00, s31;
	s16 =	sshll.u32 s29, $0xE  }
0xd0: {  	[tilespmem:s15], [sflag:s8] =	stream.linear.gather [hbm4b:s6+s2], $0x80, $0x38;
	[tilespmem:$0x1EB00] =	vst v63  }
0xd1: {  	s6 =	sadd.s32 s7, s16  }
0xd2: {  	s17 =	sshll.u32 s30, $0xD;
	s6 =	sshrl.u32 s6, $0x3  }
0xd3: {  	s31 =	sadd.s32 $0x5, s30;
	s8 =	sadd.s32 $0x1AB00, s17;
	s6 =	sadd.s32 s3, s6  }
0xd4: {  	[tilespmem:s8], [sflag:s31] =	stream.strided.gather [hbm4b:s6+s24], $0x2000, s22, s24, $0x38;
	[tilespmem:$0x1EB00] =	vst v63  }
.LBB2_7:
0xd5: {  	s0 =	sshll.u32 s0, $0x7;
	s6 =	simm.s32 $0x0  }
0xd6: {  	s31 =	simm.s32 $0x0;
	s30 =	sand.u32 $0x80, s0;
	s13 =	sand.u32 $0xFFFFFF00, s6  }
0xd7: {  	s14 =	sand.u32 $0x40, s31;
	s0 =	sor.u32 s30, s13  }
0xd8: {  	s9 =	sor.u32 $0x20, s14;
	s8 =	sor.u32 s14, s0  }
0xd9: {  	s10 =	sor.u32 $0x10, s14;
	s11 =	sor.u32 s9, s0;
	v3 =	vld [tilespmem:s8+$0x18B00]  }
0xda: {  	s12 =	sor.u32 s10, s0;
	v1 =	vld [tilespmem:s11+$0x19B00]  }
0xdb: {  	v2 =	vld [tilespmem:s12+$0x19B00]  }
0xdc: {  	s1 =	sshll.u32 s1, $0xD;
	s13 =	simm.s32 $0x0;
	v6 =	vld [tilespmem:s11+$0x18B00]  }
0xdd: {  	s1 =	sadd.s32 $0x1AB00, s1;
	s6 =	sor.u32 $0x30, s14;
	s13 =	sand.u32 $0x3FFFFE00, s13;
	v12 =	vld [tilespmem:s8+$0x19B00]  }
0xde: {  	s0 =	sor.u32 s6, s0;
	s15 =	sadd.s32 s13, s1;
	v9 =	vld [tilespmem:s12+$0x18B00]  }
0xdf: {  	v20 =	vld [tilespmem:s0+$0x18B00];
	s16 =	sadd.s32 s9, s15  }
0xe0: {  	v15 =	vld [tilespmem:s16+$0x180]  }
0xe1: {  	s17 =	sadd.s32 s14, s15;
	v14 =	vld [tilespmem:s16+$0x80]  }
0xe2: {  	v13 =	vld [tilespmem:s17+$0x100]  }
0xe3: {  	v18 =	vld [tilespmem:s16+$0x100]  }
0xe4: {  	v16 =	vld [tilespmem:s17+$0x180]  }
0xe5: {  	s11 =	sadd.s32 s6, s15;
	v17 =	vld [tilespmem:s17+$0x80]  }
0xe6: {  	v7 =	vld [tilespmem:s11+$0x100]  }
0xe7: {  	s10 =	sadd.s32 s10, s15;
	v19 =	vld [tilespmem:s17+$0x0];
	v4 =	vshll.u32 v3, $0x1  }
0xe8: {  	v5 =	vld [tilespmem:s10+$0x100];
	v3 =	vand.u32 $0x7F, v3;
	v25 =	vshll.u32 v20, $0x1;
	v4 =	vand.u32 $0xFFFFFF00, v4  }
0xe9: {  	v8 =	vld [tilespmem:s10+$0x80];
	v20 =	vand.u32 $0x7F, v20;
	v25 =	vand.u32 $0xFFFFFF00, v25;
	v11 =	vor.u32 v3, v4  }
0xea: {  	v27 =	vld [tilespmem:s16+$0x0];
	v10 =	vshll.u32 v6, $0x1;
	v20 =	vor.u32 v20, v25  }
0xeb: {  	v22 =	vand.u32 $0x7F, v6;
	v23 =	vshll.u32 v9, $0x1;
	v6 =	vld [tilespmem:s10+$0x180];
	v10 =	vand.u32 $0xFFFFFF00, v10  }
0xec: {  	v9 =	vand.u32 $0x7F, v9;
	v23 =	vand.u32 $0xFFFFFF00, v23;
	v22 =	vor.u32 v22, v10;
	v10 =	vld [tilespmem:s11+$0x0]  }
0xed: {  	v23 =	vor.u32 v9, v23;
	v9 =	vld [tilespmem:s0+$0x19B00]  }
0xee: {  	v21 =	vld.idx.msk [tilespmem:v11+s2+$0x0], $0xffff  }
0xef: {  	v32 =	vld.idx.msk [tilespmem:v20+s2+$0x0], $0xffff  }
0xf0: {  	v3 =	vld [tilespmem:s10+$0x0]  }
0xf1: {  	v4 =	vld [tilespmem:s11+$0x180]  }
0xf2: {  	v24 =	vadd.s32 $0x2780, v12;
	v46 =	vld.idx.msk [tilespmem:v22+s2+$0x0], $0xffff  }
0xf3: {  	v45 =	vadd.s32 $0x4F00, v12;
	v48 =	vld.idx.msk [tilespmem:v23+s2+$0x0], $0xffff;
	v26 =	vmul.f32 v21, v19  }
0xf4: {  	v29 =	vadd.s32 $0x7680, v12;
	v47 =	vor.u32 $0x80, v11;
	v11 =	vld [tilespmem:s11+$0x80];
	v53 =	vmul.f32 v32, v10  }
0xf5: {  	v28 =	vmul.f32 v21, v17;
	[tilespmem:v12+s25+$0x0] =	vst.idx.add.f32.msk $0xffff, v26  }
0xf6: {  	v30 =	vmul.f32 v21, v13;
	[tilespmem:v9+s25+$0x0] =	vst.idx.add.f32.msk $0xffff, v53  }
0xf7: {  	v31 =	vadd.s32 $0x2780, v1;
	v21 =	vmul.f32 v21, v16;
	[tilespmem:v24+s25+$0x0] =	vst.idx.add.f32.msk $0xffff, v28  }
0xf8: {  	v33 =	vadd.s32 $0x4F00, v1;
	[tilespmem:v45+s25+$0x0] =	vst.idx.add.f32.msk $0xffff, v30  }
0xf9: {  	v49 =	vadd.s32 $0x7680, v1;
	[tilespmem:v29+s25+$0x0] =	vst.idx.add.f32.msk $0xffff, v21;
	v21 =	vmul.f32 v46, v27  }
0xfa: {  	v22 =	vor.u32 $0x80, v22;
	v50 =	vmul.f32 v46, v14;
	v24 =	vld.idx.msk [tilespmem:v47+s2+$0x0], $0xffff  }
0xfb: {  	v51 =	vmul.f32 v46, v18;
	[tilespmem:v1+s25+$0x0] =	vst.idx.add.f32.msk $0xffff, v21;
	v21 =	vadd.s32 $0x2780, v9  }
0xfc: {  	v52 =	vadd.s32 $0x4F00, v9;
	v26 =	vmul.f32 v46, v15;
	[tilespmem:v31+s25+$0x0] =	vst.idx.add.f32.msk $0xffff, v50  }
0xfd: {  	v57 =	vadd.s32 $0x9E00, v12;
	[tilespmem:v33+s25+$0x0] =	vst.idx.add.f32.msk $0xffff, v51  }
0xfe: {  	v54 =	vmul.f32 v32, v11;
	[tilespmem:v49+s25+$0x0] =	vst.idx.add.f32.msk $0xffff, v26  }
0xff: {  	v58 =	vadd.s32 $0xC580, v12;
	v56 =	vmul.f32 v32, v7;
	v22 =	vld.idx.msk [tilespmem:v22+s2+$0x0], $0xffff  }
0x100: {  	v34 =	vadd.s32 $0x7680, v9;
	v19 =	vmul.f32 v24, v19;
	[tilespmem:v21+s25+$0x0] =	vst.idx.add.f32.msk $0xffff, v54  }
0x101: {  	v55 =	vadd.s32 $0x2780, v2;
	v21 =	vmul.f32 v48, v3;
	[tilespmem:v52+s25+$0x0] =	vst.idx.add.f32.msk $0xffff, v56  }
0x102: {  	v20 =	vor.u32 $0x80, v20;
	v17 =	vmul.f32 v24, v17;
	[tilespmem:v57+s25+$0x0] =	vst.idx.add.f32.msk $0xffff, v19  }
0x103: {  	v60 =	vmul.f32 v32, v4;
	[tilespmem:v2+s25+$0x0] =	vst.idx.add.f32.msk $0xffff, v21;
	v21 =	vadd.s32 $0xED00, v12  }
0x104: {  	v61 =	vadd.s32 $0x9E00, v1;
	v59 =	vmul.f32 v48, v8;
	[tilespmem:v58+s25+$0x0] =	vst.idx.add.f32.msk $0xffff, v17  }
0x105: {  	v62 =	vadd.s32 $0xC580, v1;
	[tilespmem:v34+s25+$0x0] =	vst.idx.add.f32.msk $0xffff, v60  }
0x106: {  	v12 =	vadd.s32 $0x11480, v12;
	v17 =	vmul.f32 v24, v13;
	[tilespmem:v55+s25+$0x0] =	vst.idx.add.f32.msk $0xffff, v59  }
0x107: {  	v19 =	vadd.s32 $0x4F00, v2;
	v13 =	vld.idx.msk [tilespmem:v20+s2+$0x0], $0xffff;
	v20 =	vmul.f32 v22, v27  }
0x108: {  	v63 =	vmul.f32 v22, v14;
	[tilespmem:v21+s25+$0x0] =	vst.idx.add.f32.msk $0xffff, v17;
	v21 =	vadd.s32 $0x7680, v2  }
0x109: {  	v24 =	vmul.f32 v24, v16;
	[tilespmem:v61+s25+$0x0] =	vst.idx.add.f32.msk $0xffff, v20;
	v20 =	vor.u32 $0x80, v23  }
0x10a: {  	v16 =	vmul.f32 v48, v5;
	v14 =	vmul.f32 v22, v18;
	v18 =	vadd.s32 $0xED00, v1;
	[tilespmem:v62+s25+$0x0] =	vst.idx.add.f32.msk $0xffff, v63  }
0x10b: {  	s0 =	simm.s32 $0x0;
	v17 =	vmul.f32 v48, v6;
	[tilespmem:v12+s25+$0x0] =	vst.idx.add.f32.msk $0xffff, v24;
	v12 =	vmul.f32 v22, v15;
	v15 =	vadd.s32 $0x9E00, v9  }
.LBB2_8:
0x10c: {  	s0 =	sadd.s32 $0x4, s0;
	[tilespmem:v19+s25+$0x0] =	vst.idx.add.f32.msk $0xffff, v16;
	s31 =	sadd.s32 $0x40, s31  }
0x10d: {  	v10 =	vmul.f32 v13, v10;
	v16 =	vadd.s32 $0xC580, v9;
	s6 =	sshll.u32 s0, $0x5;
	s8 =	sshll.u32 s0, $0x6;
	p0 =	slt.u32 s0, $0x7C;
	[tilespmem:v21+s25+$0x0] =	vst.idx.add.f32.msk $0xffff, v17  }
0x10e: {  	s6 =	sand.u32 $0xFFFFFF00, s6;
	s9 =	sand.u32 $0x3FFFFE00, s8;
	v17 =	vld.idx.msk [tilespmem:v20+s2+$0x0], $0xffff  }
0x10f: {  	s10 =	sand.u32 $0x40, s31;
	s6 =	sor.u32 s30, s6;
	[tilespmem:v18+s25+$0x0] =	vst.idx.add.f32.msk $0xffff, v14;
	v14 =	vadd.s32 $0xED00, v9  }
0x110: {  	s12 =	sor.u32 $0x10, s10;
	s11 =	sor.u32 s10, s6;
	[tilespmem:v15+s25+$0x0] =	vst.idx.add.f32.msk $0xffff, v10;
	v10 =	vmul.f32 v13, v11  }
0x111: {  	v7 =	vmul.f32 v13, v7;
	s14 =	sor.u32 $0x20, s10;
	s13 =	sor.u32 s12, s6;
	v15 =	vadd.s32 $0x9E00, v2;
	v11 =	vld [tilespmem:s11+$0x18B00]  }
0x112: {  	s16 =	sor.u32 $0x30, s10;
	v18 =	vadd.s32 $0xC580, v2;
	s15 =	sor.u32 s14, s6;
	[tilespmem:v16+s25+$0x0] =	vst.idx.add.f32.msk $0xffff, v10  }
0x113: {  	s8 =	sor.u32 s16, s6;
	v16 =	vadd.s32 $0xED00, v2;
	v10 =	vld [tilespmem:s15+$0x19B00]  }
0x114: {  	v4 =	vmul.f32 v13, v4;
	v3 =	vmul.f32 v17, v3;
	[tilespmem:v14+s25+$0x0] =	vst.idx.add.f32.msk $0xffff, v7  }
0x115: {  	s17 =	sadd.s32 s9, s1;
	v5 =	vmul.f32 v17, v5;
	v7 =	vmul.f32 v17, v8;
	v8 =	vadd.s32 $0x11480, v2;
	v2 =	vld [tilespmem:s13+$0x19B00]  }
0x116: {  	s9 =	sadd.s32 s14, s17;
	s6 =	sadd.s32 s16, s17;
	[tilespmem:v15+s25+$0x0] =	vst.idx.add.f32.msk $0xffff, v3;
	v3 =	vmul.f32 v17, v6;
	v6 =	vadd.s32 $0x11480, v1  }
0x117: {  	[tilespmem:v18+s25+$0x0] =	vst.idx.add.f32.msk $0xffff, v7;
	v7 =	vadd.s32 $0x11480, v9  }
0x118: {  	[tilespmem:v16+s25+$0x0] =	vst.idx.add.f32.msk $0xffff, v5;
	v1 =	vmov v10  }
0x119: {  	v9 =	vld [tilespmem:s15+$0x18B00]  }
0x11a: {  	s10 =	sadd.s32 s10, s17;
	v5 =	vshll.u32 v11, $0x1;
	[tilespmem:v8+s25+$0x0] =	vst.idx.add.f32.msk $0xffff, v3  }
0x11b: {  	v3 =	vand.u32 $0xFFFFFF00, v5;
	[tilespmem:v6+s25+$0x0] =	vst.idx.add.f32.msk $0xffff, v12  }
0x11c: {  	v13 =	vld [tilespmem:s11+$0x19B00];
	s11 =	sadd.s32 s12, s17  }
0x11d: {  	[tilespmem:v7+s25+$0x0] =	vst.idx.add.f32.msk $0xffff, v4  }
0x11e: {  	v4 =	vld [tilespmem:s13+$0x18B00]  }
0x11f: {  	v12 =	vld [tilespmem:s9+$0x180]  }
0x120: {  	v15 =	vld [tilespmem:s9+$0x80]  }
0x121: {  	v18 =	vld [tilespmem:s10+$0x100]  }
0x122: {  	v14 =	vld [tilespmem:s9+$0x100]  }
0x123: {  	v17 =	vadd.s32 $0x2780, v1;
	v5 =	vand.u32 $0x7F, v11;
	v19 =	vld [tilespmem:s10+$0x180];
	v6 =	vshll.u32 v4, $0x1  }
0x124: {  	v21 =	vadd.s32 $0x4F00, v1;
	v11 =	vor.u32 v5, v3;
	v4 =	vand.u32 $0x7F, v4;
	v20 =	vld [tilespmem:s10+$0x80]  }
0x125: {  	v22 =	vadd.s32 $0x7680, v1;
	v5 =	vand.u32 $0xFFFFFF00, v6;
	v3 =	vld [tilespmem:s11+$0x0]  }
0x126: {  	v23 =	vor.u32 v4, v5;
	v7 =	vld [tilespmem:s6+$0x100]  }
0x127: {  	v25 =	vadd.s32 $0x2780, v2;
	v24 =	vld [tilespmem:s10+$0x0]  }
0x128: {  	v16 =	vadd.s32 $0x2780, v13;
	v26 =	vld [tilespmem:s8+$0x18B00]  }
0x129: {  	v28 =	vadd.s32 $0x4F00, v13;
	v27 =	vld.idx.msk [tilespmem:v11+s2+$0x0], $0xffff  }
0x12a: {  	v29 =	vadd.s32 $0x7680, v13;
	v4 =	vld [tilespmem:s6+$0x180]  }
0x12b: {  	v6 =	vshll.u32 v9, $0x1;
	v5 =	vld [tilespmem:s11+$0x100]  }
0x12c: {  	v9 =	vand.u32 $0x7F, v9;
	v10 =	vand.u32 $0xFFFFFF00, v6;
	v8 =	vld [tilespmem:s11+$0x80]  }
0x12d: {  	v30 =	vor.u32 v9, v10;
	v6 =	vld [tilespmem:s11+$0x180]  }
0x12e: {  	v31 =	vshll.u32 v26, $0x1;
	v10 =	vld [tilespmem:s6+$0x0]  }
0x12f: {  	v26 =	vand.u32 $0x7F, v26;
	v32 =	vmul.f32 v27, v24;
	v33 =	vmul.f32 v27, v18;
	v9 =	vld [tilespmem:s8+$0x19B00]  }
0x130: {  	v34 =	vmul.f32 v27, v20;
	v31 =	vand.u32 $0xFFFFFF00, v31;
	v35 =	vld [tilespmem:s9+$0x0]  }
0x131: {  	v26 =	vor.u32 v26, v31;
	[tilespmem:v13+s25+$0x0] =	vst.idx.add.f32.msk $0xffff, v32  }
0x132: {  	v31 =	vld.idx.msk [tilespmem:v30+s2+$0x0], $0xffff  }
0x133: {  	[tilespmem:v16+s25+$0x0] =	vst.idx.add.f32.msk $0xffff, v34;
	v16 =	vmul.f32 v27, v19  }
0x134: {  	v27 =	vor.u32 $0x80, v11;
	v32 =	vld.idx.msk [tilespmem:v23+s2+$0x0], $0xffff  }
0x135: {  	v11 =	vld [tilespmem:s6+$0x80]  }
0x136: {  	v34 =	vld.idx.msk [tilespmem:v26+s2+$0x0], $0xffff  }
0x137: {  	[tilespmem:v28+s25+$0x0] =	vst.idx.add.f32.msk $0xffff, v33  }
0x138: {  	v28 =	vmul.f32 v31, v15;
	[tilespmem:v29+s25+$0x0] =	vst.idx.add.f32.msk $0xffff, v16;
	v16 =	vmul.f32 v31, v35  }
0x139: {  	v29 =	vmul.f32 v31, v14;
	v31 =	vmul.f32 v31, v12;
	v27 =	vld.idx.msk [tilespmem:v27+s2+$0x0], $0xffff  }
0x13a: {  	v37 =	vadd.s32 $0x2780, v9;
	v33 =	vmul.f32 v32, v3;
	v36 =	vmul.f32 v32, v8;
	[tilespmem:v1+s25+$0x0] =	vst.idx.add.f32.msk $0xffff, v16  }
0x13b: {  	v16 =	vmul.f32 v32, v5;
	[tilespmem:v17+s25+$0x0] =	vst.idx.add.f32.msk $0xffff, v28;
	v28 =	vor.u32 $0x80, v30;
	v30 =	vadd.s32 $0x4F00, v9  }
0x13c: {  	[tilespmem:v21+s25+$0x0] =	vst.idx.add.f32.msk $0xffff, v29;
	v21 =	vmul.f32 v34, v10;
	v29 =	vmul.f32 v34, v7  }
0x13d: {  	v17 =	vmul.f32 v32, v6;
	[tilespmem:v22+s25+$0x0] =	vst.idx.add.f32.msk $0xffff, v31;
	v22 =	vmul.f32 v34, v11  }
0x13e: {  	[tilespmem:v9+s25+$0x0] =	vst.idx.add.f32.msk $0xffff, v21;
	v21 =	vadd.s32 $0x7680, v9  }
0x13f: {  	v31 =	vadd.s32 $0x9E00, v13;
	v24 =	vmul.f32 v27, v24;
	v20 =	vmul.f32 v27, v20;
	[tilespmem:v37+s25+$0x0] =	vst.idx.add.f32.msk $0xffff, v22  }
0x140: {  	v18 =	vmul.f32 v27, v18;
	v27 =	vmul.f32 v27, v19;
	v22 =	vadd.s32 $0xC580, v13;
	v28 =	vld.idx.msk [tilespmem:v28+s2+$0x0], $0xffff  }
0x141: {  	v19 =	vmul.f32 v34, v4;
	[tilespmem:v30+s25+$0x0] =	vst.idx.add.f32.msk $0xffff, v29  }
0x142: {  	v26 =	vor.u32 $0x80, v26;
	[tilespmem:v2+s25+$0x0] =	vst.idx.add.f32.msk $0xffff, v33  }
0x143: {  	v29 =	vadd.s32 $0xED00, v13;
	[tilespmem:v25+s25+$0x0] =	vst.idx.add.f32.msk $0xffff, v36  }
0x144: {  	[tilespmem:v31+s25+$0x0] =	vst.idx.add.f32.msk $0xffff, v24;
	v24 =	vadd.s32 $0x11480, v13  }
0x145: {  	[tilespmem:v22+s25+$0x0] =	vst.idx.add.f32.msk $0xffff, v20;
	v22 =	vadd.s32 $0x9E00, v1  }
0x146: {  	v30 =	vadd.s32 $0xC580, v1;
	v25 =	vmul.f32 v28, v35;
	v15 =	vmul.f32 v28, v15;
	[tilespmem:v21+s25+$0x0] =	vst.idx.add.f32.msk $0xffff, v19  }
.Ltmp2:
0x147: {  	v14 =	vmul.f32 v28, v14;
	v12 =	vmul.f32 v28, v12;
	v19 =	vadd.s32 $0x4F00, v2;
	v13 =	vld.idx.msk [tilespmem:v26+s2+$0x0], $0xffff;
	(pc) =	sbr.rel @p0 .LBB2_8-.Ltmp2, $4  }
0x148: {  	v21 =	vadd.s32 $0x7680, v2;
	[tilespmem:v29+s25+$0x0] =	vst.idx.add.f32.msk $0xffff, v18  }
0x149: {  	v20 =	vor.u32 $0x80, v23;
	[tilespmem:v24+s25+$0x0] =	vst.idx.add.f32.msk $0xffff, v27  }
0x14a: {  	v18 =	vadd.s32 $0xED00, v1;
	[tilespmem:v22+s25+$0x0] =	vst.idx.add.f32.msk $0xffff, v25  }
0x14b: {  	[tilespmem:v30+s25+$0x0] =	vst.idx.add.f32.msk $0xffff, v15;
	v15 =	vadd.s32 $0x9E00, v9  }
0x14c: {  	_ =	sdelay $0x3  }
0x14d: {  	[tilespmem:v19+s25+$0x0] =	vst.idx.add.f32.msk $0xffff, v16  }
0x14e: {  	[tilespmem:v21+s25+$0x0] =	vst.idx.add.f32.msk $0xffff, v17  }
0x14f: {  	v58 =	vadd.s32 $0xC580, v9;
	v17 =	vld.idx.msk [tilespmem:v20+s2+$0x0], $0xffff  }
0x150: {  	v1 =	vadd.s32 $0x11480, v1  }
0x151: {  	v10 =	vmul.f32 v13, v10;
	v60 =	vadd.s32 $0x9E00, v2  }
0x152: {  	v59 =	vadd.s32 $0xED00, v9;
	[tilespmem:v18+s25+$0x0] =	vst.idx.add.f32.msk $0xffff, v14;
	v11 =	vmul.f32 v13, v11  }
0x153: {  	v61 =	vadd.s32 $0xC580, v2;
	[tilespmem:v15+s25+$0x0] =	vst.idx.add.f32.msk $0xffff, v10  }
0x154: {  	v62 =	vadd.s32 $0xED00, v2;
	[tilespmem:v58+s25+$0x0] =	vst.idx.add.f32.msk $0xffff, v11;
	v3 =	vmul.f32 v17, v3  }
0x155: {  	v7 =	vmul.f32 v13, v7;
	v2 =	vadd.s32 $0x11480, v2;
	[tilespmem:v1+s25+$0x0] =	vst.idx.add.f32.msk $0xffff, v12  }
0x156: {  	v63 =	vmul.f32 v17, v8;
	[tilespmem:v60+s25+$0x0] =	vst.idx.add.f32.msk $0xffff, v3;
	v3 =	vadd.s32 $0x11480, v9  }
0x157: {  	[tilespmem:v59+s25+$0x0] =	vst.idx.add.f32.msk $0xffff, v7;
	v5 =	vmul.f32 v17, v5  }
0x158: {  	v6 =	vmul.f32 v17, v6;
	[tilespmem:v61+s25+$0x0] =	vst.idx.add.f32.msk $0xffff, v63  }
0x159: {  	v4 =	vmul.f32 v13, v4;
	[tilespmem:v62+s25+$0x0] =	vst.idx.add.f32.msk $0xffff, v5  }
0x15a: {  	[tilespmem:v2+s25+$0x0] =	vst.idx.add.f32.msk $0xffff, v6  }
0x15b: {  	[tilespmem:v3+s25+$0x0] =	vst.idx.add.f32.msk $0xffff, v4  }
0x15c: {  	p0 =	seq.s32 s29, $0x4F  }
.Ltmp3:
0x15d: {  	_ = 	snop;
	(pc) =	sbr.rel @!p0 .LBB2_5-.Ltmp3, $2  }
0x15e: {  	_ =	sdelay $0x2  }
0x15f: {  	s0 =	smov.u32 s29  }
0x160: {  	s0 =	rddreg [dreg:$0x4]  }
0x161: {  	[hbm4b:s0+s2] =	stream.linear.scatter [tilespmem:s25], [sflag:$0x8], $0x2780, $0x38;
	[tilespmem:$0x1EB00] =	vst v63  }
0x162: {  	_ =	swait.ge [sflag:s26], $0x2780  }
0x163: {  	[sflag:s26] =	ssyncset.done $0x0  }
0x164: {  	s1 =	simm.s32 $0x7680;
	s6 =	rddreg [dreg:$0x5];
	[sflag:s26] =	ssyncadd.s32 $0xFFFFD880  }
0x165: {  	[hbm4b:s6+s2] =	stream.linear.scatter [tilespmem:s1], [sflag:$0x8], $0x2780, $0x38;
	[tilespmem:$0x1EB00] =	vst v63  }
0x166: {  	_ =	swait.ge [sflag:s26], $0x2780  }
0x167: {  	[sflag:s26] =	ssyncset.done $0x0  }
0x168: {  	s9 =	simm.s32 $0x9E00;
	s8 =	rddreg [dreg:$0x6];
	[sflag:s26] =	ssyncadd.s32 $0xFFFFD880  }
0x169: {  	[hbm4b:s8+s2] =	stream.linear.scatter [tilespmem:s9], [sflag:$0x8], $0x2780, $0x38;
	[tilespmem:$0x1EB00] =	vst v63  }
0x16a: {  	_ =	swait.ge [sflag:s26], $0x2780  }
0x16b: {  	[sflag:s26] =	ssyncset.done $0x0  }
0x16c: {  	s11 =	simm.s32 $0xC580;
	s10 =	rddreg [dreg:$0x7];
	[sflag:s26] =	ssyncadd.s32 $0xFFFFD880  }
0x16d: {  	[hbm4b:s10+s2] =	stream.linear.scatter [tilespmem:s11], [sflag:$0x8], $0x2780, $0x38;
	[tilespmem:$0x1EB00] =	vst v63  }
0x16e: {  	_ =	swait.ge [sflag:s26], $0x2780  }
0x16f: {  	[sflag:s26] =	ssyncset.done $0x0  }
0x170: {  	s13 =	simm.s32 $0xED00;
	s12 =	rddreg [dreg:$0x8];
	[sflag:s26] =	ssyncadd.s32 $0xFFFFD880  }
0x171: {  	[hbm4b:s12+s2] =	stream.linear.scatter [tilespmem:s13], [sflag:$0x8], $0x2780, $0x38;
	[tilespmem:$0x1EB00] =	vst v63  }
0x172: {  	_ =	swait.ge [sflag:s26], $0x2780  }
0x173: {  	[sflag:s26] =	ssyncset.done $0x0  }
0x174: {  	s15 =	simm.s32 $0x11480;
	s14 =	rddreg [dreg:$0x9];
	[sflag:s26] =	ssyncadd.s32 $0xFFFFD880  }
0x175: {  	[hbm4b:s14+s2] =	stream.linear.scatter [tilespmem:s15], [sflag:$0x8], $0x2780, $0x38;
	[tilespmem:$0x1EB00] =	vst v63  }
0x176: {  	_ =	swait.ge [sflag:s26], $0x2780  }
0x177: {  	[sflag:s26] =	ssyncset.done $0x0  }
0x178: {  	s17 =	simm.s32 $0x13C00;
	s16 =	rddreg [dreg:$0xa];
	[sflag:s26] =	ssyncadd.s32 $0xFFFFD880  }
0x179: {  	[hbm4b:s16+s2] =	stream.linear.scatter [tilespmem:s17], [sflag:$0x8], $0x2780, $0x38;
	[tilespmem:$0x1EB00] =	vst v63  }
0x17a: {  	_ =	swait.ge [sflag:s26], $0x2780  }
0x17b: {  	[sflag:s26] =	ssyncset.done $0x0  }
0x17c: {  	s30 =	simm.s32 $0x16380;
	s29 =	rddreg [dreg:$0xb];
	[sflag:s26] =	ssyncadd.s32 $0xFFFFD880  }
0x17d: {  	[hbm4b:s29+s2] =	stream.linear.scatter [tilespmem:s30], [sflag:$0x8], $0x2780, $0x38;
	[tilespmem:$0x1EB00] =	vst v63  }
0x17e: {  	_ =	swait.ge [sflag:s26], $0x2780  }
0x17f: {  	s28 =	sadd.s32 $0x1, s28;
	s31 =	rddreg [dreg:$0xc]  }
0x180: {  	p0 =	sne.s32 s28, s31  }
.Ltmp4:
0x181: {  	_ = 	snop;
	(pc) =	sbr.rel @p0 .LBB2_1-.Ltmp4, $3  }
0x182: {  	_ =	sdelay $0x1  }
0x183: {  	[sflag:s26] =	ssyncset.done $0x0  }
0x184: {  	[sflag:s26] =	ssyncadd.s32 $0xFFFFD880  }
0x185: {  	_ =	sfence.sel $0x180000  }
0x186: {  	[bflag:$0x0] =	sbarrier.arrive $0xFFFF  }
0x187: {  	_ =	strace $0x9000004A  }
0x188: {  	s0 =	stileid.u32;
	[bflag:$0x2] =	sbarrier.arrive $0xFFFF  }
0x189: {  	p0 =	sne.s32 s0, $0x0;
	s0 =	rddreg [dreg:$0x1]  }
0x18a: {  	s0 =	sadd.s32 @!p0 $0x100000, s0  }
0x18b: {  	[sflag:s0] =	ssyncadd.tile.s32 @!p0 $0x1;
	_ =	shalt  }
.Lfunc_end2:
_tile_overlayer_lowered:
.L_overlay_start_2:
0x18c: {  	(tag) =	ssettag $0x2  }
0x18d: {  	s0 =	rddreg [dreg:$0x0];
	s2 =	stileid.u32  }
0x18e: {  	s1 =	rddreg [dreg:$0x1];
	p0 =	sne.s32 s2, $0x0  }
0x18f: {  	s3 =	rddreg [dreg:$0x2];
	[bflag:$0x3] =	sbarrier.arrive $0xFFFF;
	s2 =	simm.s32 @!p0 $0x1C08  }
0x190: {  	[timem:s3], [sflag:s2] =	dma.local @!p0 [hbm:s0], s1  }
0x191: {  	s0 =	simm.s32 @!p0 $0x8  }
0x192: {  	_ =	swait.ge @!p0 [sflag:s0], s1  }
0x193: {  	s1 =	ssub.s32 @!p0 $0x0, s1;
	[sflag:s0] =	ssyncset.done @!p0 $0x0  }
0x194: {  	[sflag:s0] =	ssyncadd.s32 @!p0 s1  }
0x195: {  	[bflag:$0x3] =	sbarrier.arrive $0xFFFF  }
0x196: {  	_ =	shalt  }

// kernel: kernel.16.cloned.1.call-start
scs
__scs_entry_jumppad:
0x0: {  	(pc) =	sbr.rel $0x88, $3  }
0x1: {  	(tag) =	ssettag $0x0;
	lr =	simm.s32 $0x1  }
0x2: {  	[smem:$0x3F78] =	sst lr;
	_ =	strace $0xD0000000  }
0x3: {  	_ = 	snop  }
0x4: {  	_ = 	snop  }
0x5: {  	_ = 	snop  }
0x6: {  	_ = 	snop  }
0x7: {  	_ = 	snop  }
__scs_overlays_trampoline_lowered:
0x8: {  	[smem:$0x3F87] =	sst s0  }
0x9: {  	[smem:$0x3F88] =	sst s1  }
0xa: {  	[smem:$0x3F89] =	sst s2  }
0xb: {  	[smem:$0x3F8A] =	sst s3  }
0xc: {  	[smem:$0x3F8B] =	sst s4  }
0xd: {  	[smem:$0x3F8C] =	sst s5  }
0xe: {  	[smem:$0x3F8D] =	sst s6  }
0xf: {  	[smem:$0x3F8E] =	sst s7  }
0x10: {  	[smem:$0x3F8F] =	sst s8  }
0x11: {  	[smem:$0x3F90] =	sst s9;
	s0 =	simm.s32 @!p0 $0x0  }
0x12: {  	s1 =	sld [smem:$0x3F76];
	s0 =	simm.s32 @p0 $0x1  }
0x13: {  	[smem:$0x3F91] =	sst s0;
	s0 =	simm.s32 @!p1 $0x0  }
0x14: {  	s2 =	sld [smem:$0x3F75];
	s0 =	simm.s32 @p1 $0x1  }
0x15: {  	[smem:$0x3F92] =	sst s0;
	s0 =	simm.s32 @!p2 $0x0  }
0x16: {  	s3 =	sld [smem:$0x3FDB];
	s0 =	simm.s32 @p2 $0x1  }
0x17: {  	s4 =	simm.s32 $0x1BF5;
	[smem:$0x3F94] =	sst s0  }
0x18: {  	s0 =	sld [smem:$0x3F77];
	_ =	swait.ge [sflag:s4], $0x0  }
0x19: {  	s7 =	sld [smem:$0x3F78]  }
0x1a: {  	s8 =	sadd.s32 $0xFFFFE003, lr  }
0x1b: {  	s9 =	sadd.s32 $0xFFFFFEF7, lr;
	s5 =	simm.s32 $0xFFFFFFFF;
	p2 =	slt.u32 s8, $0xFFFFF086  }
0x1c: {  	p1 =	slt.u32 s9, $0xF7A;
	s5 =	simm.s32 @!p2 $0x0  }
0x1d: {  	s5 =	simm.s32 @p1 $0x1;
	p0 =	seq.s32 s7, s2  }
0x1e: {  	s7 =	smul.u32 @!p0 $0xF7A, s2;
	p2 =	seq.s32 @!p0 s5, $0x0  }
0x1f: {  	s9 =	smul.u32 $0xF7A, s1;
	s8 =	simm.s32 @!p0 $0x1BF5;
	p2 =	por !p2, p0  }
0x20: {  	[sflag:s8] =	ssyncset.s32 @!p0 $0xFFFFF086;
	s6 =	sadd.s32 @!p0 s3, s7;
	s7 =	simm.s32 @!p0 $0x108  }
0x21: {  	s3 =	sadd.s32 s3, s9;
	s6 =	sadd.s32 @!p0 $0x88, s6;
	s7 =	simm.s32 @p2 $0x1082  }
0x22: {  	[simem:s7], [sflag:s8] =	dma.local @!p0 [hbm:s6], $0xF7A  }
0x23: {  	s9 =	sor.u32 $0xD0000000, s2;
	s6 =	simm.s32 $0x108;
	_ =	swait.ge @!p0 [sflag:s8], $0x0  }
0x24: {  	s3 =	sadd.s32 $0x88, s3;
	s6 =	simm.s32 @!p1 $0x1082;
	[sflag:s4] =	ssyncset.s32 $0xFFFFF086  }
0x25: {  	[simem:s6], [sflag:s4] =	dma.local [hbm:s3], $0xF7A  }
0x26: {  	[smem:$0x3F78] =	sst s1;
	(tag) =	ssettag s2;
	_ =	strace s9  }
0x27: {  	s1 =	sld [smem:$0x3F88]  }
0x28: {  	s2 =	sld [smem:$0x3F89]  }
0x29: {  	s4 =	sld [smem:$0x3F8B]  }
0x2a: {  	p0 =	seq.s32 s5, $0x0;
	s5 =	sld [smem:$0x3F8C]  }
0x2b: {  	s6 =	sld [smem:$0x3F8D]  }
0x2c: {  	s7 =	sld [smem:$0x3F8E]  }
0x2d: {  	s3 =	simm.s32 $0x108;
	s8 =	sld [smem:$0x3F8F]  }
0x2e: {  	s3 =	simm.s32 @!p0 $0x1082;
	s9 =	sld [smem:$0x3F90]  }
0x2f: {  	lr =	sadd.s32 s0, s3;
	s0 =	sld [smem:$0x3F87]  }
0x30: {  	s3 =	sld [smem:$0x3F8A]  }
0x31: {  	[smem:$0x3F93] =	sst s10  }
0x32: {  	s10 =	sld [smem:$0x3F91];
	_ =	sdelay $0x3  }
0x33: {  	p0 =	seq.s32 s10, $0x1;
	s10 =	sld [smem:$0x3F93];
	_ =	sdelay $0x3  }
0x34: {  	[smem:$0x3F93] =	sst s10  }
0x35: {  	s10 =	sld [smem:$0x3F92];
	_ =	sdelay $0x3  }
0x36: {  	p1 =	seq.s32 s10, $0x1;
	s10 =	sld [smem:$0x3F93];
	_ =	sdelay $0x3  }
0x37: {  	[smem:$0x3F93] =	sst s10  }
0x38: {  	s10 =	sld [smem:$0x3F94]  }
0x39: {  	_ = 	snop;
	(pc) =	sbr.ind lr, $3  }
0x3a: {  	_ = 	snop  }
0x3b: {  	_ = 	snop  }
0x3c: {  	p2 =	seq.s32 s10, $0x1;
	s10 =	sld [smem:$0x3F93]  }
0x3d: {  	_ =	shalt  }
0x3e: {  	_ =	shalt  }
0x3f: {  	_ =	shalt  }
0x40: {  	_ =	shalt  }
0x41: {  	_ =	shalt  }
0x42: {  	_ =	shalt  }
0x43: {  	_ =	shalt  }
0x44: {  	_ =	shalt  }
0x45: {  	_ =	shalt  }
0x46: {  	_ =	shalt  }
0x47: {  	_ =	shalt  }
0x48: {  	_ =	shalt  }
0x49: {  	_ =	shalt  }
0x4a: {  	_ =	shalt  }
0x4b: {  	_ =	shalt  }
0x4c: {  	_ =	shalt  }
0x4d: {  	_ =	shalt  }
0x4e: {  	_ =	shalt  }
0x4f: {  	_ =	shalt  }
0x50: {  	_ =	shalt  }
0x51: {  	_ =	shalt  }
0x52: {  	_ =	shalt  }
0x53: {  	_ =	shalt  }
0x54: {  	_ =	shalt  }
0x55: {  	_ =	shalt  }
0x56: {  	_ =	shalt  }
0x57: {  	_ =	shalt  }
0x58: {  	_ =	shalt  }
0x59: {  	_ =	shalt  }
0x5a: {  	_ =	shalt  }
0x5b: {  	_ =	shalt  }
0x5c: {  	_ =	shalt  }
0x5d: {  	_ =	shalt  }
0x5e: {  	_ =	shalt  }
0x5f: {  	_ =	shalt  }
0x60: {  	_ =	shalt  }
0x61: {  	_ =	shalt  }
0x62: {  	_ =	shalt  }
0x63: {  	_ =	shalt  }
0x64: {  	_ =	shalt  }
0x65: {  	_ =	shalt  }
0x66: {  	_ =	shalt  }
0x67: {  	_ =	shalt  }
0x68: {  	_ =	shalt  }
0x69: {  	_ =	shalt  }
0x6a: {  	_ =	shalt  }
0x6b: {  	_ =	shalt  }
0x6c: {  	_ =	shalt  }
0x6d: {  	_ =	shalt  }
0x6e: {  	_ =	shalt  }
0x6f: {  	_ =	shalt  }
0x70: {  	_ =	shalt  }
0x71: {  	_ =	shalt  }
0x72: {  	_ =	shalt  }
0x73: {  	_ =	shalt  }
0x74: {  	_ =	shalt  }
0x75: {  	_ =	shalt  }
0x76: {  	_ =	shalt  }
0x77: {  	_ =	shalt  }
0x78: {  	_ =	shalt  }
0x79: {  	_ =	shalt  }
0x7a: {  	_ =	shalt  }
0x7b: {  	_ =	shalt  }
0x7c: {  	_ =	shalt  }
0x7d: {  	_ =	shalt  }
0x7e: {  	_ =	shalt  }
0x7f: {  	_ =	shalt  }
0x80: {  	_ =	shalt  }
0x81: {  	_ =	shalt  }
0x82: {  	_ =	shalt  }
0x83: {  	_ =	shalt  }
0x84: {  	_ =	shalt  }
0x85: {  	_ =	shalt  }
0x86: {  	_ =	shalt  }
0x87: {  	_ =	shalt  }
.Lfunc_end0:
.L_simem_size_0:
called_computation.2_lowered:
.L_overlay_start_0:
0x88: {  	s2 =	sld [smem:$0x3FD9]  }
0x89: {  	s3 =	sld [smem:$0x3FFE];
	_ =	sdelay $0x1  }
0x8a: {  	s1 =	srdreg.scid  }
0x8b: {  	s0 =	sand.u32 $0x1, s1  }
0x8c: {  	s16 =	sshll.u32 s0, $0xA;
	s2 =	sadd.s32 s3, s2  }
0x8d: {  	s2 =	sadd.s32 s2, s16  }
0x8e: {  	[smem:$0x3F9F] =	sst s2  }
0x8f: {  	_ = 	snop  }
0x90: {  	(tm) =	ssettm $0x1  }
0x91: {  	s17 =	sld [smem:$0x3FFB];
	_ =	sdelay $0x3  }
0x92: {  	_ =	strace s17  }
0x93: {  	s2 =	sld [smem:$0x3FFC];
	_ =	sdelay $0x3  }
0x94: {  	_ =	strace s2  }
0x95: {  	s2 =	sld [smem:$0x3FFD];
	_ =	sdelay $0x3  }
0x96: {  	_ =	strace s2  }
0x97: {  	_ =	strace $0x8FFFFFFF  }
0x98: {  	s18 =	sld [smem:$0x3FDB];
	_ =	sdelay $0x1  }
0x99: {  	s19 =	simm.s32 $_scs_section_size  }
0x9a: {  	s4 =	simm.s32 $_size__tile_overlayer_lowered;
	s5 =	simm.s32 $_tile_overlayer_lowered  }
0x9b: {  	s22 =	simm.s32 $0x1BFF;
	s21 =	sshll.u32 s5, $0x1;
	s2 =	sadd.s32 s19, s18  }
0x9c: {  	s6 =	simm.s32 $0x0;
	s20 =	sshll.u32 s4, $0x1;
	s4 =	sadd.s32 s21, s2  }
0x9d: {  	[timem:s6], [sflag:s22] =	dma.local [hbm:s4], s20  }
0x9e: {  	_ =	swait.ge [sflag:s22], s20  }
0x9f: {  	s3 =	ssub.s32 $0x0, s20;
	[sflag:s22] =	ssyncset.done $0x0  }
0xa0: {  	[sflag:s22] =	ssyncadd.s32 s3;
	_ =	sdelay $0x1  }
0xa1: {  	s23 =	simm.s32 $0x1B8B  }
0xa2: {  	_ =	swait.ge [sflag:s23], $0x1  }
0xa3: {  	[sflag:s23] =	ssyncset.done $0x0  }
0xa4: {  	s25 =	simm.s32 $0x1B8E;
	s24 =	sld [smem:$0x3FFE];
	[sflag:s23] =	ssyncadd.s32 $0xFFFFFFFF  }
0xa5: {  	s26 =	simm.s32 $execute0_lowered;
	[smem:$0x3FD2] =	sst s25  }
0xa6: {  	s4 =	sshll.u32 s26, $0x1;
	_ =	strace $0x8000004C;
	[dreg:$0x1] =	wrdreg $0xFFFFFFFF  }
0xa7: {  	s28 =	simm.s32 $_size_execute0_lowered;
	s2 =	sadd.s32 s2, s4;
	[dreg:$0x0] =	wrdreg $0x0  }
0xa8: {  	s4 =	sshll.u32 s28, $0x1;
	[dreg:$0x2] =	wrdreg s2  }
0xa9: {  	[dreg:$0x3] =	wrdreg s4  }
0xaa: {  	[dreg:$0x4] =	wrdreg $0xC0  }
0xab: {  	_ =	task [dreg:s6], $0x5FFFF  }
0xac: {  	[dreg:$0x1] =	wrdreg $0xFFFFFFFF  }
0xad: {  	[dreg:$0x0] =	wrdreg $0x60  }
0xae: {  	[dreg:$0x2] =	wrdreg s24  }
0xaf: {  	[dreg:$0x3] =	wrdreg $0x9  }
0xb0: {  	_ =	task.clear_ibuf [dreg:s6], $0x4FFFF;
	_ =	strace $0x9000004C  }
0xb1: {  	s29 =	simm.s32 $0x9;
	_ =	strace $0x8000004E  }
0xb2: {  	_ =	swait.ge [sflag:s29], $0x1  }
0xb3: {  	[sflag:s29] =	ssyncadd.s32 $0xFFFFFFFF  }
0xb4: {  	_ =	strace $0x9000004E  }
0xb5: {  	_ =	sfence  }
0xb6: {  	s30 =	sld [smem:$0x0];
	_ =	sdelay $0x2  }
0xb7: {  	s31 =	sshll.u32 s1, $0xD;
	s1 =	sshrl.u32 s1, $0x2  }
0xb8: {  	s3 =	sand.u32 $0x4000, s31;
	s1 =	sadd.s32 s1, s30  }
0xb9: {  	s0 =	sor.u32 s3, s0;
	s1 =	sshll.u32 s1, $0x11  }
0xba: {  	s0 =	sor.u32 s1, s0  }
0xbb: {  	s0 =	sadd.s32 $0x8F2B, s0  }
0xbc: {  	[sflag:s0] =	ssyncadd.remote.s32 $0x1  }
0xbd: {  	_ =	sfence.sel $0xFFFF  }
0xbe: {  	[dreg:$0x0] =	wrdreg $0xFFFFFFFF;
	(pc) =	sbr.abs _section_cstart, $3  }
0xbf: {  	[dreg:$0x1] =	wrdreg $0xFFFFFFFF  }
0xc0: {  	_ =	task.clear_ibuf [dreg:s6], $0x2FFFF;
	_ =	strace $0x9FFFFFFF  }
0xc1: {  	(tm) =	ssettm $0x7FFFFFFF  }
tec
execute0_lowered:
.L_overlay_start_1:
0x0: {  	(tag) =	ssettag $0x1  }
0x1: {  	s10 =	stileid.u32  }
0x2: {  	s0 =	rddreg [dreg:$0x0];
	s7 =	srdreg.scid;
	s1 =	sand.u32 $0x7, s10  }
0x3: {  	s4 =	sshll.u32 s10, $0x8;
	s7 =	sand.u32 $0x1, s7;
	s8 =	sadd.s32 $0xF0C00, s0  }
0x4: {  	s10 =	sshrl.u32 s10, $0x3;
	s29 =	sadd.s32 $0xCE10, s0;
	s30 =	sadd.s32 $0xCE20, s0  }
0x5: {  	s31 =	sadd.s32 $0xCE30, s0;
	s14 =	sadd.s32 $0xCEB0, s0;
	s2 =	sshrl.u32 s1, $0x2  }
0x6: {  	s15 =	sadd.s32 $0xCEC0, s0;
	s3 =	smul.u32 $0x13C00, s2;
	s2 =	simm.s32 $0x0  }
0x7: {  	s16 =	sadd.s32 $0xCED0, s0;
	s12 =	sshll.u32 s7, $0x3;
	[smem:$0x7FF] =	sst s2  }
0x8: {  	s13 =	sshll.u32 s10, $0x2;
	_ =	strace $0x8000004D;
	[dreg:$0xd] =	wrdreg s29  }
0x9: {  	s1 =	sshll.u32 s1, $0x5;
	s12 =	sor.u32 s12, s13;
	[dreg:$0xe] =	wrdreg s30  }
0xa: {  	s1 =	sor.u32 s1, s12;
	s12 =	sadd.s32 $0xCE90, s0;
	[dreg:$0xf] =	wrdreg s31  }
0xb: {  	s17 =	sadd.s32 $0xCEE0, s0;
	s13 =	sadd.s32 $0xCEA0, s0;
	[dreg:$0x15] =	wrdreg s12  }
0xc: {  	s4 =	sand.u32 $0x300, s4;
	s9 =	ssub.s32 $0x2, s7;
	[dreg:$0x16] =	wrdreg s13  }
0xd: {  	s7 =	smul.u32 $0x13C000, s7;
	s11 =	sshrl.u32 s9, $0x1;
	[dreg:$0x17] =	wrdreg s14  }
0xe: {  	s10 =	sshll.u32 s10, $0x9;
	s9 =	ssub.s32 s9, s11;
	[dreg:$0x18] =	wrdreg s15  }
0xf: {  	s7 =	sor.u32 s7, s10;
	s3 =	sor.u32 s4, s3;
	[dreg:$0x19] =	wrdreg s16  }
0x10: {  	s18 =	smul.u32 $0x2780, s1;
	s26 =	smax.u32 s9, $0x1;
	[dreg:$0x1a] =	wrdreg s17  }
0x11: {  	s10 =	sshrl.u32 s7, $0x3;
	s9 =	sadd.s32 $0xCE60, s0;
	[dreg:$0xc] =	wrdreg s26  }
0x12: {  	s19 =	smul.u32 $0x4F0, s1;
	s29 =	sadd.s32 $0x7E90, s0;
	[dreg:$0x12] =	wrdreg s9  }
0x13: {  	s1 =	sor.u32 $0x10, s1;
	s30 =	sadd.s32 $0x7EA0, s0;
	[smem:$0x7FB] =	sst s29  }
0x14: {  	s31 =	sadd.s32 $0x7EB0, s0;
	s3 =	sshrl.u32 s3, $0x3;
	[smem:$0x7FC] =	sst s30  }
0x15: {  	s20 =	smul.u32 $0x2780, s1;
	s26 =	sadd.s32 $0x7E80, s0;
	[smem:$0x7FD] =	sst s31  }
0x16: {  	s1 =	smul.u32 $0x4F0, s1;
	s11 =	sadd.s32 s8, s19;
	[smem:$0x7FA] =	sst s26  }
0x17: {  	s6 =	sadd.s32 s3, s0;
	s19 =	sadd.s32 $0x7E10, s0;
	[dreg:$0x4] =	wrdreg s11  }
0x18: {  	s3 =	sadd.s32 $0x39E00, s0;
	s6 =	sadd.s32 $0x11E00, s6;
	[dreg:$0x1c] =	wrdreg s19  }
0x19: {  	s10 =	sadd.s32 s3, s10;
	[dreg:$0x2] =	wrdreg s6  }
0x1a: {  	s1 =	sadd.s32 s8, s1;
	[dreg:$0x3] =	wrdreg s10  }
0x1b: {  	s11 =	sadd.s32 $0xCE80, s0;
	s6 =	sshrl.u32 s18, $0x3;
	[dreg:$0x8] =	wrdreg s1  }
0x1c: {  	s10 =	sshrl.u32 s20, $0x3;
	[dreg:$0x14] =	wrdreg s11;
	s18 =	sadd.s32 $0xCEF0, s0  }
0x1d: {  	s20 =	sadd.s32 $0x7E20, s0;
	s6 =	sadd.s32 s8, s6;
	[dreg:$0x1b] =	wrdreg s18  }
0x1e: {  	s23 =	sadd.s32 s8, s10;
	s8 =	sadd.s32 $0xCE50, s0;
	[dreg:$0x1d] =	wrdreg s20  }
0x1f: {  	s10 =	sadd.s32 $0xCE70, s0;
	[dreg:$0x11] =	wrdreg s8  }
0x20: {  	s21 =	sadd.s32 $0x4F0, s6;
	[dreg:$0x13] =	wrdreg s10  }
0x21: {  	s22 =	sadd.s32 $0x9E0, s6;
	[dreg:$0x5] =	wrdreg s21  }
0x22: {  	s6 =	sadd.s32 $0xED0, s6;
	[dreg:$0x6] =	wrdreg s22  }
0x23: {  	s24 =	sadd.s32 $0x4F0, s23;
	[dreg:$0x7] =	wrdreg s6  }
0x24: {  	s25 =	sadd.s32 $0x9E0, s23;
	[dreg:$0x9] =	wrdreg s24  }
0x25: {  	s28 =	simm.s32 $0x0;
	s1 =	sadd.s32 $0xED0, s23;
	[dreg:$0xa] =	wrdreg s25  }
0x26: {  	s5 =	sadd.s32 $0x7E00, s0;
	s23 =	sadd.s32 $0x7E50, s0;
	[dreg:$0xb] =	wrdreg s1  }
0x27: {  	s4 =	sadd.s32 $0xCE00, s0;
	s6 =	sadd.s32 $0xCE40, s0;
	[smem:$0x7F7] =	sst s23  }
0x28: {  	s26 =	simm.s32 $0x8;
	s21 =	sadd.s32 $0x7E30, s0;
	[dreg:$0x10] =	wrdreg s6  }
0x29: {  	s19 =	sadd.s32 $0x7ED0, s0;
	s22 =	sadd.s32 $0x7E40, s0;
	[dreg:$0x1e] =	wrdreg s21  }
0x2a: {  	s18 =	sadd.s32 $0x7EC0, s0;
	s24 =	sadd.s32 $0x7E60, s0;
	[dreg:$0x1f] =	wrdreg s22  }
0x2b: {  	s20 =	sadd.s32 $0x7EE0, s0;
	s25 =	sadd.s32 $0x7E70, s0;
	[smem:$0x7F8] =	sst s24  }
0x2c: {  	s23 =	simm.s32 $0x7;
	[smem:$0x7F9] =	sst s25;
	s21 =	sadd.s32 $0x7EF0, s0  }
0x2d: {  	v0 =	vimm.f32 $0.0e+00;
	s22 =	simm.s32 $0x400;
	s24 =	simm.s32 $0x200;
	s25 =	simm.s32 $0x4F00  }
.LBB2_1:
0x2e: {  	s0 =	rddreg [dreg:$0x2];
	s1 =	simm.s32 $0x100  }
0x2f: {  	[tilespmem:s2], [sflag:$0x7] =	stream.strided.gather [hbm4b:s0+s1], $0x4F00, s22, s1, $0x38;
	[tilespmem:$0x1EB00] =	vst v63  }
0x30: {  	_ =	swait.ge [sflag:s23], $0x4F00  }
0x31: {  	[sflag:s23] =	ssyncset.done $0x0  }
0x32: {  	s0 =	simm.s32 $0x4F40;
	[sflag:s23] =	ssyncadd.s32 $0xFFFFB100  }
0x33: {  	[tilespmem:s0+$0xFFFFFFC0] =	vst v0  }
0x34: {  	[tilespmem:s0+$0x30] =	vst v0  }
0x35: {  	[tilespmem:s0+$0x20] =	vst v0  }
0x36: {  	[tilespmem:s0+$0x10] =	vst v0  }
0x37: {  	[tilespmem:s0+$0x0] =	vst v0  }
0x38: {  	[tilespmem:s0+$0xFFFFFFF0] =	vst v0  }
0x39: {  	s1 =	simm.s32 $0x0;
	[tilespmem:s0+$0xFFFFFFE0] =	vst v0  }
.LBB2_2:
0x3a: {  	s1 =	sadd.s32 $0x8, s1;
	[tilespmem:s0+$0xFFFFFFD0] =	vst v0;
	s0 =	sadd.s32 $0x80, s0  }
0x3b: {  	[tilespmem:s0+$0xFFFFFFC0] =	vst v0;
	p0 =	slt.u32 s1, $0x13B8  }
0x3c: {  	[tilespmem:s0+$0x30] =	vst v0  }
.Ltmp0:
0x3d: {  	[tilespmem:s0+$0x20] =	vst v0;
	(pc) =	sbr.rel @p0 .LBB2_2-.Ltmp0, $4  }
0x3e: {  	[tilespmem:s0+$0x10] =	vst v0  }
0x3f: {  	[tilespmem:s0+$0x0] =	vst v0  }
0x40: {  	[tilespmem:s0+$0xFFFFFFF0] =	vst v0  }
0x41: {  	[tilespmem:s0+$0xFFFFFFE0] =	vst v0  }
0x42: {  	[tilespmem:s0+$0xFFFFFFD0] =	vst v0;
	s0 =	simm.s32 $0x0;
	s1 =	simm.s32 $0x18B00  }
0x43: {  	[tilespmem:s1], [sflag:$0x1] =	stream.linear.gather [hbm4b:s4+s0], $0x80, $0x38;
	[tilespmem:$0x1EB00] =	vst v63  }
0x44: {  	s6 =	simm.s32 $0x18C00;
	s29 =	rddreg [dreg:$0xd]  }
0x45: {  	[tilespmem:s6], [sflag:$0x1] =	stream.linear.gather [hbm4b:s29+s0], $0x80, $0x38;
	[tilespmem:$0x1EB00] =	vst v63  }
0x46: {  	s31 =	simm.s32 $0x18D00;
	s30 =	rddreg [dreg:$0xe]  }
0x47: {  	[tilespmem:s31], [sflag:$0x1] =	stream.linear.gather [hbm4b:s30+s0], $0x80, $0x38;
	[tilespmem:$0x1EB00] =	vst v63  }
0x48: {  	s8 =	simm.s32 $0x18E00;
	s6 =	rddreg [dreg:$0xf]  }
0x49: {  	[tilespmem:s8], [sflag:$0x1] =	stream.linear.gather [hbm4b:s6+s0], $0x80, $0x38;
	[tilespmem:$0x1EB00] =	vst v63  }
0x4a: {  	s10 =	simm.s32 $0x18F00;
	s9 =	rddreg [dreg:$0x10]  }
0x4b: {  	[tilespmem:s10], [sflag:$0x1] =	stream.linear.gather [hbm4b:s9+s0], $0x80, $0x38;
	[tilespmem:$0x1EB00] =	vst v63  }
0x4c: {  	s12 =	simm.s32 $0x19000;
	s11 =	rddreg [dreg:$0x11]  }
0x4d: {  	[tilespmem:s12], [sflag:$0x1] =	stream.linear.gather [hbm4b:s11+s0], $0x80, $0x38;
	[tilespmem:$0x1EB00] =	vst v63  }
0x4e: {  	s14 =	simm.s32 $0x19100;
	s13 =	rddreg [dreg:$0x12]  }
0x4f: {  	[tilespmem:s14], [sflag:$0x1] =	stream.linear.gather [hbm4b:s13+s0], $0x80, $0x38;
	[tilespmem:$0x1EB00] =	vst v63  }
0x50: {  	s16 =	simm.s32 $0x19200;
	s15 =	rddreg [dreg:$0x13]  }
0x51: {  	[tilespmem:s16], [sflag:$0x1] =	stream.linear.gather [hbm4b:s15+s0], $0x80, $0x38;
	[tilespmem:$0x1EB00] =	vst v63  }
0x52: {  	s17 =	rddreg [dreg:$0x14];
	s29 =	simm.s32 $0x19300  }
0x53: {  	[tilespmem:s29], [sflag:$0x1] =	stream.linear.gather [hbm4b:s17+s0], $0x80, $0x38;
	[tilespmem:$0x1EB00] =	vst v63  }
0x54: {  	s30 =	rddreg [dreg:$0x15];
	s31 =	simm.s32 $0x19400  }
0x55: {  	[tilespmem:s31], [sflag:$0x1] =	stream.linear.gather [hbm4b:s30+s0], $0x80, $0x38;
	[tilespmem:$0x1EB00] =	vst v63  }
0x56: {  	s8 =	rddreg [dreg:$0x16];
	s9 =	simm.s32 $0x19500  }
0x57: {  	[tilespmem:s9], [sflag:$0x1] =	stream.linear.gather [hbm4b:s8+s0], $0x80, $0x38;
	[tilespmem:$0x1EB00] =	vst v63  }
0x58: {  	s10 =	rddreg [dreg:$0x17];
	s11 =	simm.s32 $0x19600  }
0x59: {  	[tilespmem:s11], [sflag:$0x1] =	stream.linear.gather [hbm4b:s10+s0], $0x80, $0x38;
	[tilespmem:$0x1EB00] =	vst v63  }
0x5a: {  	s12 =	rddreg [dreg:$0x18];
	s13 =	simm.s32 $0x19700  }
0x5b: {  	[tilespmem:s13], [sflag:$0x1] =	stream.linear.gather [hbm4b:s12+s0], $0x80, $0x38;
	[tilespmem:$0x1EB00] =	vst v63  }
0x5c: {  	s14 =	rddreg [dreg:$0x19];
	s15 =	simm.s32 $0x19800  }
0x5d: {  	[tilespmem:s15], [sflag:$0x1] =	stream.linear.gather [hbm4b:s14+s0], $0x80, $0x38;
	[tilespmem:$0x1EB00] =	vst v63  }
0x5e: {  	s16 =	rddreg [dreg:$0x1a];
	s17 =	simm.s32 $0x19900  }
0x5f: {  	[tilespmem:s17], [sflag:$0x1] =	stream.linear.gather [hbm4b:s16+s0], $0x80, $0x38;
	[tilespmem:$0x1EB00] =	vst v63  }
0x60: {  	s29 =	rddreg [dreg:$0x1b];
	s30 =	simm.s32 $0x19A00  }
0x61: {  	[tilespmem:s30], [sflag:$0x1] =	stream.linear.gather [hbm4b:s29+s0], $0x80, $0x38;
	[tilespmem:$0x1EB00] =	vst v63  }
0x62: {  	s6 =	rddreg [dreg:$0x1c];
	s31 =	simm.s32 $0x19B00  }
0x63: {  	[tilespmem:s31], [sflag:$0x3] =	stream.linear.gather [hbm4b:s5+s0], $0x80, $0x38;
	[tilespmem:$0x1EB00] =	vst v63  }
0x64: {  	s8 =	simm.s32 $0x19C00;
	s9 =	rddreg [dreg:$0x1d]  }
0x65: {  	[tilespmem:s8], [sflag:$0x3] =	stream.linear.gather [hbm4b:s6+s0], $0x80, $0x38;
	[tilespmem:$0x1EB00] =	vst v63  }
0x66: {  	s10 =	simm.s32 $0x19D00;
	s11 =	rddreg [dreg:$0x1e]  }
0x67: {  	[tilespmem:s10], [sflag:$0x3] =	stream.linear.gather [hbm4b:s9+s0], $0x80, $0x38;
	[tilespmem:$0x1EB00] =	vst v63  }
0x68: {  	s12 =	simm.s32 $0x19E00;
	s13 =	rddreg [dreg:$0x1f]  }
0x69: {  	[tilespmem:s12], [sflag:$0x3] =	stream.linear.gather [hbm4b:s11+s0], $0x80, $0x38;
	[tilespmem:$0x1EB00] =	vst v63  }
0x6a: {  	s14 =	simm.s32 $0x19F00;
	s15 =	sld [smem:$0x7F7]  }
0x6b: {  	[tilespmem:s14], [sflag:$0x3] =	stream.linear.gather [hbm4b:s13+s0], $0x80, $0x38;
	[tilespmem:$0x1EB00] =	vst v63  }
0x6c: {  	s16 =	simm.s32 $0x1A000;
	s17 =	sld [smem:$0x7F8]  }
0x6d: {  	[tilespmem:s16], [sflag:$0x3] =	stream.linear.gather [hbm4b:s15+s0], $0x80, $0x38;
	[tilespmem:$0x1EB00] =	vst v63  }
0x6e: {  	s29 =	simm.s32 $0x1A100;
	s30 =	sld [smem:$0x7F9]  }
0x6f: {  	[tilespmem:s29], [sflag:$0x3] =	stream.linear.gather [hbm4b:s17+s0], $0x80, $0x38;
	[tilespmem:$0x1EB00] =	vst v63  }
0x70: {  	s31 =	simm.s32 $0x1A200;
	s6 =	sld [smem:$0x7FA]  }
0x71: {  	[tilespmem:s31], [sflag:$0x3] =	stream.linear.gather [hbm4b:s30+s0], $0x80, $0x38;
	[tilespmem:$0x1EB00] =	vst v63  }
0x72: {  	s8 =	simm.s32 $0x1A300;
	s9 =	sld [smem:$0x7FB]  }
0x73: {  	[tilespmem:s8], [sflag:$0x3] =	stream.linear.gather [hbm4b:s6+s0], $0x80, $0x38;
	[tilespmem:$0x1EB00] =	vst v63  }
0x74: {  	s10 =	simm.s32 $0x1A400;
	s11 =	sld [smem:$0x7FC]  }
0x75: {  	[tilespmem:s10], [sflag:$0x3] =	stream.linear.gather [hbm4b:s9+s0], $0x80, $0x38;
	[tilespmem:$0x1EB00] =	vst v63  }
0x76: {  	s12 =	simm.s32 $0x1A500;
	s13 =	sld [smem:$0x7FD]  }
0x77: {  	[tilespmem:s12], [sflag:$0x3] =	stream.linear.gather [hbm4b:s11+s0], $0x80, $0x38;
	[tilespmem:$0x1EB00] =	vst v63  }
0x78: {  	s14 =	simm.s32 $0x1A600  }
0x79: {  	[tilespmem:s14], [sflag:$0x3] =	stream.linear.gather [hbm4b:s13+s0], $0x80, $0x38;
	[tilespmem:$0x1EB00] =	vst v63  }
0x7a: {  	s15 =	simm.s32 $0x1A700  }
0x7b: {  	[tilespmem:s15], [sflag:$0x3] =	stream.linear.gather [hbm4b:s18+s0], $0x80, $0x38;
	[tilespmem:$0x1EB00] =	vst v63  }
0x7c: {  	s16 =	simm.s32 $0x1A800  }
0x7d: {  	[tilespmem:s16], [sflag:$0x3] =	stream.linear.gather [hbm4b:s19+s0], $0x80, $0x38;
	[tilespmem:$0x1EB00] =	vst v63  }
0x7e: {  	s17 =	simm.s32 $0x1A900  }
0x7f: {  	[tilespmem:s17], [sflag:$0x3] =	stream.linear.gather [hbm4b:s20+s0], $0x80, $0x38;
	[tilespmem:$0x1EB00] =	vst v63  }
0x80: {  	s29 =	simm.s32 $0x1AA00  }
0x81: {  	[tilespmem:s29], [sflag:$0x3] =	stream.linear.gather [hbm4b:s21+s0], $0x80, $0x38;
	[tilespmem:$0x1EB00] =	vst v63  }
0x82: {  	s30 =	rddreg [dreg:$0x3];
	s31 =	simm.s32 $0x1AB00  }
0x83: {  	[tilespmem:s31], [sflag:$0x5] =	stream.strided.gather [hbm4b:s30+s24], $0x2000, s22, s24, $0x38;
	[tilespmem:$0x1EB00] =	vst v63  }
.LBB2_5:
0x84: {  	s1 =	sand.u32 $0x1, s0  }
0x85: {  	s6 =	sadd.s32 $0x1, s1  }
0x86: {  	_ =	swait.ge [sflag:s6], $0x800  }
0x87: {  	[sflag:s6] =	ssyncset.done $0x0  }
0x88: {  	s30 =	sadd.s32 $0x3, s1;
	[sflag:s6] =	ssyncadd.s32 $0xFFFFF800  }
0x89: {  	p0 =	seq.s32 s0, $0x4E;
	_ =	swait.ge [sflag:s30], $0x800  }
.Ltmp1:
0x8a: {  	[sflag:s30] =	ssyncset.done $0x0;
	(pc) =	sbr.rel @p0 .LBB2_7-.Ltmp1, $4  }
0x8b: {  	s31 =	sadd.s32 $0x5, s1;
	[sflag:s30] =	ssyncadd.s32 $0xFFFFF800  }
0x8c: {  	_ =	swait.ge [sflag:s31], $0x2000  }
0x8d: {  	[sflag:s31] =	ssyncset.done $0x0  }
0x8e: {  	s29 =	sadd.s32 $0x1, s0;
	[sflag:s31] =	ssyncadd.s32 $0xFFFFE000  }
0x8f: {  	s30 =	sxor.u32 $0x1, s1  }
0x90: {  	s6 =	sshll.u32 s29, $0x8;
	s31 =	sshll.u32 s30, $0x7  }
0x91: {  	s8 =	sadd.s32 $0x1, s30;
	s10 =	sadd.s32 s4, s6;
	s9 =	sor.u32 $0x18B00, s31  }
0x92: {  	[tilespmem:s9], [sflag:s8] =	stream.linear.gather [hbm4b:s10+s2], $0x80, $0x38;
	[tilespmem:$0x1EB00] =	vst v63  }
0x93: {  	s13 =	sadd.s32 $0x10, s10;
	s11 =	sor.u32 $0x18C00, s31  }
0x94: {  	[tilespmem:s11], [sflag:s8] =	stream.linear.gather [hbm4b:s13+s2], $0x80, $0x38;
	[tilespmem:$0x1EB00] =	vst v63  }
0x95: {  	s14 =	sadd.s32 $0x20, s10;
	s15 =	sor.u32 $0x18D00, s31  }
0x96: {  	[tilespmem:s15], [sflag:s8] =	stream.linear.gather [hbm4b:s14+s2], $0x80, $0x38;
	[tilespmem:$0x1EB00] =	vst v63  }
0x97: {  	s16 =	sadd.s32 $0x30, s10;
	s17 =	sor.u32 $0x18E00, s31  }
0x98: {  	[tilespmem:s17], [sflag:s8] =	stream.linear.gather [hbm4b:s16+s2], $0x80, $0x38;
	[tilespmem:$0x1EB00] =	vst v63  }
0x99: {  	s12 =	sadd.s32 $0x40, s10;
	s13 =	sor.u32 $0x18F00, s31  }
0x9a: {  	[tilespmem:s13], [sflag:s8] =	stream.linear.gather [hbm4b:s12+s2], $0x80, $0x38;
	[tilespmem:$0x1EB00] =	vst v63  }
0x9b: {  	s14 =	sadd.s32 $0x50, s10;
	s15 =	sor.u32 $0x19000, s31  }
0x9c: {  	[tilespmem:s15], [sflag:s8] =	stream.linear.gather [hbm4b:s14+s2], $0x80, $0x38;
	[tilespmem:$0x1EB00] =	vst v63  }
0x9d: {  	s16 =	sadd.s32 $0x60, s10;
	s17 =	sor.u32 $0x19100, s31  }
0x9e: {  	[tilespmem:s17], [sflag:s8] =	stream.linear.gather [hbm4b:s16+s2], $0x80, $0x38;
	[tilespmem:$0x1EB00] =	vst v63  }
0x9f: {  	s12 =	sadd.s32 $0x70, s10;
	s13 =	sor.u32 $0x19200, s31  }
0xa0: {  	[tilespmem:s13], [sflag:s8] =	stream.linear.gather [hbm4b:s12+s2], $0x80, $0x38;
	[tilespmem:$0x1EB00] =	vst v63  }
0xa1: {  	s14 =	sadd.s32 $0x80, s10;
	s15 =	sor.u32 $0x19300, s31  }
0xa2: {  	[tilespmem:s15], [sflag:s8] =	stream.linear.gather [hbm4b:s14+s2], $0x80, $0x38;
	[tilespmem:$0x1EB00] =	vst v63  }
0xa3: {  	s16 =	sadd.s32 $0x90, s10;
	s17 =	sor.u32 $0x19400, s31  }
0xa4: {  	[tilespmem:s17], [sflag:s8] =	stream.linear.gather [hbm4b:s16+s2], $0x80, $0x38;
	[tilespmem:$0x1EB00] =	vst v63  }
0xa5: {  	s12 =	sadd.s32 $0xA0, s10;
	s13 =	sor.u32 $0x19500, s31  }
0xa6: {  	[tilespmem:s13], [sflag:s8] =	stream.linear.gather [hbm4b:s12+s2], $0x80, $0x38;
	[tilespmem:$0x1EB00] =	vst v63  }
0xa7: {  	s14 =	sadd.s32 $0xB0, s10;
	s15 =	sor.u32 $0x19600, s31  }
0xa8: {  	[tilespmem:s15], [sflag:s8] =	stream.linear.gather [hbm4b:s14+s2], $0x80, $0x38;
	[tilespmem:$0x1EB00] =	vst v63  }
0xa9: {  	s16 =	sadd.s32 $0xC0, s10;
	s17 =	sor.u32 $0x19700, s31  }
0xaa: {  	[tilespmem:s17], [sflag:s8] =	stream.linear.gather [hbm4b:s16+s2], $0x80, $0x38;
	[tilespmem:$0x1EB00] =	vst v63  }
0xab: {  	s11 =	sadd.s32 $0xD0, s10;
	s12 =	sor.u32 $0x19800, s31  }
0xac: {  	[tilespmem:s12], [sflag:s8] =	stream.linear.gather [hbm4b:s11+s2], $0x80, $0x38;
	[tilespmem:$0x1EB00] =	vst v63  }
0xad: {  	s13 =	sadd.s32 $0xE0, s10;
	s14 =	sor.u32 $0x19900, s31  }
0xae: {  	[tilespmem:s14], [sflag:s8] =	stream.linear.gather [hbm4b:s13+s2], $0x80, $0x38;
	[tilespmem:$0x1EB00] =	vst v63  }
0xaf: {  	s15 =	sadd.s32 $0xF0, s10;
	s16 =	sor.u32 $0x19A00, s31  }
0xb0: {  	[tilespmem:s16], [sflag:s8] =	stream.linear.gather [hbm4b:s15+s2], $0x80, $0x38;
	[tilespmem:$0x1EB00] =	vst v63  }
0xb1: {  	s6 =	sadd.s32 s5, s6;
	s17 =	sor.u32 $0x19B00, s31;
	s8 =	sadd.s32 $0x3, s30  }
0xb2: {  	[tilespmem:s17], [sflag:s8] =	stream.linear.gather [hbm4b:s6+s2], $0x80, $0x38;
	[tilespmem:$0x1EB00] =	vst v63  }
0xb3: {  	s10 =	sadd.s32 $0x10, s6;
	s11 =	sor.u32 $0x19C00, s31  }
0xb4: {  	[tilespmem:s11], [sflag:s8] =	stream.linear.gather [hbm4b:s10+s2], $0x80, $0x38;
	[tilespmem:$0x1EB00] =	vst v63  }
0xb5: {  	s12 =	sadd.s32 $0x20, s6;
	s13 =	sor.u32 $0x19D00, s31  }
0xb6: {  	[tilespmem:s13], [sflag:s8] =	stream.linear.gather [hbm4b:s12+s2], $0x80, $0x38;
	[tilespmem:$0x1EB00] =	vst v63  }
0xb7: {  	s14 =	sadd.s32 $0x30, s6;
	s15 =	sor.u32 $0x19E00, s31  }
0xb8: {  	[tilespmem:s15], [sflag:s8] =	stream.linear.gather [hbm4b:s14+s2], $0x80, $0x38;
	[tilespmem:$0x1EB00] =	vst v63  }
0xb9: {  	s16 =	sadd.s32 $0x40, s6;
	s17 =	sor.u32 $0x19F00, s31  }
0xba: {  	[tilespmem:s17], [sflag:s8] =	stream.linear.gather [hbm4b:s16+s2], $0x80, $0x38;
	[tilespmem:$0x1EB00] =	vst v63  }
0xbb: {  	s10 =	sadd.s32 $0x50, s6;
	s11 =	sor.u32 $0x1A000, s31  }
0xbc: {  	[tilespmem:s11], [sflag:s8] =	stream.linear.gather [hbm4b:s10+s2], $0x80, $0x38;
	[tilespmem:$0x1EB00] =	vst v63  }
0xbd: {  	s12 =	sadd.s32 $0x60, s6;
	s13 =	sor.u32 $0x1A100, s31  }
0xbe: {  	[tilespmem:s13], [sflag:s8] =	stream.linear.gather [hbm4b:s12+s2], $0x80, $0x38;
	[tilespmem:$0x1EB00] =	vst v63  }
0xbf: {  	s14 =	sadd.s32 $0x70, s6;
	s15 =	sor.u32 $0x1A200, s31  }
0xc0: {  	[tilespmem:s15], [sflag:s8] =	stream.linear.gather [hbm4b:s14+s2], $0x80, $0x38;
	[tilespmem:$0x1EB00] =	vst v63  }
0xc1: {  	s16 =	sadd.s32 $0x80, s6;
	s17 =	sor.u32 $0x1A300, s31  }
0xc2: {  	[tilespmem:s17], [sflag:s8] =	stream.linear.gather [hbm4b:s16+s2], $0x80, $0x38;
	[tilespmem:$0x1EB00] =	vst v63  }
0xc3: {  	s10 =	sadd.s32 $0x90, s6;
	s11 =	sor.u32 $0x1A400, s31  }
0xc4: {  	[tilespmem:s11], [sflag:s8] =	stream.linear.gather [hbm4b:s10+s2], $0x80, $0x38;
	[tilespmem:$0x1EB00] =	vst v63  }
0xc5: {  	s12 =	sadd.s32 $0xA0, s6;
	s13 =	sor.u32 $0x1A500, s31  }
0xc6: {  	[tilespmem:s13], [sflag:s8] =	stream.linear.gather [hbm4b:s12+s2], $0x80, $0x38;
	[tilespmem:$0x1EB00] =	vst v63  }
0xc7: {  	s14 =	sadd.s32 $0xB0, s6;
	s15 =	sor.u32 $0x1A600, s31  }
0xc8: {  	[tilespmem:s15], [sflag:s8] =	stream.linear.gather [hbm4b:s14+s2], $0x80, $0x38;
	[tilespmem:$0x1EB00] =	vst v63  }
0xc9: {  	s16 =	sadd.s32 $0xC0, s6;
	s17 =	sor.u32 $0x1A700, s31  }
0xca: {  	[tilespmem:s17], [sflag:s8] =	stream.linear.gather [hbm4b:s16+s2], $0x80, $0x38;
	[tilespmem:$0x1EB00] =	vst v63  }
0xcb: {  	s11 =	sadd.s32 $0xD0, s6;
	s12 =	sor.u32 $0x1A800, s31  }
0xcc: {  	[tilespmem:s12], [sflag:s8] =	stream.linear.gather [hbm4b:s11+s2], $0x80, $0x38;
	[tilespmem:$0x1EB00] =	vst v63  }
0xcd: {  	s13 =	sadd.s32 $0xE0, s6;
	s14 =	sor.u32 $0x1A900, s31  }
0xce: {  	[tilespmem:s14], [sflag:s8] =	stream.linear.gather [hbm4b:s13+s2], $0x80, $0x38;
	[tilespmem:$0x1EB00] =	vst v63  }
0xcf: {  	s6 =	sadd.s32 $0xF0, s6;
	s15 =	sor.u32 $0x1AA00, s31;
	s16 =	sshll.u32 s29, $0xE  }
0xd0: {  	[tilespmem:s15], [sflag:s8] =	stream.linear.gather [hbm4b:s6+s2], $0x80, $0x38;
	[tilespmem:$0x1EB00] =	vst v63  }
0xd1: {  	s6 =	sadd.s32 s7, s16  }
0xd2: {  	s17 =	sshll.u32 s30, $0xD;
	s6 =	sshrl.u32 s6, $0x3  }
0xd3: {  	s31 =	sadd.s32 $0x5, s30;
	s8 =	sadd.s32 $0x1AB00, s17;
	s6 =	sadd.s32 s3, s6  }
0xd4: {  	[tilespmem:s8], [sflag:s31] =	stream.strided.gather [hbm4b:s6+s24], $0x2000, s22, s24, $0x38;
	[tilespmem:$0x1EB00] =	vst v63  }
.LBB2_7:
0xd5: {  	s0 =	sshll.u32 s0, $0x7;
	s6 =	simm.s32 $0x0  }
0xd6: {  	s31 =	simm.s32 $0x0;
	s30 =	sand.u32 $0x80, s0;
	s13 =	sand.u32 $0xFFFFFF00, s6  }
0xd7: {  	s14 =	sand.u32 $0x40, s31;
	s0 =	sor.u32 s30, s13  }
0xd8: {  	s9 =	sor.u32 $0x20, s14;
	s8 =	sor.u32 s14, s0  }
0xd9: {  	s10 =	sor.u32 $0x10, s14;
	s11 =	sor.u32 s9, s0;
	v3 =	vld [tilespmem:s8+$0x18B00]  }
0xda: {  	s12 =	sor.u32 s10, s0;
	v1 =	vld [tilespmem:s11+$0x19B00]  }
0xdb: {  	v2 =	vld [tilespmem:s12+$0x19B00]  }
0xdc: {  	s1 =	sshll.u32 s1, $0xD;
	s13 =	simm.s32 $0x0;
	v6 =	vld [tilespmem:s11+$0x18B00]  }
0xdd: {  	s1 =	sadd.s32 $0x1AB00, s1;
	s6 =	sor.u32 $0x30, s14;
	s13 =	sand.u32 $0x3FFFFE00, s13;
	v12 =	vld [tilespmem:s8+$0x19B00]  }
0xde: {  	s0 =	sor.u32 s6, s0;
	s15 =	sadd.s32 s13, s1;
	v9 =	vld [tilespmem:s12+$0x18B00]  }
0xdf: {  	v20 =	vld [tilespmem:s0+$0x18B00];
	s16 =	sadd.s32 s9, s15  }
0xe0: {  	v15 =	vld [tilespmem:s16+$0x180]  }
0xe1: {  	s17 =	sadd.s32 s14, s15;
	v14 =	vld [tilespmem:s16+$0x80]  }
0xe2: {  	v13 =	vld [tilespmem:s17+$0x100]  }
0xe3: {  	v18 =	vld [tilespmem:s16+$0x100]  }
0xe4: {  	v16 =	vld [tilespmem:s17+$0x180]  }
0xe5: {  	s11 =	sadd.s32 s6, s15;
	v17 =	vld [tilespmem:s17+$0x80]  }
0xe6: {  	v7 =	vld [tilespmem:s11+$0x100]  }
0xe7: {  	s10 =	sadd.s32 s10, s15;
	v19 =	vld [tilespmem:s17+$0x0];
	v4 =	vshll.u32 v3, $0x1  }
0xe8: {  	v5 =	vld [tilespmem:s10+$0x100];
	v3 =	vand.u32 $0x7F, v3;
	v25 =	vshll.u32 v20, $0x1;
	v4 =	vand.u32 $0xFFFFFF00, v4  }
0xe9: {  	v8 =	vld [tilespmem:s10+$0x80];
	v20 =	vand.u32 $0x7F, v20;
	v25 =	vand.u32 $0xFFFFFF00, v25;
	v11 =	vor.u32 v3, v4  }
0xea: {  	v27 =	vld [tilespmem:s16+$0x0];
	v10 =	vshll.u32 v6, $0x1;
	v20 =	vor.u32 v20, v25  }
0xeb: {  	v22 =	vand.u32 $0x7F, v6;
	v23 =	vshll.u32 v9, $0x1;
	v6 =	vld [tilespmem:s10+$0x180];
	v10 =	vand.u32 $0xFFFFFF00, v10  }
0xec: {  	v9 =	vand.u32 $0x7F, v9;
	v23 =	vand.u32 $0xFFFFFF00, v23;
	v22 =	vor.u32 v22, v10;
	v10 =	vld [tilespmem:s11+$0x0]  }
0xed: {  	v23 =	vor.u32 v9, v23;
	v9 =	vld [tilespmem:s0+$0x19B00]  }
0xee: {  	v21 =	vld.idx.msk [tilespmem:v11+s2+$0x0], $0xffff  }
0xef: {  	v32 =	vld.idx.msk [tilespmem:v20+s2+$0x0], $0xffff  }
0xf0: {  	v3 =	vld [tilespmem:s10+$0x0]  }
0xf1: {  	v4 =	vld [tilespmem:s11+$0x180]  }
0xf2: {  	v24 =	vadd.s32 $0x2780, v12;
	v46 =	vld.idx.msk [tilespmem:v22+s2+$0x0], $0xffff  }
0xf3: {  	v45 =	vadd.s32 $0x4F00, v12;
	v48 =	vld.idx.msk [tilespmem:v23+s2+$0x0], $0xffff;
	v26 =	vmul.f32 v21, v19  }
0xf4: {  	v29 =	vadd.s32 $0x7680, v12;
	v47 =	vor.u32 $0x80, v11;
	v11 =	vld [tilespmem:s11+$0x80];
	v53 =	vmul.f32 v32, v10  }
0xf5: {  	v28 =	vmul.f32 v21, v17;
	[tilespmem:v12+s25+$0x0] =	vst.idx.add.f32.msk $0xffff, v26  }
0xf6: {  	v30 =	vmul.f32 v21, v13;
	[tilespmem:v9+s25+$0x0] =	vst.idx.add.f32.msk $0xffff, v53  }
0xf7: {  	v31 =	vadd.s32 $0x2780, v1;
	v21 =	vmul.f32 v21, v16;
	[tilespmem:v24+s25+$0x0] =	vst.idx.add.f32.msk $0xffff, v28  }
0xf8: {  	v33 =	vadd.s32 $0x4F00, v1;
	[tilespmem:v45+s25+$0x0] =	vst.idx.add.f32.msk $0xffff, v30  }
0xf9: {  	v49 =	vadd.s32 $0x7680, v1;
	[tilespmem:v29+s25+$0x0] =	vst.idx.add.f32.msk $0xffff, v21;
	v21 =	vmul.f32 v46, v27  }
0xfa: {  	v22 =	vor.u32 $0x80, v22;
	v50 =	vmul.f32 v46, v14;
	v24 =	vld.idx.msk [tilespmem:v47+s2+$0x0], $0xffff  }
0xfb: {  	v51 =	vmul.f32 v46, v18;
	[tilespmem:v1+s25+$0x0] =	vst.idx.add.f32.msk $0xffff, v21;
	v21 =	vadd.s32 $0x2780, v9  }
0xfc: {  	v52 =	vadd.s32 $0x4F00, v9;
	v26 =	vmul.f32 v46, v15;
	[tilespmem:v31+s25+$0x0] =	vst.idx.add.f32.msk $0xffff, v50  }
0xfd: {  	v57 =	vadd.s32 $0x9E00, v12;
	[tilespmem:v33+s25+$0x0] =	vst.idx.add.f32.msk $0xffff, v51  }
0xfe: {  	v54 =	vmul.f32 v32, v11;
	[tilespmem:v49+s25+$0x0] =	vst.idx.add.f32.msk $0xffff, v26  }
0xff: {  	v58 =	vadd.s32 $0xC580, v12;
	v56 =	vmul.f32 v32, v7;
	v22 =	vld.idx.msk [tilespmem:v22+s2+$0x0], $0xffff  }
0x100: {  	v34 =	vadd.s32 $0x7680, v9;
	v19 =	vmul.f32 v24, v19;
	[tilespmem:v21+s25+$0x0] =	vst.idx.add.f32.msk $0xffff, v54  }
0x101: {  	v55 =	vadd.s32 $0x2780, v2;
	v21 =	vmul.f32 v48, v3;
	[tilespmem:v52+s25+$0x0] =	vst.idx.add.f32.msk $0xffff, v56  }
0x102: {  	v20 =	vor.u32 $0x80, v20;
	v17 =	vmul.f32 v24, v17;
	[tilespmem:v57+s25+$0x0] =	vst.idx.add.f32.msk $0xffff, v19  }
0x103: {  	v60 =	vmul.f32 v32, v4;
	[tilespmem:v2+s25+$0x0] =	vst.idx.add.f32.msk $0xffff, v21;
	v21 =	vadd.s32 $0xED00, v12  }
0x104: {  	v61 =	vadd.s32 $0x9E00, v1;
	v59 =	vmul.f32 v48, v8;
	[tilespmem:v58+s25+$0x0] =	vst.idx.add.f32.msk $0xffff, v17  }
0x105: {  	v62 =	vadd.s32 $0xC580, v1;
	[tilespmem:v34+s25+$0x0] =	vst.idx.add.f32.msk $0xffff, v60  }
0x106: {  	v12 =	vadd.s32 $0x11480, v12;
	v17 =	vmul.f32 v24, v13;
	[tilespmem:v55+s25+$0x0] =	vst.idx.add.f32.msk $0xffff, v59  }
0x107: {  	v19 =	vadd.s32 $0x4F00, v2;
	v13 =	vld.idx.msk [tilespmem:v20+s2+$0x0], $0xffff;
	v20 =	vmul.f32 v22, v27  }
0x108: {  	v63 =	vmul.f32 v22, v14;
	[tilespmem:v21+s25+$0x0] =	vst.idx.add.f32.msk $0xffff, v17;
	v21 =	vadd.s32 $0x7680, v2  }
0x109: {  	v24 =	vmul.f32 v24, v16;
	[tilespmem:v61+s25+$0x0] =	vst.idx.add.f32.msk $0xffff, v20;
	v20 =	vor.u32 $0x80, v23  }
0x10a: {  	v16 =	vmul.f32 v48, v5;
	v14 =	vmul.f32 v22, v18;
	v18 =	vadd.s32 $0xED00, v1;
	[tilespmem:v62+s25+$0x0] =	vst.idx.add.f32.msk $0xffff, v63  }
0x10b: {  	s0 =	simm.s32 $0x0;
	v17 =	vmul.f32 v48, v6;
	[tilespmem:v12+s25+$0x0] =	vst.idx.add.f32.msk $0xffff, v24;
	v12 =	vmul.f32 v22, v15;
	v15 =	vadd.s32 $0x9E00, v9  }
.LBB2_8:
0x10c: {  	s0 =	sadd.s32 $0x4, s0;
	[tilespmem:v19+s25+$0x0] =	vst.idx.add.f32.msk $0xffff, v16;
	s31 =	sadd.s32 $0x40, s31  }
0x10d: {  	v10 =	vmul.f32 v13, v10;
	v16 =	vadd.s32 $0xC580, v9;
	s6 =	sshll.u32 s0, $0x5;
	s8 =	sshll.u32 s0, $0x6;
	p0 =	slt.u32 s0, $0x7C;
	[tilespmem:v21+s25+$0x0] =	vst.idx.add.f32.msk $0xffff, v17  }
0x10e: {  	s6 =	sand.u32 $0xFFFFFF00, s6;
	s9 =	sand.u32 $0x3FFFFE00, s8;
	v17 =	vld.idx.msk [tilespmem:v20+s2+$0x0], $0xffff  }
0x10f: {  	s10 =	sand.u32 $0x40, s31;
	s6 =	sor.u32 s30, s6;
	[tilespmem:v18+s25+$0x0] =	vst.idx.add.f32.msk $0xffff, v14;
	v14 =	vadd.s32 $0xED00, v9  }
0x110: {  	s12 =	sor.u32 $0x10, s10;
	s11 =	sor.u32 s10, s6;
	[tilespmem:v15+s25+$0x0] =	vst.idx.add.f32.msk $0xffff, v10;
	v10 =	vmul.f32 v13, v11  }
0x111: {  	v7 =	vmul.f32 v13, v7;
	s14 =	sor.u32 $0x20, s10;
	s13 =	sor.u32 s12, s6;
	v15 =	vadd.s32 $0x9E00, v2;
	v11 =	vld [tilespmem:s11+$0x18B00]  }
0x112: {  	s16 =	sor.u32 $0x30, s10;
	v18 =	vadd.s32 $0xC580, v2;
	s15 =	sor.u32 s14, s6;
	[tilespmem:v16+s25+$0x0] =	vst.idx.add.f32.msk $0xffff, v10  }
0x113: {  	s8 =	sor.u32 s16, s6;
	v16 =	vadd.s32 $0xED00, v2;
	v10 =	vld [tilespmem:s15+$0x19B00]  }
0x114: {  	v4 =	vmul.f32 v13, v4;
	v3 =	vmul.f32 v17, v3;
	[tilespmem:v14+s25+$0x0] =	vst.idx.add.f32.msk $0xffff, v7  }
0x115: {  	s17 =	sadd.s32 s9, s1;
	v5 =	vmul.f32 v17, v5;
	v7 =	vmul.f32 v17, v8;
	v8 =	vadd.s32 $0x11480, v2;
	v2 =	vld [tilespmem:s13+$0x19B00]  }
0x116: {  	s9 =	sadd.s32 s14, s17;
	s6 =	sadd.s32 s16, s17;
	[tilespmem:v15+s25+$0x0] =	vst.idx.add.f32.msk $0xffff, v3;
	v3 =	vmul.f32 v17, v6;
	v6 =	vadd.s32 $0x11480, v1  }
0x117: {  	[tilespmem:v18+s25+$0x0] =	vst.idx.add.f32.msk $0xffff, v7;
	v7 =	vadd.s32 $0x11480, v9  }
0x118: {  	[tilespmem:v16+s25+$0x0] =	vst.idx.add.f32.msk $0xffff, v5;
	v1 =	vmov v10  }
0x119: {  	v9 =	vld [tilespmem:s15+$0x18B00]  }
0x11a: {  	s10 =	sadd.s32 s10, s17;
	v5 =	vshll.u32 v11, $0x1;
	[tilespmem:v8+s25+$0x0] =	vst.idx.add.f32.msk $0xffff, v3  }
0x11b: {  	v3 =	vand.u32 $0xFFFFFF00, v5;
	[tilespmem:v6+s25+$0x0] =	vst.idx.add.f32.msk $0xffff, v12  }
0x11c: {  	v13 =	vld [tilespmem:s11+$0x19B00];
	s11 =	sadd.s32 s12, s17  }
0x11d: {  	[tilespmem:v7+s25+$0x0] =	vst.idx.add.f32.msk $0xffff, v4  }
0x11e: {  	v4 =	vld [tilespmem:s13+$0x18B00]  }
0x11f: {  	v12 =	vld [tilespmem:s9+$0x180]  }
0x120: {  	v15 =	vld [tilespmem:s9+$0x80]  }
0x121: {  	v18 =	vld [tilespmem:s10+$0x100]  }
0x122: {  	v14 =	vld [tilespmem:s9+$0x100]  }
0x123: {  	v17 =	vadd.s32 $0x2780, v1;
	v5 =	vand.u32 $0x7F, v11;
	v19 =	vld [tilespmem:s10+$0x180];
	v6 =	vshll.u32 v4, $0x1  }
0x124: {  	v21 =	vadd.s32 $0x4F00, v1;
	v11 =	vor.u32 v5, v3;
	v4 =	vand.u32 $0x7F, v4;
	v20 =	vld [tilespmem:s10+$0x80]  }
0x125: {  	v22 =	vadd.s32 $0x7680, v1;
	v5 =	vand.u32 $0xFFFFFF00, v6;
	v3 =	vld [tilespmem:s11+$0x0]  }
0x126: {  	v23 =	vor.u32 v4, v5;
	v7 =	vld [tilespmem:s6+$0x100]  }
0x127: {  	v25 =	vadd.s32 $0x2780, v2;
	v24 =	vld [tilespmem:s10+$0x0]  }
0x128: {  	v16 =	vadd.s32 $0x2780, v13;
	v26 =	vld [tilespmem:s8+$0x18B00]  }
0x129: {  	v28 =	vadd.s32 $0x4F00, v13;
	v27 =	vld.idx.msk [tilespmem:v11+s2+$0x0], $0xffff  }
0x12a: {  	v29 =	vadd.s32 $0x7680, v13;
	v4 =	vld [tilespmem:s6+$0x180]  }
0x12b: {  	v6 =	vshll.u32 v9, $0x1;
	v5 =	vld [tilespmem:s11+$0x100]  }
0x12c: {  	v9 =	vand.u32 $0x7F, v9;
	v10 =	vand.u32 $0xFFFFFF00, v6;
	v8 =	vld [tilespmem:s11+$0x80]  }
0x12d: {  	v30 =	vor.u32 v9, v10;
	v6 =	vld [tilespmem:s11+$0x180]  }
0x12e: {  	v31 =	vshll.u32 v26, $0x1;
	v10 =	vld [tilespmem:s6+$0x0]  }
0x12f: {  	v26 =	vand.u32 $0x7F, v26;
	v32 =	vmul.f32 v27, v24;
	v33 =	vmul.f32 v27, v18;
	v9 =	vld [tilespmem:s8+$0x19B00]  }
0x130: {  	v34 =	vmul.f32 v27, v20;
	v31 =	vand.u32 $0xFFFFFF00, v31;
	v35 =	vld [tilespmem:s9+$0x0]  }
0x131: {  	v26 =	vor.u32 v26, v31;
	[tilespmem:v13+s25+$0x0] =	vst.idx.add.f32.msk $0xffff, v32  }
0x132: {  	v31 =	vld.idx.msk [tilespmem:v30+s2+$0x0], $0xffff  }
0x133: {  	[tilespmem:v16+s25+$0x0] =	vst.idx.add.f32.msk $0xffff, v34;
	v16 =	vmul.f32 v27, v19  }
0x134: {  	v27 =	vor.u32 $0x80, v11;
	v32 =	vld.idx.msk [tilespmem:v23+s2+$0x0], $0xffff  }
0x135: {  	v11 =	vld [tilespmem:s6+$0x80]  }
0x136: {  	v34 =	vld.idx.msk [tilespmem:v26+s2+$0x0], $0xffff  }
0x137: {  	[tilespmem:v28+s25+$0x0] =	vst.idx.add.f32.msk $0xffff, v33  }
0x138: {  	v28 =	vmul.f32 v31, v15;
	[tilespmem:v29+s25+$0x0] =	vst.idx.add.f32.msk $0xffff, v16;
	v16 =	vmul.f32 v31, v35  }
0x139: {  	v29 =	vmul.f32 v31, v14;
	v31 =	vmul.f32 v31, v12;
	v27 =	vld.idx.msk [tilespmem:v27+s2+$0x0], $0xffff  }
0x13a: {  	v37 =	vadd.s32 $0x2780, v9;
	v33 =	vmul.f32 v32, v3;
	v36 =	vmul.f32 v32, v8;
	[tilespmem:v1+s25+$0x0] =	vst.idx.add.f32.msk $0xffff, v16  }
0x13b: {  	v16 =	vmul.f32 v32, v5;
	[tilespmem:v17+s25+$0x0] =	vst.idx.add.f32.msk $0xffff, v28;
	v28 =	vor.u32 $0x80, v30;
	v30 =	vadd.s32 $0x4F00, v9  }
0x13c: {  	[tilespmem:v21+s25+$0x0] =	vst.idx.add.f32.msk $0xffff, v29;
	v21 =	vmul.f32 v34, v10;
	v29 =	vmul.f32 v34, v7  }
0x13d: {  	v17 =	vmul.f32 v32, v6;
	[tilespmem:v22+s25+$0x0] =	vst.idx.add.f32.msk $0xffff, v31;
	v22 =	vmul.f32 v34, v11  }
0x13e: {  	[tilespmem:v9+s25+$0x0] =	vst.idx.add.f32.msk $0xffff, v21;
	v21 =	vadd.s32 $0x7680, v9  }
0x13f: {  	v31 =	vadd.s32 $0x9E00, v13;
	v24 =	vmul.f32 v27, v24;
	v20 =	vmul.f32 v27, v20;
	[tilespmem:v37+s25+$0x0] =	vst.idx.add.f32.msk $0xffff, v22  }
0x140: {  	v18 =	vmul.f32 v27, v18;
	v27 =	vmul.f32 v27, v19;
	v22 =	vadd.s32 $0xC580, v13;
	v28 =	vld.idx.msk [tilespmem:v28+s2+$0x0], $0xffff  }
0x141: {  	v19 =	vmul.f32 v34, v4;
	[tilespmem:v30+s25+$0x0] =	vst.idx.add.f32.msk $0xffff, v29  }
0x142: {  	v26 =	vor.u32 $0x80, v26;
	[tilespmem:v2+s25+$0x0] =	vst.idx.add.f32.msk $0xffff, v33  }
0x143: {  	v29 =	vadd.s32 $0xED00, v13;
	[tilespmem:v25+s25+$0x0] =	vst.idx.add.f32.msk $0xffff, v36  }
0x144: {  	[tilespmem:v31+s25+$0x0] =	vst.idx.add.f32.msk $0xffff, v24;
	v24 =	vadd.s32 $0x11480, v13  }
0x145: {  	[tilespmem:v22+s25+$0x0] =	vst.idx.add.f32.msk $0xffff, v20;
	v22 =	vadd.s32 $0x9E00, v1  }
0x146: {  	v30 =	vadd.s32 $0xC580, v1;
	v25 =	vmul.f32 v28, v35;
	v15 =	vmul.f32 v28, v15;
	[tilespmem:v21+s25+$0x0] =	vst.idx.add.f32.msk $0xffff, v19  }
.Ltmp2:
0x147: {  	v14 =	vmul.f32 v28, v14;
	v12 =	vmul.f32 v28, v12;
	v19 =	vadd.s32 $0x4F00, v2;
	v13 =	vld.idx.msk [tilespmem:v26+s2+$0x0], $0xffff;
	(pc) =	sbr.rel @p0 .LBB2_8-.Ltmp2, $4  }
0x148: {  	v21 =	vadd.s32 $0x7680, v2;
	[tilespmem:v29+s25+$0x0] =	vst.idx.add.f32.msk $0xffff, v18  }
0x149: {  	v20 =	vor.u32 $0x80, v23;
	[tilespmem:v24+s25+$0x0] =	vst.idx.add.f32.msk $0xffff, v27  }
0x14a: {  	v18 =	vadd.s32 $0xED00, v1;
	[tilespmem:v22+s25+$0x0] =	vst.idx.add.f32.msk $0xffff, v25  }
0x14b: {  	[tilespmem:v30+s25+$0x0] =	vst.idx.add.f32.msk $0xffff, v15;
	v15 =	vadd.s32 $0x9E00, v9  }
0x14c: {  	_ =	sdelay $0x3  }
0x14d: {  	[tilespmem:v19+s25+$0x0] =	vst.idx.add.f32.msk $0xffff, v16  }
0x14e: {  	[tilespmem:v21+s25+$0x0] =	vst.idx.add.f32.msk $0xffff, v17  }
0x14f: {  	v58 =	vadd.s32 $0xC580, v9;
	v17 =	vld.idx.msk [tilespmem:v20+s2+$0x0], $0xffff  }
0x150: {  	v1 =	vadd.s32 $0x11480, v1  }
0x151: {  	v10 =	vmul.f32 v13, v10;
	v60 =	vadd.s32 $0x9E00, v2  }
0x152: {  	v59 =	vadd.s32 $0xED00, v9;
	[tilespmem:v18+s25+$0x0] =	vst.idx.add.f32.msk $0xffff, v14;
	v11 =	vmul.f32 v13, v11  }
0x153: {  	v61 =	vadd.s32 $0xC580, v2;
	[tilespmem:v15+s25+$0x0] =	vst.idx.add.f32.msk $0xffff, v10  }
0x154: {  	v62 =	vadd.s32 $0xED00, v2;
	[tilespmem:v58+s25+$0x0] =	vst.idx.add.f32.msk $0xffff, v11;
	v3 =	vmul.f32 v17, v3  }
0x155: {  	v7 =	vmul.f32 v13, v7;
	v2 =	vadd.s32 $0x11480, v2;
	[tilespmem:v1+s25+$0x0] =	vst.idx.add.f32.msk $0xffff, v12  }
0x156: {  	v63 =	vmul.f32 v17, v8;
	[tilespmem:v60+s25+$0x0] =	vst.idx.add.f32.msk $0xffff, v3;
	v3 =	vadd.s32 $0x11480, v9  }
0x157: {  	[tilespmem:v59+s25+$0x0] =	vst.idx.add.f32.msk $0xffff, v7;
	v5 =	vmul.f32 v17, v5  }
0x158: {  	v6 =	vmul.f32 v17, v6;
	[tilespmem:v61+s25+$0x0] =	vst.idx.add.f32.msk $0xffff, v63  }
0x159: {  	v4 =	vmul.f32 v13, v4;
	[tilespmem:v62+s25+$0x0] =	vst.idx.add.f32.msk $0xffff, v5  }
0x15a: {  	[tilespmem:v2+s25+$0x0] =	vst.idx.add.f32.msk $0xffff, v6  }
0x15b: {  	[tilespmem:v3+s25+$0x0] =	vst.idx.add.f32.msk $0xffff, v4  }
0x15c: {  	p0 =	seq.s32 s29, $0x4F  }
.Ltmp3:
0x15d: {  	_ = 	snop;
	(pc) =	sbr.rel @!p0 .LBB2_5-.Ltmp3, $2  }
0x15e: {  	_ =	sdelay $0x2  }
0x15f: {  	s0 =	smov.u32 s29  }
0x160: {  	s0 =	rddreg [dreg:$0x4]  }
0x161: {  	[hbm4b:s0+s2] =	stream.linear.scatter [tilespmem:s25], [sflag:$0x8], $0x2780, $0x38;
	[tilespmem:$0x1EB00] =	vst v63  }
0x162: {  	_ =	swait.ge [sflag:s26], $0x2780  }
0x163: {  	[sflag:s26] =	ssyncset.done $0x0  }
0x164: {  	s1 =	simm.s32 $0x7680;
	s6 =	rddreg [dreg:$0x5];
	[sflag:s26] =	ssyncadd.s32 $0xFFFFD880  }
0x165: {  	[hbm4b:s6+s2] =	stream.linear.scatter [tilespmem:s1], [sflag:$0x8], $0x2780, $0x38;
	[tilespmem:$0x1EB00] =	vst v63  }
0x166: {  	_ =	swait.ge [sflag:s26], $0x2780  }
0x167: {  	[sflag:s26] =	ssyncset.done $0x0  }
0x168: {  	s9 =	simm.s32 $0x9E00;
	s8 =	rddreg [dreg:$0x6];
	[sflag:s26] =	ssyncadd.s32 $0xFFFFD880  }
0x169: {  	[hbm4b:s8+s2] =	stream.linear.scatter [tilespmem:s9], [sflag:$0x8], $0x2780, $0x38;
	[tilespmem:$0x1EB00] =	vst v63  }
0x16a: {  	_ =	swait.ge [sflag:s26], $0x2780  }
0x16b: {  	[sflag:s26] =	ssyncset.done $0x0  }
0x16c: {  	s11 =	simm.s32 $0xC580;
	s10 =	rddreg [dreg:$0x7];
	[sflag:s26] =	ssyncadd.s32 $0xFFFFD880  }
0x16d: {  	[hbm4b:s10+s2] =	stream.linear.scatter [tilespmem:s11], [sflag:$0x8], $0x2780, $0x38;
	[tilespmem:$0x1EB00] =	vst v63  }
0x16e: {  	_ =	swait.ge [sflag:s26], $0x2780  }
0x16f: {  	[sflag:s26] =	ssyncset.done $0x0  }
0x170: {  	s13 =	simm.s32 $0xED00;
	s12 =	rddreg [dreg:$0x8];
	[sflag:s26] =	ssyncadd.s32 $0xFFFFD880  }
0x171: {  	[hbm4b:s12+s2] =	stream.linear.scatter [tilespmem:s13], [sflag:$0x8], $0x2780, $0x38;
	[tilespmem:$0x1EB00] =	vst v63  }
0x172: {  	_ =	swait.ge [sflag:s26], $0x2780  }
0x173: {  	[sflag:s26] =	ssyncset.done $0x0  }
0x174: {  	s15 =	simm.s32 $0x11480;
	s14 =	rddreg [dreg:$0x9];
	[sflag:s26] =	ssyncadd.s32 $0xFFFFD880  }
0x175: {  	[hbm4b:s14+s2] =	stream.linear.scatter [tilespmem:s15], [sflag:$0x8], $0x2780, $0x38;
	[tilespmem:$0x1EB00] =	vst v63  }
0x176: {  	_ =	swait.ge [sflag:s26], $0x2780  }
0x177: {  	[sflag:s26] =	ssyncset.done $0x0  }
0x178: {  	s17 =	simm.s32 $0x13C00;
	s16 =	rddreg [dreg:$0xa];
	[sflag:s26] =	ssyncadd.s32 $0xFFFFD880  }
0x179: {  	[hbm4b:s16+s2] =	stream.linear.scatter [tilespmem:s17], [sflag:$0x8], $0x2780, $0x38;
	[tilespmem:$0x1EB00] =	vst v63  }
0x17a: {  	_ =	swait.ge [sflag:s26], $0x2780  }
0x17b: {  	[sflag:s26] =	ssyncset.done $0x0  }
0x17c: {  	s30 =	simm.s32 $0x16380;
	s29 =	rddreg [dreg:$0xb];
	[sflag:s26] =	ssyncadd.s32 $0xFFFFD880  }
0x17d: {  	[hbm4b:s29+s2] =	stream.linear.scatter [tilespmem:s30], [sflag:$0x8], $0x2780, $0x38;
	[tilespmem:$0x1EB00] =	vst v63  }
0x17e: {  	_ =	swait.ge [sflag:s26], $0x2780  }
0x17f: {  	s28 =	sadd.s32 $0x1, s28;
	s31 =	rddreg [dreg:$0xc]  }
0x180: {  	p0 =	sne.s32 s28, s31  }
.Ltmp4:
0x181: {  	_ = 	snop;
	(pc) =	sbr.rel @p0 .LBB2_1-.Ltmp4, $3  }
0x182: {  	_ =	sdelay $0x1  }
0x183: {  	[sflag:s26] =	ssyncset.done $0x0  }
0x184: {  	[sflag:s26] =	ssyncadd.s32 $0xFFFFD880  }
0x185: {  	_ =	sfence.sel $0x180000  }
0x186: {  	[bflag:$0x0] =	sbarrier.arrive $0xFFFF  }
0x187: {  	_ =	strace $0x9000004D  }
0x188: {  	s0 =	stileid.u32;
	[bflag:$0x2] =	sbarrier.arrive $0xFFFF  }
0x189: {  	p0 =	sne.s32 s0, $0x0;
	s0 =	rddreg [dreg:$0x1]  }
0x18a: {  	s0 =	sadd.s32 @!p0 $0x100000, s0  }
0x18b: {  	[sflag:s0] =	ssyncadd.tile.s32 @!p0 $0x1;
	_ =	shalt  }
.Lfunc_end2:
_tile_overlayer_lowered:
.L_overlay_start_2:
0x18c: {  	(tag) =	ssettag $0x2  }
0x18d: {  	s0 =	rddreg [dreg:$0x0];
	s2 =	stileid.u32  }
0x18e: {  	s1 =	rddreg [dreg:$0x1];
	p0 =	sne.s32 s2, $0x0  }
0x18f: {  	s3 =	rddreg [dreg:$0x2];
	[bflag:$0x3] =	sbarrier.arrive $0xFFFF;
	s2 =	simm.s32 @!p0 $0x1C08  }
0x190: {  	[timem:s3], [sflag:s2] =	dma.local @!p0 [hbm:s0], s1  }
0x191: {  	s0 =	simm.s32 @!p0 $0x8  }
0x192: {  	_ =	swait.ge @!p0 [sflag:s0], s1  }
0x193: {  	s1 =	ssub.s32 @!p0 $0x0, s1;
	[sflag:s0] =	ssyncset.done @!p0 $0x0  }
0x194: {  	[sflag:s0] =	ssyncadd.s32 @!p0 s1  }
0x195: {  	[bflag:$0x3] =	sbarrier.arrive $0xFFFF  }
0x196: {  	_ =	shalt  }

</sc_bundles>
